<compile_context>
chip_gen: v7x
topology: tpu7x:2x2x1
jax: 0.10.2.dev20260603
libtpu: 0.0.44.dev20260713+nightly
codegen_flags: <defaults>
</compile_context>

<pallas_src>
import functools

import jax
import jax.numpy as jnp
from jax import lax
from jax.experimental import pallas as pl
from jax.experimental.pallas import tpu as pltpu
from jax.experimental.pallas import tpu_sc as plsc

B = 4096
D = 40
NC, NS = 2, 16
NW = NC * NS
BPW = B // NW

H1, H2, H3 = 1024, 512, 256
ND, NM, NH = 7, 12, 24
BS = 512



def _gather_body(pid, uid, ptab_t, utab_t, pe, ue, idx_v, bufs, out_v, sem):
    wid = lax.axis_index("s") * NC + lax.axis_index("c")
    base = wid * BPW
    rows0 = lax.iota(jnp.int32, 16)
    zeros = jnp.zeros((16,), jnp.int32)

    def one_table(tab_t, idx_hbm, out):
        pltpu.sync_copy(idx_hbm.at[pl.ds(base, BPW)], idx_v)

        def chunk_body(c, _):
            chunk = idx_v[pl.ds(pl.multiple_of(c * 16, 16), 16)]
            handles = []
            for l in range(16):
                gt = pl.multiple_of((chunk[l] >> 7) * 128, 128)
                handles.append(pltpu.async_copy(
                    tab_t.at[:, pl.ds(gt, 128)], bufs.at[l], sem))
            for h in handles:
                h.wait()
            for l in range(16):
                lane = zeros + (chunk[l] & 127)
                j = c * 16 + l
                out_v[j, pl.ds(0, 16)] = plsc.load_gather(
                    bufs.at[l], [rows0, lane])
                out_v[j, pl.ds(16, 16)] = plsc.load_gather(
                    bufs.at[l], [rows0 + 16, lane])
                out_v[j, pl.ds(24, 16)] = plsc.load_gather(
                    bufs.at[l], [rows0 + 24, lane])
            return ()

        lax.fori_loop(0, BPW // 16, chunk_body, (), unroll=False)
        pltpu.sync_copy(out_v, out.at[pl.ds(base, BPW)])

    one_table(ptab_t, pid, pe)
    one_table(utab_t, uid, ue)


@functools.cache
def _make_gather():
    return pl.kernel(
        _gather_body,
        out_type=[jax.ShapeDtypeStruct((B, D), jnp.float32)] * 2,
        mesh=plsc.VectorSubcoreMesh(core_axis_name="c", subcore_axis_name="s"),
        scratch_types=[
            pltpu.VMEM((BPW,), jnp.int32),
            pltpu.VMEM((16, D, 128), jnp.float32),
            pltpu.VMEM((BPW, D), jnp.float32),
            pltpu.SemaphoreType.DMA,
        ],
        compiler_params=pltpu.CompilerParams(needs_layout_passes=False),
    )



def _mlp_body(pe, ue, dow, mon, hr, rate, pidf, uidf,
              dwtab, motab, hrtab, wwide, bwide,
              w1, b1, w2, b2, w3, b3, out):
    def onehot_rows(ids, n, tab):
        oh = (lax.broadcasted_iota(jnp.int32, (BS, n), 1)
              == ids).astype(jnp.float32)
        return jnp.dot(oh, tab[...], precision=lax.Precision.HIGHEST,
                       preferred_element_type=jnp.float32)

    de = onehot_rows(dow[...], ND, dwtab)
    me = onehot_rows(mon[...], NM, motab)
    he = onehot_rows(hr[...], NH, hrtab)
    h = (jnp.dot(pe[...], w1[0:D, :], preferred_element_type=jnp.float32)
         + jnp.dot(ue[...], w1[D:2 * D, :], preferred_element_type=jnp.float32)
         + jnp.dot(de, w1[2 * D:3 * D, :], preferred_element_type=jnp.float32)
         + jnp.dot(me, w1[3 * D:4 * D, :], preferred_element_type=jnp.float32)
         + jnp.dot(he, w1[4 * D:5 * D, :], preferred_element_type=jnp.float32)
         + rate[...] * w1[5 * D:5 * D + 1, :]
         + b1[...])
    h = jnp.maximum(h, 0.0)
    h = jnp.maximum(jnp.dot(h, w2[...], preferred_element_type=jnp.float32)
                    + b2[...], 0.0)
    logits = jnp.dot(h, w3[...], preferred_element_type=jnp.float32) + b3[...]
    m = jnp.max(logits, axis=-1, keepdims=True)
    e = jnp.exp(logits - m)
    sm = e / jnp.sum(e, axis=-1, keepdims=True)
    bf = lambda v: v.astype(jnp.bfloat16).astype(jnp.float32)
    wide = (bf(pidf[...]) * bf(wwide[0, 0]) + bf(uidf[...]) * bf(wwide[1, 0])
            + bwide[0, 0])
    z = sm + wide
    out[...] = 1.0 / (1.0 + jnp.exp(-z))


def _make_mlp():
    bspec_rows = lambda w: pl.BlockSpec((BS, w), lambda i: (i, 0))
    bspec_full = lambda r, c: pl.BlockSpec((r, c), lambda i: (0, 0))
    return pl.pallas_call(
        _mlp_body,
        grid=(B // BS,),
        in_specs=[
            bspec_rows(D), bspec_rows(D),
            bspec_rows(1), bspec_rows(1), bspec_rows(1),
            bspec_rows(1), bspec_rows(1), bspec_rows(1),
            bspec_full(ND, D), bspec_full(NM, D), bspec_full(NH, D),
            bspec_full(2, 1), bspec_full(1, 1),
            bspec_full(5 * D + 1, H1), bspec_full(1, H1),
            bspec_full(H1, H2), bspec_full(1, H2),
            bspec_full(H2, H3), bspec_full(1, H3),
        ],
        out_specs=bspec_rows(H3),
        out_shape=jax.ShapeDtypeStruct((B, H3), jnp.float32),
        compiler_params=pltpu.CompilerParams(
            dimension_semantics=("arbitrary",)),
    )


_mlp = _make_mlp()


def kernel(product_id, user_id, day_of_week, month, hour, rate,
           product_table, user_table, dw_table, month_table, hour_table,
           W_wide, b_wide, W1, b1, W2, b2, W3, b3):
    pid32 = product_id.astype(jnp.int32)
    uid32 = user_id.astype(jnp.int32)
    pe, ue = _make_gather()(pid32, uid32, product_table.T, user_table.T)
    pidf = pid32.astype(jnp.float32).reshape(B, 1)
    uidf = uid32.astype(jnp.float32).reshape(B, 1)
    return _mlp(pe, ue,
                day_of_week.astype(jnp.int32).reshape(B, 1),
                month.astype(jnp.int32).reshape(B, 1),
                hour.astype(jnp.int32).reshape(B, 1),
                rate, pidf, uidf,
                dw_table, month_table, hour_table,
                W_wide, b_wide.reshape(1, 1),
                W1, b1.reshape(1, H1), W2, b2.reshape(1, H2),
                W3, b3.reshape(1, H3))

# --- scband reference (transcript-rebuilt; emitter-appended) ---
"""Pipeline reference for scband-wide-deep-31138512896022 (READ-ONLY COPY).

The authoritative reference and input builder live on the scoring server;
editing this copy changes nothing except your own understanding.
"""

import jax, jax.numpy as jnp
import numpy as np

B = 4096
NUM_PRODUCT = 1000000
NUM_USERS = 1000000
NUM_DAY_WEEK = 7
NUM_MONTH = 12
NUM_TIME_DAY = 24
EMBED_DIM = 40
NUM_FEATURE = 5 * EMBED_DIM + 1  # 201: five embeddings concatenated with rate scalar


def setup_inputs(seed: int = 0) -> dict:
    key = jax.random.key(seed)
    ks = jax.random.split(key, 20)
    inp = {}
    # forward args
    inp["product_id"] = jax.random.randint(ks[0], (B,), 0, NUM_PRODUCT)
    inp["user_id"] = jax.random.randint(ks[1], (B,), 0, NUM_USERS)
    inp["day_of_week"] = jax.random.randint(ks[2], (B,), 0, NUM_DAY_WEEK)
    inp["month"] = jax.random.randint(ks[3], (B,), 0, NUM_MONTH)
    inp["hour"] = jax.random.randint(ks[4], (B,), 0, NUM_TIME_DAY)
    inp["rate"] = jax.random.normal(ks[5], (B, 1), dtype=jnp.float32)
    # learned parameters
    inp["product_table"] = jax.random.normal(ks[6], (NUM_PRODUCT, EMBED_DIM), dtype=jnp.float32) * 0.02
    inp["user_table"] = jax.random.normal(ks[7], (NUM_USERS, EMBED_DIM), dtype=jnp.float32) * 0.02
    inp["dw_table"] = jax.random.normal(ks[8], (NUM_DAY_WEEK, EMBED_DIM), dtype=jnp.float32) * 0.02
    inp["month_table"] = jax.random.normal(ks[9], (NUM_MONTH, EMBED_DIM), dtype=jnp.float32) * 0.02
    inp["hour_table"] = jax.random.normal(ks[10], (NUM_TIME_DAY, EMBED_DIM), dtype=jnp.float32) * 0.02
    # wide: Linear(2, 1)
    inp["W_wide"] = jax.random.normal(ks[11], (2, 1), dtype=jnp.float32) * 0.02
    inp["b_wide"] = jnp.zeros((1,), dtype=jnp.float32)
    # deep: Linear(201,1024) -> ReLU -> Linear(1024,512) -> ReLU -> Linear(512,256) -> Softmax
    inp["W1"] = jax.random.normal(ks[12], (NUM_FEATURE, 1024), dtype=jnp.float32) * 0.05
    inp["b1"] = jnp.zeros((1024,), dtype=jnp.float32)
    inp["W2"] = jax.random.normal(ks[13], (1024, 512), dtype=jnp.float32) * 0.03
    inp["b2"] = jnp.zeros((512,), dtype=jnp.float32)
    inp["W3"] = jax.random.normal(ks[14], (512, 256), dtype=jnp.float32) * 0.04
    inp["b3"] = jnp.zeros((256,), dtype=jnp.float32)
    return inp


def reference(product_id, user_id, day_of_week, month, hour, rate,
              product_table, user_table, dw_table, month_table, hour_table,
              W_wide, b_wide, W1, b1, W2, b2, W3, b3):
    # embedding lookups (gather)
    pe = jnp.take(product_table, product_id, axis=0)
    ue = jnp.take(user_table, user_id, axis=0)
    de = jnp.take(dw_table, day_of_week, axis=0)
    me = jnp.take(month_table, month, axis=0)
    he = jnp.take(hour_table, hour, axis=0)
    # wide path: Linear(2,1) on raw (product_id, user_id) ids cast to float
    wide_in = jnp.stack([product_id.astype(jnp.float32), user_id.astype(jnp.float32)], axis=-1)
    wide_output = wide_in @ W_wide + b_wide  # [B, 1]
    # deep path: concat embeddings with rate along feature axis
    deep_input = jnp.concatenate([pe, ue, de, me, he, rate], axis=-1)  # [B, 201]
    h = jax.nn.relu(deep_input @ W1 + b1)
    h = jax.nn.relu(h @ W2 + b2)
    deep_output = jax.nn.softmax(h @ W3 + b3, axis=-1)  # [B, 256]
    return jax.nn.sigmoid(deep_output + wide_output)  # [B, 256]

if __name__ == "__main__":
    import jax
    _d = setup_inputs()
    print(jax.jit(kernel)(*tuple(_d.values())))

</pallas_src>

<mosaic_0001>
#map = affine_map<(d0, d1) -> (0)>
#map1 = affine_map<(d0, d1) -> (0, 0)>
module attributes {stable_mosaic.version = 14 : i64} {
  func.func @_gather_body(%arg0: i32, %arg1: i32, %arg2: memref<4096xi32, #tpu.memory_space<hbm>>, %arg3: memref<4096xi32, #tpu.memory_space<hbm>>, %arg4: memref<40x1000000xf32, #tpu.memory_space<hbm>>, %arg5: memref<40x1000000xf32, #tpu.memory_space<hbm>>, %arg6: memref<4096x40xf32, #tpu.memory_space<hbm>>, %arg7: memref<4096x40xf32, #tpu.memory_space<hbm>>, %arg8: memref<128xi32, #tpu.memory_space<vmem>>, %arg9: memref<16x40x128xf32, #tpu.memory_space<vmem>>, %arg10: memref<128x40xf32, #tpu.memory_space<vmem>>, %arg11: memref<!tpu.dma_semaphore, #tpu.memory_space<semaphore_mem>>) attributes {dimension_semantics = [#tpu.dimension_semantics<core_parallel>, #tpu.dimension_semantics<subcore_parallel>], iteration_bounds = array<i64: 2, 16>, scalar_prefetch = 0 : i64, scratch_operands = 4 : i64, tpu.core_type = #tpu.core_type<sc_vector_subcore>, window_params = [{transform_indices = #map}, {transform_indices = #map}, {transform_indices = #map1}, {transform_indices = #map1}, {transform_indices = #map1}, {transform_indices = #map1}]} {
    %mul3A = arith.constant 2 : i32
    %mul3A_0 = arith.muli %arg1, %mul3A : i32
    %add3A = arith.addi %mul3A_0, %arg0 : i32
    %mul3A_1 = arith.constant 128 : i32
    %mul3A_2 = arith.muli %add3A, %mul3A_1 : i32
    %iota3A = tpu.iota {dimensions = array<i32: 0>} : vector<16xi32>
    %broadcast_in_dim3A = arith.constant 0 : i32
    %broadcast_in_dim3A_3 = vector.broadcast %broadcast_in_dim3A : i32 to vector<16xi32>
    "tpu.region"() ({
      %run_scoped3A = tpu.sem_alloc : memref<!tpu.dma_semaphore, #tpu.memory_space<semaphore_mem>>
      %dma_start3A = tpu.memref_slice %arg2[%mul3A_2] : memref<4096xi32, #tpu.memory_space<hbm>> -> memref<128xi32, #tpu.memory_space<hbm>>
      %dma_start3A_13 = tpu.memref_slice %arg2[%mul3A_2] : memref<4096xi32, #tpu.memory_space<hbm>> -> memref<128xi32, #tpu.memory_space<hbm>>
      tpu.enqueue_dma source(%dma_start3A_13 : memref<128xi32, #tpu.memory_space<hbm>>) target(%arg8 : memref<128xi32, #tpu.memory_space<vmem>>) target_semaphore(%run_scoped3A : memref<!tpu.dma_semaphore, #tpu.memory_space<semaphore_mem>>)
      %dma_wait3A = tpu.memref_slice %arg2[%mul3A_2] : memref<4096xi32, #tpu.memory_space<hbm>> -> memref<128xi32, #tpu.memory_space<hbm>>
      %dma_wait3A_14 = tpu.memref_slice %arg2[%mul3A_2] : memref<4096xi32, #tpu.memory_space<hbm>> -> memref<128xi32, #tpu.memory_space<hbm>>
      tpu.wait_dma2 semaphore(%run_scoped3A : memref<!tpu.dma_semaphore, #tpu.memory_space<semaphore_mem>>) src(%dma_wait3A_14 : memref<128xi32, #tpu.memory_space<hbm>>) dst(%arg8 : memref<128xi32, #tpu.memory_space<vmem>>)
      tpu.yield
    }) : () -> ()
    %scan3A = arith.constant 0 : i32
    %scan3A_4 = arith.constant 8 : i32
    %scan3A_5 = arith.addi %scan3A, %scan3A_4 : i32
    %scan3A_6 = arith.constant 1 : i32
    scf.for %scan3A_13 = %scan3A to %scan3A_5 step %scan3A_6  : i32 {
      %mul3A_14 = arith.constant 16 : i32
      %mul3A_15 = arith.muli %scan3A_13, %mul3A_14 : i32
      %multiple_of3A = tpu.assume_multiple %mul3A_15, 16 : i32
      %get3A = arith.index_cast %multiple_of3A : i32 to index
      %get3A_16 = tpu.vector_load %arg8[%get3A] {strides = array<i32>} : memref<128xi32, #tpu.memory_space<vmem>>, vector<16xi32>,
      %slice3A = vector.extract_strided_slice %get3A_16 {offsets = [0], sizes = [1], strides = [1]} : vector<16xi32> to vector<1xi32>
      %squeeze3A = vector.extract %slice3A[0] : i32 from vector<1xi32>
      %shift_right_arithmetic3A = arith.constant 7 : i32
      %shift_right_arithmetic3A_17 = arith.shrsi %squeeze3A, %shift_right_arithmetic3A : i32
      %mul3A_18 = arith.constant 128 : i32
      %mul3A_19 = arith.muli %shift_right_arithmetic3A_17, %mul3A_18 : i32
      %multiple_of3A_20 = tpu.assume_multiple %mul3A_19, 128 : i32
      %dma_start3A = arith.constant 0 : i32
      %dma_start3A_21 = arith.constant 0 : i32
      %dma_start3A_22 = arith.constant 0 : i32
      %dma_start3A_23 = tpu.memref_slice %arg9[%dma_start3A, %dma_start3A_21, %dma_start3A_22] : memref<16x40x128xf32, #tpu.memory_space<vmem>> -> memref<1x40x128xf32, #tpu.memory_space<vmem>>
      %dma_start3A_24 = tpu.memref_squeeze %dma_start3A_23 : memref<1x40x128xf32, #tpu.memory_space<vmem>> -> memref<40x128xf32, #tpu.memory_space<vmem>>
      %dma_start3A_25 = arith.constant 0 : i32
      %dma_start3A_26 = tpu.memref_slice %arg4[%dma_start3A_25, %multiple_of3A_20] : memref<40x1000000xf32, #tpu.memory_space<hbm>> -> memref<40x128xf32, #tpu.memory_space<hbm>>
      %dma_start3A_27 = arith.constant 0 : i32
      %dma_start3A_28 = arith.constant 0 : i32
      %dma_start3A_29 = tpu.memref_slice %arg9[%dma_start3A, %dma_start3A_27, %dma_start3A_28] : memref<16x40x128xf32, #tpu.memory_space<vmem>> -> memref<1x40x128xf32, #tpu.memory_space<vmem>>
      %dma_start3A_30 = tpu.memref_squeeze %dma_start3A_29 : memref<1x40x128xf32, #tpu.memory_space<vmem>> -> memref<40x128xf32, #tpu.memory_space<vmem>>
      %dma_start3A_31 = arith.constant 0 : i32
      %dma_start3A_32 = tpu.memref_slice %arg4[%dma_start3A_31, %multiple_of3A_20] : memref<40x1000000xf32, #tpu.memory_space<hbm>> -> memref<40x128xf32, #tpu.memory_space<hbm>>
      tpu.enqueue_dma source(%dma_start3A_32 : memref<40x128xf32, #tpu.memory_space<hbm>>) target(%dma_start3A_30 : memref<40x128xf32, #tpu.memory_space<vmem>>) target_semaphore(%arg11 : memref<!tpu.dma_semaphore, #tpu.memory_space<semaphore_mem>>)
      %slice3A_33 = vector.extract_strided_slice %get3A_16 {offsets = [1], sizes = [1], strides = [1]} : vector<16xi32> to vector<1xi32>
      %squeeze3A_34 = vector.extract %slice3A_33[0] : i32 from vector<1xi32>
      %shift_right_arithmetic3A_35 = arith.constant 7 : i32
      %shift_right_arithmetic3A_36 = arith.shrsi %squeeze3A_34, %shift_right_arithmetic3A_35 : i32
      %mul3A_37 = arith.constant 128 : i32
      %mul3A_38 = arith.muli %shift_right_arithmetic3A_36, %mul3A_37 : i32
      %multiple_of3A_39 = tpu.assume_multiple %mul3A_38, 128 : i32
      %dma_start3A_40 = arith.constant 1 : i32
      %dma_start3A_41 = arith.constant 0 : i32
      %dma_start3A_42 = arith.constant 0 : i32
      %dma_start3A_43 = tpu.memref_slice %arg9[%dma_start3A_40, %dma_start3A_41, %dma_start3A_42] : memref<16x40x128xf32, #tpu.memory_space<vmem>> -> memref<1x40x128xf32, #tpu.memory_space<vmem>>
      %dma_start3A_44 = tpu.memref_squeeze %dma_start3A_43 : memref<1x40x128xf32, #tpu.memory_space<vmem>> -> memref<40x128xf32, #tpu.memory_space<vmem>>
      %dma_start3A_45 = arith.constant 0 : i32
      %dma_start3A_46 = tpu.memref_slice %arg4[%dma_start3A_45, %multiple_of3A_39] : memref<40x1000000xf32, #tpu.memory_space<hbm>> -> memref<40x128xf32, #tpu.memory_space<hbm>>
      %dma_start3A_47 = arith.constant 0 : i32
      %dma_start3A_48 = arith.constant 0 : i32
      %dma_start3A_49 = tpu.memref_slice %arg9[%dma_start3A_40, %dma_start3A_47, %dma_start3A_48] : memref<16x40x128xf32, #tpu.memory_space<vmem>> -> memref<1x40x128xf32, #tpu.memory_space<vmem>>
      %dma_start3A_50 = tpu.memref_squeeze %dma_start3A_49 : memref<1x40x128xf32, #tpu.memory_space<vmem>> -> memref<40x128xf32, #tpu.memory_space<vmem>>
      %dma_start3A_51 = arith.constant 0 : i32
      %dma_start3A_52 = tpu.memref_slice %arg4[%dma_start3A_51, %multiple_of3A_39] : memref<40x1000000xf32, #tpu.memory_space<hbm>> -> memref<40x128xf32, #tpu.memory_space<hbm>>
      tpu.enqueue_dma source(%dma_start3A_52 : memref<40x128xf32, #tpu.memory_space<hbm>>) target(%dma_start3A_50 : memref<40x128xf32, #tpu.memory_space<vmem>>) target_semaphore(%arg11 : memref<!tpu.dma_semaphore, #tpu.memory_space<semaphore_mem>>)
      %slice3A_53 = vector.extract_strided_slice %get3A_16 {offsets = [2], sizes = [1], strides = [1]} : vector<16xi32> to vector<1xi32>
      %squeeze3A_54 = vector.extract %slice3A_53[0] : i32 from vector<1xi32>
      %shift_right_arithmetic3A_55 = arith.constant 7 : i32
      %shift_right_arithmetic3A_56 = arith.shrsi %squeeze3A_54, %shift_right_arithmetic3A_55 : i32
      %mul3A_57 = arith.constant 128 : i32
      %mul3A_58 = arith.muli %shift_right_arithmetic3A_56, %mul3A_57 : i32
      %multiple_of3A_59 = tpu.assume_multiple %mul3A_58, 128 : i32
      %dma_start3A_60 = arith.constant 2 : i32
      %dma_start3A_61 = arith.constant 0 : i32
      %dma_start3A_62 = arith.constant 0 : i32
      %dma_start3A_63 = tpu.memref_slice %arg9[%dma_start3A_60, %dma_start3A_61, %dma_start3A_62] : memref<16x40x128xf32, #tpu.memory_space<vmem>> -> memref<1x40x128xf32, #tpu.memory_space<vmem>>
      %dma_start3A_64 = tpu.memref_squeeze %dma_start3A_63 : memref<1x40x128xf32, #tpu.memory_space<vmem>> -> memref<40x128xf32, #tpu.memory_space<vmem>>
      %dma_start3A_65 = arith.constant 0 : i32
      %dma_start3A_66 = tpu.memref_slice %arg4[%dma_start3A_65, %multiple_of3A_59] : memref<40x1000000xf32, #tpu.memory_space<hbm>> -> memref<40x128xf32, #tpu.memory_space<hbm>>
      %dma_start3A_67 = arith.constant 0 : i32
      %dma_start3A_68 = arith.constant 0 : i32
      %dma_start3A_69 = tpu.memref_slice %arg9[%dma_start3A_60, %dma_start3A_67, %dma_start3A_68] : memref<16x40x128xf32, #tpu.memory_space<vmem>> -> memref<1x40x128xf32, #tpu.memory_space<vmem>>
      %dma_start3A_70 = tpu.memref_squeeze %dma_start3A_69 : memref<1x40x128xf32, #tpu.memory_space<vmem>> -> memref<40x128xf32, #tpu.memory_space<vmem>>
      %dma_start3A_71 = arith.constant 0 : i32
      %dma_start3A_72 = tpu.memref_slice %arg4[%dma_start3A_71, %multiple_of3A_59] : memref<40x1000000xf32, #tpu.memory_space<hbm>> -> memref<40x128xf32, #tpu.memory_space<hbm>>
      tpu.enqueue_dma source(%dma_start3A_72 : memref<40x128xf32, #tpu.memory_space<hbm>>) target(%dma_start3A_70 : memref<40x128xf32, #tpu.memory_space<vmem>>) target_semaphore(%arg11 : memref<!tpu.dma_semaphore, #tpu.memory_space<semaphore_mem>>)
      %slice3A_73 = vector.extract_strided_slice %get3A_16 {offsets = [3], sizes = [1], strides = [1]} : vector<16xi32> to vector<1xi32>
      %squeeze3A_74 = vector.extract %slice3A_73[0] : i32 from vector<1xi32>
      %shift_right_arithmetic3A_75 = arith.constant 7 : i32
      %shift_right_arithmetic3A_76 = arith.shrsi %squeeze3A_74, %shift_right_arithmetic3A_75 : i32
      %mul3A_77 = arith.constant 128 : i32
      %mul3A_78 = arith.muli %shift_right_arithmetic3A_76, %mul3A_77 : i32
      %multiple_of3A_79 = tpu.assume_multiple %mul3A_78, 128 : i32
      %dma_start3A_80 = arith.constant 3 : i32
      %dma_start3A_81 = arith.constant 0 : i32
      %dma_start3A_82 = arith.constant 0 : i32
      %dma_start3A_83 = tpu.memref_slice %arg9[%dma_start3A_80, %dma_start3A_81, %dma_start3A_82] : memref<16x40x128xf32, #tpu.memory_space<vmem>> -> memref<1x40x128xf32, #tpu.memory_space<vmem>>
      %dma_start3A_84 = tpu.memref_squeeze %dma_start3A_83 : memref<1x40x128xf32, #tpu.memory_space<vmem>> -> memref<40x128xf32, #tpu.memory_space<vmem>>
      %dma_start3A_85 = arith.constant 0 : i32
      %dma_start3A_86 = tpu.memref_slice %arg4[%dma_start3A_85, %multiple_of3A_79] : memref<40x1000000xf32, #tpu.memory_space<hbm>> -> memref<40x128xf32, #tpu.memory_space<hbm>>
      %dma_start3A_87 = arith.constant 0 : i32
      %dma_start3A_88 = arith.constant 0 : i32
      %dma_start3A_89 = tpu.memref_slice %arg9[%dma_start3A_80, %dma_start3A_87, %dma_start3A_88] : memref<16x40x128xf32, #tpu.memory_space<vmem>> -> memref<1x40x128xf32, #tpu.memory_space<vmem>>
      %dma_start3A_90 = tpu.memref_squeeze %dma_start3A_89 : memref<1x40x128xf32, #tpu.memory_space<vmem>> -> memref<40x128xf32, #tpu.memory_space<vmem>>
      %dma_start3A_91 = arith.constant 0 : i32
      %dma_start3A_92 = tpu.memref_slice %arg4[%dma_start3A_91, %multiple_of3A_79] : memref<40x1000000xf32, #tpu.memory_space<hbm>> -> memref<40x128xf32, #tpu.memory_space<hbm>>
      tpu.enqueue_dma source(%dma_start3A_92 : memref<40x128xf32, #tpu.memory_space<hbm>>) target(%dma_start3A_90 : memref<40x128xf32, #tpu.memory_space<vmem>>) target_semaphore(%arg11 : memref<!tpu.dma_semaphore, #tpu.memory_space<semaphore_mem>>)
      %slice3A_93 = vector.extract_strided_slice %get3A_16 {offsets = [4], sizes = [1], strides = [1]} : vector<16xi32> to vector<1xi32>
      %squeeze3A_94 = vector.extract %slice3A_93[0] : i32 from vector<1xi32>
      %shift_right_arithmetic3A_95 = arith.constant 7 : i32
      %shift_right_arithmetic3A_96 = arith.shrsi %squeeze3A_94, %shift_right_arithmetic3A_95 : i32
      %mul3A_97 = arith.constant 128 : i32
      %mul3A_98 = arith.muli %shift_right_arithmetic3A_96, %mul3A_97 : i32
      %multiple_of3A_99 = tpu.assume_multiple %mul3A_98, 128 : i32
      %dma_start3A_100 = arith.constant 4 : i32
      %dma_start3A_101 = arith.constant 0 : i32
      %dma_start3A_102 = arith.constant 0 : i32
      %dma_start3A_103 = tpu.memref_slice %arg9[%dma_start3A_100, %dma_start3A_101, %dma_start3A_102] : memref<16x40x128xf32, #tpu.memory_space<vmem>> -> memref<1x40x128xf32, #tpu.memory_space<vmem>>
      %dma_start3A_104 = tpu.memref_squeeze %dma_start3A_103 : memref<1x40x128xf32, #tpu.memory_space<vmem>> -> memref<40x128xf32, #tpu.memory_space<vmem>>
      %dma_start3A_105 = arith.constant 0 : i32
      %dma_start3A_106 = tpu.memref_slice %arg4[%dma_start3A_105, %multiple_of3A_99] : memref<40x1000000xf32, #tpu.memory_space<hbm>> -> memref<40x128xf32, #tpu.memory_space<hbm>>
      %dma_start3A_107 = arith.constant 0 : i32
      %dma_start3A_108 = arith.constant 0 : i32
      %dma_start3A_109 = tpu.memref_slice %arg9[%dma_start3A_100, %dma_start3A_107, %dma_start3A_108] : memref<16x40x128xf32, #tpu.memory_space<vmem>> -> memref<1x40x128xf32, #tpu.memory_space<vmem>>
      %dma_start3A_110 = tpu.memref_squeeze %dma_start3A_109 : memref<1x40x128xf32, #tpu.memory_space<vmem>> -> memref<40x128xf32, #tpu.memory_space<vmem>>
      %dma_start3A_111 = arith.constant 0 : i32
      %dma_start3A_112 = tpu.memref_slice %arg4[%dma_start3A_111, %multiple_of3A_99] : memref<40x1000000xf32, #tpu.memory_space<hbm>> -> memref<40x128xf32, #tpu.memory_space<hbm>>
      tpu.enqueue_dma source(%dma_start3A_112 : memref<40x128xf32, #tpu.memory_space<hbm>>) target(%dma_start3A_110 : memref<40x128xf32, #tpu.memory_space<vmem>>) target_semaphore(%arg11 : memref<!tpu.dma_semaphore, #tpu.memory_space<semaphore_mem>>)
      %slice3A_113 = vector.extract_strided_slice %get3A_16 {offsets = [5], sizes = [1], strides = [1]} : vector<16xi32> to vector<1xi32>
      %squeeze3A_114 = vector.extract %slice3A_113[0] : i32 from vector<1xi32>
      %shift_right_arithmetic3A_115 = arith.constant 7 : i32
      %shift_right_arithmetic3A_116 = arith.shrsi %squeeze3A_114, %shift_right_arithmetic3A_115 : i32
      %mul3A_117 = arith.constant 128 : i32
      %mul3A_118 = arith.muli %shift_right_arithmetic3A_116, %mul3A_117 : i32
      %multiple_of3A_119 = tpu.assume_multiple %mul3A_118, 128 : i32
      %dma_start3A_120 = arith.constant 5 : i32
      %dma_start3A_121 = arith.constant 0 : i32
      %dma_start3A_122 = arith.constant 0 : i32
      %dma_start3A_123 = tpu.memref_slice %arg9[%dma_start3A_120, %dma_start3A_121, %dma_start3A_122] : memref<16x40x128xf32, #tpu.memory_space<vmem>> -> memref<1x40x128xf32, #tpu.memory_space<vmem>>
      %dma_start3A_124 = tpu.memref_squeeze %dma_start3A_123 : memref<1x40x128xf32, #tpu.memory_space<vmem>> -> memref<40x128xf32, #tpu.memory_space<vmem>>
      %dma_start3A_125 = arith.constant 0 : i32
      %dma_start3A_126 = tpu.memref_slice %arg4[%dma_start3A_125, %multiple_of3A_119] : memref<40x1000000xf32, #tpu.memory_space<hbm>> -> memref<40x128xf32, #tpu.memory_space<hbm>>
      %dma_start3A_127 = arith.constant 0 : i32
      %dma_start3A_128 = arith.constant 0 : i32
      %dma_start3A_129 = tpu.memref_slice %arg9[%dma_start3A_120, %dma_start3A_127, %dma_start3A_128] : memref<16x40x128xf32, #tpu.memory_space<vmem>> -> memref<1x40x128xf32, #tpu.memory_space<vmem>>
      %dma_start3A_130 = tpu.memref_squeeze %dma_start3A_129 : memref<1x40x128xf32, #tpu.memory_space<vmem>> -> memref<40x128xf32, #tpu.memory_space<vmem>>
      %dma_start3A_131 = arith.constant 0 : i32
      %dma_start3A_132 = tpu.memref_slice %arg4[%dma_start3A_131, %multiple_of3A_119] : memref<40x1000000xf32, #tpu.memory_space<hbm>> -> memref<40x128xf32, #tpu.memory_space<hbm>>
      tpu.enqueue_dma source(%dma_start3A_132 : memref<40x128xf32, #tpu.memory_space<hbm>>) target(%dma_start3A_130 : memref<40x128xf32, #tpu.memory_space<vmem>>) target_semaphore(%arg11 : memref<!tpu.dma_semaphore, #tpu.memory_space<semaphore_mem>>)
      %slice3A_133 = vector.extract_strided_slice %get3A_16 {offsets = [6], sizes = [1], strides = [1]} : vector<16xi32> to vector<1xi32>
      %squeeze3A_134 = vector.extract %slice3A_133[0] : i32 from vector<1xi32>
      %shift_right_arithmetic3A_135 = arith.constant 7 : i32
      %shift_right_arithmetic3A_136 = arith.shrsi %squeeze3A_134, %shift_right_arithmetic3A_135 : i32
      %mul3A_137 = arith.constant 128 : i32
      %mul3A_138 = arith.muli %shift_right_arithmetic3A_136, %mul3A_137 : i32
      %multiple_of3A_139 = tpu.assume_multiple %mul3A_138, 128 : i32
      %dma_start3A_140 = arith.constant 6 : i32
      %dma_start3A_141 = arith.constant 0 : i32
      %dma_start3A_142 = arith.constant 0 : i32
      %dma_start3A_143 = tpu.memref_slice %arg9[%dma_start3A_140, %dma_start3A_141, %dma_start3A_142] : memref<16x40x128xf32, #tpu.memory_space<vmem>> -> memref<1x40x128xf32, #tpu.memory_space<vmem>>
      %dma_start3A_144 = tpu.memref_squeeze %dma_start3A_143 : memref<1x40x128xf32, #tpu.memory_space<vmem>> -> memref<40x128xf32, #tpu.memory_space<vmem>>
      %dma_start3A_145 = arith.constant 0 : i32
      %dma_start3A_146 = tpu.memref_slice %arg4[%dma_start3A_145, %multiple_of3A_139] : memref<40x1000000xf32, #tpu.memory_space<hbm>> -> memref<40x128xf32, #tpu.memory_space<hbm>>
      %dma_start3A_147 = arith.constant 0 : i32
      %dma_start3A_148 = arith.constant 0 : i32
      %dma_start3A_149 = tpu.memref_slice %arg9[%dma_start3A_140, %dma_start3A_147, %dma_start3A_148] : memref<16x40x128xf32, #tpu.memory_space<vmem>> -> memref<1x40x128xf32, #tpu.memory_space<vmem>>
      %dma_start3A_150 = tpu.memref_squeeze %dma_start3A_149 : memref<1x40x128xf32, #tpu.memory_space<vmem>> -> memref<40x128xf32, #tpu.memory_space<vmem>>
      %dma_start3A_151 = arith.constant 0 : i32
      %dma_start3A_152 = tpu.memref_slice %arg4[%dma_start3A_151, %multiple_of3A_139] : memref<40x1000000xf32, #tpu.memory_space<hbm>> -> memref<40x128xf32, #tpu.memory_space<hbm>>
      tpu.enqueue_dma source(%dma_start3A_152 : memref<40x128xf32, #tpu.memory_space<hbm>>) target(%dma_start3A_150 : memref<40x128xf32, #tpu.memory_space<vmem>>) target_semaphore(%arg11 : memref<!tpu.dma_semaphore, #tpu.memory_space<semaphore_mem>>)
      %slice3A_153 = vector.extract_strided_slice %get3A_16 {offsets = [7], sizes = [1], strides = [1]} : vector<16xi32> to vector<1xi32>
      %squeeze3A_154 = vector.extract %slice3A_153[0] : i32 from vector<1xi32>
      %shift_right_arithmetic3A_155 = arith.constant 7 : i32
      %shift_right_arithmetic3A_156 = arith.shrsi %squeeze3A_154, %shift_right_arithmetic3A_155 : i32
      %mul3A_157 = arith.constant 128 : i32
      %mul3A_158 = arith.muli %shift_right_arithmetic3A_156, %mul3A_157 : i32
      %multiple_of3A_159 = tpu.assume_multiple %mul3A_158, 128 : i32
      %dma_start3A_160 = arith.constant 7 : i32
      %dma_start3A_161 = arith.constant 0 : i32
      %dma_start3A_162 = arith.constant 0 : i32
      %dma_start3A_163 = tpu.memref_slice %arg9[%dma_start3A_160, %dma_start3A_161, %dma_start3A_162] : memref<16x40x128xf32, #tpu.memory_space<vmem>> -> memref<1x40x128xf32, #tpu.memory_space<vmem>>
      %dma_start3A_164 = tpu.memref_squeeze %dma_start3A_163 : memref<1x40x128xf32, #tpu.memory_space<vmem>> -> memref<40x128xf32, #tpu.memory_space<vmem>>
      %dma_start3A_165 = arith.constant 0 : i32
      %dma_start3A_166 = tpu.memref_slice %arg4[%dma_start3A_165, %multiple_of3A_159] : memref<40x1000000xf32, #tpu.memory_space<hbm>> -> memref<40x128xf32, #tpu.memory_space<hbm>>
      %dma_start3A_167 = arith.constant 0 : i32
      %dma_start3A_168 = arith.constant 0 : i32
      %dma_start3A_169 = tpu.memref_slice %arg9[%dma_start3A_160, %dma_start3A_167, %dma_start3A_168] : memref<16x40x128xf32, #tpu.memory_space<vmem>> -> memref<1x40x128xf32, #tpu.memory_space<vmem>>
      %dma_start3A_170 = tpu.memref_squeeze %dma_start3A_169 : memref<1x40x128xf32, #tpu.memory_space<vmem>> -> memref<40x128xf32, #tpu.memory_space<vmem>>
      %dma_start3A_171 = arith.constant 0 : i32
      %dma_start3A_172 = tpu.memref_slice %arg4[%dma_start3A_171, %multiple_of3A_159] : memref<40x1000000xf32, #tpu.memory_space<hbm>> -> memref<40x128xf32, #tpu.memory_space<hbm>>
      tpu.enqueue_dma source(%dma_start3A_172 : memref<40x128xf32, #tpu.memory_space<hbm>>) target(%dma_start3A_170 : memref<40x128xf32, #tpu.memory_space<vmem>>) target_semaphore(%arg11 : memref<!tpu.dma_semaphore, #tpu.memory_space<semaphore_mem>>)
      %slice3A_173 = vector.extract_strided_slice %get3A_16 {offsets = [8], sizes = [1], strides = [1]} : vector<16xi32> to vector<1xi32>
      %squeeze3A_174 = vector.extract %slice3A_173[0] : i32 from vector<1xi32>
      %shift_right_arithmetic3A_175 = arith.constant 7 : i32
      %shift_right_arithmetic3A_176 = arith.shrsi %squeeze3A_174, %shift_right_arithmetic3A_175 : i32
      %mul3A_177 = arith.constant 128 : i32
      %mul3A_178 = arith.muli %shift_right_arithmetic3A_176, %mul3A_177 : i32
      %multiple_of3A_179 = tpu.assume_multiple %mul3A_178, 128 : i32
      %dma_start3A_180 = arith.constant 8 : i32
      %dma_start3A_181 = arith.constant 0 : i32
      %dma_start3A_182 = arith.constant 0 : i32
      %dma_start3A_183 = tpu.memref_slice %arg9[%dma_start3A_180, %dma_start3A_181, %dma_start3A_182] : memref<16x40x128xf32, #tpu.memory_space<vmem>> -> memref<1x40x128xf32, #tpu.memory_space<vmem>>
      %dma_start3A_184 = tpu.memref_squeeze %dma_start3A_183 : memref<1x40x128xf32, #tpu.memory_space<vmem>> -> memref<40x128xf32, #tpu.memory_space<vmem>>
      %dma_start3A_185 = arith.constant 0 : i32
      %dma_start3A_186 = tpu.memref_slice %arg4[%dma_start3A_185, %multiple_of3A_179] : memref<40x1000000xf32, #tpu.memory_space<hbm>> -> memref<40x128xf32, #tpu.memory_space<hbm>>
      %dma_start3A_187 = arith.constant 0 : i32
      %dma_start3A_188 = arith.constant 0 : i32
      %dma_start3A_189 = tpu.memref_slice %arg9[%dma_start3A_180, %dma_start3A_187, %dma_start3A_188] : memref<16x40x128xf32, #tpu.memory_space<vmem>> -> memref<1x40x128xf32, #tpu.memory_space<vmem>>
      %dma_start3A_190 = tpu.memref_squeeze %dma_start3A_189 : memref<1x40x128xf32, #tpu.memory_space<vmem>> -> memref<40x128xf32, #tpu.memory_space<vmem>>
      %dma_start3A_191 = arith.constant 0 : i32
      %dma_start3A_192 = tpu.memref_slice %arg4[%dma_start3A_191, %multiple_of3A_179] : memref<40x1000000xf32, #tpu.memory_space<hbm>> -> memref<40x128xf32, #tpu.memory_space<hbm>>
      tpu.enqueue_dma source(%dma_start3A_192 : memref<40x128xf32, #tpu.memory_space<hbm>>) target(%dma_start3A_190 : memref<40x128xf32, #tpu.memory_space<vmem>>) target_semaphore(%arg11 : memref<!tpu.dma_semaphore, #tpu.memory_space<semaphore_mem>>)
      %slice3A_193 = vector.extract_strided_slice %get3A_16 {offsets = [9], sizes = [1], strides = [1]} : vector<16xi32> to vector<1xi32>
      %squeeze3A_194 = vector.extract %slice3A_193[0] : i32 from vector<1xi32>
      %shift_right_arithmetic3A_195 = arith.constant 7 : i32
      %shift_right_arithmetic3A_196 = arith.shrsi %squeeze3A_194, %shift_right_arithmetic3A_195 : i32
      %mul3A_197 = arith.constant 128 : i32
      %mul3A_198 = arith.muli %shift_right_arithmetic3A_196, %mul3A_197 : i32
      %multiple_of3A_199 = tpu.assume_multiple %mul3A_198, 128 : i32
      %dma_start3A_200 = arith.constant 9 : i32
      %dma_start3A_201 = arith.constant 0 : i32
      %dma_start3A_202 = arith.constant 0 : i32
      %dma_start3A_203 = tpu.memref_slice %arg9[%dma_start3A_200, %dma_start3A_201, %dma_start3A_202] : memref<16x40x128xf32, #tpu.memory_space<vmem>> -> memref<1x40x128xf32, #tpu.memory_space<vmem>>
      %dma_start3A_204 = tpu.memref_squeeze %dma_start3A_203 : memref<1x40x128xf32, #tpu.memory_space<vmem>> -> memref<40x128xf32, #tpu.memory_space<vmem>>
      %dma_start3A_205 = arith.constant 0 : i32
      %dma_start3A_206 = tpu.memref_slice %arg4[%dma_start3A_205, %multiple_of3A_199] : memref<40x1000000xf32, #tpu.memory_space<hbm>> -> memref<40x128xf32, #tpu.memory_space<hbm>>
      %dma_start3A_207 = arith.constant 0 : i32
      %dma_start3A_208 = arith.constant 0 : i32
      %dma_start3A_209 = tpu.memref_slice %arg9[%dma_start3A_200, %dma_start3A_207, %dma_start3A_208] : memref<16x40x128xf32, #tpu.memory_space<vmem>> -> memref<1x40x128xf32, #tpu.memory_space<vmem>>
      %dma_start3A_210 = tpu.memref_squeeze %dma_start3A_209 : memref<1x40x128xf32, #tpu.memory_space<vmem>> -> memref<40x128xf32, #tpu.memory_space<vmem>>
      %dma_start3A_211 = arith.constant 0 : i32
      %dma_start3A_212 = tpu.memref_slice %arg4[%dma_start3A_211, %multiple_of3A_199] : memref<40x1000000xf32, #tpu.memory_space<hbm>> -> memref<40x128xf32, #tpu.memory_space<hbm>>
      tpu.enqueue_dma source(%dma_start3A_212 : memref<40x128xf32, #tpu.memory_space<hbm>>) target(%dma_start3A_210 : memref<40x128xf32, #tpu.memory_space<vmem>>) target_semaphore(%arg11 : memref<!tpu.dma_semaphore, #tpu.memory_space<semaphore_mem>>)
      %slice3A_213 = vector.extract_strided_slice %get3A_16 {offsets = [10], sizes = [1], strides = [1]} : vector<16xi32> to vector<1xi32>
      %squeeze3A_214 = vector.extract %slice3A_213[0] : i32 from vector<1xi32>
      %shift_right_arithmetic3A_215 = arith.constant 7 : i32
      %shift_right_arithmetic3A_216 = arith.shrsi %squeeze3A_214, %shift_right_arithmetic3A_215 : i32
      %mul3A_217 = arith.constant 128 : i32
      %mul3A_218 = arith.muli %shift_right_arithmetic3A_216, %mul3A_217 : i32
      %multiple_of3A_219 = tpu.assume_multiple %mul3A_218, 128 : i32
      %dma_start3A_220 = arith.constant 10 : i32
      %dma_start3A_221 = arith.constant 0 : i32
      %dma_start3A_222 = arith.constant 0 : i32
      %dma_start3A_223 = tpu.memref_slice %arg9[%dma_start3A_220, %dma_start3A_221, %dma_start3A_222] : memref<16x40x128xf32, #tpu.memory_space<vmem>> -> memref<1x40x128xf32, #tpu.memory_space<vmem>>
      %dma_start3A_224 = tpu.memref_squeeze %dma_start3A_223 : memref<1x40x128xf32, #tpu.memory_space<vmem>> -> memref<40x128xf32, #tpu.memory_space<vmem>>
      %dma_start3A_225 = arith.constant 0 : i32
      %dma_start3A_226 = tpu.memref_slice %arg4[%dma_start3A_225, %multiple_of3A_219] : memref<40x1000000xf32, #tpu.memory_space<hbm>> -> memref<40x128xf32, #tpu.memory_space<hbm>>
      %dma_start3A_227 = arith.constant 0 : i32
      %dma_start3A_228 = arith.constant 0 : i32
      %dma_start3A_229 = tpu.memref_slice %arg9[%dma_start3A_220, %dma_start3A_227, %dma_start3A_228] : memref<16x40x128xf32, #tpu.memory_space<vmem>> -> memref<1x40x128xf32, #tpu.memory_space<vmem>>
      %dma_start3A_230 = tpu.memref_squeeze %dma_start3A_229 : memref<1x40x128xf32, #tpu.memory_space<vmem>> -> memref<40x128xf32, #tpu.memory_space<vmem>>
      %dma_start3A_231 = arith.constant 0 : i32
      %dma_start3A_232 = tpu.memref_slice %arg4[%dma_start3A_231, %multiple_of3A_219] : memref<40x1000000xf32, #tpu.memory_space<hbm>> -> memref<40x128xf32, #tpu.memory_space<hbm>>
      tpu.enqueue_dma source(%dma_start3A_232 : memref<40x128xf32, #tpu.memory_space<hbm>>) target(%dma_start3A_230 : memref<40x128xf32, #tpu.memory_space<vmem>>) target_semaphore(%arg11 : memref<!tpu.dma_semaphore, #tpu.memory_space<semaphore_mem>>)
      %slice3A_233 = vector.extract_strided_slice %get3A_16 {offsets = [11], sizes = [1], strides = [1]} : vector<16xi32> to vector<1xi32>
      %squeeze3A_234 = vector.extract %slice3A_233[0] : i32 from vector<1xi32>
      %shift_right_arithmetic3A_235 = arith.constant 7 : i32
      %shift_right_arithmetic3A_236 = arith.shrsi %squeeze3A_234, %shift_right_arithmetic3A_235 : i32
      %mul3A_237 = arith.constant 128 : i32
      %mul3A_238 = arith.muli %shift_right_arithmetic3A_236, %mul3A_237 : i32
      %multiple_of3A_239 = tpu.assume_multiple %mul3A_238, 128 : i32
      %dma_start3A_240 = arith.constant 11 : i32
      %dma_start3A_241 = arith.constant 0 : i32
      %dma_start3A_242 = arith.constant 0 : i32
      %dma_start3A_243 = tpu.memref_slice %arg9[%dma_start3A_240, %dma_start3A_241, %dma_start3A_242] : memref<16x40x128xf32, #tpu.memory_space<vmem>> -> memref<1x40x128xf32, #tpu.memory_space<vmem>>
      %dma_start3A_244 = tpu.memref_squeeze %dma_start3A_243 : memref<1x40x128xf32, #tpu.memory_space<vmem>> -> memref<40x128xf32, #tpu.memory_space<vmem>>
      %dma_start3A_245 = arith.constant 0 : i32
      %dma_start3A_246 = tpu.memref_slice %arg4[%dma_start3A_245, %multiple_of3A_239] : memref<40x1000000xf32, #tpu.memory_space<hbm>> -> memref<40x128xf32, #tpu.memory_space<hbm>>
      %dma_start3A_247 = arith.constant 0 : i32
      %dma_start3A_248 = arith.constant 0 : i32
      %dma_start3A_249 = tpu.memref_slice %arg9[%dma_start3A_240, %dma_start3A_247, %dma_start3A_248] : memref<16x40x128xf32, #tpu.memory_space<vmem>> -> memref<1x40x128xf32, #tpu.memory_space<vmem>>
      %dma_start3A_250 = tpu.memref_squeeze %dma_start3A_249 : memref<1x40x128xf32, #tpu.memory_space<vmem>> -> memref<40x128xf32, #tpu.memory_space<vmem>>
      %dma_start3A_251 = arith.constant 0 : i32
      %dma_start3A_252 = tpu.memref_slice %arg4[%dma_start3A_251, %multiple_of3A_239] : memref<40x1000000xf32, #tpu.memory_space<hbm>> -> memref<40x128xf32, #tpu.memory_space<hbm>>
      tpu.enqueue_dma source(%dma_start3A_252 : memref<40x128xf32, #tpu.memory_space<hbm>>) target(%dma_start3A_250 : memref<40x128xf32, #tpu.memory_space<vmem>>) target_semaphore(%arg11 : memref<!tpu.dma_semaphore, #tpu.memory_space<semaphore_mem>>)
      %slice3A_253 = vector.extract_strided_slice %get3A_16 {offsets = [12], sizes = [1], strides = [1]} : vector<16xi32> to vector<1xi32>
      %squeeze3A_254 = vector.extract %slice3A_253[0] : i32 from vector<1xi32>
      %shift_right_arithmetic3A_255 = arith.constant 7 : i32
      %shift_right_arithmetic3A_256 = arith.shrsi %squeeze3A_254, %shift_right_arithmetic3A_255 : i32
      %mul3A_257 = arith.constant 128 : i32
      %mul3A_258 = arith.muli %shift_right_arithmetic3A_256, %mul3A_257 : i32
      %multiple_of3A_259 = tpu.assume_multiple %mul3A_258, 128 : i32
      %dma_start3A_260 = arith.constant 12 : i32
      %dma_start3A_261 = arith.constant 0 : i32
      %dma_start3A_262 = arith.constant 0 : i32
      %dma_start3A_263 = tpu.memref_slice %arg9[%dma_start3A_260, %dma_start3A_261, %dma_start3A_262] : memref<16x40x128xf32, #tpu.memory_space<vmem>> -> memref<1x40x128xf32, #tpu.memory_space<vmem>>
      %dma_start3A_264 = tpu.memref_squeeze %dma_start3A_263 : memref<1x40x128xf32, #tpu.memory_space<vmem>> -> memref<40x128xf32, #tpu.memory_space<vmem>>
      %dma_start3A_265 = arith.constant 0 : i32
      %dma_start3A_266 = tpu.memref_slice %arg4[%dma_start3A_265, %multiple_of3A_259] : memref<40x1000000xf32, #tpu.memory_space<hbm>> -> memref<40x128xf32, #tpu.memory_space<hbm>>
      %dma_start3A_267 = arith.constant 0 : i32
      %dma_start3A_268 = arith.constant 0 : i32
      %dma_start3A_269 = tpu.memref_slice %arg9[%dma_start3A_260, %dma_start3A_267, %dma_start3A_268] : memref<16x40x128xf32, #tpu.memory_space<vmem>> -> memref<1x40x128xf32, #tpu.memory_space<vmem>>
      %dma_start3A_270 = tpu.memref_squeeze %dma_start3A_269 : memref<1x40x128xf32, #tpu.memory_space<vmem>> -> memref<40x128xf32, #tpu.memory_space<vmem>>
      %dma_start3A_271 = arith.constant 0 : i32
      %dma_start3A_272 = tpu.memref_slice %arg4[%dma_start3A_271, %multiple_of3A_259] : memref<40x1000000xf32, #tpu.memory_space<hbm>> -> memref<40x128xf32, #tpu.memory_space<hbm>>
      tpu.enqueue_dma source(%dma_start3A_272 : memref<40x128xf32, #tpu.memory_space<hbm>>) target(%dma_start3A_270 : memref<40x128xf32, #tpu.memory_space<vmem>>) target_semaphore(%arg11 : memref<!tpu.dma_semaphore, #tpu.memory_space<semaphore_mem>>)
      %slice3A_273 = vector.extract_strided_slice %get3A_16 {offsets = [13], sizes = [1], strides = [1]} : vector<16xi32> to vector<1xi32>
      %squeeze3A_274 = vector.extract %slice3A_273[0] : i32 from vector<1xi32>
      %shift_right_arithmetic3A_275 = arith.constant 7 : i32
      %shift_right_arithmetic3A_276 = arith.shrsi %squeeze3A_274, %shift_right_arithmetic3A_275 : i32
      %mul3A_277 = arith.constant 128 : i32
      %mul3A_278 = arith.muli %shift_right_arithmetic3A_276, %mul3A_277 : i32
      %multiple_of3A_279 = tpu.assume_multiple %mul3A_278, 128 : i32
      %dma_start3A_280 = arith.constant 13 : i32
      %dma_start3A_281 = arith.constant 0 : i32
      %dma_start3A_282 = arith.constant 0 : i32
      %dma_start3A_283 = tpu.memref_slice %arg9[%dma_start3A_280, %dma_start3A_281, %dma_start3A_282] : memref<16x40x128xf32, #tpu.memory_space<vmem>> -> memref<1x40x128xf32, #tpu.memory_space<vmem>>
      %dma_start3A_284 = tpu.memref_squeeze %dma_start3A_283 : memref<1x40x128xf32, #tpu.memory_space<vmem>> -> memref<40x128xf32, #tpu.memory_space<vmem>>
      %dma_start3A_285 = arith.constant 0 : i32
      %dma_start3A_286 = tpu.memref_slice %arg4[%dma_start3A_285, %multiple_of3A_279] : memref<40x1000000xf32, #tpu.memory_space<hbm>> -> memref<40x128xf32, #tpu.memory_space<hbm>>
      %dma_start3A_287 = arith.constant 0 : i32
      %dma_start3A_288 = arith.constant 0 : i32
      %dma_start3A_289 = tpu.memref_slice %arg9[%dma_start3A_280, %dma_start3A_287, %dma_start3A_288] : memref<16x40x128xf32, #tpu.memory_space<vmem>> -> memref<1x40x128xf32, #tpu.memory_space<vmem>>
      %dma_start3A_290 = tpu.memref_squeeze %dma_start3A_289 : memref<1x40x128xf32, #tpu.memory_space<vmem>> -> memref<40x128xf32, #tpu.memory_space<vmem>>
      %dma_start3A_291 = arith.constant 0 : i32
      %dma_start3A_292 = tpu.memref_slice %arg4[%dma_start3A_291, %multiple_of3A_279] : memref<40x1000000xf32, #tpu.memory_space<hbm>> -> memref<40x128xf32, #tpu.memory_space<hbm>>
      tpu.enqueue_dma source(%dma_start3A_292 : memref<40x128xf32, #tpu.memory_space<hbm>>) target(%dma_start3A_290 : memref<40x128xf32, #tpu.memory_space<vmem>>) target_semaphore(%arg11 : memref<!tpu.dma_semaphore, #tpu.memory_space<semaphore_mem>>)
      %slice3A_293 = vector.extract_strided_slice %get3A_16 {offsets = [14], sizes = [1], strides = [1]} : vector<16xi32> to vector<1xi32>
      %squeeze3A_294 = vector.extract %slice3A_293[0] : i32 from vector<1xi32>
      %shift_right_arithmetic3A_295 = arith.constant 7 : i32
      %shift_right_arithmetic3A_296 = arith.shrsi %squeeze3A_294, %shift_right_arithmetic3A_295 : i32
      %mul3A_297 = arith.constant 128 : i32
      %mul3A_298 = arith.muli %shift_right_arithmetic3A_296, %mul3A_297 : i32
      %multiple_of3A_299 = tpu.assume_multiple %mul3A_298, 128 : i32
      %dma_start3A_300 = arith.constant 14 : i32
      %dma_start3A_301 = arith.constant 0 : i32
      %dma_start3A_302 = arith.constant 0 : i32
      %dma_start3A_303 = tpu.memref_slice %arg9[%dma_start3A_300, %dma_start3A_301, %dma_start3A_302] : memref<16x40x128xf32, #tpu.memory_space<vmem>> -> memref<1x40x128xf32, #tpu.memory_space<vmem>>
      %dma_start3A_304 = tpu.memref_squeeze %dma_start3A_303 : memref<1x40x128xf32, #tpu.memory_space<vmem>> -> memref<40x128xf32, #tpu.memory_space<vmem>>
      %dma_start3A_305 = arith.constant 0 : i32
      %dma_start3A_306 = tpu.memref_slice %arg4[%dma_start3A_305, %multiple_of3A_299] : memref<40x1000000xf32, #tpu.memory_space<hbm>> -> memref<40x128xf32, #tpu.memory_space<hbm>>
      %dma_start3A_307 = arith.constant 0 : i32
      %dma_start3A_308 = arith.constant 0 : i32
      %dma_start3A_309 = tpu.memref_slice %arg9[%dma_start3A_300, %dma_start3A_307, %dma_start3A_308] : memref<16x40x128xf32, #tpu.memory_space<vmem>> -> memref<1x40x128xf32, #tpu.memory_space<vmem>>
      %dma_start3A_310 = tpu.memref_squeeze %dma_start3A_309 : memref<1x40x128xf32, #tpu.memory_space<vmem>> -> memref<40x128xf32, #tpu.memory_space<vmem>>
      %dma_start3A_311 = arith.constant 0 : i32
      %dma_start3A_312 = tpu.memref_slice %arg4[%dma_start3A_311, %multiple_of3A_299] : memref<40x1000000xf32, #tpu.memory_space<hbm>> -> memref<40x128xf32, #tpu.memory_space<hbm>>
      tpu.enqueue_dma source(%dma_start3A_312 : memref<40x128xf32, #tpu.memory_space<hbm>>) target(%dma_start3A_310 : memref<40x128xf32, #tpu.memory_space<vmem>>) target_semaphore(%arg11 : memref<!tpu.dma_semaphore, #tpu.memory_space<semaphore_mem>>)
      %slice3A_313 = vector.extract_strided_slice %get3A_16 {offsets = [15], sizes = [1], strides = [1]} : vector<16xi32> to vector<1xi32>
      %squeeze3A_314 = vector.extract %slice3A_313[0] : i32 from vector<1xi32>
      %shift_right_arithmetic3A_315 = arith.constant 7 : i32
      %shift_right_arithmetic3A_316 = arith.shrsi %squeeze3A_314, %shift_right_arithmetic3A_315 : i32
      %mul3A_317 = arith.constant 128 : i32
      %mul3A_318 = arith.muli %shift_right_arithmetic3A_316, %mul3A_317 : i32
      %multiple_of3A_319 = tpu.assume_multiple %mul3A_318, 128 : i32
      %dma_start3A_320 = arith.constant 15 : i32
      %dma_start3A_321 = arith.constant 0 : i32
      %dma_start3A_322 = arith.constant 0 : i32
      %dma_start3A_323 = tpu.memref_slice %arg9[%dma_start3A_320, %dma_start3A_321, %dma_start3A_322] : memref<16x40x128xf32, #tpu.memory_space<vmem>> -> memref<1x40x128xf32, #tpu.memory_space<vmem>>
      %dma_start3A_324 = tpu.memref_squeeze %dma_start3A_323 : memref<1x40x128xf32, #tpu.memory_space<vmem>> -> memref<40x128xf32, #tpu.memory_space<vmem>>
      %dma_start3A_325 = arith.constant 0 : i32
      %dma_start3A_326 = tpu.memref_slice %arg4[%dma_start3A_325, %multiple_of3A_319] : memref<40x1000000xf32, #tpu.memory_space<hbm>> -> memref<40x128xf32, #tpu.memory_space<hbm>>
      %dma_start3A_327 = arith.constant 0 : i32
      %dma_start3A_328 = arith.constant 0 : i32
      %dma_start3A_329 = tpu.memref_slice %arg9[%dma_start3A_320, %dma_start3A_327, %dma_start3A_328] : memref<16x40x128xf32, #tpu.memory_space<vmem>> -> memref<1x40x128xf32, #tpu.memory_space<vmem>>
      %dma_start3A_330 = tpu.memref_squeeze %dma_start3A_329 : memref<1x40x128xf32, #tpu.memory_space<vmem>> -> memref<40x128xf32, #tpu.memory_space<vmem>>
      %dma_start3A_331 = arith.constant 0 : i32
      %dma_start3A_332 = tpu.memref_slice %arg4[%dma_start3A_331, %multiple_of3A_319] : memref<40x1000000xf32, #tpu.memory_space<hbm>> -> memref<40x128xf32, #tpu.memory_space<hbm>>
      tpu.enqueue_dma source(%dma_start3A_332 : memref<40x128xf32, #tpu.memory_space<hbm>>) target(%dma_start3A_330 : memref<40x128xf32, #tpu.memory_space<vmem>>) target_semaphore(%arg11 : memref<!tpu.dma_semaphore, #tpu.memory_space<semaphore_mem>>)
      %dma_wait3A = arith.constant 0 : i32
      %dma_wait3A_333 = arith.constant 0 : i32
      %dma_wait3A_334 = arith.constant 0 : i32
      %dma_wait3A_335 = tpu.memref_slice %arg9[%dma_wait3A, %dma_wait3A_333, %dma_wait3A_334] : memref<16x40x128xf32, #tpu.memory_space<vmem>> -> memref<1x40x128xf32, #tpu.memory_space<vmem>>
      %dma_wait3A_336 = tpu.memref_squeeze %dma_wait3A_335 : memref<1x40x128xf32, #tpu.memory_space<vmem>> -> memref<40x128xf32, #tpu.memory_space<vmem>>
      %dma_wait3A_337 = arith.constant 0 : i32
      %dma_wait3A_338 = tpu.memref_slice %arg4[%dma_wait3A_337, %multiple_of3A_20] : memref<40x1000000xf32, #tpu.memory_space<hbm>> -> memref<40x128xf32, #tpu.memory_space<hbm>>
      %dma_wait3A_339 = arith.constant 0 : i32
      %dma_wait3A_340 = arith.constant 0 : i32
      %dma_wait3A_341 = tpu.memref_slice %arg9[%dma_wait3A, %dma_wait3A_339, %dma_wait3A_340] : memref<16x40x128xf32, #tpu.memory_space<vmem>> -> memref<1x40x128xf32, #tpu.memory_space<vmem>>
      %dma_wait3A_342 = tpu.memref_squeeze %dma_wait3A_341 : memref<1x40x128xf32, #tpu.memory_space<vmem>> -> memref<40x128xf32, #tpu.memory_space<vmem>>
      %dma_wait3A_343 = arith.constant 0 : i32
      %dma_wait3A_344 = tpu.memref_slice %arg4[%dma_wait3A_343, %multiple_of3A_20] : memref<40x1000000xf32, #tpu.memory_space<hbm>> -> memref<40x128xf32, #tpu.memory_space<hbm>>
      tpu.wait_dma2 semaphore(%arg11 : memref<!tpu.dma_semaphore, #tpu.memory_space<semaphore_mem>>) src(%dma_wait3A_344 : memref<40x128xf32, #tpu.memory_space<hbm>>) dst(%dma_wait3A_342 : memref<40x128xf32, #tpu.memory_space<vmem>>)
      %dma_wait3A_345 = arith.constant 1 : i32
      %dma_wait3A_346 = arith.constant 0 : i32
      %dma_wait3A_347 = arith.constant 0 : i32
      %dma_wait3A_348 = tpu.memref_slice %arg9[%dma_wait3A_345, %dma_wait3A_346, %dma_wait3A_347] : memref<16x40x128xf32, #tpu.memory_space<vmem>> -> memref<1x40x128xf32, #tpu.memory_space<vmem>>
      %dma_wait3A_349 = tpu.memref_squeeze %dma_wait3A_348 : memref<1x40x128xf32, #tpu.memory_space<vmem>> -> memref<40x128xf32, #tpu.memory_space<vmem>>
      %dma_wait3A_350 = arith.constant 0 : i32
      %dma_wait3A_351 = tpu.memref_slice %arg4[%dma_wait3A_350, %multiple_of3A_39] : memref<40x1000000xf32, #tpu.memory_space<hbm>> -> memref<40x128xf32, #tpu.memory_space<hbm>>
      %dma_wait3A_352 = arith.constant 0 : i32
      %dma_wait3A_353 = arith.constant 0 : i32
      %dma_wait3A_354 = tpu.memref_slice %arg9[%dma_wait3A_345, %dma_wait3A_352, %dma_wait3A_353] : memref<16x40x128xf32, #tpu.memory_space<vmem>> -> memref<1x40x128xf32, #tpu.memory_space<vmem>>
      %dma_wait3A_355 = tpu.memref_squeeze %dma_wait3A_354 : memref<1x40x128xf32, #tpu.memory_space<vmem>> -> memref<40x128xf32, #tpu.memory_space<vmem>>
      %dma_wait3A_356 = arith.constant 0 : i32
      %dma_wait3A_357 = tpu.memref_slice %arg4[%dma_wait3A_356, %multiple_of3A_39] : memref<40x1000000xf32, #tpu.memory_space<hbm>> -> memref<40x128xf32, #tpu.memory_space<hbm>>
      tpu.wait_dma2 semaphore(%arg11 : memref<!tpu.dma_semaphore, #tpu.memory_space<semaphore_mem>>) src(%dma_wait3A_357 : memref<40x128xf32, #tpu.memory_space<hbm>>) dst(%dma_wait3A_355 : memref<40x128xf32, #tpu.memory_space<vmem>>)
      %dma_wait3A_358 = arith.constant 2 : i32
      %dma_wait3A_359 = arith.constant 0 : i32
      %dma_wait3A_360 = arith.constant 0 : i32
      %dma_wait3A_361 = tpu.memref_slice %arg9[%dma_wait3A_358, %dma_wait3A_359, %dma_wait3A_360] : memref<16x40x128xf32, #tpu.memory_space<vmem>> -> memref<1x40x128xf32, #tpu.memory_space<vmem>>
      %dma_wait3A_362 = tpu.memref_squeeze %dma_wait3A_361 : memref<1x40x128xf32, #tpu.memory_space<vmem>> -> memref<40x128xf32, #tpu.memory_space<vmem>>
      %dma_wait3A_363 = arith.constant 0 : i32
      %dma_wait3A_364 = tpu.memref_slice %arg4[%dma_wait3A_363, %multiple_of3A_59] : memref<40x1000000xf32, #tpu.memory_space<hbm>> -> memref<40x128xf32, #tpu.memory_space<hbm>>
      %dma_wait3A_365 = arith.constant 0 : i32
      %dma_wait3A_366 = arith.constant 0 : i32
      %dma_wait3A_367 = tpu.memref_slice %arg9[%dma_wait3A_358, %dma_wait3A_365, %dma_wait3A_366] : memref<16x40x128xf32, #tpu.memory_space<vmem>> -> memref<1x40x128xf32, #tpu.memory_space<vmem>>
      %dma_wait3A_368 = tpu.memref_squeeze %dma_wait3A_367 : memref<1x40x128xf32, #tpu.memory_space<vmem>> -> memref<40x128xf32, #tpu.memory_space<vmem>>
      %dma_wait3A_369 = arith.constant 0 : i32
      %dma_wait3A_370 = tpu.memref_slice %arg4[%dma_wait3A_369, %multiple_of3A_59] : memref<40x1000000xf32, #tpu.memory_space<hbm>> -> memref<40x128xf32, #tpu.memory_space<hbm>>
      tpu.wait_dma2 semaphore(%arg11 : memref<!tpu.dma_semaphore, #tpu.memory_space<semaphore_mem>>) src(%dma_wait3A_370 : memref<40x128xf32, #tpu.memory_space<hbm>>) dst(%dma_wait3A_368 : memref<40x128xf32, #tpu.memory_space<vmem>>)
      %dma_wait3A_371 = arith.constant 3 : i32
      %dma_wait3A_372 = arith.constant 0 : i32
      %dma_wait3A_373 = arith.constant 0 : i32
      %dma_wait3A_374 = tpu.memref_slice %arg9[%dma_wait3A_371, %dma_wait3A_372, %dma_wait3A_373] : memref<16x40x128xf32, #tpu.memory_space<vmem>> -> memref<1x40x128xf32, #tpu.memory_space<vmem>>
      %dma_wait3A_375 = tpu.memref_squeeze %dma_wait3A_374 : memref<1x40x128xf32, #tpu.memory_space<vmem>> -> memref<40x128xf32, #tpu.memory_space<vmem>>
      %dma_wait3A_376 = arith.constant 0 : i32
      %dma_wait3A_377 = tpu.memref_slice %arg4[%dma_wait3A_376, %multiple_of3A_79] : memref<40x1000000xf32, #tpu.memory_space<hbm>> -> memref<40x128xf32, #tpu.memory_space<hbm>>
      %dma_wait3A_378 = arith.constant 0 : i32
      %dma_wait3A_379 = arith.constant 0 : i32
      %dma_wait3A_380 = tpu.memref_slice %arg9[%dma_wait3A_371, %dma_wait3A_378, %dma_wait3A_379] : memref<16x40x128xf32, #tpu.memory_space<vmem>> -> memref<1x40x128xf32, #tpu.memory_space<vmem>>
      %dma_wait3A_381 = tpu.memref_squeeze %dma_wait3A_380 : memref<1x40x128xf32, #tpu.memory_space<vmem>> -> memref<40x128xf32, #tpu.memory_space<vmem>>
      %dma_wait3A_382 = arith.constant 0 : i32
      %dma_wait3A_383 = tpu.memref_slice %arg4[%dma_wait3A_382, %multiple_of3A_79] : memref<40x1000000xf32, #tpu.memory_space<hbm>> -> memref<40x128xf32, #tpu.memory_space<hbm>>
      tpu.wait_dma2 semaphore(%arg11 : memref<!tpu.dma_semaphore, #tpu.memory_space<semaphore_mem>>) src(%dma_wait3A_383 : memref<40x128xf32, #tpu.memory_space<hbm>>) dst(%dma_wait3A_381 : memref<40x128xf32, #tpu.memory_space<vmem>>)
      %dma_wait3A_384 = arith.constant 4 : i32
      %dma_wait3A_385 = arith.constant 0 : i32
      %dma_wait3A_386 = arith.constant 0 : i32
      %dma_wait3A_387 = tpu.memref_slice %arg9[%dma_wait3A_384, %dma_wait3A_385, %dma_wait3A_386] : memref<16x40x128xf32, #tpu.memory_space<vmem>> -> memref<1x40x128xf32, #tpu.memory_space<vmem>>
      %dma_wait3A_388 = tpu.memref_squeeze %dma_wait3A_387 : memref<1x40x128xf32, #tpu.memory_space<vmem>> -> memref<40x128xf32, #tpu.memory_space<vmem>>
      %dma_wait3A_389 = arith.constant 0 : i32
      %dma_wait3A_390 = tpu.memref_slice %arg4[%dma_wait3A_389, %multiple_of3A_99] : memref<40x1000000xf32, #tpu.memory_space<hbm>> -> memref<40x128xf32, #tpu.memory_space<hbm>>
      %dma_wait3A_391 = arith.constant 0 : i32
      %dma_wait3A_392 = arith.constant 0 : i32
      %dma_wait3A_393 = tpu.memref_slice %arg9[%dma_wait3A_384, %dma_wait3A_391, %dma_wait3A_392] : memref<16x40x128xf32, #tpu.memory_space<vmem>> -> memref<1x40x128xf32, #tpu.memory_space<vmem>>
      %dma_wait3A_394 = tpu.memref_squeeze %dma_wait3A_393 : memref<1x40x128xf32, #tpu.memory_space<vmem>> -> memref<40x128xf32, #tpu.memory_space<vmem>>
      %dma_wait3A_395 = arith.constant 0 : i32
      %dma_wait3A_396 = tpu.memref_slice %arg4[%dma_wait3A_395, %multiple_of3A_99] : memref<40x1000000xf32, #tpu.memory_space<hbm>> -> memref<40x128xf32, #tpu.memory_space<hbm>>
      tpu.wait_dma2 semaphore(%arg11 : memref<!tpu.dma_semaphore, #tpu.memory_space<semaphore_mem>>) src(%dma_wait3A_396 : memref<40x128xf32, #tpu.memory_space<hbm>>) dst(%dma_wait3A_394 : memref<40x128xf32, #tpu.memory_space<vmem>>)
      %dma_wait3A_397 = arith.constant 5 : i32
      %dma_wait3A_398 = arith.constant 0 : i32
      %dma_wait3A_399 = arith.constant 0 : i32
      %dma_wait3A_400 = tpu.memref_slice %arg9[%dma_wait3A_397, %dma_wait3A_398, %dma_wait3A_399] : memref<16x40x128xf32, #tpu.memory_space<vmem>> -> memref<1x40x128xf32, #tpu.memory_space<vmem>>
      %dma_wait3A_401 = tpu.memref_squeeze %dma_wait3A_400 : memref<1x40x128xf32, #tpu.memory_space<vmem>> -> memref<40x128xf32, #tpu.memory_space<vmem>>
      %dma_wait3A_402 = arith.constant 0 : i32
      %dma_wait3A_403 = tpu.memref_slice %arg4[%dma_wait3A_402, %multiple_of3A_119] : memref<40x1000000xf32, #tpu.memory_space<hbm>> -> memref<40x128xf32, #tpu.memory_space<hbm>>
      %dma_wait3A_404 = arith.constant 0 : i32
      %dma_wait3A_405 = arith.constant 0 : i32
      %dma_wait3A_406 = tpu.memref_slice %arg9[%dma_wait3A_397, %dma_wait3A_404, %dma_wait3A_405] : memref<16x40x128xf32, #tpu.memory_space<vmem>> -> memref<1x40x128xf32, #tpu.memory_space<vmem>>
      %dma_wait3A_407 = tpu.memref_squeeze %dma_wait3A_406 : memref<1x40x128xf32, #tpu.memory_space<vmem>> -> memref<40x128xf32, #tpu.memory_space<vmem>>
      %dma_wait3A_408 = arith.constant 0 : i32
      %dma_wait3A_409 = tpu.memref_slice %arg4[%dma_wait3A_408, %multiple_of3A_119] : memref<40x1000000xf32, #tpu.memory_space<hbm>> -> memref<40x128xf32, #tpu.memory_space<hbm>>
      tpu.wait_dma2 semaphore(%arg11 : memref<!tpu.dma_semaphore, #tpu.memory_space<semaphore_mem>>) src(%dma_wait3A_409 : memref<40x128xf32, #tpu.memory_space<hbm>>) dst(%dma_wait3A_407 : memref<40x128xf32, #tpu.memory_space<vmem>>)
      %dma_wait3A_410 = arith.constant 6 : i32
      %dma_wait3A_411 = arith.constant 0 : i32
      %dma_wait3A_412 = arith.constant 0 : i32
      %dma_wait3A_413 = tpu.memref_slice %arg9[%dma_wait3A_410, %dma_wait3A_411, %dma_wait3A_412] : memref<16x40x128xf32, #tpu.memory_space<vmem>> -> memref<1x40x128xf32, #tpu.memory_space<vmem>>
      %dma_wait3A_414 = tpu.memref_squeeze %dma_wait3A_413 : memref<1x40x128xf32, #tpu.memory_space<vmem>> -> memref<40x128xf32, #tpu.memory_space<vmem>>
      %dma_wait3A_415 = arith.constant 0 : i32
      %dma_wait3A_416 = tpu.memref_slice %arg4[%dma_wait3A_415, %multiple_of3A_139] : memref<40x1000000xf32, #tpu.memory_space<hbm>> -> memref<40x128xf32, #tpu.memory_space<hbm>>
      %dma_wait3A_417 = arith.constant 0 : i32
      %dma_wait3A_418 = arith.constant 0 : i32
      %dma_wait3A_419 = tpu.memref_slice %arg9[%dma_wait3A_410, %dma_wait3A_417, %dma_wait3A_418] : memref<16x40x128xf32, #tpu.memory_space<vmem>> -> memref<1x40x128xf32, #tpu.memory_space<vmem>>
      %dma_wait3A_420 = tpu.memref_squeeze %dma_wait3A_419 : memref<1x40x128xf32, #tpu.memory_space<vmem>> -> memref<40x128xf32, #tpu.memory_space<vmem>>
      %dma_wait3A_421 = arith.constant 0 : i32
      %dma_wait3A_422 = tpu.memref_slice %arg4[%dma_wait3A_421, %multiple_of3A_139] : memref<40x1000000xf32, #tpu.memory_space<hbm>> -> memref<40x128xf32, #tpu.memory_space<hbm>>
      tpu.wait_dma2 semaphore(%arg11 : memref<!tpu.dma_semaphore, #tpu.memory_space<semaphore_mem>>) src(%dma_wait3A_422 : memref<40x128xf32, #tpu.memory_space<hbm>>) dst(%dma_wait3A_420 : memref<40x128xf32, #tpu.memory_space<vmem>>)
      %dma_wait3A_423 = arith.constant 7 : i32
      %dma_wait3A_424 = arith.constant 0 : i32
      %dma_wait3A_425 = arith.constant 0 : i32
      %dma_wait3A_426 = tpu.memref_slice %arg9[%dma_wait3A_423, %dma_wait3A_424, %dma_wait3A_425] : memref<16x40x128xf32, #tpu.memory_space<vmem>> -> memref<1x40x128xf32, #tpu.memory_space<vmem>>
      %dma_wait3A_427 = tpu.memref_squeeze %dma_wait3A_426 : memref<1x40x128xf32, #tpu.memory_space<vmem>> -> memref<40x128xf32, #tpu.memory_space<vmem>>
      %dma_wait3A_428 = arith.constant 0 : i32
      %dma_wait3A_429 = tpu.memref_slice %arg4[%dma_wait3A_428, %multiple_of3A_159] : memref<40x1000000xf32, #tpu.memory_space<hbm>> -> memref<40x128xf32, #tpu.memory_space<hbm>>
      %dma_wait3A_430 = arith.constant 0 : i32
      %dma_wait3A_431 = arith.constant 0 : i32
      %dma_wait3A_432 = tpu.memref_slice %arg9[%dma_wait3A_423, %dma_wait3A_430, %dma_wait3A_431] : memref<16x40x128xf32, #tpu.memory_space<vmem>> -> memref<1x40x128xf32, #tpu.memory_space<vmem>>
      %dma_wait3A_433 = tpu.memref_squeeze %dma_wait3A_432 : memref<1x40x128xf32, #tpu.memory_space<vmem>> -> memref<40x128xf32, #tpu.memory_space<vmem>>
      %dma_wait3A_434 = arith.constant 0 : i32
      %dma_wait3A_435 = tpu.memref_slice %arg4[%dma_wait3A_434, %multiple_of3A_159] : memref<40x1000000xf32, #tpu.memory_space<hbm>> -> memref<40x128xf32, #tpu.memory_space<hbm>>
      tpu.wait_dma2 semaphore(%arg11 : memref<!tpu.dma_semaphore, #tpu.memory_space<semaphore_mem>>) src(%dma_wait3A_435 : memref<40x128xf32, #tpu.memory_space<hbm>>) dst(%dma_wait3A_433 : memref<40x128xf32, #tpu.memory_space<vmem>>)
      %dma_wait3A_436 = arith.constant 8 : i32
      %dma_wait3A_437 = arith.constant 0 : i32
      %dma_wait3A_438 = arith.constant 0 : i32
      %dma_wait3A_439 = tpu.memref_slice %arg9[%dma_wait3A_436, %dma_wait3A_437, %dma_wait3A_438] : memref<16x40x128xf32, #tpu.memory_space<vmem>> -> memref<1x40x128xf32, #tpu.memory_space<vmem>>
      %dma_wait3A_440 = tpu.memref_squeeze %dma_wait3A_439 : memref<1x40x128xf32, #tpu.memory_space<vmem>> -> memref<40x128xf32, #tpu.memory_space<vmem>>
      %dma_wait3A_441 = arith.constant 0 : i32
      %dma_wait3A_442 = tpu.memref_slice %arg4[%dma_wait3A_441, %multiple_of3A_179] : memref<40x1000000xf32, #tpu.memory_space<hbm>> -> memref<40x128xf32, #tpu.memory_space<hbm>>
      %dma_wait3A_443 = arith.constant 0 : i32
      %dma_wait3A_444 = arith.constant 0 : i32
      %dma_wait3A_445 = tpu.memref_slice %arg9[%dma_wait3A_436, %dma_wait3A_443, %dma_wait3A_444] : memref<16x40x128xf32, #tpu.memory_space<vmem>> -> memref<1x40x128xf32, #tpu.memory_space<vmem>>
      %dma_wait3A_446 = tpu.memref_squeeze %dma_wait3A_445 : memref<1x40x128xf32, #tpu.memory_space<vmem>> -> memref<40x128xf32, #tpu.memory_space<vmem>>
      %dma_wait3A_447 = arith.constant 0 : i32
      %dma_wait3A_448 = tpu.memref_slice %arg4[%dma_wait3A_447, %multiple_of3A_179] : memref<40x1000000xf32, #tpu.memory_space<hbm>> -> memref<40x128xf32, #tpu.memory_space<hbm>>
      tpu.wait_dma2 semaphore(%arg11 : memref<!tpu.dma_semaphore, #tpu.memory_space<semaphore_mem>>) src(%dma_wait3A_448 : memref<40x128xf32, #tpu.memory_space<hbm>>) dst(%dma_wait3A_446 : memref<40x128xf32, #tpu.memory_space<vmem>>)
      %dma_wait3A_449 = arith.constant 9 : i32
      %dma_wait3A_450 = arith.constant 0 : i32
      %dma_wait3A_451 = arith.constant 0 : i32
      %dma_wait3A_452 = tpu.memref_slice %arg9[%dma_wait3A_449, %dma_wait3A_450, %dma_wait3A_451] : memref<16x40x128xf32, #tpu.memory_space<vmem>> -> memref<1x40x128xf32, #tpu.memory_space<vmem>>
      %dma_wait3A_453 = tpu.memref_squeeze %dma_wait3A_452 : memref<1x40x128xf32, #tpu.memory_space<vmem>> -> memref<40x128xf32, #tpu.memory_space<vmem>>
      %dma_wait3A_454 = arith.constant 0 : i32
      %dma_wait3A_455 = tpu.memref_slice %arg4[%dma_wait3A_454, %multiple_of3A_199] : memref<40x1000000xf32, #tpu.memory_space<hbm>> -> memref<40x128xf32, #tpu.memory_space<hbm>>
      %dma_wait3A_456 = arith.constant 0 : i32
      %dma_wait3A_457 = arith.constant 0 : i32
      %dma_wait3A_458 = tpu.memref_slice %arg9[%dma_wait3A_449, %dma_wait3A_456, %dma_wait3A_457] : memref<16x40x128xf32, #tpu.memory_space<vmem>> -> memref<1x40x128xf32, #tpu.memory_space<vmem>>
      %dma_wait3A_459 = tpu.memref_squeeze %dma_wait3A_458 : memref<1x40x128xf32, #tpu.memory_space<vmem>> -> memref<40x128xf32, #tpu.memory_space<vmem>>
      %dma_wait3A_460 = arith.constant 0 : i32
      %dma_wait3A_461 = tpu.memref_slice %arg4[%dma_wait3A_460, %multiple_of3A_199] : memref<40x1000000xf32, #tpu.memory_space<hbm>> -> memref<40x128xf32, #tpu.memory_space<hbm>>
      tpu.wait_dma2 semaphore(%arg11 : memref<!tpu.dma_semaphore, #tpu.memory_space<semaphore_mem>>) src(%dma_wait3A_461 : memref<40x128xf32, #tpu.memory_space<hbm>>) dst(%dma_wait3A_459 : memref<40x128xf32, #tpu.memory_space<vmem>>)
      %dma_wait3A_462 = arith.constant 10 : i32
      %dma_wait3A_463 = arith.constant 0 : i32
      %dma_wait3A_464 = arith.constant 0 : i32
      %dma_wait3A_465 = tpu.memref_slice %arg9[%dma_wait3A_462, %dma_wait3A_463, %dma_wait3A_464] : memref<16x40x128xf32, #tpu.memory_space<vmem>> -> memref<1x40x128xf32, #tpu.memory_space<vmem>>
      %dma_wait3A_466 = tpu.memref_squeeze %dma_wait3A_465 : memref<1x40x128xf32, #tpu.memory_space<vmem>> -> memref<40x128xf32, #tpu.memory_space<vmem>>
      %dma_wait3A_467 = arith.constant 0 : i32
      %dma_wait3A_468 = tpu.memref_slice %arg4[%dma_wait3A_467, %multiple_of3A_219] : memref<40x1000000xf32, #tpu.memory_space<hbm>> -> memref<40x128xf32, #tpu.memory_space<hbm>>
      %dma_wait3A_469 = arith.constant 0 : i32
      %dma_wait3A_470 = arith.constant 0 : i32
      %dma_wait3A_471 = tpu.memref_slice %arg9[%dma_wait3A_462, %dma_wait3A_469, %dma_wait3A_470] : memref<16x40x128xf32, #tpu.memory_space<vmem>> -> memref<1x40x128xf32, #tpu.memory_space<vmem>>
      %dma_wait3A_472 = tpu.memref_squeeze %dma_wait3A_471 : memref<1x40x128xf32, #tpu.memory_space<vmem>> -> memref<40x128xf32, #tpu.memory_space<vmem>>
      %dma_wait3A_473 = arith.constant 0 : i32
      %dma_wait3A_474 = tpu.memref_slice %arg4[%dma_wait3A_473, %multiple_of3A_219] : memref<40x1000000xf32, #tpu.memory_space<hbm>> -> memref<40x128xf32, #tpu.memory_space<hbm>>
      tpu.wait_dma2 semaphore(%arg11 : memref<!tpu.dma_semaphore, #tpu.memory_space<semaphore_mem>>) src(%dma_wait3A_474 : memref<40x128xf32, #tpu.memory_space<hbm>>) dst(%dma_wait3A_472 : memref<40x128xf32, #tpu.memory_space<vmem>>)
      %dma_wait3A_475 = arith.constant 11 : i32
      %dma_wait3A_476 = arith.constant 0 : i32
      %dma_wait3A_477 = arith.constant 0 : i32
      %dma_wait3A_478 = tpu.memref_slice %arg9[%dma_wait3A_475, %dma_wait3A_476, %dma_wait3A_477] : memref<16x40x128xf32, #tpu.memory_space<vmem>> -> memref<1x40x128xf32, #tpu.memory_space<vmem>>
      %dma_wait3A_479 = tpu.memref_squeeze %dma_wait3A_478 : memref<1x40x128xf32, #tpu.memory_space<vmem>> -> memref<40x128xf32, #tpu.memory_space<vmem>>
      %dma_wait3A_480 = arith.constant 0 : i32
      %dma_wait3A_481 = tpu.memref_slice %arg4[%dma_wait3A_480, %multiple_of3A_239] : memref<40x1000000xf32, #tpu.memory_space<hbm>> -> memref<40x128xf32, #tpu.memory_space<hbm>>
      %dma_wait3A_482 = arith.constant 0 : i32
      %dma_wait3A_483 = arith.constant 0 : i32
      %dma_wait3A_484 = tpu.memref_slice %arg9[%dma_wait3A_475, %dma_wait3A_482, %dma_wait3A_483] : memref<16x40x128xf32, #tpu.memory_space<vmem>> -> memref<1x40x128xf32, #tpu.memory_space<vmem>>
      %dma_wait3A_485 = tpu.memref_squeeze %dma_wait3A_484 : memref<1x40x128xf32, #tpu.memory_space<vmem>> -> memref<40x128xf32, #tpu.memory_space<vmem>>
      %dma_wait3A_486 = arith.constant 0 : i32
      %dma_wait3A_487 = tpu.memref_slice %arg4[%dma_wait3A_486, %multiple_of3A_239] : memref<40x1000000xf32, #tpu.memory_space<hbm>> -> memref<40x128xf32, #tpu.memory_space<hbm>>
      tpu.wait_dma2 semaphore(%arg11 : memref<!tpu.dma_semaphore, #tpu.memory_space<semaphore_mem>>) src(%dma_wait3A_487 : memref<40x128xf32, #tpu.memory_space<hbm>>) dst(%dma_wait3A_485 : memref<40x128xf32, #tpu.memory_space<vmem>>)
      %dma_wait3A_488 = arith.constant 12 : i32
      %dma_wait3A_489 = arith.constant 0 : i32
      %dma_wait3A_490 = arith.constant 0 : i32
      %dma_wait3A_491 = tpu.memref_slice %arg9[%dma_wait3A_488, %dma_wait3A_489, %dma_wait3A_490] : memref<16x40x128xf32, #tpu.memory_space<vmem>> -> memref<1x40x128xf32, #tpu.memory_space<vmem>>
      %dma_wait3A_492 = tpu.memref_squeeze %dma_wait3A_491 : memref<1x40x128xf32, #tpu.memory_space<vmem>> -> memref<40x128xf32, #tpu.memory_space<vmem>>
      %dma_wait3A_493 = arith.constant 0 : i32
      %dma_wait3A_494 = tpu.memref_slice %arg4[%dma_wait3A_493, %multiple_of3A_259] : memref<40x1000000xf32, #tpu.memory_space<hbm>> -> memref<40x128xf32, #tpu.memory_space<hbm>>
      %dma_wait3A_495 = arith.constant 0 : i32
      %dma_wait3A_496 = arith.constant 0 : i32
      %dma_wait3A_497 = tpu.memref_slice %arg9[%dma_wait3A_488, %dma_wait3A_495, %dma_wait3A_496] : memref<16x40x128xf32, #tpu.memory_space<vmem>> -> memref<1x40x128xf32, #tpu.memory_space<vmem>>
      %dma_wait3A_498 = tpu.memref_squeeze %dma_wait3A_497 : memref<1x40x128xf32, #tpu.memory_space<vmem>> -> memref<40x128xf32, #tpu.memory_space<vmem>>
      %dma_wait3A_499 = arith.constant 0 : i32
      %dma_wait3A_500 = tpu.memref_slice %arg4[%dma_wait3A_499, %multiple_of3A_259] : memref<40x1000000xf32, #tpu.memory_space<hbm>> -> memref<40x128xf32, #tpu.memory_space<hbm>>
      tpu.wait_dma2 semaphore(%arg11 : memref<!tpu.dma_semaphore, #tpu.memory_space<semaphore_mem>>) src(%dma_wait3A_500 : memref<40x128xf32, #tpu.memory_space<hbm>>) dst(%dma_wait3A_498 : memref<40x128xf32, #tpu.memory_space<vmem>>)
      %dma_wait3A_501 = arith.constant 13 : i32
      %dma_wait3A_502 = arith.constant 0 : i32
      %dma_wait3A_503 = arith.constant 0 : i32
      %dma_wait3A_504 = tpu.memref_slice %arg9[%dma_wait3A_501, %dma_wait3A_502, %dma_wait3A_503] : memref<16x40x128xf32, #tpu.memory_space<vmem>> -> memref<1x40x128xf32, #tpu.memory_space<vmem>>
      %dma_wait3A_505 = tpu.memref_squeeze %dma_wait3A_504 : memref<1x40x128xf32, #tpu.memory_space<vmem>> -> memref<40x128xf32, #tpu.memory_space<vmem>>
      %dma_wait3A_506 = arith.constant 0 : i32
      %dma_wait3A_507 = tpu.memref_slice %arg4[%dma_wait3A_506, %multiple_of3A_279] : memref<40x1000000xf32, #tpu.memory_space<hbm>> -> memref<40x128xf32, #tpu.memory_space<hbm>>
      %dma_wait3A_508 = arith.constant 0 : i32
      %dma_wait3A_509 = arith.constant 0 : i32
      %dma_wait3A_510 = tpu.memref_slice %arg9[%dma_wait3A_501, %dma_wait3A_508, %dma_wait3A_509] : memref<16x40x128xf32, #tpu.memory_space<vmem>> -> memref<1x40x128xf32, #tpu.memory_space<vmem>>
      %dma_wait3A_511 = tpu.memref_squeeze %dma_wait3A_510 : memref<1x40x128xf32, #tpu.memory_space<vmem>> -> memref<40x128xf32, #tpu.memory_space<vmem>>
      %dma_wait3A_512 = arith.constant 0 : i32
      %dma_wait3A_513 = tpu.memref_slice %arg4[%dma_wait3A_512, %multiple_of3A_279] : memref<40x1000000xf32, #tpu.memory_space<hbm>> -> memref<40x128xf32, #tpu.memory_space<hbm>>
      tpu.wait_dma2 semaphore(%arg11 : memref<!tpu.dma_semaphore, #tpu.memory_space<semaphore_mem>>) src(%dma_wait3A_513 : memref<40x128xf32, #tpu.memory_space<hbm>>) dst(%dma_wait3A_511 : memref<40x128xf32, #tpu.memory_space<vmem>>)
      %dma_wait3A_514 = arith.constant 14 : i32
      %dma_wait3A_515 = arith.constant 0 : i32
      %dma_wait3A_516 = arith.constant 0 : i32
      %dma_wait3A_517 = tpu.memref_slice %arg9[%dma_wait3A_514, %dma_wait3A_515, %dma_wait3A_516] : memref<16x40x128xf32, #tpu.memory_space<vmem>> -> memref<1x40x128xf32, #tpu.memory_space<vmem>>
      %dma_wait3A_518 = tpu.memref_squeeze %dma_wait3A_517 : memref<1x40x128xf32, #tpu.memory_space<vmem>> -> memref<40x128xf32, #tpu.memory_space<vmem>>
      %dma_wait3A_519 = arith.constant 0 : i32
      %dma_wait3A_520 = tpu.memref_slice %arg4[%dma_wait3A_519, %multiple_of3A_299] : memref<40x1000000xf32, #tpu.memory_space<hbm>> -> memref<40x128xf32, #tpu.memory_space<hbm>>
      %dma_wait3A_521 = arith.constant 0 : i32
      %dma_wait3A_522 = arith.constant 0 : i32
      %dma_wait3A_523 = tpu.memref_slice %arg9[%dma_wait3A_514, %dma_wait3A_521, %dma_wait3A_522] : memref<16x40x128xf32, #tpu.memory_space<vmem>> -> memref<1x40x128xf32, #tpu.memory_space<vmem>>
      %dma_wait3A_524 = tpu.memref_squeeze %dma_wait3A_523 : memref<1x40x128xf32, #tpu.memory_space<vmem>> -> memref<40x128xf32, #tpu.memory_space<vmem>>
      %dma_wait3A_525 = arith.constant 0 : i32
      %dma_wait3A_526 = tpu.memref_slice %arg4[%dma_wait3A_525, %multiple_of3A_299] : memref<40x1000000xf32, #tpu.memory_space<hbm>> -> memref<40x128xf32, #tpu.memory_space<hbm>>
      tpu.wait_dma2 semaphore(%arg11 : memref<!tpu.dma_semaphore, #tpu.memory_space<semaphore_mem>>) src(%dma_wait3A_526 : memref<40x128xf32, #tpu.memory_space<hbm>>) dst(%dma_wait3A_524 : memref<40x128xf32, #tpu.memory_space<vmem>>)
      %dma_wait3A_527 = arith.constant 15 : i32
      %dma_wait3A_528 = arith.constant 0 : i32
      %dma_wait3A_529 = arith.constant 0 : i32
      %dma_wait3A_530 = tpu.memref_slice %arg9[%dma_wait3A_527, %dma_wait3A_528, %dma_wait3A_529] : memref<16x40x128xf32, #tpu.memory_space<vmem>> -> memref<1x40x128xf32, #tpu.memory_space<vmem>>
      %dma_wait3A_531 = tpu.memref_squeeze %dma_wait3A_530 : memref<1x40x128xf32, #tpu.memory_space<vmem>> -> memref<40x128xf32, #tpu.memory_space<vmem>>
      %dma_wait3A_532 = arith.constant 0 : i32
      %dma_wait3A_533 = tpu.memref_slice %arg4[%dma_wait3A_532, %multiple_of3A_319] : memref<40x1000000xf32, #tpu.memory_space<hbm>> -> memref<40x128xf32, #tpu.memory_space<hbm>>
      %dma_wait3A_534 = arith.constant 0 : i32
      %dma_wait3A_535 = arith.constant 0 : i32
      %dma_wait3A_536 = tpu.memref_slice %arg9[%dma_wait3A_527, %dma_wait3A_534, %dma_wait3A_535] : memref<16x40x128xf32, #tpu.memory_space<vmem>> -> memref<1x40x128xf32, #tpu.memory_space<vmem>>
      %dma_wait3A_537 = tpu.memref_squeeze %dma_wait3A_536 : memref<1x40x128xf32, #tpu.memory_space<vmem>> -> memref<40x128xf32, #tpu.memory_space<vmem>>
      %dma_wait3A_538 = arith.constant 0 : i32
      %dma_wait3A_539 = tpu.memref_slice %arg4[%dma_wait3A_538, %multiple_of3A_319] : memref<40x1000000xf32, #tpu.memory_space<hbm>> -> memref<40x128xf32, #tpu.memory_space<hbm>>
      tpu.wait_dma2 semaphore(%arg11 : memref<!tpu.dma_semaphore, #tpu.memory_space<semaphore_mem>>) src(%dma_wait3A_539 : memref<40x128xf32, #tpu.memory_space<hbm>>) dst(%dma_wait3A_537 : memref<40x128xf32, #tpu.memory_space<vmem>>)
      %slice3A_540 = vector.extract_strided_slice %get3A_16 {offsets = [0], sizes = [1], strides = [1]} : vector<16xi32> to vector<1xi32>
      %squeeze3A_541 = vector.extract %slice3A_540[0] : i32 from vector<1xi32>
      %and3A = arith.constant 127 : i32
      %and3A_542 = arith.andi %squeeze3A_541, %and3A : i32
      %add3A_543 = vector.broadcast %and3A_542 : i32 to vector<16xi32>
      %add3A_544 = arith.addi %broadcast_in_dim3A_3, %add3A_543 : vector<16xi32>
      %mul3A_545 = arith.constant 16 : i32
      %mul3A_546 = arith.muli %scan3A_13, %mul3A_545 : i32
      %add3A_547 = arith.constant 0 : i32
      %add3A_548 = arith.addi %mul3A_546, %add3A_547 : i32
      %gather3A = arith.constant 0 : i32
      %gather3A_549 = arith.constant 0 : i32
      %gather3A_550 = arith.constant 0 : i32
      %gather3A_551 = tpu.memref_slice %arg9[%gather3A, %gather3A_549, %gather3A_550] : memref<16x40x128xf32, #tpu.memory_space<vmem>> -> memref<1x40x128xf32, #tpu.memory_space<vmem>>
      %gather3A_552 = tpu.memref_squeeze %gather3A_551 : memref<1x40x128xf32, #tpu.memory_space<vmem>> -> memref<40x128xf32, #tpu.memory_space<vmem>>
      %gather3A_553 = tpu.vector_load_idx %gather3A_552[%iota3A, %add3A_544] : memref<40x128xf32, #tpu.memory_space<vmem>>[vector<16xi32>, vector<16xi32>], vector<16xf32>,
      %swap3A = arith.index_cast %add3A_548 : i32 to index
      %swap3A_554 = arith.constant 0 : index
      %swap3A_555 = tpu.vector_load %arg10[%swap3A, %swap3A_554] {strides = array<i32>} : memref<128x40xf32, #tpu.memory_space<vmem>>, vector<16xf32>,
      tpu.vector_store %arg10[%swap3A, %swap3A_554], %gather3A_553 {strides = array<i32>} : memref<128x40xf32, #tpu.memory_space<vmem>>, vector<16xf32>,
      %add3A_556 = arith.constant 16 : i32
      %add3A_557 = vector.broadcast %add3A_556 : i32 to vector<16xi32>
      %add3A_558 = arith.addi %iota3A, %add3A_557 : vector<16xi32>
      %gather3A_559 = arith.constant 0 : i32
      %gather3A_560 = arith.constant 0 : i32
      %gather3A_561 = arith.constant 0 : i32
      %gather3A_562 = tpu.memref_slice %arg9[%gather3A_559, %gather3A_560, %gather3A_561] : memref<16x40x128xf32, #tpu.memory_space<vmem>> -> memref<1x40x128xf32, #tpu.memory_space<vmem>>
      %gather3A_563 = tpu.memref_squeeze %gather3A_562 : memref<1x40x128xf32, #tpu.memory_space<vmem>> -> memref<40x128xf32, #tpu.memory_space<vmem>>
      %gather3A_564 = tpu.vector_load_idx %gather3A_563[%add3A_558, %add3A_544] : memref<40x128xf32, #tpu.memory_space<vmem>>[vector<16xi32>, vector<16xi32>], vector<16xf32>,
      %swap3A_565 = arith.index_cast %add3A_548 : i32 to index
      %swap3A_566 = arith.constant 16 : index
      %swap3A_567 = tpu.vector_load %arg10[%swap3A_565, %swap3A_566] {strides = array<i32>} : memref<128x40xf32, #tpu.memory_space<vmem>>, vector<16xf32>,
      tpu.vector_store %arg10[%swap3A_565, %swap3A_566], %gather3A_564 {strides = array<i32>} : memref<128x40xf32, #tpu.memory_space<vmem>>, vector<16xf32>,
      %add3A_568 = arith.constant 24 : i32
      %add3A_569 = vector.broadcast %add3A_568 : i32 to vector<16xi32>
      %add3A_570 = arith.addi %iota3A, %add3A_569 : vector<16xi32>
      %gather3A_571 = arith.constant 0 : i32
      %gather3A_572 = arith.constant 0 : i32
      %gather3A_573 = arith.constant 0 : i32
      %gather3A_574 = tpu.memref_slice %arg9[%gather3A_571, %gather3A_572, %gather3A_573] : memref<16x40x128xf32, #tpu.memory_space<vmem>> -> memref<1x40x128xf32, #tpu.memory_space<vmem>>
      %gather3A_575 = tpu.memref_squeeze %gather3A_574 : memref<1x40x128xf32, #tpu.memory_space<vmem>> -> memref<40x128xf32, #tpu.memory_space<vmem>>
      %gather3A_576 = tpu.vector_load_idx %gather3A_575[%add3A_570, %add3A_544] : memref<40x128xf32, #tpu.memory_space<vmem>>[vector<16xi32>, vector<16xi32>], vector<16xf32>,
      %swap3A_577 = arith.index_cast %add3A_548 : i32 to index
      %swap3A_578 = arith.constant 24 : index
      %swap3A_579 = tpu.vector_load %arg10[%swap3A_577, %swap3A_578] {strides = array<i32>} : memref<128x40xf32, #tpu.memory_space<vmem>>, vector<16xf32>,
      tpu.vector_store %arg10[%swap3A_577, %swap3A_578], %gather3A_576 {strides = array<i32>} : memref<128x40xf32, #tpu.memory_space<vmem>>, vector<16xf32>,
      %slice3A_580 = vector.extract_strided_slice %get3A_16 {offsets = [1], sizes = [1], strides = [1]} : vector<16xi32> to vector<1xi32>
      %squeeze3A_581 = vector.extract %slice3A_580[0] : i32 from vector<1xi32>
      %and3A_582 = arith.constant 127 : i32
      %and3A_583 = arith.andi %squeeze3A_581, %and3A_582 : i32
      %add3A_584 = vector.broadcast %and3A_583 : i32 to vector<16xi32>
      %add3A_585 = arith.addi %broadcast_in_dim3A_3, %add3A_584 : vector<16xi32>
      %mul3A_586 = arith.constant 16 : i32
      %mul3A_587 = arith.muli %scan3A_13, %mul3A_586 : i32
      %add3A_588 = arith.constant 1 : i32
      %add3A_589 = arith.addi %mul3A_587, %add3A_588 : i32
      %gather3A_590 = arith.constant 1 : i32
      %gather3A_591 = arith.constant 0 : i32
      %gather3A_592 = arith.constant 0 : i32
      %gather3A_593 = tpu.memref_slice %arg9[%gather3A_590, %gather3A_591, %gather3A_592] : memref<16x40x128xf32, #tpu.memory_space<vmem>> -> memref<1x40x128xf32, #tpu.memory_space<vmem>>
      %gather3A_594 = tpu.memref_squeeze %gather3A_593 : memref<1x40x128xf32, #tpu.memory_space<vmem>> -> memref<40x128xf32, #tpu.memory_space<vmem>>
      %gather3A_595 = tpu.vector_load_idx %gather3A_594[%iota3A, %add3A_585] : memref<40x128xf32, #tpu.memory_space<vmem>>[vector<16xi32>, vector<16xi32>], vector<16xf32>,
      %swap3A_596 = arith.index_cast %add3A_589 : i32 to index
      %swap3A_597 = arith.constant 0 : index
      %swap3A_598 = tpu.vector_load %arg10[%swap3A_596, %swap3A_597] {strides = array<i32>} : memref<128x40xf32, #tpu.memory_space<vmem>>, vector<16xf32>,
      tpu.vector_store %arg10[%swap3A_596, %swap3A_597], %gather3A_595 {strides = array<i32>} : memref<128x40xf32, #tpu.memory_space<vmem>>, vector<16xf32>,
      %add3A_599 = arith.constant 16 : i32
      %add3A_600 = vector.broadcast %add3A_599 : i32 to vector<16xi32>
      %add3A_601 = arith.addi %iota3A, %add3A_600 : vector<16xi32>
      %gather3A_602 = arith.constant 1 : i32
      %gather3A_603 = arith.constant 0 : i32
      %gather3A_604 = arith.constant 0 : i32
      %gather3A_605 = tpu.memref_slice %arg9[%gather3A_602, %gather3A_603, %gather3A_604] : memref<16x40x128xf32, #tpu.memory_space<vmem>> -> memref<1x40x128xf32, #tpu.memory_space<vmem>>
      %gather3A_606 = tpu.memref_squeeze %gather3A_605 : memref<1x40x128xf32, #tpu.memory_space<vmem>> -> memref<40x128xf32, #tpu.memory_space<vmem>>
      %gather3A_607 = tpu.vector_load_idx %gather3A_606[%add3A_601, %add3A_585] : memref<40x128xf32, #tpu.memory_space<vmem>>[vector<16xi32>, vector<16xi32>], vector<16xf32>,
      %swap3A_608 = arith.index_cast %add3A_589 : i32 to index
      %swap3A_609 = arith.constant 16 : index
      %swap3A_610 = tpu.vector_load %arg10[%swap3A_608, %swap3A_609] {strides = array<i32>} : memref<128x40xf32, #tpu.memory_space<vmem>>, vector<16xf32>,
      tpu.vector_store %arg10[%swap3A_608, %swap3A_609], %gather3A_607 {strides = array<i32>} : memref<128x40xf32, #tpu.memory_space<vmem>>, vector<16xf32>,
      %add3A_611 = arith.constant 24 : i32
      %add3A_612 = vector.broadcast %add3A_611 : i32 to vector<16xi32>
      %add3A_613 = arith.addi %iota3A, %add3A_612 : vector<16xi32>
      %gather3A_614 = arith.constant 1 : i32
      %gather3A_615 = arith.constant 0 : i32
      %gather3A_616 = arith.constant 0 : i32
      %gather3A_617 = tpu.memref_slice %arg9[%gather3A_614, %gather3A_615, %gather3A_616] : memref<16x40x128xf32, #tpu.memory_space<vmem>> -> memref<1x40x128xf32, #tpu.memory_space<vmem>>
      %gather3A_618 = tpu.memref_squeeze %gather3A_617 : memref<1x40x128xf32, #tpu.memory_space<vmem>> -> memref<40x128xf32, #tpu.memory_space<vmem>>
      %gather3A_619 = tpu.vector_load_idx %gather3A_618[%add3A_613, %add3A_585] : memref<40x128xf32, #tpu.memory_space<vmem>>[vector<16xi32>, vector<16xi32>], vector<16xf32>,
      %swap3A_620 = arith.index_cast %add3A_589 : i32 to index
      %swap3A_621 = arith.constant 24 : index
      %swap3A_622 = tpu.vector_load %arg10[%swap3A_620, %swap3A_621] {strides = array<i32>} : memref<128x40xf32, #tpu.memory_space<vmem>>, vector<16xf32>,
      tpu.vector_store %arg10[%swap3A_620, %swap3A_621], %gather3A_619 {strides = array<i32>} : memref<128x40xf32, #tpu.memory_space<vmem>>, vector<16xf32>,
      %slice3A_623 = vector.extract_strided_slice %get3A_16 {offsets = [2], sizes = [1], strides = [1]} : vector<16xi32> to vector<1xi32>
      %squeeze3A_624 = vector.extract %slice3A_623[0] : i32 from vector<1xi32>
      %and3A_625 = arith.constant 127 : i32
      %and3A_626 = arith.andi %squeeze3A_624, %and3A_625 : i32
      %add3A_627 = vector.broadcast %and3A_626 : i32 to vector<16xi32>
      %add3A_628 = arith.addi %broadcast_in_dim3A_3, %add3A_627 : vector<16xi32>
      %mul3A_629 = arith.constant 16 : i32
      %mul3A_630 = arith.muli %scan3A_13, %mul3A_629 : i32
      %add3A_631 = arith.constant 2 : i32
      %add3A_632 = arith.addi %mul3A_630, %add3A_631 : i32
      %gather3A_633 = arith.constant 2 : i32
      %gather3A_634 = arith.constant 0 : i32
      %gather3A_635 = arith.constant 0 : i32
      %gather3A_636 = tpu.memref_slice %arg9[%gather3A_633, %gather3A_634, %gather3A_635] : memref<16x40x128xf32, #tpu.memory_space<vmem>> -> memref<1x40x128xf32, #tpu.memory_space<vmem>>
      %gather3A_637 = tpu.memref_squeeze %gather3A_636 : memref<1x40x128xf32, #tpu.memory_space<vmem>> -> memref<40x128xf32, #tpu.memory_space<vmem>>
      %gather3A_638 = tpu.vector_load_idx %gather3A_637[%iota3A, %add3A_628] : memref<40x128xf32, #tpu.memory_space<vmem>>[vector<16xi32>, vector<16xi32>], vector<16xf32>,
      %swap3A_639 = arith.index_cast %add3A_632 : i32 to index
      %swap3A_640 = arith.constant 0 : index
      %swap3A_641 = tpu.vector_load %arg10[%swap3A_639, %swap3A_640] {strides = array<i32>} : memref<128x40xf32, #tpu.memory_space<vmem>>, vector<16xf32>,
      tpu.vector_store %arg10[%swap3A_639, %swap3A_640], %gather3A_638 {strides = array<i32>} : memref<128x40xf32, #tpu.memory_space<vmem>>, vector<16xf32>,
      %add3A_642 = arith.constant 16 : i32
      %add3A_643 = vector.broadcast %add3A_642 : i32 to vector<16xi32>
      %add3A_644 = arith.addi %iota3A, %add3A_643 : vector<16xi32>
      %gather3A_645 = arith.constant 2 : i32
      %gather3A_646 = arith.constant 0 : i32
      %gather3A_647 = arith.constant 0 : i32
      %gather3A_648 = tpu.memref_slice %arg9[%gather3A_645, %gather3A_646, %gather3A_647] : memref<16x40x128xf32, #tpu.memory_space<vmem>> -> memref<1x40x128xf32, #tpu.memory_space<vmem>>
      %gather3A_649 = tpu.memref_squeeze %gather3A_648 : memref<1x40x128xf32, #tpu.memory_space<vmem>> -> memref<40x128xf32, #tpu.memory_space<vmem>>
      %gather3A_650 = tpu.vector_load_idx %gather3A_649[%add3A_644, %add3A_628] : memref<40x128xf32, #tpu.memory_space<vmem>>[vector<16xi32>, vector<16xi32>], vector<16xf32>,
      %swap3A_651 = arith.index_cast %add3A_632 : i32 to index
      %swap3A_652 = arith.constant 16 : index
      %swap3A_653 = tpu.vector_load %arg10[%swap3A_651, %swap3A_652] {strides = array<i32>} : memref<128x40xf32, #tpu.memory_space<vmem>>, vector<16xf32>,
      tpu.vector_store %arg10[%swap3A_651, %swap3A_652], %gather3A_650 {strides = array<i32>} : memref<128x40xf32, #tpu.memory_space<vmem>>, vector<16xf32>,
      %add3A_654 = arith.constant 24 : i32
      %add3A_655 = vector.broadcast %add3A_654 : i32 to vector<16xi32>
      %add3A_656 = arith.addi %iota3A, %add3A_655 : vector<16xi32>
      %gather3A_657 = arith.constant 2 : i32
      %gather3A_658 = arith.constant 0 : i32
      %gather3A_659 = arith.constant 0 : i32
      %gather3A_660 = tpu.memref_slice %arg9[%gather3A_657, %gather3A_658, %gather3A_659] : memref<16x40x128xf32, #tpu.memory_space<vmem>> -> memref<1x40x128xf32, #tpu.memory_space<vmem>>
      %gather3A_661 = tpu.memref_squeeze %gather3A_660 : memref<1x40x128xf32, #tpu.memory_space<vmem>> -> memref<40x128xf32, #tpu.memory_space<vmem>>
      %gather3A_662 = tpu.vector_load_idx %gather3A_661[%add3A_656, %add3A_628] : memref<40x128xf32, #tpu.memory_space<vmem>>[vector<16xi32>, vector<16xi32>], vector<16xf32>,
      %swap3A_663 = arith.index_cast %add3A_632 : i32 to index
      %swap3A_664 = arith.constant 24 : index
      %swap3A_665 = tpu.vector_load %arg10[%swap3A_663, %swap3A_664] {strides = array<i32>} : memref<128x40xf32, #tpu.memory_space<vmem>>, vector<16xf32>,
      tpu.vector_store %arg10[%swap3A_663, %swap3A_664], %gather3A_662 {strides = array<i32>} : memref<128x40xf32, #tpu.memory_space<vmem>>, vector<16xf32>,
      %slice3A_666 = vector.extract_strided_slice %get3A_16 {offsets = [3], sizes = [1], strides = [1]} : vector<16xi32> to vector<1xi32>
      %squeeze3A_667 = vector.extract %slice3A_666[0] : i32 from vector<1xi32>
      %and3A_668 = arith.constant 127 : i32
      %and3A_669 = arith.andi %squeeze3A_667, %and3A_668 : i32
      %add3A_670 = vector.broadcast %and3A_669 : i32 to vector<16xi32>
      %add3A_671 = arith.addi %broadcast_in_dim3A_3, %add3A_670 : vector<16xi32>
      %mul3A_672 = arith.constant 16 : i32
      %mul3A_673 = arith.muli %scan3A_13, %mul3A_672 : i32
      %add3A_674 = arith.constant 3 : i32
      %add3A_675 = arith.addi %mul3A_673, %add3A_674 : i32
      %gather3A_676 = arith.constant 3 : i32
      %gather3A_677 = arith.constant 0 : i32
      %gather3A_678 = arith.constant 0 : i32
      %gather3A_679 = tpu.memref_slice %arg9[%gather3A_676, %gather3A_677, %gather3A_678] : memref<16x40x128xf32, #tpu.memory_space<vmem>> -> memref<1x40x128xf32, #tpu.memory_space<vmem>>
      %gather3A_680 = tpu.memref_squeeze %gather3A_679 : memref<1x40x128xf32, #tpu.memory_space<vmem>> -> memref<40x128xf32, #tpu.memory_space<vmem>>
      %gather3A_681 = tpu.vector_load_idx %gather3A_680[%iota3A, %add3A_671] : memref<40x128xf32, #tpu.memory_space<vmem>>[vector<16xi32>, vector<16xi32>], vector<16xf32>,
      %swap3A_682 = arith.index_cast %add3A_675 : i32 to index
      %swap3A_683 = arith.constant 0 : index
      %swap3A_684 = tpu.vector_load %arg10[%swap3A_682, %swap3A_683] {strides = array<i32>} : memref<128x40xf32, #tpu.memory_space<vmem>>, vector<16xf32>,
      tpu.vector_store %arg10[%swap3A_682, %swap3A_683], %gather3A_681 {strides = array<i32>} : memref<128x40xf32, #tpu.memory_space<vmem>>, vector<16xf32>,
      %add3A_685 = arith.constant 16 : i32
      %add3A_686 = vector.broadcast %add3A_685 : i32 to vector<16xi32>
      %add3A_687 = arith.addi %iota3A, %add3A_686 : vector<16xi32>
      %gather3A_688 = arith.constant 3 : i32
      %gather3A_689 = arith.constant 0 : i32
      %gather3A_690 = arith.constant 0 : i32
      %gather3A_691 = tpu.memref_slice %arg9[%gather3A_688, %gather3A_689, %gather3A_690] : memref<16x40x128xf32, #tpu.memory_space<vmem>> -> memref<1x40x128xf32, #tpu.memory_space<vmem>>
      %gather3A_692 = tpu.memref_squeeze %gather3A_691 : memref<1x40x128xf32, #tpu.memory_space<vmem>> -> memref<40x128xf32, #tpu.memory_space<vmem>>
      %gather3A_693 = tpu.vector_load_idx %gather3A_692[%add3A_687, %add3A_671] : memref<40x128xf32, #tpu.memory_space<vmem>>[vector<16xi32>, vector<16xi32>], vector<16xf32>,
      %swap3A_694 = arith.index_cast %add3A_675 : i32 to index
      %swap3A_695 = arith.constant 16 : index
      %swap3A_696 = tpu.vector_load %arg10[%swap3A_694, %swap3A_695] {strides = array<i32>} : memref<128x40xf32, #tpu.memory_space<vmem>>, vector<16xf32>,
      tpu.vector_store %arg10[%swap3A_694, %swap3A_695], %gather3A_693 {strides = array<i32>} : memref<128x40xf32, #tpu.memory_space<vmem>>, vector<16xf32>,
      %add3A_697 = arith.constant 24 : i32
      %add3A_698 = vector.broadcast %add3A_697 : i32 to vector<16xi32>
      %add3A_699 = arith.addi %iota3A, %add3A_698 : vector<16xi32>
      %gather3A_700 = arith.constant 3 : i32
      %gather3A_701 = arith.constant 0 : i32
      %gather3A_702 = arith.constant 0 : i32
      %gather3A_703 = tpu.memref_slice %arg9[%gather3A_700, %gather3A_701, %gather3A_702] : memref<16x40x128xf32, #tpu.memory_space<vmem>> -> memref<1x40x128xf32, #tpu.memory_space<vmem>>
      %gather3A_704 = tpu.memref_squeeze %gather3A_703 : memref<1x40x128xf32, #tpu.memory_space<vmem>> -> memref<40x128xf32, #tpu.memory_space<vmem>>
      %gather3A_705 = tpu.vector_load_idx %gather3A_704[%add3A_699, %add3A_671] : memref<40x128xf32, #tpu.memory_space<vmem>>[vector<16xi32>, vector<16xi32>], vector<16xf32>,
      %swap3A_706 = arith.index_cast %add3A_675 : i32 to index
      %swap3A_707 = arith.constant 24 : index
      %swap3A_708 = tpu.vector_load %arg10[%swap3A_706, %swap3A_707] {strides = array<i32>} : memref<128x40xf32, #tpu.memory_space<vmem>>, vector<16xf32>,
      tpu.vector_store %arg10[%swap3A_706, %swap3A_707], %gather3A_705 {strides = array<i32>} : memref<128x40xf32, #tpu.memory_space<vmem>>, vector<16xf32>,
      %slice3A_709 = vector.extract_strided_slice %get3A_16 {offsets = [4], sizes = [1], strides = [1]} : vector<16xi32> to vector<1xi32>
      %squeeze3A_710 = vector.extract %slice3A_709[0] : i32 from vector<1xi32>
      %and3A_711 = arith.constant 127 : i32
      %and3A_712 = arith.andi %squeeze3A_710, %and3A_711 : i32
      %add3A_713 = vector.broadcast %and3A_712 : i32 to vector<16xi32>
      %add3A_714 = arith.addi %broadcast_in_dim3A_3, %add3A_713 : vector<16xi32>
      %mul3A_715 = arith.constant 16 : i32
      %mul3A_716 = arith.muli %scan3A_13, %mul3A_715 : i32
      %add3A_717 = arith.constant 4 : i32
      %add3A_718 = arith.addi %mul3A_716, %add3A_717 : i32
      %gather3A_719 = arith.constant 4 : i32
      %gather3A_720 = arith.constant 0 : i32
      %gather3A_721 = arith.constant 0 : i32
      %gather3A_722 = tpu.memref_slice %arg9[%gather3A_719, %gather3A_720, %gather3A_721] : memref<16x40x128xf32, #tpu.memory_space<vmem>> -> memref<1x40x128xf32, #tpu.memory_space<vmem>>
      %gather3A_723 = tpu.memref_squeeze %gather3A_722 : memref<1x40x128xf32, #tpu.memory_space<vmem>> -> memref<40x128xf32, #tpu.memory_space<vmem>>
      %gather3A_724 = tpu.vector_load_idx %gather3A_723[%iota3A, %add3A_714] : memref<40x128xf32, #tpu.memory_space<vmem>>[vector<16xi32>, vector<16xi32>], vector<16xf32>,
      %swap3A_725 = arith.index_cast %add3A_718 : i32 to index
      %swap3A_726 = arith.constant 0 : index
      %swap3A_727 = tpu.vector_load %arg10[%swap3A_725, %swap3A_726] {strides = array<i32>} : memref<128x40xf32, #tpu.memory_space<vmem>>, vector<16xf32>,
      tpu.vector_store %arg10[%swap3A_725, %swap3A_726], %gather3A_724 {strides = array<i32>} : memref<128x40xf32, #tpu.memory_space<vmem>>, vector<16xf32>,
      %add3A_728 = arith.constant 16 : i32
      %add3A_729 = vector.broadcast %add3A_728 : i32 to vector<16xi32>
      %add3A_730 = arith.addi %iota3A, %add3A_729 : vector<16xi32>
      %gather3A_731 = arith.constant 4 : i32
      %gather3A_732 = arith.constant 0 : i32
      %gather3A_733 = arith.constant 0 : i32
      %gather3A_734 = tpu.memref_slice %arg9[%gather3A_731, %gather3A_732, %gather3A_733] : memref<16x40x128xf32, #tpu.memory_space<vmem>> -> memref<1x40x128xf32, #tpu.memory_space<vmem>>
      %gather3A_735 = tpu.memref_squeeze %gather3A_734 : memref<1x40x128xf32, #tpu.memory_space<vmem>> -> memref<40x128xf32, #tpu.memory_space<vmem>>
      %gather3A_736 = tpu.vector_load_idx %gather3A_735[%add3A_730, %add3A_714] : memref<40x128xf32, #tpu.memory_space<vmem>>[vector<16xi32>, vector<16xi32>], vector<16xf32>,
      %swap3A_737 = arith.index_cast %add3A_718 : i32 to index
      %swap3A_738 = arith.constant 16 : index
      %swap3A_739 = tpu.vector_load %arg10[%swap3A_737, %swap3A_738] {strides = array<i32>} : memref<128x40xf32, #tpu.memory_space<vmem>>, vector<16xf32>,
      tpu.vector_store %arg10[%swap3A_737, %swap3A_738], %gather3A_736 {strides = array<i32>} : memref<128x40xf32, #tpu.memory_space<vmem>>, vector<16xf32>,
      %add3A_740 = arith.constant 24 : i32
      %add3A_741 = vector.broadcast %add3A_740 : i32 to vector<16xi32>
      %add3A_742 = arith.addi %iota3A, %add3A_741 : vector<16xi32>
      %gather3A_743 = arith.constant 4 : i32
      %gather3A_744 = arith.constant 0 : i32
      %gather3A_745 = arith.constant 0 : i32
      %gather3A_746 = tpu.memref_slice %arg9[%gather3A_743, %gather3A_744, %gather3A_745] : memref<16x40x128xf32, #tpu.memory_space<vmem>> -> memref<1x40x128xf32, #tpu.memory_space<vmem>>
      %gather3A_747 = tpu.memref_squeeze %gather3A_746 : memref<1x40x128xf32, #tpu.memory_space<vmem>> -> memref<40x128xf32, #tpu.memory_space<vmem>>
      %gather3A_748 = tpu.vector_load_idx %gather3A_747[%add3A_742, %add3A_714] : memref<40x128xf32, #tpu.memory_space<vmem>>[vector<16xi32>, vector<16xi32>], vector<16xf32>,
      %swap3A_749 = arith.index_cast %add3A_718 : i32 to index
      %swap3A_750 = arith.constant 24 : index
      %swap3A_751 = tpu.vector_load %arg10[%swap3A_749, %swap3A_750] {strides = array<i32>} : memref<128x40xf32, #tpu.memory_space<vmem>>, vector<16xf32>,
      tpu.vector_store %arg10[%swap3A_749, %swap3A_750], %gather3A_748 {strides = array<i32>} : memref<128x40xf32, #tpu.memory_space<vmem>>, vector<16xf32>,
      %slice3A_752 = vector.extract_strided_slice %get3A_16 {offsets = [5], sizes = [1], strides = [1]} : vector<16xi32> to vector<1xi32>
      %squeeze3A_753 = vector.extract %slice3A_752[0] : i32 from vector<1xi32>
      %and3A_754 = arith.constant 127 : i32
      %and3A_755 = arith.andi %squeeze3A_753, %and3A_754 : i32
      %add3A_756 = vector.broadcast %and3A_755 : i32 to vector<16xi32>
      %add3A_757 = arith.addi %broadcast_in_dim3A_3, %add3A_756 : vector<16xi32>
      %mul3A_758 = arith.constant 16 : i32
      %mul3A_759 = arith.muli %scan3A_13, %mul3A_758 : i32
      %add3A_760 = arith.constant 5 : i32
      %add3A_761 = arith.addi %mul3A_759, %add3A_760 : i32
      %gather3A_762 = arith.constant 5 : i32
      %gather3A_763 = arith.constant 0 : i32
      %gather3A_764 = arith.constant 0 : i32
      %gather3A_765 = tpu.memref_slice %arg9[%gather3A_762, %gather3A_763, %gather3A_764] : memref<16x40x128xf32, #tpu.memory_space<vmem>> -> memref<1x40x128xf32, #tpu.memory_space<vmem>>
      %gather3A_766 = tpu.memref_squeeze %gather3A_765 : memref<1x40x128xf32, #tpu.memory_space<vmem>> -> memref<40x128xf32, #tpu.memory_space<vmem>>
      %gather3A_767 = tpu.vector_load_idx %gather3A_766[%iota3A, %add3A_757] : memref<40x128xf32, #tpu.memory_space<vmem>>[vector<16xi32>, vector<16xi32>], vector<16xf32>,
      %swap3A_768 = arith.index_cast %add3A_761 : i32 to index
      %swap3A_769 = arith.constant 0 : index
      %swap3A_770 = tpu.vector_load %arg10[%swap3A_768, %swap3A_769] {strides = array<i32>} : memref<128x40xf32, #tpu.memory_space<vmem>>, vector<16xf32>,
      tpu.vector_store %arg10[%swap3A_768, %swap3A_769], %gather3A_767 {strides = array<i32>} : memref<128x40xf32, #tpu.memory_space<vmem>>, vector<16xf32>,
      %add3A_771 = arith.constant 16 : i32
      %add3A_772 = vector.broadcast %add3A_771 : i32 to vector<16xi32>
      %add3A_773 = arith.addi %iota3A, %add3A_772 : vector<16xi32>
      %gather3A_774 = arith.constant 5 : i32
      %gather3A_775 = arith.constant 0 : i32
      %gather3A_776 = arith.constant 0 : i32
      %gather3A_777 = tpu.memref_slice %arg9[%gather3A_774, %gather3A_775, %gather3A_776] : memref<16x40x128xf32, #tpu.memory_space<vmem>> -> memref<1x40x128xf32, #tpu.memory_space<vmem>>
      %gather3A_778 = tpu.memref_squeeze %gather3A_777 : memref<1x40x128xf32, #tpu.memory_space<vmem>> -> memref<40x128xf32, #tpu.memory_space<vmem>>
      %gather3A_779 = tpu.vector_load_idx %gather3A_778[%add3A_773, %add3A_757] : memref<40x128xf32, #tpu.memory_space<vmem>>[vector<16xi32>, vector<16xi32>], vector<16xf32>,
      %swap3A_780 = arith.index_cast %add3A_761 : i32 to index
      %swap3A_781 = arith.constant 16 : index
      %swap3A_782 = tpu.vector_load %arg10[%swap3A_780, %swap3A_781] {strides = array<i32>} : memref<128x40xf32, #tpu.memory_space<vmem>>, vector<16xf32>,
      tpu.vector_store %arg10[%swap3A_780, %swap3A_781], %gather3A_779 {strides = array<i32>} : memref<128x40xf32, #tpu.memory_space<vmem>>, vector<16xf32>,
      %add3A_783 = arith.constant 24 : i32
      %add3A_784 = vector.broadcast %add3A_783 : i32 to vector<16xi32>
      %add3A_785 = arith.addi %iota3A, %add3A_784 : vector<16xi32>
      %gather3A_786 = arith.constant 5 : i32
      %gather3A_787 = arith.constant 0 : i32
      %gather3A_788 = arith.constant 0 : i32
      %gather3A_789 = tpu.memref_slice %arg9[%gather3A_786, %gather3A_787, %gather3A_788] : memref<16x40x128xf32, #tpu.memory_space<vmem>> -> memref<1x40x128xf32, #tpu.memory_space<vmem>>
      %gather3A_790 = tpu.memref_squeeze %gather3A_789 : memref<1x40x128xf32, #tpu.memory_space<vmem>> -> memref<40x128xf32, #tpu.memory_space<vmem>>
      %gather3A_791 = tpu.vector_load_idx %gather3A_790[%add3A_785, %add3A_757] : memref<40x128xf32, #tpu.memory_space<vmem>>[vector<16xi32>, vector<16xi32>], vector<16xf32>,
      %swap3A_792 = arith.index_cast %add3A_761 : i32 to index
      %swap3A_793 = arith.constant 24 : index
      %swap3A_794 = tpu.vector_load %arg10[%swap3A_792, %swap3A_793] {strides = array<i32>} : memref<128x40xf32, #tpu.memory_space<vmem>>, vector<16xf32>,
      tpu.vector_store %arg10[%swap3A_792, %swap3A_793], %gather3A_791 {strides = array<i32>} : memref<128x40xf32, #tpu.memory_space<vmem>>, vector<16xf32>,
      %slice3A_795 = vector.extract_strided_slice %get3A_16 {offsets = [6], sizes = [1], strides = [1]} : vector<16xi32> to vector<1xi32>
      %squeeze3A_796 = vector.extract %slice3A_795[0] : i32 from vector<1xi32>
      %and3A_797 = arith.constant 127 : i32
      %and3A_798 = arith.andi %squeeze3A_796, %and3A_797 : i32
      %add3A_799 = vector.broadcast %and3A_798 : i32 to vector<16xi32>
      %add3A_800 = arith.addi %broadcast_in_dim3A_3, %add3A_799 : vector<16xi32>
      %mul3A_801 = arith.constant 16 : i32
      %mul3A_802 = arith.muli %scan3A_13, %mul3A_801 : i32
      %add3A_803 = arith.constant 6 : i32
      %add3A_804 = arith.addi %mul3A_802, %add3A_803 : i32
      %gather3A_805 = arith.constant 6 : i32
      %gather3A_806 = arith.constant 0 : i32
      %gather3A_807 = arith.constant 0 : i32
      %gather3A_808 = tpu.memref_slice %arg9[%gather3A_805, %gather3A_806, %gather3A_807] : memref<16x40x128xf32, #tpu.memory_space<vmem>> -> memref<1x40x128xf32, #tpu.memory_space<vmem>>
      %gather3A_809 = tpu.memref_squeeze %gather3A_808 : memref<1x40x128xf32, #tpu.memory_space<vmem>> -> memref<40x128xf32, #tpu.memory_space<vmem>>
      %gather3A_810 = tpu.vector_load_idx %gather3A_809[%iota3A, %add3A_800] : memref<40x128xf32, #tpu.memory_space<vmem>>[vector<16xi32>, vector<16xi32>], vector<16xf32>,
      %swap3A_811 = arith.index_cast %add3A_804 : i32 to index
      %swap3A_812 = arith.constant 0 : index
      %swap3A_813 = tpu.vector_load %arg10[%swap3A_811, %swap3A_812] {strides = array<i32>} : memref<128x40xf32, #tpu.memory_space<vmem>>, vector<16xf32>,
      tpu.vector_store %arg10[%swap3A_811, %swap3A_812], %gather3A_810 {strides = array<i32>} : memref<128x40xf32, #tpu.memory_space<vmem>>, vector<16xf32>,
      %add3A_814 = arith.constant 16 : i32
      %add3A_815 = vector.broadcast %add3A_814 : i32 to vector<16xi32>
      %add3A_816 = arith.addi %iota3A, %add3A_815 : vector<16xi32>
      %gather3A_817 = arith.constant 6 : i32
      %gather3A_818 = arith.constant 0 : i32
      %gather3A_819 = arith.constant 0 : i32
      %gather3A_820 = tpu.memref_slice %arg9[%gather3A_817, %gather3A_818, %gather3A_819] : memref<16x40x128xf32, #tpu.memory_space<vmem>> -> memref<1x40x128xf32, #tpu.memory_space<vmem>>
      %gather3A_821 = tpu.memref_squeeze %gather3A_820 : memref<1x40x128xf32, #tpu.memory_space<vmem>> -> memref<40x128xf32, #tpu.memory_space<vmem>>
      %gather3A_822 = tpu.vector_load_idx %gather3A_821[%add3A_816, %add3A_800] : memref<40x128xf32, #tpu.memory_space<vmem>>[vector<16xi32>, vector<16xi32>], vector<16xf32>,
      %swap3A_823 = arith.index_cast %add3A_804 : i32 to index
      %swap3A_824 = arith.constant 16 : index
      %swap3A_825 = tpu.vector_load %arg10[%swap3A_823, %swap3A_824] {strides = array<i32>} : memref<128x40xf32, #tpu.memory_space<vmem>>, vector<16xf32>,
      tpu.vector_store %arg10[%swap3A_823, %swap3A_824], %gather3A_822 {strides = array<i32>} : memref<128x40xf32, #tpu.memory_space<vmem>>, vector<16xf32>,
      %add3A_826 = arith.constant 24 : i32
      %add3A_827 = vector.broadcast %add3A_826 : i32 to vector<16xi32>
      %add3A_828 = arith.addi %iota3A, %add3A_827 : vector<16xi32>
      %gather3A_829 = arith.constant 6 : i32
      %gather3A_830 = arith.constant 0 : i32
      %gather3A_831 = arith.constant 0 : i32
      %gather3A_832 = tpu.memref_slice %arg9[%gather3A_829, %gather3A_830, %gather3A_831] : memref<16x40x128xf32, #tpu.memory_space<vmem>> -> memref<1x40x128xf32, #tpu.memory_space<vmem>>
      %gather3A_833 = tpu.memref_squeeze %gather3A_832 : memref<1x40x128xf32, #tpu.memory_space<vmem>> -> memref<40x128xf32, #tpu.memory_space<vmem>>
      %gather3A_834 = tpu.vector_load_idx %gather3A_833[%add3A_828, %add3A_800] : memref<40x128xf32, #tpu.memory_space<vmem>>[vector<16xi32>, vector<16xi32>], vector<16xf32>,
      %swap3A_835 = arith.index_cast %add3A_804 : i32 to index
      %swap3A_836 = arith.constant 24 : index
      %swap3A_837 = tpu.vector_load %arg10[%swap3A_835, %swap3A_836] {strides = array<i32>} : memref<128x40xf32, #tpu.memory_space<vmem>>, vector<16xf32>,
      tpu.vector_store %arg10[%swap3A_835, %swap3A_836], %gather3A_834 {strides = array<i32>} : memref<128x40xf32, #tpu.memory_space<vmem>>, vector<16xf32>,
      %slice3A_838 = vector.extract_strided_slice %get3A_16 {offsets = [7], sizes = [1], strides = [1]} : vector<16xi32> to vector<1xi32>
      %squeeze3A_839 = vector.extract %slice3A_838[0] : i32 from vector<1xi32>
      %and3A_840 = arith.constant 127 : i32
      %and3A_841 = arith.andi %squeeze3A_839, %and3A_840 : i32
      %add3A_842 = vector.broadcast %and3A_841 : i32 to vector<16xi32>
      %add3A_843 = arith.addi %broadcast_in_dim3A_3, %add3A_842 : vector<16xi32>
      %mul3A_844 = arith.constant 16 : i32
      %mul3A_845 = arith.muli %scan3A_13, %mul3A_844 : i32
      %add3A_846 = arith.constant 7 : i32
      %add3A_847 = arith.addi %mul3A_845, %add3A_846 : i32
      %gather3A_848 = arith.constant 7 : i32
      %gather3A_849 = arith.constant 0 : i32
      %gather3A_850 = arith.constant 0 : i32
      %gather3A_851 = tpu.memref_slice %arg9[%gather3A_848, %gather3A_849, %gather3A_850] : memref<16x40x128xf32, #tpu.memory_space<vmem>> -> memref<1x40x128xf32, #tpu.memory_space<vmem>>
      %gather3A_852 = tpu.memref_squeeze %gather3A_851 : memref<1x40x128xf32, #tpu.memory_space<vmem>> -> memref<40x128xf32, #tpu.memory_space<vmem>>
      %gather3A_853 = tpu.vector_load_idx %gather3A_852[%iota3A, %add3A_843] : memref<40x128xf32, #tpu.memory_space<vmem>>[vector<16xi32>, vector<16xi32>], vector<16xf32>,
      %swap3A_854 = arith.index_cast %add3A_847 : i32 to index
      %swap3A_855 = arith.constant 0 : index
      %swap3A_856 = tpu.vector_load %arg10[%swap3A_854, %swap3A_855] {strides = array<i32>} : memref<128x40xf32, #tpu.memory_space<vmem>>, vector<16xf32>,
      tpu.vector_store %arg10[%swap3A_854, %swap3A_855], %gather3A_853 {strides = array<i32>} : memref<128x40xf32, #tpu.memory_space<vmem>>, vector<16xf32>,
      %add3A_857 = arith.constant 16 : i32
      %add3A_858 = vector.broadcast %add3A_857 : i32 to vector<16xi32>
      %add3A_859 = arith.addi %iota3A, %add3A_858 : vector<16xi32>
      %gather3A_860 = arith.constant 7 : i32
      %gather3A_861 = arith.constant 0 : i32
      %gather3A_862 = arith.constant 0 : i32
      %gather3A_863 = tpu.memref_slice %arg9[%gather3A_860, %gather3A_861, %gather3A_862] : memref<16x40x128xf32, #tpu.memory_space<vmem>> -> memref<1x40x128xf32, #tpu.memory_space<vmem>>
      %gather3A_864 = tpu.memref_squeeze %gather3A_863 : memref<1x40x128xf32, #tpu.memory_space<vmem>> -> memref<40x128xf32, #tpu.memory_space<vmem>>
      %gather3A_865 = tpu.vector_load_idx %gather3A_864[%add3A_859, %add3A_843] : memref<40x128xf32, #tpu.memory_space<vmem>>[vector<16xi32>, vector<16xi32>], vector<16xf32>,
      %swap3A_866 = arith.index_cast %add3A_847 : i32 to index
      %swap3A_867 = arith.constant 16 : index
      %swap3A_868 = tpu.vector_load %arg10[%swap3A_866, %swap3A_867] {strides = array<i32>} : memref<128x40xf32, #tpu.memory_space<vmem>>, vector<16xf32>,
      tpu.vector_store %arg10[%swap3A_866, %swap3A_867], %gather3A_865 {strides = array<i32>} : memref<128x40xf32, #tpu.memory_space<vmem>>, vector<16xf32>,
      %add3A_869 = arith.constant 24 : i32
      %add3A_870 = vector.broadcast %add3A_869 : i32 to vector<16xi32>
      %add3A_871 = arith.addi %iota3A, %add3A_870 : vector<16xi32>
      %gather3A_872 = arith.constant 7 : i32
      %gather3A_873 = arith.constant 0 : i32
      %gather3A_874 = arith.constant 0 : i32
      %gather3A_875 = tpu.memref_slice %arg9[%gather3A_872, %gather3A_873, %gather3A_874] : memref<16x40x128xf32, #tpu.memory_space<vmem>> -> memref<1x40x128xf32, #tpu.memory_space<vmem>>
      %gather3A_876 = tpu.memref_squeeze %gather3A_875 : memref<1x40x128xf32, #tpu.memory_space<vmem>> -> memref<40x128xf32, #tpu.memory_space<vmem>>
      %gather3A_877 = tpu.vector_load_idx %gather3A_876[%add3A_871, %add3A_843] : memref<40x128xf32, #tpu.memory_space<vmem>>[vector<16xi32>, vector<16xi32>], vector<16xf32>,
      %swap3A_878 = arith.index_cast %add3A_847 : i32 to index
      %swap3A_879 = arith.constant 24 : index
      %swap3A_880 = tpu.vector_load %arg10[%swap3A_878, %swap3A_879] {strides = array<i32>} : memref<128x40xf32, #tpu.memory_space<vmem>>, vector<16xf32>,
      tpu.vector_store %arg10[%swap3A_878, %swap3A_879], %gather3A_877 {strides = array<i32>} : memref<128x40xf32, #tpu.memory_space<vmem>>, vector<16xf32>,
      %slice3A_881 = vector.extract_strided_slice %get3A_16 {offsets = [8], sizes = [1], strides = [1]} : vector<16xi32> to vector<1xi32>
      %squeeze3A_882 = vector.extract %slice3A_881[0] : i32 from vector<1xi32>
      %and3A_883 = arith.constant 127 : i32
      %and3A_884 = arith.andi %squeeze3A_882, %and3A_883 : i32
      %add3A_885 = vector.broadcast %and3A_884 : i32 to vector<16xi32>
      %add3A_886 = arith.addi %broadcast_in_dim3A_3, %add3A_885 : vector<16xi32>
      %mul3A_887 = arith.constant 16 : i32
      %mul3A_888 = arith.muli %scan3A_13, %mul3A_887 : i32
      %add3A_889 = arith.constant 8 : i32
      %add3A_890 = arith.addi %mul3A_888, %add3A_889 : i32
      %gather3A_891 = arith.constant 8 : i32
      %gather3A_892 = arith.constant 0 : i32
      %gather3A_893 = arith.constant 0 : i32
      %gather3A_894 = tpu.memref_slice %arg9[%gather3A_891, %gather3A_892, %gather3A_893] : memref<16x40x128xf32, #tpu.memory_space<vmem>> -> memref<1x40x128xf32, #tpu.memory_space<vmem>>
      %gather3A_895 = tpu.memref_squeeze %gather3A_894 : memref<1x40x128xf32, #tpu.memory_space<vmem>> -> memref<40x128xf32, #tpu.memory_space<vmem>>
      %gather3A_896 = tpu.vector_load_idx %gather3A_895[%iota3A, %add3A_886] : memref<40x128xf32, #tpu.memory_space<vmem>>[vector<16xi32>, vector<16xi32>], vector<16xf32>,
      %swap3A_897 = arith.index_cast %add3A_890 : i32 to index
      %swap3A_898 = arith.constant 0 : index
      %swap3A_899 = tpu.vector_load %arg10[%swap3A_897, %swap3A_898] {strides = array<i32>} : memref<128x40xf32, #tpu.memory_space<vmem>>, vector<16xf32>,
      tpu.vector_store %arg10[%swap3A_897, %swap3A_898], %gather3A_896 {strides = array<i32>} : memref<128x40xf32, #tpu.memory_space<vmem>>, vector<16xf32>,
      %add3A_900 = arith.constant 16 : i32
      %add3A_901 = vector.broadcast %add3A_900 : i32 to vector<16xi32>
      %add3A_902 = arith.addi %iota3A, %add3A_901 : vector<16xi32>
      %gather3A_903 = arith.constant 8 : i32
      %gather3A_904 = arith.constant 0 : i32
      %gather3A_905 = arith.constant 0 : i32
      %gather3A_906 = tpu.memref_slice %arg9[%gather3A_903, %gather3A_904, %gather3A_905] : memref<16x40x128xf32, #tpu.memory_space<vmem>> -> memref<1x40x128xf32, #tpu.memory_space<vmem>>
      %gather3A_907 = tpu.memref_squeeze %gather3A_906 : memref<1x40x128xf32, #tpu.memory_space<vmem>> -> memref<40x128xf32, #tpu.memory_space<vmem>>
      %gather3A_908 = tpu.vector_load_idx %gather3A_907[%add3A_902, %add3A_886] : memref<40x128xf32, #tpu.memory_space<vmem>>[vector<16xi32>, vector<16xi32>], vector<16xf32>,
      %swap3A_909 = arith.index_cast %add3A_890 : i32 to index
      %swap3A_910 = arith.constant 16 : index
      %swap3A_911 = tpu.vector_load %arg10[%swap3A_909, %swap3A_910] {strides = array<i32>} : memref<128x40xf32, #tpu.memory_space<vmem>>, vector<16xf32>,
      tpu.vector_store %arg10[%swap3A_909, %swap3A_910], %gather3A_908 {strides = array<i32>} : memref<128x40xf32, #tpu.memory_space<vmem>>, vector<16xf32>,
      %add3A_912 = arith.constant 24 : i32
      %add3A_913 = vector.broadcast %add3A_912 : i32 to vector<16xi32>
      %add3A_914 = arith.addi %iota3A, %add3A_913 : vector<16xi32>
      %gather3A_915 = arith.constant 8 : i32
      %gather3A_916 = arith.constant 0 : i32
      %gather3A_917 = arith.constant 0 : i32
      %gather3A_918 = tpu.memref_slice %arg9[%gather3A_915, %gather3A_916, %gather3A_917] : memref<16x40x128xf32, #tpu.memory_space<vmem>> -> memref<1x40x128xf32, #tpu.memory_space<vmem>>
      %gather3A_919 = tpu.memref_squeeze %gather3A_918 : memref<1x40x128xf32, #tpu.memory_space<vmem>> -> memref<40x128xf32, #tpu.memory_space<vmem>>
      %gather3A_920 = tpu.vector_load_idx %gather3A_919[%add3A_914, %add3A_886] : memref<40x128xf32, #tpu.memory_space<vmem>>[vector<16xi32>, vector<16xi32>], vector<16xf32>,
      %swap3A_921 = arith.index_cast %add3A_890 : i32 to index
      %swap3A_922 = arith.constant 24 : index
      %swap3A_923 = tpu.vector_load %arg10[%swap3A_921, %swap3A_922] {strides = array<i32>} : memref<128x40xf32, #tpu.memory_space<vmem>>, vector<16xf32>,
      tpu.vector_store %arg10[%swap3A_921, %swap3A_922], %gather3A_920 {strides = array<i32>} : memref<128x40xf32, #tpu.memory_space<vmem>>, vector<16xf32>,
      %slice3A_924 = vector.extract_strided_slice %get3A_16 {offsets = [9], sizes = [1], strides = [1]} : vector<16xi32> to vector<1xi32>
      %squeeze3A_925 = vector.extract %slice3A_924[0] : i32 from vector<1xi32>
      %and3A_926 = arith.constant 127 : i32
      %and3A_927 = arith.andi %squeeze3A_925, %and3A_926 : i32
      %add3A_928 = vector.broadcast %and3A_927 : i32 to vector<16xi32>
      %add3A_929 = arith.addi %broadcast_in_dim3A_3, %add3A_928 : vector<16xi32>
      %mul3A_930 = arith.constant 16 : i32
      %mul3A_931 = arith.muli %scan3A_13, %mul3A_930 : i32
      %add3A_932 = arith.constant 9 : i32
      %add3A_933 = arith.addi %mul3A_931, %add3A_932 : i32
      %gather3A_934 = arith.constant 9 : i32
      %gather3A_935 = arith.constant 0 : i32
      %gather3A_936 = arith.constant 0 : i32
      %gather3A_937 = tpu.memref_slice %arg9[%gather3A_934, %gather3A_935, %gather3A_936] : memref<16x40x128xf32, #tpu.memory_space<vmem>> -> memref<1x40x128xf32, #tpu.memory_space<vmem>>
      %gather3A_938 = tpu.memref_squeeze %gather3A_937 : memref<1x40x128xf32, #tpu.memory_space<vmem>> -> memref<40x128xf32, #tpu.memory_space<vmem>>
      %gather3A_939 = tpu.vector_load_idx %gather3A_938[%iota3A, %add3A_929] : memref<40x128xf32, #tpu.memory_space<vmem>>[vector<16xi32>, vector<16xi32>], vector<16xf32>,
      %swap3A_940 = arith.index_cast %add3A_933 : i32 to index
      %swap3A_941 = arith.constant 0 : index
      %swap3A_942 = tpu.vector_load %arg10[%swap3A_940, %swap3A_941] {strides = array<i32>} : memref<128x40xf32, #tpu.memory_space<vmem>>, vector<16xf32>,
      tpu.vector_store %arg10[%swap3A_940, %swap3A_941], %gather3A_939 {strides = array<i32>} : memref<128x40xf32, #tpu.memory_space<vmem>>, vector<16xf32>,
      %add3A_943 = arith.constant 16 : i32
      %add3A_944 = vector.broadcast %add3A_943 : i32 to vector<16xi32>
      %add3A_945 = arith.addi %iota3A, %add3A_944 : vector<16xi32>
      %gather3A_946 = arith.constant 9 : i32
      %gather3A_947 = arith.constant 0 : i32
      %gather3A_948 = arith.constant 0 : i32
      %gather3A_949 = tpu.memref_slice %arg9[%gather3A_946, %gather3A_947, %gather3A_948] : memref<16x40x128xf32, #tpu.memory_space<vmem>> -> memref<1x40x128xf32, #tpu.memory_space<vmem>>
      %gather3A_950 = tpu.memref_squeeze %gather3A_949 : memref<1x40x128xf32, #tpu.memory_space<vmem>> -> memref<40x128xf32, #tpu.memory_space<vmem>>
      %gather3A_951 = tpu.vector_load_idx %gather3A_950[%add3A_945, %add3A_929] : memref<40x128xf32, #tpu.memory_space<vmem>>[vector<16xi32>, vector<16xi32>], vector<16xf32>,
      %swap3A_952 = arith.index_cast %add3A_933 : i32 to index
      %swap3A_953 = arith.constant 16 : index
      %swap3A_954 = tpu.vector_load %arg10[%swap3A_952, %swap3A_953] {strides = array<i32>} : memref<128x40xf32, #tpu.memory_space<vmem>>, vector<16xf32>,
      tpu.vector_store %arg10[%swap3A_952, %swap3A_953], %gather3A_951 {strides = array<i32>} : memref<128x40xf32, #tpu.memory_space<vmem>>, vector<16xf32>,
      %add3A_955 = arith.constant 24 : i32
      %add3A_956 = vector.broadcast %add3A_955 : i32 to vector<16xi32>
      %add3A_957 = arith.addi %iota3A, %add3A_956 : vector<16xi32>
      %gather3A_958 = arith.constant 9 : i32
      %gather3A_959 = arith.constant 0 : i32
      %gather3A_960 = arith.constant 0 : i32
      %gather3A_961 = tpu.memref_slice %arg9[%gather3A_958, %gather3A_959, %gather3A_960] : memref<16x40x128xf32, #tpu.memory_space<vmem>> -> memref<1x40x128xf32, #tpu.memory_space<vmem>>
      %gather3A_962 = tpu.memref_squeeze %gather3A_961 : memref<1x40x128xf32, #tpu.memory_space<vmem>> -> memref<40x128xf32, #tpu.memory_space<vmem>>
      %gather3A_963 = tpu.vector_load_idx %gather3A_962[%add3A_957, %add3A_929] : memref<40x128xf32, #tpu.memory_space<vmem>>[vector<16xi32>, vector<16xi32>], vector<16xf32>,
      %swap3A_964 = arith.index_cast %add3A_933 : i32 to index
      %swap3A_965 = arith.constant 24 : index
      %swap3A_966 = tpu.vector_load %arg10[%swap3A_964, %swap3A_965] {strides = array<i32>} : memref<128x40xf32, #tpu.memory_space<vmem>>, vector<16xf32>,
      tpu.vector_store %arg10[%swap3A_964, %swap3A_965], %gather3A_963 {strides = array<i32>} : memref<128x40xf32, #tpu.memory_space<vmem>>, vector<16xf32>,
      %slice3A_967 = vector.extract_strided_slice %get3A_16 {offsets = [10], sizes = [1], strides = [1]} : vector<16xi32> to vector<1xi32>
      %squeeze3A_968 = vector.extract %slice3A_967[0] : i32 from vector<1xi32>
      %and3A_969 = arith.constant 127 : i32
      %and3A_970 = arith.andi %squeeze3A_968, %and3A_969 : i32
      %add3A_971 = vector.broadcast %and3A_970 : i32 to vector<16xi32>
      %add3A_972 = arith.addi %broadcast_in_dim3A_3, %add3A_971 : vector<16xi32>
      %mul3A_973 = arith.constant 16 : i32
      %mul3A_974 = arith.muli %scan3A_13, %mul3A_973 : i32
      %add3A_975 = arith.constant 10 : i32
      %add3A_976 = arith.addi %mul3A_974, %add3A_975 : i32
      %gather3A_977 = arith.constant 10 : i32
      %gather3A_978 = arith.constant 0 : i32
      %gather3A_979 = arith.constant 0 : i32
      %gather3A_980 = tpu.memref_slice %arg9[%gather3A_977, %gather3A_978, %gather3A_979] : memref<16x40x128xf32, #tpu.memory_space<vmem>> -> memref<1x40x128xf32, #tpu.memory_space<vmem>>
      %gather3A_981 = tpu.memref_squeeze %gather3A_980 : memref<1x40x128xf32, #tpu.memory_space<vmem>> -> memref<40x128xf32, #tpu.memory_space<vmem>>
      %gather3A_982 = tpu.vector_load_idx %gather3A_981[%iota3A, %add3A_972] : memref<40x128xf32, #tpu.memory_space<vmem>>[vector<16xi32>, vector<16xi32>], vector<16xf32>,
      %swap3A_983 = arith.index_cast %add3A_976 : i32 to index
      %swap3A_984 = arith.constant 0 : index
      %swap3A_985 = tpu.vector_load %arg10[%swap3A_983, %swap3A_984] {strides = array<i32>} : memref<128x40xf32, #tpu.memory_space<vmem>>, vector<16xf32>,
      tpu.vector_store %arg10[%swap3A_983, %swap3A_984], %gather3A_982 {strides = array<i32>} : memref<128x40xf32, #tpu.memory_space<vmem>>, vector<16xf32>,
      %add3A_986 = arith.constant 16 : i32
      %add3A_987 = vector.broadcast %add3A_986 : i32 to vector<16xi32>
      %add3A_988 = arith.addi %iota3A, %add3A_987 : vector<16xi32>
      %gather3A_989 = arith.constant 10 : i32
      %gather3A_990 = arith.constant 0 : i32
      %gather3A_991 = arith.constant 0 : i32
      %gather3A_992 = tpu.memref_slice %arg9[%gather3A_989, %gather3A_990, %gather3A_991] : memref<16x40x128xf32, #tpu.memory_space<vmem>> -> memref<1x40x128xf32, #tpu.memory_space<vmem>>
      %gather3A_993 = tpu.memref_squeeze %gather3A_992 : memref<1x40x128xf32, #tpu.memory_space<vmem>> -> memref<40x128xf32, #tpu.memory_space<vmem>>
      %gather3A_994 = tpu.vector_load_idx %gather3A_993[%add3A_988, %add3A_972] : memref<40x128xf32, #tpu.memory_space<vmem>>[vector<16xi32>, vector<16xi32>], vector<16xf32>,
      %swap3A_995 = arith.index_cast %add3A_976 : i32 to index
      %swap3A_996 = arith.constant 16 : index
      %swap3A_997 = tpu.vector_load %arg10[%swap3A_995, %swap3A_996] {strides = array<i32>} : memref<128x40xf32, #tpu.memory_space<vmem>>, vector<16xf32>,
      tpu.vector_store %arg10[%swap3A_995, %swap3A_996], %gather3A_994 {strides = array<i32>} : memref<128x40xf32, #tpu.memory_space<vmem>>, vector<16xf32>,
      %add3A_998 = arith.constant 24 : i32
      %add3A_999 = vector.broadcast %add3A_998 : i32 to vector<16xi32>
      %add3A_1000 = arith.addi %iota3A, %add3A_999 : vector<16xi32>
      %gather3A_1001 = arith.constant 10 : i32
      %gather3A_1002 = arith.constant 0 : i32
      %gather3A_1003 = arith.constant 0 : i32
      %gather3A_1004 = tpu.memref_slice %arg9[%gather3A_1001, %gather3A_1002, %gather3A_1003] : memref<16x40x128xf32, #tpu.memory_space<vmem>> -> memref<1x40x128xf32, #tpu.memory_space<vmem>>
      %gather3A_1005 = tpu.memref_squeeze %gather3A_1004 : memref<1x40x128xf32, #tpu.memory_space<vmem>> -> memref<40x128xf32, #tpu.memory_space<vmem>>
      %gather3A_1006 = tpu.vector_load_idx %gather3A_1005[%add3A_1000, %add3A_972] : memref<40x128xf32, #tpu.memory_space<vmem>>[vector<16xi32>, vector<16xi32>], vector<16xf32>,
      %swap3A_1007 = arith.index_cast %add3A_976 : i32 to index
      %swap3A_1008 = arith.constant 24 : index
      %swap3A_1009 = tpu.vector_load %arg10[%swap3A_1007, %swap3A_1008] {strides = array<i32>} : memref<128x40xf32, #tpu.memory_space<vmem>>, vector<16xf32>,
      tpu.vector_store %arg10[%swap3A_1007, %swap3A_1008], %gather3A_1006 {strides = array<i32>} : memref<128x40xf32, #tpu.memory_space<vmem>>, vector<16xf32>,
      %slice3A_1010 = vector.extract_strided_slice %get3A_16 {offsets = [11], sizes = [1], strides = [1]} : vector<16xi32> to vector<1xi32>
      %squeeze3A_1011 = vector.extract %slice3A_1010[0] : i32 from vector<1xi32>
      %and3A_1012 = arith.constant 127 : i32
      %and3A_1013 = arith.andi %squeeze3A_1011, %and3A_1012 : i32
      %add3A_1014 = vector.broadcast %and3A_1013 : i32 to vector<16xi32>
      %add3A_1015 = arith.addi %broadcast_in_dim3A_3, %add3A_1014 : vector<16xi32>
      %mul3A_1016 = arith.constant 16 : i32
      %mul3A_1017 = arith.muli %scan3A_13, %mul3A_1016 : i32
      %add3A_1018 = arith.constant 11 : i32
      %add3A_1019 = arith.addi %mul3A_1017, %add3A_1018 : i32
      %gather3A_1020 = arith.constant 11 : i32
      %gather3A_1021 = arith.constant 0 : i32
      %gather3A_1022 = arith.constant 0 : i32
      %gather3A_1023 = tpu.memref_slice %arg9[%gather3A_1020, %gather3A_1021, %gather3A_1022] : memref<16x40x128xf32, #tpu.memory_space<vmem>> -> memref<1x40x128xf32, #tpu.memory_space<vmem>>
      %gather3A_1024 = tpu.memref_squeeze %gather3A_1023 : memref<1x40x128xf32, #tpu.memory_space<vmem>> -> memref<40x128xf32, #tpu.memory_space<vmem>>
      %gather3A_1025 = tpu.vector_load_idx %gather3A_1024[%iota3A, %add3A_1015] : memref<40x128xf32, #tpu.memory_space<vmem>>[vector<16xi32>, vector<16xi32>], vector<16xf32>,
      %swap3A_1026 = arith.index_cast %add3A_1019 : i32 to index
      %swap3A_1027 = arith.constant 0 : index
      %swap3A_1028 = tpu.vector_load %arg10[%swap3A_1026, %swap3A_1027] {strides = array<i32>} : memref<128x40xf32, #tpu.memory_space<vmem>>, vector<16xf32>,
      tpu.vector_store %arg10[%swap3A_1026, %swap3A_1027], %gather3A_1025 {strides = array<i32>} : memref<128x40xf32, #tpu.memory_space<vmem>>, vector<16xf32>,
      %add3A_1029 = arith.constant 16 : i32
      %add3A_1030 = vector.broadcast %add3A_1029 : i32 to vector<16xi32>
      %add3A_1031 = arith.addi %iota3A, %add3A_1030 : vector<16xi32>
      %gather3A_1032 = arith.constant 11 : i32
      %gather3A_1033 = arith.constant 0 : i32
      %gather3A_1034 = arith.constant 0 : i32
      %gather3A_1035 = tpu.memref_slice %arg9[%gather3A_1032, %gather3A_1033, %gather3A_1034] : memref<16x40x128xf32, #tpu.memory_space<vmem>> -> memref<1x40x128xf32, #tpu.memory_space<vmem>>
      %gather3A_1036 = tpu.memref_squeeze %gather3A_1035 : memref<1x40x128xf32, #tpu.memory_space<vmem>> -> memref<40x128xf32, #tpu.memory_space<vmem>>
      %gather3A_1037 = tpu.vector_load_idx %gather3A_1036[%add3A_1031, %add3A_1015] : memref<40x128xf32, #tpu.memory_space<vmem>>[vector<16xi32>, vector<16xi32>], vector<16xf32>,
      %swap3A_1038 = arith.index_cast %add3A_1019 : i32 to index
      %swap3A_1039 = arith.constant 16 : index
      %swap3A_1040 = tpu.vector_load %arg10[%swap3A_1038, %swap3A_1039] {strides = array<i32>} : memref<128x40xf32, #tpu.memory_space<vmem>>, vector<16xf32>,
      tpu.vector_store %arg10[%swap3A_1038, %swap3A_1039], %gather3A_1037 {strides = array<i32>} : memref<128x40xf32, #tpu.memory_space<vmem>>, vector<16xf32>,
      %add3A_1041 = arith.constant 24 : i32
      %add3A_1042 = vector.broadcast %add3A_1041 : i32 to vector<16xi32>
      %add3A_1043 = arith.addi %iota3A, %add3A_1042 : vector<16xi32>
      %gather3A_1044 = arith.constant 11 : i32
      %gather3A_1045 = arith.constant 0 : i32
      %gather3A_1046 = arith.constant 0 : i32
      %gather3A_1047 = tpu.memref_slice %arg9[%gather3A_1044, %gather3A_1045, %gather3A_1046] : memref<16x40x128xf32, #tpu.memory_space<vmem>> -> memref<1x40x128xf32, #tpu.memory_space<vmem>>
      %gather3A_1048 = tpu.memref_squeeze %gather3A_1047 : memref<1x40x128xf32, #tpu.memory_space<vmem>> -> memref<40x128xf32, #tpu.memory_space<vmem>>
      %gather3A_1049 = tpu.vector_load_idx %gather3A_1048[%add3A_1043, %add3A_1015] : memref<40x128xf32, #tpu.memory_space<vmem>>[vector<16xi32>, vector<16xi32>], vector<16xf32>,
      %swap3A_1050 = arith.index_cast %add3A_1019 : i32 to index
      %swap3A_1051 = arith.constant 24 : index
      %swap3A_1052 = tpu.vector_load %arg10[%swap3A_1050, %swap3A_1051] {strides = array<i32>} : memref<128x40xf32, #tpu.memory_space<vmem>>, vector<16xf32>,
      tpu.vector_store %arg10[%swap3A_1050, %swap3A_1051], %gather3A_1049 {strides = array<i32>} : memref<128x40xf32, #tpu.memory_space<vmem>>, vector<16xf32>,
      %slice3A_1053 = vector.extract_strided_slice %get3A_16 {offsets = [12], sizes = [1], strides = [1]} : vector<16xi32> to vector<1xi32>
      %squeeze3A_1054 = vector.extract %slice3A_1053[0] : i32 from vector<1xi32>
      %and3A_1055 = arith.constant 127 : i32
      %and3A_1056 = arith.andi %squeeze3A_1054, %and3A_1055 : i32
      %add3A_1057 = vector.broadcast %and3A_1056 : i32 to vector<16xi32>
      %add3A_1058 = arith.addi %broadcast_in_dim3A_3, %add3A_1057 : vector<16xi32>
      %mul3A_1059 = arith.constant 16 : i32
      %mul3A_1060 = arith.muli %scan3A_13, %mul3A_1059 : i32
      %add3A_1061 = arith.constant 12 : i32
      %add3A_1062 = arith.addi %mul3A_1060, %add3A_1061 : i32
      %gather3A_1063 = arith.constant 12 : i32
      %gather3A_1064 = arith.constant 0 : i32
      %gather3A_1065 = arith.constant 0 : i32
      %gather3A_1066 = tpu.memref_slice %arg9[%gather3A_1063, %gather3A_1064, %gather3A_1065] : memref<16x40x128xf32, #tpu.memory_space<vmem>> -> memref<1x40x128xf32, #tpu.memory_space<vmem>>
      %gather3A_1067 = tpu.memref_squeeze %gather3A_1066 : memref<1x40x128xf32, #tpu.memory_space<vmem>> -> memref<40x128xf32, #tpu.memory_space<vmem>>
      %gather3A_1068 = tpu.vector_load_idx %gather3A_1067[%iota3A, %add3A_1058] : memref<40x128xf32, #tpu.memory_space<vmem>>[vector<16xi32>, vector<16xi32>], vector<16xf32>,
      %swap3A_1069 = arith.index_cast %add3A_1062 : i32 to index
      %swap3A_1070 = arith.constant 0 : index
      %swap3A_1071 = tpu.vector_load %arg10[%swap3A_1069, %swap3A_1070] {strides = array<i32>} : memref<128x40xf32, #tpu.memory_space<vmem>>, vector<16xf32>,
      tpu.vector_store %arg10[%swap3A_1069, %swap3A_1070], %gather3A_1068 {strides = array<i32>} : memref<128x40xf32, #tpu.memory_space<vmem>>, vector<16xf32>,
      %add3A_1072 = arith.constant 16 : i32
      %add3A_1073 = vector.broadcast %add3A_1072 : i32 to vector<16xi32>
      %add3A_1074 = arith.addi %iota3A, %add3A_1073 : vector<16xi32>
      %gather3A_1075 = arith.constant 12 : i32
      %gather3A_1076 = arith.constant 0 : i32
      %gather3A_1077 = arith.constant 0 : i32
      %gather3A_1078 = tpu.memref_slice %arg9[%gather3A_1075, %gather3A_1076, %gather3A_1077] : memref<16x40x128xf32, #tpu.memory_space<vmem>> -> memref<1x40x128xf32, #tpu.memory_space<vmem>>
      %gather3A_1079 = tpu.memref_squeeze %gather3A_1078 : memref<1x40x128xf32, #tpu.memory_space<vmem>> -> memref<40x128xf32, #tpu.memory_space<vmem>>
      %gather3A_1080 = tpu.vector_load_idx %gather3A_1079[%add3A_1074, %add3A_1058] : memref<40x128xf32, #tpu.memory_space<vmem>>[vector<16xi32>, vector<16xi32>], vector<16xf32>,
      %swap3A_1081 = arith.index_cast %add3A_1062 : i32 to index
      %swap3A_1082 = arith.constant 16 : index
      %swap3A_1083 = tpu.vector_load %arg10[%swap3A_1081, %swap3A_1082] {strides = array<i32>} : memref<128x40xf32, #tpu.memory_space<vmem>>, vector<16xf32>,
      tpu.vector_store %arg10[%swap3A_1081, %swap3A_1082], %gather3A_1080 {strides = array<i32>} : memref<128x40xf32, #tpu.memory_space<vmem>>, vector<16xf32>,
      %add3A_1084 = arith.constant 24 : i32
      %add3A_1085 = vector.broadcast %add3A_1084 : i32 to vector<16xi32>
      %add3A_1086 = arith.addi %iota3A, %add3A_1085 : vector<16xi32>
      %gather3A_1087 = arith.constant 12 : i32
      %gather3A_1088 = arith.constant 0 : i32
      %gather3A_1089 = arith.constant 0 : i32
      %gather3A_1090 = tpu.memref_slice %arg9[%gather3A_1087, %gather3A_1088, %gather3A_1089] : memref<16x40x128xf32, #tpu.memory_space<vmem>> -> memref<1x40x128xf32, #tpu.memory_space<vmem>>
      %gather3A_1091 = tpu.memref_squeeze %gather3A_1090 : memref<1x40x128xf32, #tpu.memory_space<vmem>> -> memref<40x128xf32, #tpu.memory_space<vmem>>
      %gather3A_1092 = tpu.vector_load_idx %gather3A_1091[%add3A_1086, %add3A_1058] : memref<40x128xf32, #tpu.memory_space<vmem>>[vector<16xi32>, vector<16xi32>], vector<16xf32>,
      %swap3A_1093 = arith.index_cast %add3A_1062 : i32 to index
      %swap3A_1094 = arith.constant 24 : index
      %swap3A_1095 = tpu.vector_load %arg10[%swap3A_1093, %swap3A_1094] {strides = array<i32>} : memref<128x40xf32, #tpu.memory_space<vmem>>, vector<16xf32>,
      tpu.vector_store %arg10[%swap3A_1093, %swap3A_1094], %gather3A_1092 {strides = array<i32>} : memref<128x40xf32, #tpu.memory_space<vmem>>, vector<16xf32>,
      %slice3A_1096 = vector.extract_strided_slice %get3A_16 {offsets = [13], sizes = [1], strides = [1]} : vector<16xi32> to vector<1xi32>
      %squeeze3A_1097 = vector.extract %slice3A_1096[0] : i32 from vector<1xi32>
      %and3A_1098 = arith.constant 127 : i32
      %and3A_1099 = arith.andi %squeeze3A_1097, %and3A_1098 : i32
      %add3A_1100 = vector.broadcast %and3A_1099 : i32 to vector<16xi32>
      %add3A_1101 = arith.addi %broadcast_in_dim3A_3, %add3A_1100 : vector<16xi32>
      %mul3A_1102 = arith.constant 16 : i32
      %mul3A_1103 = arith.muli %scan3A_13, %mul3A_1102 : i32
      %add3A_1104 = arith.constant 13 : i32
      %add3A_1105 = arith.addi %mul3A_1103, %add3A_1104 : i32
      %gather3A_1106 = arith.constant 13 : i32
      %gather3A_1107 = arith.constant 0 : i32
      %gather3A_1108 = arith.constant 0 : i32
      %gather3A_1109 = tpu.memref_slice %arg9[%gather3A_1106, %gather3A_1107, %gather3A_1108] : memref<16x40x128xf32, #tpu.memory_space<vmem>> -> memref<1x40x128xf32, #tpu.memory_space<vmem>>
      %gather3A_1110 = tpu.memref_squeeze %gather3A_1109 : memref<1x40x128xf32, #tpu.memory_space<vmem>> -> memref<40x128xf32, #tpu.memory_space<vmem>>
      %gather3A_1111 = tpu.vector_load_idx %gather3A_1110[%iota3A, %add3A_1101] : memref<40x128xf32, #tpu.memory_space<vmem>>[vector<16xi32>, vector<16xi32>], vector<16xf32>,
      %swap3A_1112 = arith.index_cast %add3A_1105 : i32 to index
      %swap3A_1113 = arith.constant 0 : index
      %swap3A_1114 = tpu.vector_load %arg10[%swap3A_1112, %swap3A_1113] {strides = array<i32>} : memref<128x40xf32, #tpu.memory_space<vmem>>, vector<16xf32>,
      tpu.vector_store %arg10[%swap3A_1112, %swap3A_1113], %gather3A_1111 {strides = array<i32>} : memref<128x40xf32, #tpu.memory_space<vmem>>, vector<16xf32>,
      %add3A_1115 = arith.constant 16 : i32
      %add3A_1116 = vector.broadcast %add3A_1115 : i32 to vector<16xi32>
      %add3A_1117 = arith.addi %iota3A, %add3A_1116 : vector<16xi32>
      %gather3A_1118 = arith.constant 13 : i32
      %gather3A_1119 = arith.constant 0 : i32
      %gather3A_1120 = arith.constant 0 : i32
      %gather3A_1121 = tpu.memref_slice %arg9[%gather3A_1118, %gather3A_1119, %gather3A_1120] : memref<16x40x128xf32, #tpu.memory_space<vmem>> -> memref<1x40x128xf32, #tpu.memory_space<vmem>>
      %gather3A_1122 = tpu.memref_squeeze %gather3A_1121 : memref<1x40x128xf32, #tpu.memory_space<vmem>> -> memref<40x128xf32, #tpu.memory_space<vmem>>
      %gather3A_1123 = tpu.vector_load_idx %gather3A_1122[%add3A_1117, %add3A_1101] : memref<40x128xf32, #tpu.memory_space<vmem>>[vector<16xi32>, vector<16xi32>], vector<16xf32>,
      %swap3A_1124 = arith.index_cast %add3A_1105 : i32 to index
      %swap3A_1125 = arith.constant 16 : index
      %swap3A_1126 = tpu.vector_load %arg10[%swap3A_1124, %swap3A_1125] {strides = array<i32>} : memref<128x40xf32, #tpu.memory_space<vmem>>, vector<16xf32>,
      tpu.vector_store %arg10[%swap3A_1124, %swap3A_1125], %gather3A_1123 {strides = array<i32>} : memref<128x40xf32, #tpu.memory_space<vmem>>, vector<16xf32>,
      %add3A_1127 = arith.constant 24 : i32
      %add3A_1128 = vector.broadcast %add3A_1127 : i32 to vector<16xi32>
      %add3A_1129 = arith.addi %iota3A, %add3A_1128 : vector<16xi32>
      %gather3A_1130 = arith.constant 13 : i32
      %gather3A_1131 = arith.constant 0 : i32
      %gather3A_1132 = arith.constant 0 : i32
      %gather3A_1133 = tpu.memref_slice %arg9[%gather3A_1130, %gather3A_1131, %gather3A_1132] : memref<16x40x128xf32, #tpu.memory_space<vmem>> -> memref<1x40x128xf32, #tpu.memory_space<vmem>>
      %gather3A_1134 = tpu.memref_squeeze %gather3A_1133 : memref<1x40x128xf32, #tpu.memory_space<vmem>> -> memref<40x128xf32, #tpu.memory_space<vmem>>
      %gather3A_1135 = tpu.vector_load_idx %gather3A_1134[%add3A_1129, %add3A_1101] : memref<40x128xf32, #tpu.memory_space<vmem>>[vector<16xi32>, vector<16xi32>], vector<16xf32>,
      %swap3A_1136 = arith.index_cast %add3A_1105 : i32 to index
      %swap3A_1137 = arith.constant 24 : index
      %swap3A_1138 = tpu.vector_load %arg10[%swap3A_1136, %swap3A_1137] {strides = array<i32>} : memref<128x40xf32, #tpu.memory_space<vmem>>, vector<16xf32>,
      tpu.vector_store %arg10[%swap3A_1136, %swap3A_1137], %gather3A_1135 {strides = array<i32>} : memref<128x40xf32, #tpu.memory_space<vmem>>, vector<16xf32>,
      %slice3A_1139 = vector.extract_strided_slice %get3A_16 {offsets = [14], sizes = [1], strides = [1]} : vector<16xi32> to vector<1xi32>
      %squeeze3A_1140 = vector.extract %slice3A_1139[0] : i32 from vector<1xi32>
      %and3A_1141 = arith.constant 127 : i32
      %and3A_1142 = arith.andi %squeeze3A_1140, %and3A_1141 : i32
      %add3A_1143 = vector.broadcast %and3A_1142 : i32 to vector<16xi32>
      %add3A_1144 = arith.addi %broadcast_in_dim3A_3, %add3A_1143 : vector<16xi32>
      %mul3A_1145 = arith.constant 16 : i32
      %mul3A_1146 = arith.muli %scan3A_13, %mul3A_1145 : i32
      %add3A_1147 = arith.constant 14 : i32
      %add3A_1148 = arith.addi %mul3A_1146, %add3A_1147 : i32
      %gather3A_1149 = arith.constant 14 : i32
      %gather3A_1150 = arith.constant 0 : i32
      %gather3A_1151 = arith.constant 0 : i32
      %gather3A_1152 = tpu.memref_slice %arg9[%gather3A_1149, %gather3A_1150, %gather3A_1151] : memref<16x40x128xf32, #tpu.memory_space<vmem>> -> memref<1x40x128xf32, #tpu.memory_space<vmem>>
      %gather3A_1153 = tpu.memref_squeeze %gather3A_1152 : memref<1x40x128xf32, #tpu.memory_space<vmem>> -> memref<40x128xf32, #tpu.memory_space<vmem>>
      %gather3A_1154 = tpu.vector_load_idx %gather3A_1153[%iota3A, %add3A_1144] : memref<40x128xf32, #tpu.memory_space<vmem>>[vector<16xi32>, vector<16xi32>], vector<16xf32>,
      %swap3A_1155 = arith.index_cast %add3A_1148 : i32 to index
      %swap3A_1156 = arith.constant 0 : index
      %swap3A_1157 = tpu.vector_load %arg10[%swap3A_1155, %swap3A_1156] {strides = array<i32>} : memref<128x40xf32, #tpu.memory_space<vmem>>, vector<16xf32>,
      tpu.vector_store %arg10[%swap3A_1155, %swap3A_1156], %gather3A_1154 {strides = array<i32>} : memref<128x40xf32, #tpu.memory_space<vmem>>, vector<16xf32>,
      %add3A_1158 = arith.constant 16 : i32
      %add3A_1159 = vector.broadcast %add3A_1158 : i32 to vector<16xi32>
      %add3A_1160 = arith.addi %iota3A, %add3A_1159 : vector<16xi32>
      %gather3A_1161 = arith.constant 14 : i32
      %gather3A_1162 = arith.constant 0 : i32
      %gather3A_1163 = arith.constant 0 : i32
      %gather3A_1164 = tpu.memref_slice %arg9[%gather3A_1161, %gather3A_1162, %gather3A_1163] : memref<16x40x128xf32, #tpu.memory_space<vmem>> -> memref<1x40x128xf32, #tpu.memory_space<vmem>>
      %gather3A_1165 = tpu.memref_squeeze %gather3A_1164 : memref<1x40x128xf32, #tpu.memory_space<vmem>> -> memref<40x128xf32, #tpu.memory_space<vmem>>
      %gather3A_1166 = tpu.vector_load_idx %gather3A_1165[%add3A_1160, %add3A_1144] : memref<40x128xf32, #tpu.memory_space<vmem>>[vector<16xi32>, vector<16xi32>], vector<16xf32>,
      %swap3A_1167 = arith.index_cast %add3A_1148 : i32 to index
      %swap3A_1168 = arith.constant 16 : index
      %swap3A_1169 = tpu.vector_load %arg10[%swap3A_1167, %swap3A_1168] {strides = array<i32>} : memref<128x40xf32, #tpu.memory_space<vmem>>, vector<16xf32>,
      tpu.vector_store %arg10[%swap3A_1167, %swap3A_1168], %gather3A_1166 {strides = array<i32>} : memref<128x40xf32, #tpu.memory_space<vmem>>, vector<16xf32>,
      %add3A_1170 = arith.constant 24 : i32
      %add3A_1171 = vector.broadcast %add3A_1170 : i32 to vector<16xi32>
      %add3A_1172 = arith.addi %iota3A, %add3A_1171 : vector<16xi32>
      %gather3A_1173 = arith.constant 14 : i32
      %gather3A_1174 = arith.constant 0 : i32
      %gather3A_1175 = arith.constant 0 : i32
      %gather3A_1176 = tpu.memref_slice %arg9[%gather3A_1173, %gather3A_1174, %gather3A_1175] : memref<16x40x128xf32, #tpu.memory_space<vmem>> -> memref<1x40x128xf32, #tpu.memory_space<vmem>>
      %gather3A_1177 = tpu.memref_squeeze %gather3A_1176 : memref<1x40x128xf32, #tpu.memory_space<vmem>> -> memref<40x128xf32, #tpu.memory_space<vmem>>
      %gather3A_1178 = tpu.vector_load_idx %gather3A_1177[%add3A_1172, %add3A_1144] : memref<40x128xf32, #tpu.memory_space<vmem>>[vector<16xi32>, vector<16xi32>], vector<16xf32>,
      %swap3A_1179 = arith.index_cast %add3A_1148 : i32 to index
      %swap3A_1180 = arith.constant 24 : index
      %swap3A_1181 = tpu.vector_load %arg10[%swap3A_1179, %swap3A_1180] {strides = array<i32>} : memref<128x40xf32, #tpu.memory_space<vmem>>, vector<16xf32>,
      tpu.vector_store %arg10[%swap3A_1179, %swap3A_1180], %gather3A_1178 {strides = array<i32>} : memref<128x40xf32, #tpu.memory_space<vmem>>, vector<16xf32>,
      %slice3A_1182 = vector.extract_strided_slice %get3A_16 {offsets = [15], sizes = [1], strides = [1]} : vector<16xi32> to vector<1xi32>
      %squeeze3A_1183 = vector.extract %slice3A_1182[0] : i32 from vector<1xi32>
      %and3A_1184 = arith.constant 127 : i32
      %and3A_1185 = arith.andi %squeeze3A_1183, %and3A_1184 : i32
      %add3A_1186 = vector.broadcast %and3A_1185 : i32 to vector<16xi32>
      %add3A_1187 = arith.addi %broadcast_in_dim3A_3, %add3A_1186 : vector<16xi32>
      %mul3A_1188 = arith.constant 16 : i32
      %mul3A_1189 = arith.muli %scan3A_13, %mul3A_1188 : i32
      %add3A_1190 = arith.constant 15 : i32
      %add3A_1191 = arith.addi %mul3A_1189, %add3A_1190 : i32
      %gather3A_1192 = arith.constant 15 : i32
      %gather3A_1193 = arith.constant 0 : i32
      %gather3A_1194 = arith.constant 0 : i32
      %gather3A_1195 = tpu.memref_slice %arg9[%gather3A_1192, %gather3A_1193, %gather3A_1194] : memref<16x40x128xf32, #tpu.memory_space<vmem>> -> memref<1x40x128xf32, #tpu.memory_space<vmem>>
      %gather3A_1196 = tpu.memref_squeeze %gather3A_1195 : memref<1x40x128xf32, #tpu.memory_space<vmem>> -> memref<40x128xf32, #tpu.memory_space<vmem>>
      %gather3A_1197 = tpu.vector_load_idx %gather3A_1196[%iota3A, %add3A_1187] : memref<40x128xf32, #tpu.memory_space<vmem>>[vector<16xi32>, vector<16xi32>], vector<16xf32>,
      %swap3A_1198 = arith.index_cast %add3A_1191 : i32 to index
      %swap3A_1199 = arith.constant 0 : index
      %swap3A_1200 = tpu.vector_load %arg10[%swap3A_1198, %swap3A_1199] {strides = array<i32>} : memref<128x40xf32, #tpu.memory_space<vmem>>, vector<16xf32>,
      tpu.vector_store %arg10[%swap3A_1198, %swap3A_1199], %gather3A_1197 {strides = array<i32>} : memref<128x40xf32, #tpu.memory_space<vmem>>, vector<16xf32>,
      %add3A_1201 = arith.constant 16 : i32
      %add3A_1202 = vector.broadcast %add3A_1201 : i32 to vector<16xi32>
      %add3A_1203 = arith.addi %iota3A, %add3A_1202 : vector<16xi32>
      %gather3A_1204 = arith.constant 15 : i32
      %gather3A_1205 = arith.constant 0 : i32
      %gather3A_1206 = arith.constant 0 : i32
      %gather3A_1207 = tpu.memref_slice %arg9[%gather3A_1204, %gather3A_1205, %gather3A_1206] : memref<16x40x128xf32, #tpu.memory_space<vmem>> -> memref<1x40x128xf32, #tpu.memory_space<vmem>>
      %gather3A_1208 = tpu.memref_squeeze %gather3A_1207 : memref<1x40x128xf32, #tpu.memory_space<vmem>> -> memref<40x128xf32, #tpu.memory_space<vmem>>
      %gather3A_1209 = tpu.vector_load_idx %gather3A_1208[%add3A_1203, %add3A_1187] : memref<40x128xf32, #tpu.memory_space<vmem>>[vector<16xi32>, vector<16xi32>], vector<16xf32>,
      %swap3A_1210 = arith.index_cast %add3A_1191 : i32 to index
      %swap3A_1211 = arith.constant 16 : index
      %swap3A_1212 = tpu.vector_load %arg10[%swap3A_1210, %swap3A_1211] {strides = array<i32>} : memref<128x40xf32, #tpu.memory_space<vmem>>, vector<16xf32>,
      tpu.vector_store %arg10[%swap3A_1210, %swap3A_1211], %gather3A_1209 {strides = array<i32>} : memref<128x40xf32, #tpu.memory_space<vmem>>, vector<16xf32>,
      %add3A_1213 = arith.constant 24 : i32
      %add3A_1214 = vector.broadcast %add3A_1213 : i32 to vector<16xi32>
      %add3A_1215 = arith.addi %iota3A, %add3A_1214 : vector<16xi32>
      %gather3A_1216 = arith.constant 15 : i32
      %gather3A_1217 = arith.constant 0 : i32
      %gather3A_1218 = arith.constant 0 : i32
      %gather3A_1219 = tpu.memref_slice %arg9[%gather3A_1216, %gather3A_1217, %gather3A_1218] : memref<16x40x128xf32, #tpu.memory_space<vmem>> -> memref<1x40x128xf32, #tpu.memory_space<vmem>>
      %gather3A_1220 = tpu.memref_squeeze %gather3A_1219 : memref<1x40x128xf32, #tpu.memory_space<vmem>> -> memref<40x128xf32, #tpu.memory_space<vmem>>
      %gather3A_1221 = tpu.vector_load_idx %gather3A_1220[%add3A_1215, %add3A_1187] : memref<40x128xf32, #tpu.memory_space<vmem>>[vector<16xi32>, vector<16xi32>], vector<16xf32>,
      %swap3A_1222 = arith.index_cast %add3A_1191 : i32 to index
      %swap3A_1223 = arith.constant 24 : index
      %swap3A_1224 = tpu.vector_load %arg10[%swap3A_1222, %swap3A_1223] {strides = array<i32>} : memref<128x40xf32, #tpu.memory_space<vmem>>, vector<16xf32>,
      tpu.vector_store %arg10[%swap3A_1222, %swap3A_1223], %gather3A_1221 {strides = array<i32>} : memref<128x40xf32, #tpu.memory_space<vmem>>, vector<16xf32>,
    }
    %scan3A_7 = arith.constant 8 : i32
    "tpu.region"() ({
      %run_scoped3A = tpu.sem_alloc : memref<!tpu.dma_semaphore, #tpu.memory_space<semaphore_mem>>
      %dma_start3A = arith.constant 0 : i32
      %dma_start3A_13 = tpu.memref_slice %arg6[%mul3A_2, %dma_start3A] : memref<4096x40xf32, #tpu.memory_space<hbm>> -> memref<128x40xf32, #tpu.memory_space<hbm>>
      %dma_start3A_14 = arith.constant 0 : i32
      %dma_start3A_15 = tpu.memref_slice %arg6[%mul3A_2, %dma_start3A_14] : memref<4096x40xf32, #tpu.memory_space<hbm>> -> memref<128x40xf32, #tpu.memory_space<hbm>>
      tpu.enqueue_dma source(%arg10 : memref<128x40xf32, #tpu.memory_space<vmem>>) target(%dma_start3A_15 : memref<128x40xf32, #tpu.memory_space<hbm>>) target_semaphore(%run_scoped3A : memref<!tpu.dma_semaphore, #tpu.memory_space<semaphore_mem>>)
      %dma_wait3A = arith.constant 0 : i32
      %dma_wait3A_16 = tpu.memref_slice %arg6[%mul3A_2, %dma_wait3A] : memref<4096x40xf32, #tpu.memory_space<hbm>> -> memref<128x40xf32, #tpu.memory_space<hbm>>
      %dma_wait3A_17 = arith.constant 0 : i32
      %dma_wait3A_18 = tpu.memref_slice %arg6[%mul3A_2, %dma_wait3A_17] : memref<4096x40xf32, #tpu.memory_space<hbm>> -> memref<128x40xf32, #tpu.memory_space<hbm>>
      tpu.wait_dma2 semaphore(%run_scoped3A : memref<!tpu.dma_semaphore, #tpu.memory_space<semaphore_mem>>) src(%arg10 : memref<128x40xf32, #tpu.memory_space<vmem>>) dst(%dma_wait3A_18 : memref<128x40xf32, #tpu.memory_space<hbm>>)
      tpu.yield
    }) : () -> ()
    "tpu.region"() ({
      %run_scoped3A = tpu.sem_alloc : memref<!tpu.dma_semaphore, #tpu.memory_space<semaphore_mem>>
      %dma_start3A = tpu.memref_slice %arg3[%mul3A_2] : memref<4096xi32, #tpu.memory_space<hbm>> -> memref<128xi32, #tpu.memory_space<hbm>>
      %dma_start3A_13 = tpu.memref_slice %arg3[%mul3A_2] : memref<4096xi32, #tpu.memory_space<hbm>> -> memref<128xi32, #tpu.memory_space<hbm>>
      tpu.enqueue_dma source(%dma_start3A_13 : memref<128xi32, #tpu.memory_space<hbm>>) target(%arg8 : memref<128xi32, #tpu.memory_space<vmem>>) target_semaphore(%run_scoped3A : memref<!tpu.dma_semaphore, #tpu.memory_space<semaphore_mem>>)
      %dma_wait3A = tpu.memref_slice %arg3[%mul3A_2] : memref<4096xi32, #tpu.memory_space<hbm>> -> memref<128xi32, #tpu.memory_space<hbm>>
      %dma_wait3A_14 = tpu.memref_slice %arg3[%mul3A_2] : memref<4096xi32, #tpu.memory_space<hbm>> -> memref<128xi32, #tpu.memory_space<hbm>>
      tpu.wait_dma2 semaphore(%run_scoped3A : memref<!tpu.dma_semaphore, #tpu.memory_space<semaphore_mem>>) src(%dma_wait3A_14 : memref<128xi32, #tpu.memory_space<hbm>>) dst(%arg8 : memref<128xi32, #tpu.memory_space<vmem>>)
      tpu.yield
    }) : () -> ()
    %scan3A_8 = arith.constant 0 : i32
    %scan3A_9 = arith.constant 8 : i32
    %scan3A_10 = arith.addi %scan3A_8, %scan3A_9 : i32
    %scan3A_11 = arith.constant 1 : i32
    scf.for %scan3A_13 = %scan3A_8 to %scan3A_10 step %scan3A_11  : i32 {
      %mul3A_14 = arith.constant 16 : i32
      %mul3A_15 = arith.muli %scan3A_13, %mul3A_14 : i32
      %multiple_of3A = tpu.assume_multiple %mul3A_15, 16 : i32
      %get3A = arith.index_cast %multiple_of3A : i32 to index
      %get3A_16 = tpu.vector_load %arg8[%get3A] {strides = array<i32>} : memref<128xi32, #tpu.memory_space<vmem>>, vector<16xi32>,
      %slice3A = vector.extract_strided_slice %get3A_16 {offsets = [0], sizes = [1], strides = [1]} : vector<16xi32> to vector<1xi32>
      %squeeze3A = vector.extract %slice3A[0] : i32 from vector<1xi32>
      %shift_right_arithmetic3A = arith.constant 7 : i32
      %shift_right_arithmetic3A_17 = arith.shrsi %squeeze3A, %shift_right_arithmetic3A : i32
      %mul3A_18 = arith.constant 128 : i32
      %mul3A_19 = arith.muli %shift_right_arithmetic3A_17, %mul3A_18 : i32
      %multiple_of3A_20 = tpu.assume_multiple %mul3A_19, 128 : i32
      %dma_start3A = arith.constant 0 : i32
      %dma_start3A_21 = arith.constant 0 : i32
      %dma_start3A_22 = arith.constant 0 : i32
      %dma_start3A_23 = tpu.memref_slice %arg9[%dma_start3A, %dma_start3A_21, %dma_start3A_22] : memref<16x40x128xf32, #tpu.memory_space<vmem>> -> memref<1x40x128xf32, #tpu.memory_space<vmem>>
      %dma_start3A_24 = tpu.memref_squeeze %dma_start3A_23 : memref<1x40x128xf32, #tpu.memory_space<vmem>> -> memref<40x128xf32, #tpu.memory_space<vmem>>
      %dma_start3A_25 = arith.constant 0 : i32
      %dma_start3A_26 = tpu.memref_slice %arg5[%dma_start3A_25, %multiple_of3A_20] : memref<40x1000000xf32, #tpu.memory_space<hbm>> -> memref<40x128xf32, #tpu.memory_space<hbm>>
      %dma_start3A_27 = arith.constant 0 : i32
      %dma_start3A_28 = arith.constant 0 : i32
      %dma_start3A_29 = tpu.memref_slice %arg9[%dma_start3A, %dma_start3A_27, %dma_start3A_28] : memref<16x40x128xf32, #tpu.memory_space<vmem>> -> memref<1x40x128xf32, #tpu.memory_space<vmem>>
      %dma_start3A_30 = tpu.memref_squeeze %dma_start3A_29 : memref<1x40x128xf32, #tpu.memory_space<vmem>> -> memref<40x128xf32, #tpu.memory_space<vmem>>
      %dma_start3A_31 = arith.constant 0 : i32
      %dma_start3A_32 = tpu.memref_slice %arg5[%dma_start3A_31, %multiple_of3A_20] : memref<40x1000000xf32, #tpu.memory_space<hbm>> -> memref<40x128xf32, #tpu.memory_space<hbm>>
      tpu.enqueue_dma source(%dma_start3A_32 : memref<40x128xf32, #tpu.memory_space<hbm>>) target(%dma_start3A_30 : memref<40x128xf32, #tpu.memory_space<vmem>>) target_semaphore(%arg11 : memref<!tpu.dma_semaphore, #tpu.memory_space<semaphore_mem>>)
      %slice3A_33 = vector.extract_strided_slice %get3A_16 {offsets = [1], sizes = [1], strides = [1]} : vector<16xi32> to vector<1xi32>
      %squeeze3A_34 = vector.extract %slice3A_33[0] : i32 from vector<1xi32>
      %shift_right_arithmetic3A_35 = arith.constant 7 : i32
      %shift_right_arithmetic3A_36 = arith.shrsi %squeeze3A_34, %shift_right_arithmetic3A_35 : i32
      %mul3A_37 = arith.constant 128 : i32
      %mul3A_38 = arith.muli %shift_right_arithmetic3A_36, %mul3A_37 : i32
      %multiple_of3A_39 = tpu.assume_multiple %mul3A_38, 128 : i32
      %dma_start3A_40 = arith.constant 1 : i32
      %dma_start3A_41 = arith.constant 0 : i32
      %dma_start3A_42 = arith.constant 0 : i32
      %dma_start3A_43 = tpu.memref_slice %arg9[%dma_start3A_40, %dma_start3A_41, %dma_start3A_42] : memref<16x40x128xf32, #tpu.memory_space<vmem>> -> memref<1x40x128xf32, #tpu.memory_space<vmem>>
      %dma_start3A_44 = tpu.memref_squeeze %dma_start3A_43 : memref<1x40x128xf32, #tpu.memory_space<vmem>> -> memref<40x128xf32, #tpu.memory_space<vmem>>
      %dma_start3A_45 = arith.constant 0 : i32
      %dma_start3A_46 = tpu.memref_slice %arg5[%dma_start3A_45, %multiple_of3A_39] : memref<40x1000000xf32, #tpu.memory_space<hbm>> -> memref<40x128xf32, #tpu.memory_space<hbm>>
      %dma_start3A_47 = arith.constant 0 : i32
      %dma_start3A_48 = arith.constant 0 : i32
      %dma_start3A_49 = tpu.memref_slice %arg9[%dma_start3A_40, %dma_start3A_47, %dma_start3A_48] : memref<16x40x128xf32, #tpu.memory_space<vmem>> -> memref<1x40x128xf32, #tpu.memory_space<vmem>>
      %dma_start3A_50 = tpu.memref_squeeze %dma_start3A_49 : memref<1x40x128xf32, #tpu.memory_space<vmem>> -> memref<40x128xf32, #tpu.memory_space<vmem>>
      %dma_start3A_51 = arith.constant 0 : i32
      %dma_start3A_52 = tpu.memref_slice %arg5[%dma_start3A_51, %multiple_of3A_39] : memref<40x1000000xf32, #tpu.memory_space<hbm>> -> memref<40x128xf32, #tpu.memory_space<hbm>>
      tpu.enqueue_dma source(%dma_start3A_52 : memref<40x128xf32, #tpu.memory_space<hbm>>) target(%dma_start3A_50 : memref<40x128xf32, #tpu.memory_space<vmem>>) target_semaphore(%arg11 : memref<!tpu.dma_semaphore, #tpu.memory_space<semaphore_mem>>)
      %slice3A_53 = vector.extract_strided_slice %get3A_16 {offsets = [2], sizes = [1], strides = [1]} : vector<16xi32> to vector<1xi32>
      %squeeze3A_54 = vector.extract %slice3A_53[0] : i32 from vector<1xi32>
      %shift_right_arithmetic3A_55 = arith.constant 7 : i32
      %shift_right_arithmetic3A_56 = arith.shrsi %squeeze3A_54, %shift_right_arithmetic3A_55 : i32
      %mul3A_57 = arith.constant 128 : i32
      %mul3A_58 = arith.muli %shift_right_arithmetic3A_56, %mul3A_57 : i32
      %multiple_of3A_59 = tpu.assume_multiple %mul3A_58, 128 : i32
      %dma_start3A_60 = arith.constant 2 : i32
      %dma_start3A_61 = arith.constant 0 : i32
      %dma_start3A_62 = arith.constant 0 : i32
      %dma_start3A_63 = tpu.memref_slice %arg9[%dma_start3A_60, %dma_start3A_61, %dma_start3A_62] : memref<16x40x128xf32, #tpu.memory_space<vmem>> -> memref<1x40x128xf32, #tpu.memory_space<vmem>>
      %dma_start3A_64 = tpu.memref_squeeze %dma_start3A_63 : memref<1x40x128xf32, #tpu.memory_space<vmem>> -> memref<40x128xf32, #tpu.memory_space<vmem>>
      %dma_start3A_65 = arith.constant 0 : i32
      %dma_start3A_66 = tpu.memref_slice %arg5[%dma_start3A_65, %multiple_of3A_59] : memref<40x1000000xf32, #tpu.memory_space<hbm>> -> memref<40x128xf32, #tpu.memory_space<hbm>>
      %dma_start3A_67 = arith.constant 0 : i32
      %dma_start3A_68 = arith.constant 0 : i32
      %dma_start3A_69 = tpu.memref_slice %arg9[%dma_start3A_60, %dma_start3A_67, %dma_start3A_68] : memref<16x40x128xf32, #tpu.memory_space<vmem>> -> memref<1x40x128xf32, #tpu.memory_space<vmem>>
      %dma_start3A_70 = tpu.memref_squeeze %dma_start3A_69 : memref<1x40x128xf32, #tpu.memory_space<vmem>> -> memref<40x128xf32, #tpu.memory_space<vmem>>
      %dma_start3A_71 = arith.constant 0 : i32
      %dma_start3A_72 = tpu.memref_slice %arg5[%dma_start3A_71, %multiple_of3A_59] : memref<40x1000000xf32, #tpu.memory_space<hbm>> -> memref<40x128xf32, #tpu.memory_space<hbm>>
      tpu.enqueue_dma source(%dma_start3A_72 : memref<40x128xf32, #tpu.memory_space<hbm>>) target(%dma_start3A_70 : memref<40x128xf32, #tpu.memory_space<vmem>>) target_semaphore(%arg11 : memref<!tpu.dma_semaphore, #tpu.memory_space<semaphore_mem>>)
      %slice3A_73 = vector.extract_strided_slice %get3A_16 {offsets = [3], sizes = [1], strides = [1]} : vector<16xi32> to vector<1xi32>
      %squeeze3A_74 = vector.extract %slice3A_73[0] : i32 from vector<1xi32>
      %shift_right_arithmetic3A_75 = arith.constant 7 : i32
      %shift_right_arithmetic3A_76 = arith.shrsi %squeeze3A_74, %shift_right_arithmetic3A_75 : i32
      %mul3A_77 = arith.constant 128 : i32
      %mul3A_78 = arith.muli %shift_right_arithmetic3A_76, %mul3A_77 : i32
      %multiple_of3A_79 = tpu.assume_multiple %mul3A_78, 128 : i32
      %dma_start3A_80 = arith.constant 3 : i32
      %dma_start3A_81 = arith.constant 0 : i32
      %dma_start3A_82 = arith.constant 0 : i32
      %dma_start3A_83 = tpu.memref_slice %arg9[%dma_start3A_80, %dma_start3A_81, %dma_start3A_82] : memref<16x40x128xf32, #tpu.memory_space<vmem>> -> memref<1x40x128xf32, #tpu.memory_space<vmem>>
      %dma_start3A_84 = tpu.memref_squeeze %dma_start3A_83 : memref<1x40x128xf32, #tpu.memory_space<vmem>> -> memref<40x128xf32, #tpu.memory_space<vmem>>
      %dma_start3A_85 = arith.constant 0 : i32
      %dma_start3A_86 = tpu.memref_slice %arg5[%dma_start3A_85, %multiple_of3A_79] : memref<40x1000000xf32, #tpu.memory_space<hbm>> -> memref<40x128xf32, #tpu.memory_space<hbm>>
      %dma_start3A_87 = arith.constant 0 : i32
      %dma_start3A_88 = arith.constant 0 : i32
      %dma_start3A_89 = tpu.memref_slice %arg9[%dma_start3A_80, %dma_start3A_87, %dma_start3A_88] : memref<16x40x128xf32, #tpu.memory_space<vmem>> -> memref<1x40x128xf32, #tpu.memory_space<vmem>>
      %dma_start3A_90 = tpu.memref_squeeze %dma_start3A_89 : memref<1x40x128xf32, #tpu.memory_space<vmem>> -> memref<40x128xf32, #tpu.memory_space<vmem>>
      %dma_start3A_91 = arith.constant 0 : i32
      %dma_start3A_92 = tpu.memref_slice %arg5[%dma_start3A_91, %multiple_of3A_79] : memref<40x1000000xf32, #tpu.memory_space<hbm>> -> memref<40x128xf32, #tpu.memory_space<hbm>>
      tpu.enqueue_dma source(%dma_start3A_92 : memref<40x128xf32, #tpu.memory_space<hbm>>) target(%dma_start3A_90 : memref<40x128xf32, #tpu.memory_space<vmem>>) target_semaphore(%arg11 : memref<!tpu.dma_semaphore, #tpu.memory_space<semaphore_mem>>)
      %slice3A_93 = vector.extract_strided_slice %get3A_16 {offsets = [4], sizes = [1], strides = [1]} : vector<16xi32> to vector<1xi32>
      %squeeze3A_94 = vector.extract %slice3A_93[0] : i32 from vector<1xi32>
      %shift_right_arithmetic3A_95 = arith.constant 7 : i32
      %shift_right_arithmetic3A_96 = arith.shrsi %squeeze3A_94, %shift_right_arithmetic3A_95 : i32
      %mul3A_97 = arith.constant 128 : i32
      %mul3A_98 = arith.muli %shift_right_arithmetic3A_96, %mul3A_97 : i32
      %multiple_of3A_99 = tpu.assume_multiple %mul3A_98, 128 : i32
      %dma_start3A_100 = arith.constant 4 : i32
      %dma_start3A_101 = arith.constant 0 : i32
      %dma_start3A_102 = arith.constant 0 : i32
      %dma_start3A_103 = tpu.memref_slice %arg9[%dma_start3A_100, %dma_start3A_101, %dma_start3A_102] : memref<16x40x128xf32, #tpu.memory_space<vmem>> -> memref<1x40x128xf32, #tpu.memory_space<vmem>>
      %dma_start3A_104 = tpu.memref_squeeze %dma_start3A_103 : memref<1x40x128xf32, #tpu.memory_space<vmem>> -> memref<40x128xf32, #tpu.memory_space<vmem>>
      %dma_start3A_105 = arith.constant 0 : i32
      %dma_start3A_106 = tpu.memref_slice %arg5[%dma_start3A_105, %multiple_of3A_99] : memref<40x1000000xf32, #tpu.memory_space<hbm>> -> memref<40x128xf32, #tpu.memory_space<hbm>>
      %dma_start3A_107 = arith.constant 0 : i32
      %dma_start3A_108 = arith.constant 0 : i32
      %dma_start3A_109 = tpu.memref_slice %arg9[%dma_start3A_100, %dma_start3A_107, %dma_start3A_108] : memref<16x40x128xf32, #tpu.memory_space<vmem>> -> memref<1x40x128xf32, #tpu.memory_space<vmem>>
      %dma_start3A_110 = tpu.memref_squeeze %dma_start3A_109 : memref<1x40x128xf32, #tpu.memory_space<vmem>> -> memref<40x128xf32, #tpu.memory_space<vmem>>
      %dma_start3A_111 = arith.constant 0 : i32
      %dma_start3A_112 = tpu.memref_slice %arg5[%dma_start3A_111, %multiple_of3A_99] : memref<40x1000000xf32, #tpu.memory_space<hbm>> -> memref<40x128xf32, #tpu.memory_space<hbm>>
      tpu.enqueue_dma source(%dma_start3A_112 : memref<40x128xf32, #tpu.memory_space<hbm>>) target(%dma_start3A_110 : memref<40x128xf32, #tpu.memory_space<vmem>>) target_semaphore(%arg11 : memref<!tpu.dma_semaphore, #tpu.memory_space<semaphore_mem>>)
      %slice3A_113 = vector.extract_strided_slice %get3A_16 {offsets = [5], sizes = [1], strides = [1]} : vector<16xi32> to vector<1xi32>
      %squeeze3A_114 = vector.extract %slice3A_113[0] : i32 from vector<1xi32>
      %shift_right_arithmetic3A_115 = arith.constant 7 : i32
      %shift_right_arithmetic3A_116 = arith.shrsi %squeeze3A_114, %shift_right_arithmetic3A_115 : i32
      %mul3A_117 = arith.constant 128 : i32
      %mul3A_118 = arith.muli %shift_right_arithmetic3A_116, %mul3A_117 : i32
      %multiple_of3A_119 = tpu.assume_multiple %mul3A_118, 128 : i32
      %dma_start3A_120 = arith.constant 5 : i32
      %dma_start3A_121 = arith.constant 0 : i32
      %dma_start3A_122 = arith.constant 0 : i32
      %dma_start3A_123 = tpu.memref_slice %arg9[%dma_start3A_120, %dma_start3A_121, %dma_start3A_122] : memref<16x40x128xf32, #tpu.memory_space<vmem>> -> memref<1x40x128xf32, #tpu.memory_space<vmem>>
      %dma_start3A_124 = tpu.memref_squeeze %dma_start3A_123 : memref<1x40x128xf32, #tpu.memory_space<vmem>> -> memref<40x128xf32, #tpu.memory_space<vmem>>
      %dma_start3A_125 = arith.constant 0 : i32
      %dma_start3A_126 = tpu.memref_slice %arg5[%dma_start3A_125, %multiple_of3A_119] : memref<40x1000000xf32, #tpu.memory_space<hbm>> -> memref<40x128xf32, #tpu.memory_space<hbm>>
      %dma_start3A_127 = arith.constant 0 : i32
      %dma_start3A_128 = arith.constant 0 : i32
      %dma_start3A_129 = tpu.memref_slice %arg9[%dma_start3A_120, %dma_start3A_127, %dma_start3A_128] : memref<16x40x128xf32, #tpu.memory_space<vmem>> -> memref<1x40x128xf32, #tpu.memory_space<vmem>>
      %dma_start3A_130 = tpu.memref_squeeze %dma_start3A_129 : memref<1x40x128xf32, #tpu.memory_space<vmem>> -> memref<40x128xf32, #tpu.memory_space<vmem>>
      %dma_start3A_131 = arith.constant 0 : i32
      %dma_start3A_132 = tpu.memref_slice %arg5[%dma_start3A_131, %multiple_of3A_119] : memref<40x1000000xf32, #tpu.memory_space<hbm>> -> memref<40x128xf32, #tpu.memory_space<hbm>>
      tpu.enqueue_dma source(%dma_start3A_132 : memref<40x128xf32, #tpu.memory_space<hbm>>) target(%dma_start3A_130 : memref<40x128xf32, #tpu.memory_space<vmem>>) target_semaphore(%arg11 : memref<!tpu.dma_semaphore, #tpu.memory_space<semaphore_mem>>)
      %slice3A_133 = vector.extract_strided_slice %get3A_16 {offsets = [6], sizes = [1], strides = [1]} : vector<16xi32> to vector<1xi32>
      %squeeze3A_134 = vector.extract %slice3A_133[0] : i32 from vector<1xi32>
      %shift_right_arithmetic3A_135 = arith.constant 7 : i32
      %shift_right_arithmetic3A_136 = arith.shrsi %squeeze3A_134, %shift_right_arithmetic3A_135 : i32
      %mul3A_137 = arith.constant 128 : i32
      %mul3A_138 = arith.muli %shift_right_arithmetic3A_136, %mul3A_137 : i32
      %multiple_of3A_139 = tpu.assume_multiple %mul3A_138, 128 : i32
      %dma_start3A_140 = arith.constant 6 : i32
      %dma_start3A_141 = arith.constant 0 : i32
      %dma_start3A_142 = arith.constant 0 : i32
      %dma_start3A_143 = tpu.memref_slice %arg9[%dma_start3A_140, %dma_start3A_141, %dma_start3A_142] : memref<16x40x128xf32, #tpu.memory_space<vmem>> -> memref<1x40x128xf32, #tpu.memory_space<vmem>>
      %dma_start3A_144 = tpu.memref_squeeze %dma_start3A_143 : memref<1x40x128xf32, #tpu.memory_space<vmem>> -> memref<40x128xf32, #tpu.memory_space<vmem>>
      %dma_start3A_145 = arith.constant 0 : i32
      %dma_start3A_146 = tpu.memref_slice %arg5[%dma_start3A_145, %multiple_of3A_139] : memref<40x1000000xf32, #tpu.memory_space<hbm>> -> memref<40x128xf32, #tpu.memory_space<hbm>>
      %dma_start3A_147 = arith.constant 0 : i32
      %dma_start3A_148 = arith.constant 0 : i32
      %dma_start3A_149 = tpu.memref_slice %arg9[%dma_start3A_140, %dma_start3A_147, %dma_start3A_148] : memref<16x40x128xf32, #tpu.memory_space<vmem>> -> memref<1x40x128xf32, #tpu.memory_space<vmem>>
      %dma_start3A_150 = tpu.memref_squeeze %dma_start3A_149 : memref<1x40x128xf32, #tpu.memory_space<vmem>> -> memref<40x128xf32, #tpu.memory_space<vmem>>
      %dma_start3A_151 = arith.constant 0 : i32
      %dma_start3A_152 = tpu.memref_slice %arg5[%dma_start3A_151, %multiple_of3A_139] : memref<40x1000000xf32, #tpu.memory_space<hbm>> -> memref<40x128xf32, #tpu.memory_space<hbm>>
      tpu.enqueue_dma source(%dma_start3A_152 : memref<40x128xf32, #tpu.memory_space<hbm>>) target(%dma_start3A_150 : memref<40x128xf32, #tpu.memory_space<vmem>>) target_semaphore(%arg11 : memref<!tpu.dma_semaphore, #tpu.memory_space<semaphore_mem>>)
      %slice3A_153 = vector.extract_strided_slice %get3A_16 {offsets = [7], sizes = [1], strides = [1]} : vector<16xi32> to vector<1xi32>
      %squeeze3A_154 = vector.extract %slice3A_153[0] : i32 from vector<1xi32>
      %shift_right_arithmetic3A_155 = arith.constant 7 : i32
      %shift_right_arithmetic3A_156 = arith.shrsi %squeeze3A_154, %shift_right_arithmetic3A_155 : i32
      %mul3A_157 = arith.constant 128 : i32
      %mul3A_158 = arith.muli %shift_right_arithmetic3A_156, %mul3A_157 : i32
      %multiple_of3A_159 = tpu.assume_multiple %mul3A_158, 128 : i32
      %dma_start3A_160 = arith.constant 7 : i32
      %dma_start3A_161 = arith.constant 0 : i32
      %dma_start3A_162 = arith.constant 0 : i32
      %dma_start3A_163 = tpu.memref_slice %arg9[%dma_start3A_160, %dma_start3A_161, %dma_start3A_162] : memref<16x40x128xf32, #tpu.memory_space<vmem>> -> memref<1x40x128xf32, #tpu.memory_space<vmem>>
      %dma_start3A_164 = tpu.memref_squeeze %dma_start3A_163 : memref<1x40x128xf32, #tpu.memory_space<vmem>> -> memref<40x128xf32, #tpu.memory_space<vmem>>
      %dma_start3A_165 = arith.constant 0 : i32
      %dma_start3A_166 = tpu.memref_slice %arg5[%dma_start3A_165, %multiple_of3A_159] : memref<40x1000000xf32, #tpu.memory_space<hbm>> -> memref<40x128xf32, #tpu.memory_space<hbm>>
      %dma_start3A_167 = arith.constant 0 : i32
      %dma_start3A_168 = arith.constant 0 : i32
      %dma_start3A_169 = tpu.memref_slice %arg9[%dma_start3A_160, %dma_start3A_167, %dma_start3A_168] : memref<16x40x128xf32, #tpu.memory_space<vmem>> -> memref<1x40x128xf32, #tpu.memory_space<vmem>>
      %dma_start3A_170 = tpu.memref_squeeze %dma_start3A_169 : memref<1x40x128xf32, #tpu.memory_space<vmem>> -> memref<40x128xf32, #tpu.memory_space<vmem>>
      %dma_start3A_171 = arith.constant 0 : i32
      %dma_start3A_172 = tpu.memref_slice %arg5[%dma_start3A_171, %multiple_of3A_159] : memref<40x1000000xf32, #tpu.memory_space<hbm>> -> memref<40x128xf32, #tpu.memory_space<hbm>>
      tpu.enqueue_dma source(%dma_start3A_172 : memref<40x128xf32, #tpu.memory_space<hbm>>) target(%dma_start3A_170 : memref<40x128xf32, #tpu.memory_space<vmem>>) target_semaphore(%arg11 : memref<!tpu.dma_semaphore, #tpu.memory_space<semaphore_mem>>)
      %slice3A_173 = vector.extract_strided_slice %get3A_16 {offsets = [8], sizes = [1], strides = [1]} : vector<16xi32> to vector<1xi32>
      %squeeze3A_174 = vector.extract %slice3A_173[0] : i32 from vector<1xi32>
      %shift_right_arithmetic3A_175 = arith.constant 7 : i32
      %shift_right_arithmetic3A_176 = arith.shrsi %squeeze3A_174, %shift_right_arithmetic3A_175 : i32
      %mul3A_177 = arith.constant 128 : i32
      %mul3A_178 = arith.muli %shift_right_arithmetic3A_176, %mul3A_177 : i32
      %multiple_of3A_179 = tpu.assume_multiple %mul3A_178, 128 : i32
      %dma_start3A_180 = arith.constant 8 : i32
      %dma_start3A_181 = arith.constant 0 : i32
      %dma_start3A_182 = arith.constant 0 : i32
      %dma_start3A_183 = tpu.memref_slice %arg9[%dma_start3A_180, %dma_start3A_181, %dma_start3A_182] : memref<16x40x128xf32, #tpu.memory_space<vmem>> -> memref<1x40x128xf32, #tpu.memory_space<vmem>>
      %dma_start3A_184 = tpu.memref_squeeze %dma_start3A_183 : memref<1x40x128xf32, #tpu.memory_space<vmem>> -> memref<40x128xf32, #tpu.memory_space<vmem>>
      %dma_start3A_185 = arith.constant 0 : i32
      %dma_start3A_186 = tpu.memref_slice %arg5[%dma_start3A_185, %multiple_of3A_179] : memref<40x1000000xf32, #tpu.memory_space<hbm>> -> memref<40x128xf32, #tpu.memory_space<hbm>>
      %dma_start3A_187 = arith.constant 0 : i32
      %dma_start3A_188 = arith.constant 0 : i32
      %dma_start3A_189 = tpu.memref_slice %arg9[%dma_start3A_180, %dma_start3A_187, %dma_start3A_188] : memref<16x40x128xf32, #tpu.memory_space<vmem>> -> memref<1x40x128xf32, #tpu.memory_space<vmem>>
      %dma_start3A_190 = tpu.memref_squeeze %dma_start3A_189 : memref<1x40x128xf32, #tpu.memory_space<vmem>> -> memref<40x128xf32, #tpu.memory_space<vmem>>
      %dma_start3A_191 = arith.constant 0 : i32
      %dma_start3A_192 = tpu.memref_slice %arg5[%dma_start3A_191, %multiple_of3A_179] : memref<40x1000000xf32, #tpu.memory_space<hbm>> -> memref<40x128xf32, #tpu.memory_space<hbm>>
      tpu.enqueue_dma source(%dma_start3A_192 : memref<40x128xf32, #tpu.memory_space<hbm>>) target(%dma_start3A_190 : memref<40x128xf32, #tpu.memory_space<vmem>>) target_semaphore(%arg11 : memref<!tpu.dma_semaphore, #tpu.memory_space<semaphore_mem>>)
      %slice3A_193 = vector.extract_strided_slice %get3A_16 {offsets = [9], sizes = [1], strides = [1]} : vector<16xi32> to vector<1xi32>
      %squeeze3A_194 = vector.extract %slice3A_193[0] : i32 from vector<1xi32>
      %shift_right_arithmetic3A_195 = arith.constant 7 : i32
      %shift_right_arithmetic3A_196 = arith.shrsi %squeeze3A_194, %shift_right_arithmetic3A_195 : i32
      %mul3A_197 = arith.constant 128 : i32
      %mul3A_198 = arith.muli %shift_right_arithmetic3A_196, %mul3A_197 : i32
      %multiple_of3A_199 = tpu.assume_multiple %mul3A_198, 128 : i32
      %dma_start3A_200 = arith.constant 9 : i32
      %dma_start3A_201 = arith.constant 0 : i32
      %dma_start3A_202 = arith.constant 0 : i32
      %dma_start3A_203 = tpu.memref_slice %arg9[%dma_start3A_200, %dma_start3A_201, %dma_start3A_202] : memref<16x40x128xf32, #tpu.memory_space<vmem>> -> memref<1x40x128xf32, #tpu.memory_space<vmem>>
      %dma_start3A_204 = tpu.memref_squeeze %dma_start3A_203 : memref<1x40x128xf32, #tpu.memory_space<vmem>> -> memref<40x128xf32, #tpu.memory_space<vmem>>
      %dma_start3A_205 = arith.constant 0 : i32
      %dma_start3A_206 = tpu.memref_slice %arg5[%dma_start3A_205, %multiple_of3A_199] : memref<40x1000000xf32, #tpu.memory_space<hbm>> -> memref<40x128xf32, #tpu.memory_space<hbm>>
      %dma_start3A_207 = arith.constant 0 : i32
      %dma_start3A_208 = arith.constant 0 : i32
      %dma_start3A_209 = tpu.memref_slice %arg9[%dma_start3A_200, %dma_start3A_207, %dma_start3A_208] : memref<16x40x128xf32, #tpu.memory_space<vmem>> -> memref<1x40x128xf32, #tpu.memory_space<vmem>>
      %dma_start3A_210 = tpu.memref_squeeze %dma_start3A_209 : memref<1x40x128xf32, #tpu.memory_space<vmem>> -> memref<40x128xf32, #tpu.memory_space<vmem>>
      %dma_start3A_211 = arith.constant 0 : i32
      %dma_start3A_212 = tpu.memref_slice %arg5[%dma_start3A_211, %multiple_of3A_199] : memref<40x1000000xf32, #tpu.memory_space<hbm>> -> memref<40x128xf32, #tpu.memory_space<hbm>>
      tpu.enqueue_dma source(%dma_start3A_212 : memref<40x128xf32, #tpu.memory_space<hbm>>) target(%dma_start3A_210 : memref<40x128xf32, #tpu.memory_space<vmem>>) target_semaphore(%arg11 : memref<!tpu.dma_semaphore, #tpu.memory_space<semaphore_mem>>)
      %slice3A_213 = vector.extract_strided_slice %get3A_16 {offsets = [10], sizes = [1], strides = [1]} : vector<16xi32> to vector<1xi32>
      %squeeze3A_214 = vector.extract %slice3A_213[0] : i32 from vector<1xi32>
      %shift_right_arithmetic3A_215 = arith.constant 7 : i32
      %shift_right_arithmetic3A_216 = arith.shrsi %squeeze3A_214, %shift_right_arithmetic3A_215 : i32
      %mul3A_217 = arith.constant 128 : i32
      %mul3A_218 = arith.muli %shift_right_arithmetic3A_216, %mul3A_217 : i32
      %multiple_of3A_219 = tpu.assume_multiple %mul3A_218, 128 : i32
      %dma_start3A_220 = arith.constant 10 : i32
      %dma_start3A_221 = arith.constant 0 : i32
      %dma_start3A_222 = arith.constant 0 : i32
      %dma_start3A_223 = tpu.memref_slice %arg9[%dma_start3A_220, %dma_start3A_221, %dma_start3A_222] : memref<16x40x128xf32, #tpu.memory_space<vmem>> -> memref<1x40x128xf32, #tpu.memory_space<vmem>>
      %dma_start3A_224 = tpu.memref_squeeze %dma_start3A_223 : memref<1x40x128xf32, #tpu.memory_space<vmem>> -> memref<40x128xf32, #tpu.memory_space<vmem>>
      %dma_start3A_225 = arith.constant 0 : i32
      %dma_start3A_226 = tpu.memref_slice %arg5[%dma_start3A_225, %multiple_of3A_219] : memref<40x1000000xf32, #tpu.memory_space<hbm>> -> memref<40x128xf32, #tpu.memory_space<hbm>>
      %dma_start3A_227 = arith.constant 0 : i32
      %dma_start3A_228 = arith.constant 0 : i32
      %dma_start3A_229 = tpu.memref_slice %arg9[%dma_start3A_220, %dma_start3A_227, %dma_start3A_228] : memref<16x40x128xf32, #tpu.memory_space<vmem>> -> memref<1x40x128xf32, #tpu.memory_space<vmem>>
      %dma_start3A_230 = tpu.memref_squeeze %dma_start3A_229 : memref<1x40x128xf32, #tpu.memory_space<vmem>> -> memref<40x128xf32, #tpu.memory_space<vmem>>
      %dma_start3A_231 = arith.constant 0 : i32
      %dma_start3A_232 = tpu.memref_slice %arg5[%dma_start3A_231, %multiple_of3A_219] : memref<40x1000000xf32, #tpu.memory_space<hbm>> -> memref<40x128xf32, #tpu.memory_space<hbm>>
      tpu.enqueue_dma source(%dma_start3A_232 : memref<40x128xf32, #tpu.memory_space<hbm>>) target(%dma_start3A_230 : memref<40x128xf32, #tpu.memory_space<vmem>>) target_semaphore(%arg11 : memref<!tpu.dma_semaphore, #tpu.memory_space<semaphore_mem>>)
      %slice3A_233 = vector.extract_strided_slice %get3A_16 {offsets = [11], sizes = [1], strides = [1]} : vector<16xi32> to vector<1xi32>
      %squeeze3A_234 = vector.extract %slice3A_233[0] : i32 from vector<1xi32>
      %shift_right_arithmetic3A_235 = arith.constant 7 : i32
      %shift_right_arithmetic3A_236 = arith.shrsi %squeeze3A_234, %shift_right_arithmetic3A_235 : i32
      %mul3A_237 = arith.constant 128 : i32
      %mul3A_238 = arith.muli %shift_right_arithmetic3A_236, %mul3A_237 : i32
      %multiple_of3A_239 = tpu.assume_multiple %mul3A_238, 128 : i32
      %dma_start3A_240 = arith.constant 11 : i32
      %dma_start3A_241 = arith.constant 0 : i32
      %dma_start3A_242 = arith.constant 0 : i32
      %dma_start3A_243 = tpu.memref_slice %arg9[%dma_start3A_240, %dma_start3A_241, %dma_start3A_242] : memref<16x40x128xf32, #tpu.memory_space<vmem>> -> memref<1x40x128xf32, #tpu.memory_space<vmem>>
      %dma_start3A_244 = tpu.memref_squeeze %dma_start3A_243 : memref<1x40x128xf32, #tpu.memory_space<vmem>> -> memref<40x128xf32, #tpu.memory_space<vmem>>
      %dma_start3A_245 = arith.constant 0 : i32
      %dma_start3A_246 = tpu.memref_slice %arg5[%dma_start3A_245, %multiple_of3A_239] : memref<40x1000000xf32, #tpu.memory_space<hbm>> -> memref<40x128xf32, #tpu.memory_space<hbm>>
      %dma_start3A_247 = arith.constant 0 : i32
      %dma_start3A_248 = arith.constant 0 : i32
      %dma_start3A_249 = tpu.memref_slice %arg9[%dma_start3A_240, %dma_start3A_247, %dma_start3A_248] : memref<16x40x128xf32, #tpu.memory_space<vmem>> -> memref<1x40x128xf32, #tpu.memory_space<vmem>>
      %dma_start3A_250 = tpu.memref_squeeze %dma_start3A_249 : memref<1x40x128xf32, #tpu.memory_space<vmem>> -> memref<40x128xf32, #tpu.memory_space<vmem>>
      %dma_start3A_251 = arith.constant 0 : i32
      %dma_start3A_252 = tpu.memref_slice %arg5[%dma_start3A_251, %multiple_of3A_239] : memref<40x1000000xf32, #tpu.memory_space<hbm>> -> memref<40x128xf32, #tpu.memory_space<hbm>>
      tpu.enqueue_dma source(%dma_start3A_252 : memref<40x128xf32, #tpu.memory_space<hbm>>) target(%dma_start3A_250 : memref<40x128xf32, #tpu.memory_space<vmem>>) target_semaphore(%arg11 : memref<!tpu.dma_semaphore, #tpu.memory_space<semaphore_mem>>)
      %slice3A_253 = vector.extract_strided_slice %get3A_16 {offsets = [12], sizes = [1], strides = [1]} : vector<16xi32> to vector<1xi32>
      %squeeze3A_254 = vector.extract %slice3A_253[0] : i32 from vector<1xi32>
      %shift_right_arithmetic3A_255 = arith.constant 7 : i32
      %shift_right_arithmetic3A_256 = arith.shrsi %squeeze3A_254, %shift_right_arithmetic3A_255 : i32
      %mul3A_257 = arith.constant 128 : i32
      %mul3A_258 = arith.muli %shift_right_arithmetic3A_256, %mul3A_257 : i32
      %multiple_of3A_259 = tpu.assume_multiple %mul3A_258, 128 : i32
      %dma_start3A_260 = arith.constant 12 : i32
      %dma_start3A_261 = arith.constant 0 : i32
      %dma_start3A_262 = arith.constant 0 : i32
      %dma_start3A_263 = tpu.memref_slice %arg9[%dma_start3A_260, %dma_start3A_261, %dma_start3A_262] : memref<16x40x128xf32, #tpu.memory_space<vmem>> -> memref<1x40x128xf32, #tpu.memory_space<vmem>>
      %dma_start3A_264 = tpu.memref_squeeze %dma_start3A_263 : memref<1x40x128xf32, #tpu.memory_space<vmem>> -> memref<40x128xf32, #tpu.memory_space<vmem>>
      %dma_start3A_265 = arith.constant 0 : i32
      %dma_start3A_266 = tpu.memref_slice %arg5[%dma_start3A_265, %multiple_of3A_259] : memref<40x1000000xf32, #tpu.memory_space<hbm>> -> memref<40x128xf32, #tpu.memory_space<hbm>>
      %dma_start3A_267 = arith.constant 0 : i32
      %dma_start3A_268 = arith.constant 0 : i32
      %dma_start3A_269 = tpu.memref_slice %arg9[%dma_start3A_260, %dma_start3A_267, %dma_start3A_268] : memref<16x40x128xf32, #tpu.memory_space<vmem>> -> memref<1x40x128xf32, #tpu.memory_space<vmem>>
      %dma_start3A_270 = tpu.memref_squeeze %dma_start3A_269 : memref<1x40x128xf32, #tpu.memory_space<vmem>> -> memref<40x128xf32, #tpu.memory_space<vmem>>
      %dma_start3A_271 = arith.constant 0 : i32
      %dma_start3A_272 = tpu.memref_slice %arg5[%dma_start3A_271, %multiple_of3A_259] : memref<40x1000000xf32, #tpu.memory_space<hbm>> -> memref<40x128xf32, #tpu.memory_space<hbm>>
      tpu.enqueue_dma source(%dma_start3A_272 : memref<40x128xf32, #tpu.memory_space<hbm>>) target(%dma_start3A_270 : memref<40x128xf32, #tpu.memory_space<vmem>>) target_semaphore(%arg11 : memref<!tpu.dma_semaphore, #tpu.memory_space<semaphore_mem>>)
      %slice3A_273 = vector.extract_strided_slice %get3A_16 {offsets = [13], sizes = [1], strides = [1]} : vector<16xi32> to vector<1xi32>
      %squeeze3A_274 = vector.extract %slice3A_273[0] : i32 from vector<1xi32>
      %shift_right_arithmetic3A_275 = arith.constant 7 : i32
      %shift_right_arithmetic3A_276 = arith.shrsi %squeeze3A_274, %shift_right_arithmetic3A_275 : i32
      %mul3A_277 = arith.constant 128 : i32
      %mul3A_278 = arith.muli %shift_right_arithmetic3A_276, %mul3A_277 : i32
      %multiple_of3A_279 = tpu.assume_multiple %mul3A_278, 128 : i32
      %dma_start3A_280 = arith.constant 13 : i32
      %dma_start3A_281 = arith.constant 0 : i32
      %dma_start3A_282 = arith.constant 0 : i32
      %dma_start3A_283 = tpu.memref_slice %arg9[%dma_start3A_280, %dma_start3A_281, %dma_start3A_282] : memref<16x40x128xf32, #tpu.memory_space<vmem>> -> memref<1x40x128xf32, #tpu.memory_space<vmem>>
      %dma_start3A_284 = tpu.memref_squeeze %dma_start3A_283 : memref<1x40x128xf32, #tpu.memory_space<vmem>> -> memref<40x128xf32, #tpu.memory_space<vmem>>
      %dma_start3A_285 = arith.constant 0 : i32
      %dma_start3A_286 = tpu.memref_slice %arg5[%dma_start3A_285, %multiple_of3A_279] : memref<40x1000000xf32, #tpu.memory_space<hbm>> -> memref<40x128xf32, #tpu.memory_space<hbm>>
      %dma_start3A_287 = arith.constant 0 : i32
      %dma_start3A_288 = arith.constant 0 : i32
      %dma_start3A_289 = tpu.memref_slice %arg9[%dma_start3A_280, %dma_start3A_287, %dma_start3A_288] : memref<16x40x128xf32, #tpu.memory_space<vmem>> -> memref<1x40x128xf32, #tpu.memory_space<vmem>>
      %dma_start3A_290 = tpu.memref_squeeze %dma_start3A_289 : memref<1x40x128xf32, #tpu.memory_space<vmem>> -> memref<40x128xf32, #tpu.memory_space<vmem>>
      %dma_start3A_291 = arith.constant 0 : i32
      %dma_start3A_292 = tpu.memref_slice %arg5[%dma_start3A_291, %multiple_of3A_279] : memref<40x1000000xf32, #tpu.memory_space<hbm>> -> memref<40x128xf32, #tpu.memory_space<hbm>>
      tpu.enqueue_dma source(%dma_start3A_292 : memref<40x128xf32, #tpu.memory_space<hbm>>) target(%dma_start3A_290 : memref<40x128xf32, #tpu.memory_space<vmem>>) target_semaphore(%arg11 : memref<!tpu.dma_semaphore, #tpu.memory_space<semaphore_mem>>)
      %slice3A_293 = vector.extract_strided_slice %get3A_16 {offsets = [14], sizes = [1], strides = [1]} : vector<16xi32> to vector<1xi32>
      %squeeze3A_294 = vector.extract %slice3A_293[0] : i32 from vector<1xi32>
      %shift_right_arithmetic3A_295 = arith.constant 7 : i32
      %shift_right_arithmetic3A_296 = arith.shrsi %squeeze3A_294, %shift_right_arithmetic3A_295 : i32
      %mul3A_297 = arith.constant 128 : i32
      %mul3A_298 = arith.muli %shift_right_arithmetic3A_296, %mul3A_297 : i32
      %multiple_of3A_299 = tpu.assume_multiple %mul3A_298, 128 : i32
      %dma_start3A_300 = arith.constant 14 : i32
      %dma_start3A_301 = arith.constant 0 : i32
      %dma_start3A_302 = arith.constant 0 : i32
      %dma_start3A_303 = tpu.memref_slice %arg9[%dma_start3A_300, %dma_start3A_301, %dma_start3A_302] : memref<16x40x128xf32, #tpu.memory_space<vmem>> -> memref<1x40x128xf32, #tpu.memory_space<vmem>>
      %dma_start3A_304 = tpu.memref_squeeze %dma_start3A_303 : memref<1x40x128xf32, #tpu.memory_space<vmem>> -> memref<40x128xf32, #tpu.memory_space<vmem>>
      %dma_start3A_305 = arith.constant 0 : i32
      %dma_start3A_306 = tpu.memref_slice %arg5[%dma_start3A_305, %multiple_of3A_299] : memref<40x1000000xf32, #tpu.memory_space<hbm>> -> memref<40x128xf32, #tpu.memory_space<hbm>>
      %dma_start3A_307 = arith.constant 0 : i32
      %dma_start3A_308 = arith.constant 0 : i32
      %dma_start3A_309 = tpu.memref_slice %arg9[%dma_start3A_300, %dma_start3A_307, %dma_start3A_308] : memref<16x40x128xf32, #tpu.memory_space<vmem>> -> memref<1x40x128xf32, #tpu.memory_space<vmem>>
      %dma_start3A_310 = tpu.memref_squeeze %dma_start3A_309 : memref<1x40x128xf32, #tpu.memory_space<vmem>> -> memref<40x128xf32, #tpu.memory_space<vmem>>
      %dma_start3A_311 = arith.constant 0 : i32
      %dma_start3A_312 = tpu.memref_slice %arg5[%dma_start3A_311, %multiple_of3A_299] : memref<40x1000000xf32, #tpu.memory_space<hbm>> -> memref<40x128xf32, #tpu.memory_space<hbm>>
      tpu.enqueue_dma source(%dma_start3A_312 : memref<40x128xf32, #tpu.memory_space<hbm>>) target(%dma_start3A_310 : memref<40x128xf32, #tpu.memory_space<vmem>>) target_semaphore(%arg11 : memref<!tpu.dma_semaphore, #tpu.memory_space<semaphore_mem>>)
      %slice3A_313 = vector.extract_strided_slice %get3A_16 {offsets = [15], sizes = [1], strides = [1]} : vector<16xi32> to vector<1xi32>
      %squeeze3A_314 = vector.extract %slice3A_313[0] : i32 from vector<1xi32>
      %shift_right_arithmetic3A_315 = arith.constant 7 : i32
      %shift_right_arithmetic3A_316 = arith.shrsi %squeeze3A_314, %shift_right_arithmetic3A_315 : i32
      %mul3A_317 = arith.constant 128 : i32
      %mul3A_318 = arith.muli %shift_right_arithmetic3A_316, %mul3A_317 : i32
      %multiple_of3A_319 = tpu.assume_multiple %mul3A_318, 128 : i32
      %dma_start3A_320 = arith.constant 15 : i32
      %dma_start3A_321 = arith.constant 0 : i32
      %dma_start3A_322 = arith.constant 0 : i32
      %dma_start3A_323 = tpu.memref_slice %arg9[%dma_start3A_320, %dma_start3A_321, %dma_start3A_322] : memref<16x40x128xf32, #tpu.memory_space<vmem>> -> memref<1x40x128xf32, #tpu.memory_space<vmem>>
      %dma_start3A_324 = tpu.memref_squeeze %dma_start3A_323 : memref<1x40x128xf32, #tpu.memory_space<vmem>> -> memref<40x128xf32, #tpu.memory_space<vmem>>
      %dma_start3A_325 = arith.constant 0 : i32
      %dma_start3A_326 = tpu.memref_slice %arg5[%dma_start3A_325, %multiple_of3A_319] : memref<40x1000000xf32, #tpu.memory_space<hbm>> -> memref<40x128xf32, #tpu.memory_space<hbm>>
      %dma_start3A_327 = arith.constant 0 : i32
      %dma_start3A_328 = arith.constant 0 : i32
      %dma_start3A_329 = tpu.memref_slice %arg9[%dma_start3A_320, %dma_start3A_327, %dma_start3A_328] : memref<16x40x128xf32, #tpu.memory_space<vmem>> -> memref<1x40x128xf32, #tpu.memory_space<vmem>>
      %dma_start3A_330 = tpu.memref_squeeze %dma_start3A_329 : memref<1x40x128xf32, #tpu.memory_space<vmem>> -> memref<40x128xf32, #tpu.memory_space<vmem>>
      %dma_start3A_331 = arith.constant 0 : i32
      %dma_start3A_332 = tpu.memref_slice %arg5[%dma_start3A_331, %multiple_of3A_319] : memref<40x1000000xf32, #tpu.memory_space<hbm>> -> memref<40x128xf32, #tpu.memory_space<hbm>>
      tpu.enqueue_dma source(%dma_start3A_332 : memref<40x128xf32, #tpu.memory_space<hbm>>) target(%dma_start3A_330 : memref<40x128xf32, #tpu.memory_space<vmem>>) target_semaphore(%arg11 : memref<!tpu.dma_semaphore, #tpu.memory_space<semaphore_mem>>)
      %dma_wait3A = arith.constant 0 : i32
      %dma_wait3A_333 = arith.constant 0 : i32
      %dma_wait3A_334 = arith.constant 0 : i32
      %dma_wait3A_335 = tpu.memref_slice %arg9[%dma_wait3A, %dma_wait3A_333, %dma_wait3A_334] : memref<16x40x128xf32, #tpu.memory_space<vmem>> -> memref<1x40x128xf32, #tpu.memory_space<vmem>>
      %dma_wait3A_336 = tpu.memref_squeeze %dma_wait3A_335 : memref<1x40x128xf32, #tpu.memory_space<vmem>> -> memref<40x128xf32, #tpu.memory_space<vmem>>
      %dma_wait3A_337 = arith.constant 0 : i32
      %dma_wait3A_338 = tpu.memref_slice %arg5[%dma_wait3A_337, %multiple_of3A_20] : memref<40x1000000xf32, #tpu.memory_space<hbm>> -> memref<40x128xf32, #tpu.memory_space<hbm>>
      %dma_wait3A_339 = arith.constant 0 : i32
      %dma_wait3A_340 = arith.constant 0 : i32
      %dma_wait3A_341 = tpu.memref_slice %arg9[%dma_wait3A, %dma_wait3A_339, %dma_wait3A_340] : memref<16x40x128xf32, #tpu.memory_space<vmem>> -> memref<1x40x128xf32, #tpu.memory_space<vmem>>
      %dma_wait3A_342 = tpu.memref_squeeze %dma_wait3A_341 : memref<1x40x128xf32, #tpu.memory_space<vmem>> -> memref<40x128xf32, #tpu.memory_space<vmem>>
      %dma_wait3A_343 = arith.constant 0 : i32
      %dma_wait3A_344 = tpu.memref_slice %arg5[%dma_wait3A_343, %multiple_of3A_20] : memref<40x1000000xf32, #tpu.memory_space<hbm>> -> memref<40x128xf32, #tpu.memory_space<hbm>>
      tpu.wait_dma2 semaphore(%arg11 : memref<!tpu.dma_semaphore, #tpu.memory_space<semaphore_mem>>) src(%dma_wait3A_344 : memref<40x128xf32, #tpu.memory_space<hbm>>) dst(%dma_wait3A_342 : memref<40x128xf32, #tpu.memory_space<vmem>>)
      %dma_wait3A_345 = arith.constant 1 : i32
      %dma_wait3A_346 = arith.constant 0 : i32
      %dma_wait3A_347 = arith.constant 0 : i32
      %dma_wait3A_348 = tpu.memref_slice %arg9[%dma_wait3A_345, %dma_wait3A_346, %dma_wait3A_347] : memref<16x40x128xf32, #tpu.memory_space<vmem>> -> memref<1x40x128xf32, #tpu.memory_space<vmem>>
      %dma_wait3A_349 = tpu.memref_squeeze %dma_wait3A_348 : memref<1x40x128xf32, #tpu.memory_space<vmem>> -> memref<40x128xf32, #tpu.memory_space<vmem>>
      %dma_wait3A_350 = arith.constant 0 : i32
      %dma_wait3A_351 = tpu.memref_slice %arg5[%dma_wait3A_350, %multiple_of3A_39] : memref<40x1000000xf32, #tpu.memory_space<hbm>> -> memref<40x128xf32, #tpu.memory_space<hbm>>
      %dma_wait3A_352 = arith.constant 0 : i32
      %dma_wait3A_353 = arith.constant 0 : i32
      %dma_wait3A_354 = tpu.memref_slice %arg9[%dma_wait3A_345, %dma_wait3A_352, %dma_wait3A_353] : memref<16x40x128xf32, #tpu.memory_space<vmem>> -> memref<1x40x128xf32, #tpu.memory_space<vmem>>
      %dma_wait3A_355 = tpu.memref_squeeze %dma_wait3A_354 : memref<1x40x128xf32, #tpu.memory_space<vmem>> -> memref<40x128xf32, #tpu.memory_space<vmem>>
      %dma_wait3A_356 = arith.constant 0 : i32
      %dma_wait3A_357 = tpu.memref_slice %arg5[%dma_wait3A_356, %multiple_of3A_39] : memref<40x1000000xf32, #tpu.memory_space<hbm>> -> memref<40x128xf32, #tpu.memory_space<hbm>>
      tpu.wait_dma2 semaphore(%arg11 : memref<!tpu.dma_semaphore, #tpu.memory_space<semaphore_mem>>) src(%dma_wait3A_357 : memref<40x128xf32, #tpu.memory_space<hbm>>) dst(%dma_wait3A_355 : memref<40x128xf32, #tpu.memory_space<vmem>>)
      %dma_wait3A_358 = arith.constant 2 : i32
      %dma_wait3A_359 = arith.constant 0 : i32
      %dma_wait3A_360 = arith.constant 0 : i32
      %dma_wait3A_361 = tpu.memref_slice %arg9[%dma_wait3A_358, %dma_wait3A_359, %dma_wait3A_360] : memref<16x40x128xf32, #tpu.memory_space<vmem>> -> memref<1x40x128xf32, #tpu.memory_space<vmem>>
      %dma_wait3A_362 = tpu.memref_squeeze %dma_wait3A_361 : memref<1x40x128xf32, #tpu.memory_space<vmem>> -> memref<40x128xf32, #tpu.memory_space<vmem>>
      %dma_wait3A_363 = arith.constant 0 : i32
      %dma_wait3A_364 = tpu.memref_slice %arg5[%dma_wait3A_363, %multiple_of3A_59] : memref<40x1000000xf32, #tpu.memory_space<hbm>> -> memref<40x128xf32, #tpu.memory_space<hbm>>
      %dma_wait3A_365 = arith.constant 0 : i32
      %dma_wait3A_366 = arith.constant 0 : i32
      %dma_wait3A_367 = tpu.memref_slice %arg9[%dma_wait3A_358, %dma_wait3A_365, %dma_wait3A_366] : memref<16x40x128xf32, #tpu.memory_space<vmem>> -> memref<1x40x128xf32, #tpu.memory_space<vmem>>
      %dma_wait3A_368 = tpu.memref_squeeze %dma_wait3A_367 : memref<1x40x128xf32, #tpu.memory_space<vmem>> -> memref<40x128xf32, #tpu.memory_space<vmem>>
      %dma_wait3A_369 = arith.constant 0 : i32
      %dma_wait3A_370 = tpu.memref_slice %arg5[%dma_wait3A_369, %multiple_of3A_59] : memref<40x1000000xf32, #tpu.memory_space<hbm>> -> memref<40x128xf32, #tpu.memory_space<hbm>>
      tpu.wait_dma2 semaphore(%arg11 : memref<!tpu.dma_semaphore, #tpu.memory_space<semaphore_mem>>) src(%dma_wait3A_370 : memref<40x128xf32, #tpu.memory_space<hbm>>) dst(%dma_wait3A_368 : memref<40x128xf32, #tpu.memory_space<vmem>>)
      %dma_wait3A_371 = arith.constant 3 : i32
      %dma_wait3A_372 = arith.constant 0 : i32
      %dma_wait3A_373 = arith.constant 0 : i32
      %dma_wait3A_374 = tpu.memref_slice %arg9[%dma_wait3A_371, %dma_wait3A_372, %dma_wait3A_373] : memref<16x40x128xf32, #tpu.memory_space<vmem>> -> memref<1x40x128xf32, #tpu.memory_space<vmem>>
      %dma_wait3A_375 = tpu.memref_squeeze %dma_wait3A_374 : memref<1x40x128xf32, #tpu.memory_space<vmem>> -> memref<40x128xf32, #tpu.memory_space<vmem>>
      %dma_wait3A_376 = arith.constant 0 : i32
      %dma_wait3A_377 = tpu.memref_slice %arg5[%dma_wait3A_376, %multiple_of3A_79] : memref<40x1000000xf32, #tpu.memory_space<hbm>> -> memref<40x128xf32, #tpu.memory_space<hbm>>
      %dma_wait3A_378 = arith.constant 0 : i32
      %dma_wait3A_379 = arith.constant 0 : i32
      %dma_wait3A_380 = tpu.memref_slice %arg9[%dma_wait3A_371, %dma_wait3A_378, %dma_wait3A_379] : memref<16x40x128xf32, #tpu.memory_space<vmem>> -> memref<1x40x128xf32, #tpu.memory_space<vmem>>
      %dma_wait3A_381 = tpu.memref_squeeze %dma_wait3A_380 : memref<1x40x128xf32, #tpu.memory_space<vmem>> -> memref<40x128xf32, #tpu.memory_space<vmem>>
      %dma_wait3A_382 = arith.constant 0 : i32
      %dma_wait3A_383 = tpu.memref_slice %arg5[%dma_wait3A_382, %multiple_of3A_79] : memref<40x1000000xf32, #tpu.memory_space<hbm>> -> memref<40x128xf32, #tpu.memory_space<hbm>>
      tpu.wait_dma2 semaphore(%arg11 : memref<!tpu.dma_semaphore, #tpu.memory_space<semaphore_mem>>) src(%dma_wait3A_383 : memref<40x128xf32, #tpu.memory_space<hbm>>) dst(%dma_wait3A_381 : memref<40x128xf32, #tpu.memory_space<vmem>>)
      %dma_wait3A_384 = arith.constant 4 : i32
      %dma_wait3A_385 = arith.constant 0 : i32
      %dma_wait3A_386 = arith.constant 0 : i32
      %dma_wait3A_387 = tpu.memref_slice %arg9[%dma_wait3A_384, %dma_wait3A_385, %dma_wait3A_386] : memref<16x40x128xf32, #tpu.memory_space<vmem>> -> memref<1x40x128xf32, #tpu.memory_space<vmem>>
      %dma_wait3A_388 = tpu.memref_squeeze %dma_wait3A_387 : memref<1x40x128xf32, #tpu.memory_space<vmem>> -> memref<40x128xf32, #tpu.memory_space<vmem>>
      %dma_wait3A_389 = arith.constant 0 : i32
      %dma_wait3A_390 = tpu.memref_slice %arg5[%dma_wait3A_389, %multiple_of3A_99] : memref<40x1000000xf32, #tpu.memory_space<hbm>> -> memref<40x128xf32, #tpu.memory_space<hbm>>
      %dma_wait3A_391 = arith.constant 0 : i32
      %dma_wait3A_392 = arith.constant 0 : i32
      %dma_wait3A_393 = tpu.memref_slice %arg9[%dma_wait3A_384, %dma_wait3A_391, %dma_wait3A_392] : memref<16x40x128xf32, #tpu.memory_space<vmem>> -> memref<1x40x128xf32, #tpu.memory_space<vmem>>
      %dma_wait3A_394 = tpu.memref_squeeze %dma_wait3A_393 : memref<1x40x128xf32, #tpu.memory_space<vmem>> -> memref<40x128xf32, #tpu.memory_space<vmem>>
      %dma_wait3A_395 = arith.constant 0 : i32
      %dma_wait3A_396 = tpu.memref_slice %arg5[%dma_wait3A_395, %multiple_of3A_99] : memref<40x1000000xf32, #tpu.memory_space<hbm>> -> memref<40x128xf32, #tpu.memory_space<hbm>>
      tpu.wait_dma2 semaphore(%arg11 : memref<!tpu.dma_semaphore, #tpu.memory_space<semaphore_mem>>) src(%dma_wait3A_396 : memref<40x128xf32, #tpu.memory_space<hbm>>) dst(%dma_wait3A_394 : memref<40x128xf32, #tpu.memory_space<vmem>>)
      %dma_wait3A_397 = arith.constant 5 : i32
      %dma_wait3A_398 = arith.constant 0 : i32
      %dma_wait3A_399 = arith.constant 0 : i32
      %dma_wait3A_400 = tpu.memref_slice %arg9[%dma_wait3A_397, %dma_wait3A_398, %dma_wait3A_399] : memref<16x40x128xf32, #tpu.memory_space<vmem>> -> memref<1x40x128xf32, #tpu.memory_space<vmem>>
      %dma_wait3A_401 = tpu.memref_squeeze %dma_wait3A_400 : memref<1x40x128xf32, #tpu.memory_space<vmem>> -> memref<40x128xf32, #tpu.memory_space<vmem>>
      %dma_wait3A_402 = arith.constant 0 : i32
      %dma_wait3A_403 = tpu.memref_slice %arg5[%dma_wait3A_402, %multiple_of3A_119] : memref<40x1000000xf32, #tpu.memory_space<hbm>> -> memref<40x128xf32, #tpu.memory_space<hbm>>
      %dma_wait3A_404 = arith.constant 0 : i32
      %dma_wait3A_405 = arith.constant 0 : i32
      %dma_wait3A_406 = tpu.memref_slice %arg9[%dma_wait3A_397, %dma_wait3A_404, %dma_wait3A_405] : memref<16x40x128xf32, #tpu.memory_space<vmem>> -> memref<1x40x128xf32, #tpu.memory_space<vmem>>
      %dma_wait3A_407 = tpu.memref_squeeze %dma_wait3A_406 : memref<1x40x128xf32, #tpu.memory_space<vmem>> -> memref<40x128xf32, #tpu.memory_space<vmem>>
      %dma_wait3A_408 = arith.constant 0 : i32
      %dma_wait3A_409 = tpu.memref_slice %arg5[%dma_wait3A_408, %multiple_of3A_119] : memref<40x1000000xf32, #tpu.memory_space<hbm>> -> memref<40x128xf32, #tpu.memory_space<hbm>>
      tpu.wait_dma2 semaphore(%arg11 : memref<!tpu.dma_semaphore, #tpu.memory_space<semaphore_mem>>) src(%dma_wait3A_409 : memref<40x128xf32, #tpu.memory_space<hbm>>) dst(%dma_wait3A_407 : memref<40x128xf32, #tpu.memory_space<vmem>>)
      %dma_wait3A_410 = arith.constant 6 : i32
      %dma_wait3A_411 = arith.constant 0 : i32
      %dma_wait3A_412 = arith.constant 0 : i32
      %dma_wait3A_413 = tpu.memref_slice %arg9[%dma_wait3A_410, %dma_wait3A_411, %dma_wait3A_412] : memref<16x40x128xf32, #tpu.memory_space<vmem>> -> memref<1x40x128xf32, #tpu.memory_space<vmem>>
      %dma_wait3A_414 = tpu.memref_squeeze %dma_wait3A_413 : memref<1x40x128xf32, #tpu.memory_space<vmem>> -> memref<40x128xf32, #tpu.memory_space<vmem>>
      %dma_wait3A_415 = arith.constant 0 : i32
      %dma_wait3A_416 = tpu.memref_slice %arg5[%dma_wait3A_415, %multiple_of3A_139] : memref<40x1000000xf32, #tpu.memory_space<hbm>> -> memref<40x128xf32, #tpu.memory_space<hbm>>
      %dma_wait3A_417 = arith.constant 0 : i32
      %dma_wait3A_418 = arith.constant 0 : i32
      %dma_wait3A_419 = tpu.memref_slice %arg9[%dma_wait3A_410, %dma_wait3A_417, %dma_wait3A_418] : memref<16x40x128xf32, #tpu.memory_space<vmem>> -> memref<1x40x128xf32, #tpu.memory_space<vmem>>
      %dma_wait3A_420 = tpu.memref_squeeze %dma_wait3A_419 : memref<1x40x128xf32, #tpu.memory_space<vmem>> -> memref<40x128xf32, #tpu.memory_space<vmem>>
      %dma_wait3A_421 = arith.constant 0 : i32
      %dma_wait3A_422 = tpu.memref_slice %arg5[%dma_wait3A_421, %multiple_of3A_139] : memref<40x1000000xf32, #tpu.memory_space<hbm>> -> memref<40x128xf32, #tpu.memory_space<hbm>>
      tpu.wait_dma2 semaphore(%arg11 : memref<!tpu.dma_semaphore, #tpu.memory_space<semaphore_mem>>) src(%dma_wait3A_422 : memref<40x128xf32, #tpu.memory_space<hbm>>) dst(%dma_wait3A_420 : memref<40x128xf32, #tpu.memory_space<vmem>>)
      %dma_wait3A_423 = arith.constant 7 : i32
      %dma_wait3A_424 = arith.constant 0 : i32
      %dma_wait3A_425 = arith.constant 0 : i32
      %dma_wait3A_426 = tpu.memref_slice %arg9[%dma_wait3A_423, %dma_wait3A_424, %dma_wait3A_425] : memref<16x40x128xf32, #tpu.memory_space<vmem>> -> memref<1x40x128xf32, #tpu.memory_space<vmem>>
      %dma_wait3A_427 = tpu.memref_squeeze %dma_wait3A_426 : memref<1x40x128xf32, #tpu.memory_space<vmem>> -> memref<40x128xf32, #tpu.memory_space<vmem>>
      %dma_wait3A_428 = arith.constant 0 : i32
      %dma_wait3A_429 = tpu.memref_slice %arg5[%dma_wait3A_428, %multiple_of3A_159] : memref<40x1000000xf32, #tpu.memory_space<hbm>> -> memref<40x128xf32, #tpu.memory_space<hbm>>
      %dma_wait3A_430 = arith.constant 0 : i32
      %dma_wait3A_431 = arith.constant 0 : i32
      %dma_wait3A_432 = tpu.memref_slice %arg9[%dma_wait3A_423, %dma_wait3A_430, %dma_wait3A_431] : memref<16x40x128xf32, #tpu.memory_space<vmem>> -> memref<1x40x128xf32, #tpu.memory_space<vmem>>
      %dma_wait3A_433 = tpu.memref_squeeze %dma_wait3A_432 : memref<1x40x128xf32, #tpu.memory_space<vmem>> -> memref<40x128xf32, #tpu.memory_space<vmem>>
      %dma_wait3A_434 = arith.constant 0 : i32
      %dma_wait3A_435 = tpu.memref_slice %arg5[%dma_wait3A_434, %multiple_of3A_159] : memref<40x1000000xf32, #tpu.memory_space<hbm>> -> memref<40x128xf32, #tpu.memory_space<hbm>>
      tpu.wait_dma2 semaphore(%arg11 : memref<!tpu.dma_semaphore, #tpu.memory_space<semaphore_mem>>) src(%dma_wait3A_435 : memref<40x128xf32, #tpu.memory_space<hbm>>) dst(%dma_wait3A_433 : memref<40x128xf32, #tpu.memory_space<vmem>>)
      %dma_wait3A_436 = arith.constant 8 : i32
      %dma_wait3A_437 = arith.constant 0 : i32
      %dma_wait3A_438 = arith.constant 0 : i32
      %dma_wait3A_439 = tpu.memref_slice %arg9[%dma_wait3A_436, %dma_wait3A_437, %dma_wait3A_438] : memref<16x40x128xf32, #tpu.memory_space<vmem>> -> memref<1x40x128xf32, #tpu.memory_space<vmem>>
      %dma_wait3A_440 = tpu.memref_squeeze %dma_wait3A_439 : memref<1x40x128xf32, #tpu.memory_space<vmem>> -> memref<40x128xf32, #tpu.memory_space<vmem>>
      %dma_wait3A_441 = arith.constant 0 : i32
      %dma_wait3A_442 = tpu.memref_slice %arg5[%dma_wait3A_441, %multiple_of3A_179] : memref<40x1000000xf32, #tpu.memory_space<hbm>> -> memref<40x128xf32, #tpu.memory_space<hbm>>
      %dma_wait3A_443 = arith.constant 0 : i32
      %dma_wait3A_444 = arith.constant 0 : i32
      %dma_wait3A_445 = tpu.memref_slice %arg9[%dma_wait3A_436, %dma_wait3A_443, %dma_wait3A_444] : memref<16x40x128xf32, #tpu.memory_space<vmem>> -> memref<1x40x128xf32, #tpu.memory_space<vmem>>
      %dma_wait3A_446 = tpu.memref_squeeze %dma_wait3A_445 : memref<1x40x128xf32, #tpu.memory_space<vmem>> -> memref<40x128xf32, #tpu.memory_space<vmem>>
      %dma_wait3A_447 = arith.constant 0 : i32
      %dma_wait3A_448 = tpu.memref_slice %arg5[%dma_wait3A_447, %multiple_of3A_179] : memref<40x1000000xf32, #tpu.memory_space<hbm>> -> memref<40x128xf32, #tpu.memory_space<hbm>>
      tpu.wait_dma2 semaphore(%arg11 : memref<!tpu.dma_semaphore, #tpu.memory_space<semaphore_mem>>) src(%dma_wait3A_448 : memref<40x128xf32, #tpu.memory_space<hbm>>) dst(%dma_wait3A_446 : memref<40x128xf32, #tpu.memory_space<vmem>>)
      %dma_wait3A_449 = arith.constant 9 : i32
      %dma_wait3A_450 = arith.constant 0 : i32
      %dma_wait3A_451 = arith.constant 0 : i32
      %dma_wait3A_452 = tpu.memref_slice %arg9[%dma_wait3A_449, %dma_wait3A_450, %dma_wait3A_451] : memref<16x40x128xf32, #tpu.memory_space<vmem>> -> memref<1x40x128xf32, #tpu.memory_space<vmem>>
      %dma_wait3A_453 = tpu.memref_squeeze %dma_wait3A_452 : memref<1x40x128xf32, #tpu.memory_space<vmem>> -> memref<40x128xf32, #tpu.memory_space<vmem>>
      %dma_wait3A_454 = arith.constant 0 : i32
      %dma_wait3A_455 = tpu.memref_slice %arg5[%dma_wait3A_454, %multiple_of3A_199] : memref<40x1000000xf32, #tpu.memory_space<hbm>> -> memref<40x128xf32, #tpu.memory_space<hbm>>
      %dma_wait3A_456 = arith.constant 0 : i32
      %dma_wait3A_457 = arith.constant 0 : i32
      %dma_wait3A_458 = tpu.memref_slice %arg9[%dma_wait3A_449, %dma_wait3A_456, %dma_wait3A_457] : memref<16x40x128xf32, #tpu.memory_space<vmem>> -> memref<1x40x128xf32, #tpu.memory_space<vmem>>
      %dma_wait3A_459 = tpu.memref_squeeze %dma_wait3A_458 : memref<1x40x128xf32, #tpu.memory_space<vmem>> -> memref<40x128xf32, #tpu.memory_space<vmem>>
      %dma_wait3A_460 = arith.constant 0 : i32
      %dma_wait3A_461 = tpu.memref_slice %arg5[%dma_wait3A_460, %multiple_of3A_199] : memref<40x1000000xf32, #tpu.memory_space<hbm>> -> memref<40x128xf32, #tpu.memory_space<hbm>>
      tpu.wait_dma2 semaphore(%arg11 : memref<!tpu.dma_semaphore, #tpu.memory_space<semaphore_mem>>) src(%dma_wait3A_461 : memref<40x128xf32, #tpu.memory_space<hbm>>) dst(%dma_wait3A_459 : memref<40x128xf32, #tpu.memory_space<vmem>>)
      %dma_wait3A_462 = arith.constant 10 : i32
      %dma_wait3A_463 = arith.constant 0 : i32
      %dma_wait3A_464 = arith.constant 0 : i32
      %dma_wait3A_465 = tpu.memref_slice %arg9[%dma_wait3A_462, %dma_wait3A_463, %dma_wait3A_464] : memref<16x40x128xf32, #tpu.memory_space<vmem>> -> memref<1x40x128xf32, #tpu.memory_space<vmem>>
      %dma_wait3A_466 = tpu.memref_squeeze %dma_wait3A_465 : memref<1x40x128xf32, #tpu.memory_space<vmem>> -> memref<40x128xf32, #tpu.memory_space<vmem>>
      %dma_wait3A_467 = arith.constant 0 : i32
      %dma_wait3A_468 = tpu.memref_slice %arg5[%dma_wait3A_467, %multiple_of3A_219] : memref<40x1000000xf32, #tpu.memory_space<hbm>> -> memref<40x128xf32, #tpu.memory_space<hbm>>
      %dma_wait3A_469 = arith.constant 0 : i32
      %dma_wait3A_470 = arith.constant 0 : i32
      %dma_wait3A_471 = tpu.memref_slice %arg9[%dma_wait3A_462, %dma_wait3A_469, %dma_wait3A_470] : memref<16x40x128xf32, #tpu.memory_space<vmem>> -> memref<1x40x128xf32, #tpu.memory_space<vmem>>
      %dma_wait3A_472 = tpu.memref_squeeze %dma_wait3A_471 : memref<1x40x128xf32, #tpu.memory_space<vmem>> -> memref<40x128xf32, #tpu.memory_space<vmem>>
      %dma_wait3A_473 = arith.constant 0 : i32
      %dma_wait3A_474 = tpu.memref_slice %arg5[%dma_wait3A_473, %multiple_of3A_219] : memref<40x1000000xf32, #tpu.memory_space<hbm>> -> memref<40x128xf32, #tpu.memory_space<hbm>>
      tpu.wait_dma2 semaphore(%arg11 : memref<!tpu.dma_semaphore, #tpu.memory_space<semaphore_mem>>) src(%dma_wait3A_474 : memref<40x128xf32, #tpu.memory_space<hbm>>) dst(%dma_wait3A_472 : memref<40x128xf32, #tpu.memory_space<vmem>>)
      %dma_wait3A_475 = arith.constant 11 : i32
      %dma_wait3A_476 = arith.constant 0 : i32
      %dma_wait3A_477 = arith.constant 0 : i32
      %dma_wait3A_478 = tpu.memref_slice %arg9[%dma_wait3A_475, %dma_wait3A_476, %dma_wait3A_477] : memref<16x40x128xf32, #tpu.memory_space<vmem>> -> memref<1x40x128xf32, #tpu.memory_space<vmem>>
      %dma_wait3A_479 = tpu.memref_squeeze %dma_wait3A_478 : memref<1x40x128xf32, #tpu.memory_space<vmem>> -> memref<40x128xf32, #tpu.memory_space<vmem>>
      %dma_wait3A_480 = arith.constant 0 : i32
      %dma_wait3A_481 = tpu.memref_slice %arg5[%dma_wait3A_480, %multiple_of3A_239] : memref<40x1000000xf32, #tpu.memory_space<hbm>> -> memref<40x128xf32, #tpu.memory_space<hbm>>
      %dma_wait3A_482 = arith.constant 0 : i32
      %dma_wait3A_483 = arith.constant 0 : i32
      %dma_wait3A_484 = tpu.memref_slice %arg9[%dma_wait3A_475, %dma_wait3A_482, %dma_wait3A_483] : memref<16x40x128xf32, #tpu.memory_space<vmem>> -> memref<1x40x128xf32, #tpu.memory_space<vmem>>
      %dma_wait3A_485 = tpu.memref_squeeze %dma_wait3A_484 : memref<1x40x128xf32, #tpu.memory_space<vmem>> -> memref<40x128xf32, #tpu.memory_space<vmem>>
      %dma_wait3A_486 = arith.constant 0 : i32
      %dma_wait3A_487 = tpu.memref_slice %arg5[%dma_wait3A_486, %multiple_of3A_239] : memref<40x1000000xf32, #tpu.memory_space<hbm>> -> memref<40x128xf32, #tpu.memory_space<hbm>>
      tpu.wait_dma2 semaphore(%arg11 : memref<!tpu.dma_semaphore, #tpu.memory_space<semaphore_mem>>) src(%dma_wait3A_487 : memref<40x128xf32, #tpu.memory_space<hbm>>) dst(%dma_wait3A_485 : memref<40x128xf32, #tpu.memory_space<vmem>>)
      %dma_wait3A_488 = arith.constant 12 : i32
      %dma_wait3A_489 = arith.constant 0 : i32
      %dma_wait3A_490 = arith.constant 0 : i32
      %dma_wait3A_491 = tpu.memref_slice %arg9[%dma_wait3A_488, %dma_wait3A_489, %dma_wait3A_490] : memref<16x40x128xf32, #tpu.memory_space<vmem>> -> memref<1x40x128xf32, #tpu.memory_space<vmem>>
      %dma_wait3A_492 = tpu.memref_squeeze %dma_wait3A_491 : memref<1x40x128xf32, #tpu.memory_space<vmem>> -> memref<40x128xf32, #tpu.memory_space<vmem>>
      %dma_wait3A_493 = arith.constant 0 : i32
      %dma_wait3A_494 = tpu.memref_slice %arg5[%dma_wait3A_493, %multiple_of3A_259] : memref<40x1000000xf32, #tpu.memory_space<hbm>> -> memref<40x128xf32, #tpu.memory_space<hbm>>
      %dma_wait3A_495 = arith.constant 0 : i32
      %dma_wait3A_496 = arith.constant 0 : i32
      %dma_wait3A_497 = tpu.memref_slice %arg9[%dma_wait3A_488, %dma_wait3A_495, %dma_wait3A_496] : memref<16x40x128xf32, #tpu.memory_space<vmem>> -> memref<1x40x128xf32, #tpu.memory_space<vmem>>
      %dma_wait3A_498 = tpu.memref_squeeze %dma_wait3A_497 : memref<1x40x128xf32, #tpu.memory_space<vmem>> -> memref<40x128xf32, #tpu.memory_space<vmem>>
      %dma_wait3A_499 = arith.constant 0 : i32
      %dma_wait3A_500 = tpu.memref_slice %arg5[%dma_wait3A_499, %multiple_of3A_259] : memref<40x1000000xf32, #tpu.memory_space<hbm>> -> memref<40x128xf32, #tpu.memory_space<hbm>>
      tpu.wait_dma2 semaphore(%arg11 : memref<!tpu.dma_semaphore, #tpu.memory_space<semaphore_mem>>) src(%dma_wait3A_500 : memref<40x128xf32, #tpu.memory_space<hbm>>) dst(%dma_wait3A_498 : memref<40x128xf32, #tpu.memory_space<vmem>>)
      %dma_wait3A_501 = arith.constant 13 : i32
      %dma_wait3A_502 = arith.constant 0 : i32
      %dma_wait3A_503 = arith.constant 0 : i32
      %dma_wait3A_504 = tpu.memref_slice %arg9[%dma_wait3A_501, %dma_wait3A_502, %dma_wait3A_503] : memref<16x40x128xf32, #tpu.memory_space<vmem>> -> memref<1x40x128xf32, #tpu.memory_space<vmem>>
      %dma_wait3A_505 = tpu.memref_squeeze %dma_wait3A_504 : memref<1x40x128xf32, #tpu.memory_space<vmem>> -> memref<40x128xf32, #tpu.memory_space<vmem>>
      %dma_wait3A_506 = arith.constant 0 : i32
      %dma_wait3A_507 = tpu.memref_slice %arg5[%dma_wait3A_506, %multiple_of3A_279] : memref<40x1000000xf32, #tpu.memory_space<hbm>> -> memref<40x128xf32, #tpu.memory_space<hbm>>
      %dma_wait3A_508 = arith.constant 0 : i32
      %dma_wait3A_509 = arith.constant 0 : i32
      %dma_wait3A_510 = tpu.memref_slice %arg9[%dma_wait3A_501, %dma_wait3A_508, %dma_wait3A_509] : memref<16x40x128xf32, #tpu.memory_space<vmem>> -> memref<1x40x128xf32, #tpu.memory_space<vmem>>
      %dma_wait3A_511 = tpu.memref_squeeze %dma_wait3A_510 : memref<1x40x128xf32, #tpu.memory_space<vmem>> -> memref<40x128xf32, #tpu.memory_space<vmem>>
      %dma_wait3A_512 = arith.constant 0 : i32
      %dma_wait3A_513 = tpu.memref_slice %arg5[%dma_wait3A_512, %multiple_of3A_279] : memref<40x1000000xf32, #tpu.memory_space<hbm>> -> memref<40x128xf32, #tpu.memory_space<hbm>>
      tpu.wait_dma2 semaphore(%arg11 : memref<!tpu.dma_semaphore, #tpu.memory_space<semaphore_mem>>) src(%dma_wait3A_513 : memref<40x128xf32, #tpu.memory_space<hbm>>) dst(%dma_wait3A_511 : memref<40x128xf32, #tpu.memory_space<vmem>>)
      %dma_wait3A_514 = arith.constant 14 : i32
      %dma_wait3A_515 = arith.constant 0 : i32
      %dma_wait3A_516 = arith.constant 0 : i32
      %dma_wait3A_517 = tpu.memref_slice %arg9[%dma_wait3A_514, %dma_wait3A_515, %dma_wait3A_516] : memref<16x40x128xf32, #tpu.memory_space<vmem>> -> memref<1x40x128xf32, #tpu.memory_space<vmem>>
      %dma_wait3A_518 = tpu.memref_squeeze %dma_wait3A_517 : memref<1x40x128xf32, #tpu.memory_space<vmem>> -> memref<40x128xf32, #tpu.memory_space<vmem>>
      %dma_wait3A_519 = arith.constant 0 : i32
      %dma_wait3A_520 = tpu.memref_slice %arg5[%dma_wait3A_519, %multiple_of3A_299] : memref<40x1000000xf32, #tpu.memory_space<hbm>> -> memref<40x128xf32, #tpu.memory_space<hbm>>
      %dma_wait3A_521 = arith.constant 0 : i32
      %dma_wait3A_522 = arith.constant 0 : i32
      %dma_wait3A_523 = tpu.memref_slice %arg9[%dma_wait3A_514, %dma_wait3A_521, %dma_wait3A_522] : memref<16x40x128xf32, #tpu.memory_space<vmem>> -> memref<1x40x128xf32, #tpu.memory_space<vmem>>
      %dma_wait3A_524 = tpu.memref_squeeze %dma_wait3A_523 : memref<1x40x128xf32, #tpu.memory_space<vmem>> -> memref<40x128xf32, #tpu.memory_space<vmem>>
      %dma_wait3A_525 = arith.constant 0 : i32
      %dma_wait3A_526 = tpu.memref_slice %arg5[%dma_wait3A_525, %multiple_of3A_299] : memref<40x1000000xf32, #tpu.memory_space<hbm>> -> memref<40x128xf32, #tpu.memory_space<hbm>>
      tpu.wait_dma2 semaphore(%arg11 : memref<!tpu.dma_semaphore, #tpu.memory_space<semaphore_mem>>) src(%dma_wait3A_526 : memref<40x128xf32, #tpu.memory_space<hbm>>) dst(%dma_wait3A_524 : memref<40x128xf32, #tpu.memory_space<vmem>>)
      %dma_wait3A_527 = arith.constant 15 : i32
      %dma_wait3A_528 = arith.constant 0 : i32
      %dma_wait3A_529 = arith.constant 0 : i32
      %dma_wait3A_530 = tpu.memref_slice %arg9[%dma_wait3A_527, %dma_wait3A_528, %dma_wait3A_529] : memref<16x40x128xf32, #tpu.memory_space<vmem>> -> memref<1x40x128xf32, #tpu.memory_space<vmem>>
      %dma_wait3A_531 = tpu.memref_squeeze %dma_wait3A_530 : memref<1x40x128xf32, #tpu.memory_space<vmem>> -> memref<40x128xf32, #tpu.memory_space<vmem>>
      %dma_wait3A_532 = arith.constant 0 : i32
      %dma_wait3A_533 = tpu.memref_slice %arg5[%dma_wait3A_532, %multiple_of3A_319] : memref<40x1000000xf32, #tpu.memory_space<hbm>> -> memref<40x128xf32, #tpu.memory_space<hbm>>
      %dma_wait3A_534 = arith.constant 0 : i32
      %dma_wait3A_535 = arith.constant 0 : i32
      %dma_wait3A_536 = tpu.memref_slice %arg9[%dma_wait3A_527, %dma_wait3A_534, %dma_wait3A_535] : memref<16x40x128xf32, #tpu.memory_space<vmem>> -> memref<1x40x128xf32, #tpu.memory_space<vmem>>
      %dma_wait3A_537 = tpu.memref_squeeze %dma_wait3A_536 : memref<1x40x128xf32, #tpu.memory_space<vmem>> -> memref<40x128xf32, #tpu.memory_space<vmem>>
      %dma_wait3A_538 = arith.constant 0 : i32
      %dma_wait3A_539 = tpu.memref_slice %arg5[%dma_wait3A_538, %multiple_of3A_319] : memref<40x1000000xf32, #tpu.memory_space<hbm>> -> memref<40x128xf32, #tpu.memory_space<hbm>>
      tpu.wait_dma2 semaphore(%arg11 : memref<!tpu.dma_semaphore, #tpu.memory_space<semaphore_mem>>) src(%dma_wait3A_539 : memref<40x128xf32, #tpu.memory_space<hbm>>) dst(%dma_wait3A_537 : memref<40x128xf32, #tpu.memory_space<vmem>>)
      %slice3A_540 = vector.extract_strided_slice %get3A_16 {offsets = [0], sizes = [1], strides = [1]} : vector<16xi32> to vector<1xi32>
      %squeeze3A_541 = vector.extract %slice3A_540[0] : i32 from vector<1xi32>
      %and3A = arith.constant 127 : i32
      %and3A_542 = arith.andi %squeeze3A_541, %and3A : i32
      %add3A_543 = vector.broadcast %and3A_542 : i32 to vector<16xi32>
      %add3A_544 = arith.addi %broadcast_in_dim3A_3, %add3A_543 : vector<16xi32>
      %mul3A_545 = arith.constant 16 : i32
      %mul3A_546 = arith.muli %scan3A_13, %mul3A_545 : i32
      %add3A_547 = arith.constant 0 : i32
      %add3A_548 = arith.addi %mul3A_546, %add3A_547 : i32
      %gather3A = arith.constant 0 : i32
      %gather3A_549 = arith.constant 0 : i32
      %gather3A_550 = arith.constant 0 : i32
      %gather3A_551 = tpu.memref_slice %arg9[%gather3A, %gather3A_549, %gather3A_550] : memref<16x40x128xf32, #tpu.memory_space<vmem>> -> memref<1x40x128xf32, #tpu.memory_space<vmem>>
      %gather3A_552 = tpu.memref_squeeze %gather3A_551 : memref<1x40x128xf32, #tpu.memory_space<vmem>> -> memref<40x128xf32, #tpu.memory_space<vmem>>
      %gather3A_553 = tpu.vector_load_idx %gather3A_552[%iota3A, %add3A_544] : memref<40x128xf32, #tpu.memory_space<vmem>>[vector<16xi32>, vector<16xi32>], vector<16xf32>,
      %swap3A = arith.index_cast %add3A_548 : i32 to index
      %swap3A_554 = arith.constant 0 : index
      %swap3A_555 = tpu.vector_load %arg10[%swap3A, %swap3A_554] {strides = array<i32>} : memref<128x40xf32, #tpu.memory_space<vmem>>, vector<16xf32>,
      tpu.vector_store %arg10[%swap3A, %swap3A_554], %gather3A_553 {strides = array<i32>} : memref<128x40xf32, #tpu.memory_space<vmem>>, vector<16xf32>,
      %add3A_556 = arith.constant 16 : i32
      %add3A_557 = vector.broadcast %add3A_556 : i32 to vector<16xi32>
      %add3A_558 = arith.addi %iota3A, %add3A_557 : vector<16xi32>
      %gather3A_559 = arith.constant 0 : i32
      %gather3A_560 = arith.constant 0 : i32
      %gather3A_561 = arith.constant 0 : i32
      %gather3A_562 = tpu.memref_slice %arg9[%gather3A_559, %gather3A_560, %gather3A_561] : memref<16x40x128xf32, #tpu.memory_space<vmem>> -> memref<1x40x128xf32, #tpu.memory_space<vmem>>
      %gather3A_563 = tpu.memref_squeeze %gather3A_562 : memref<1x40x128xf32, #tpu.memory_space<vmem>> -> memref<40x128xf32, #tpu.memory_space<vmem>>
      %gather3A_564 = tpu.vector_load_idx %gather3A_563[%add3A_558, %add3A_544] : memref<40x128xf32, #tpu.memory_space<vmem>>[vector<16xi32>, vector<16xi32>], vector<16xf32>,
      %swap3A_565 = arith.index_cast %add3A_548 : i32 to index
      %swap3A_566 = arith.constant 16 : index
      %swap3A_567 = tpu.vector_load %arg10[%swap3A_565, %swap3A_566] {strides = array<i32>} : memref<128x40xf32, #tpu.memory_space<vmem>>, vector<16xf32>,
      tpu.vector_store %arg10[%swap3A_565, %swap3A_566], %gather3A_564 {strides = array<i32>} : memref<128x40xf32, #tpu.memory_space<vmem>>, vector<16xf32>,
      %add3A_568 = arith.constant 24 : i32
      %add3A_569 = vector.broadcast %add3A_568 : i32 to vector<16xi32>
      %add3A_570 = arith.addi %iota3A, %add3A_569 : vector<16xi32>
      %gather3A_571 = arith.constant 0 : i32
      %gather3A_572 = arith.constant 0 : i32
      %gather3A_573 = arith.constant 0 : i32
      %gather3A_574 = tpu.memref_slice %arg9[%gather3A_571, %gather3A_572, %gather3A_573] : memref<16x40x128xf32, #tpu.memory_space<vmem>> -> memref<1x40x128xf32, #tpu.memory_space<vmem>>
      %gather3A_575 = tpu.memref_squeeze %gather3A_574 : memref<1x40x128xf32, #tpu.memory_space<vmem>> -> memref<40x128xf32, #tpu.memory_space<vmem>>
      %gather3A_576 = tpu.vector_load_idx %gather3A_575[%add3A_570, %add3A_544] : memref<40x128xf32, #tpu.memory_space<vmem>>[vector<16xi32>, vector<16xi32>], vector<16xf32>,
      %swap3A_577 = arith.index_cast %add3A_548 : i32 to index
      %swap3A_578 = arith.constant 24 : index
      %swap3A_579 = tpu.vector_load %arg10[%swap3A_577, %swap3A_578] {strides = array<i32>} : memref<128x40xf32, #tpu.memory_space<vmem>>, vector<16xf32>,
      tpu.vector_store %arg10[%swap3A_577, %swap3A_578], %gather3A_576 {strides = array<i32>} : memref<128x40xf32, #tpu.memory_space<vmem>>, vector<16xf32>,
      %slice3A_580 = vector.extract_strided_slice %get3A_16 {offsets = [1], sizes = [1], strides = [1]} : vector<16xi32> to vector<1xi32>
      %squeeze3A_581 = vector.extract %slice3A_580[0] : i32 from vector<1xi32>
      %and3A_582 = arith.constant 127 : i32
      %and3A_583 = arith.andi %squeeze3A_581, %and3A_582 : i32
      %add3A_584 = vector.broadcast %and3A_583 : i32 to vector<16xi32>
      %add3A_585 = arith.addi %broadcast_in_dim3A_3, %add3A_584 : vector<16xi32>
      %mul3A_586 = arith.constant 16 : i32
      %mul3A_587 = arith.muli %scan3A_13, %mul3A_586 : i32
      %add3A_588 = arith.constant 1 : i32
      %add3A_589 = arith.addi %mul3A_587, %add3A_588 : i32
      %gather3A_590 = arith.constant 1 : i32
      %gather3A_591 = arith.constant 0 : i32
      %gather3A_592 = arith.constant 0 : i32
      %gather3A_593 = tpu.memref_slice %arg9[%gather3A_590, %gather3A_591, %gather3A_592] : memref<16x40x128xf32, #tpu.memory_space<vmem>> -> memref<1x40x128xf32, #tpu.memory_space<vmem>>
      %gather3A_594 = tpu.memref_squeeze %gather3A_593 : memref<1x40x128xf32, #tpu.memory_space<vmem>> -> memref<40x128xf32, #tpu.memory_space<vmem>>
      %gather3A_595 = tpu.vector_load_idx %gather3A_594[%iota3A, %add3A_585] : memref<40x128xf32, #tpu.memory_space<vmem>>[vector<16xi32>, vector<16xi32>], vector<16xf32>,
      %swap3A_596 = arith.index_cast %add3A_589 : i32 to index
      %swap3A_597 = arith.constant 0 : index
      %swap3A_598 = tpu.vector_load %arg10[%swap3A_596, %swap3A_597] {strides = array<i32>} : memref<128x40xf32, #tpu.memory_space<vmem>>, vector<16xf32>,
      tpu.vector_store %arg10[%swap3A_596, %swap3A_597], %gather3A_595 {strides = array<i32>} : memref<128x40xf32, #tpu.memory_space<vmem>>, vector<16xf32>,
      %add3A_599 = arith.constant 16 : i32
      %add3A_600 = vector.broadcast %add3A_599 : i32 to vector<16xi32>
      %add3A_601 = arith.addi %iota3A, %add3A_600 : vector<16xi32>
      %gather3A_602 = arith.constant 1 : i32
      %gather3A_603 = arith.constant 0 : i32
      %gather3A_604 = arith.constant 0 : i32
      %gather3A_605 = tpu.memref_slice %arg9[%gather3A_602, %gather3A_603, %gather3A_604] : memref<16x40x128xf32, #tpu.memory_space<vmem>> -> memref<1x40x128xf32, #tpu.memory_space<vmem>>
      %gather3A_606 = tpu.memref_squeeze %gather3A_605 : memref<1x40x128xf32, #tpu.memory_space<vmem>> -> memref<40x128xf32, #tpu.memory_space<vmem>>
      %gather3A_607 = tpu.vector_load_idx %gather3A_606[%add3A_601, %add3A_585] : memref<40x128xf32, #tpu.memory_space<vmem>>[vector<16xi32>, vector<16xi32>], vector<16xf32>,
      %swap3A_608 = arith.index_cast %add3A_589 : i32 to index
      %swap3A_609 = arith.constant 16 : index
      %swap3A_610 = tpu.vector_load %arg10[%swap3A_608, %swap3A_609] {strides = array<i32>} : memref<128x40xf32, #tpu.memory_space<vmem>>, vector<16xf32>,
      tpu.vector_store %arg10[%swap3A_608, %swap3A_609], %gather3A_607 {strides = array<i32>} : memref<128x40xf32, #tpu.memory_space<vmem>>, vector<16xf32>,
      %add3A_611 = arith.constant 24 : i32
      %add3A_612 = vector.broadcast %add3A_611 : i32 to vector<16xi32>
      %add3A_613 = arith.addi %iota3A, %add3A_612 : vector<16xi32>
      %gather3A_614 = arith.constant 1 : i32
      %gather3A_615 = arith.constant 0 : i32
      %gather3A_616 = arith.constant 0 : i32
      %gather3A_617 = tpu.memref_slice %arg9[%gather3A_614, %gather3A_615, %gather3A_616] : memref<16x40x128xf32, #tpu.memory_space<vmem>> -> memref<1x40x128xf32, #tpu.memory_space<vmem>>
      %gather3A_618 = tpu.memref_squeeze %gather3A_617 : memref<1x40x128xf32, #tpu.memory_space<vmem>> -> memref<40x128xf32, #tpu.memory_space<vmem>>
      %gather3A_619 = tpu.vector_load_idx %gather3A_618[%add3A_613, %add3A_585] : memref<40x128xf32, #tpu.memory_space<vmem>>[vector<16xi32>, vector<16xi32>], vector<16xf32>,
      %swap3A_620 = arith.index_cast %add3A_589 : i32 to index
      %swap3A_621 = arith.constant 24 : index
      %swap3A_622 = tpu.vector_load %arg10[%swap3A_620, %swap3A_621] {strides = array<i32>} : memref<128x40xf32, #tpu.memory_space<vmem>>, vector<16xf32>,
      tpu.vector_store %arg10[%swap3A_620, %swap3A_621], %gather3A_619 {strides = array<i32>} : memref<128x40xf32, #tpu.memory_space<vmem>>, vector<16xf32>,
      %slice3A_623 = vector.extract_strided_slice %get3A_16 {offsets = [2], sizes = [1], strides = [1]} : vector<16xi32> to vector<1xi32>
      %squeeze3A_624 = vector.extract %slice3A_623[0] : i32 from vector<1xi32>
      %and3A_625 = arith.constant 127 : i32
      %and3A_626 = arith.andi %squeeze3A_624, %and3A_625 : i32
      %add3A_627 = vector.broadcast %and3A_626 : i32 to vector<16xi32>
      %add3A_628 = arith.addi %broadcast_in_dim3A_3, %add3A_627 : vector<16xi32>
      %mul3A_629 = arith.constant 16 : i32
      %mul3A_630 = arith.muli %scan3A_13, %mul3A_629 : i32
      %add3A_631 = arith.constant 2 : i32
      %add3A_632 = arith.addi %mul3A_630, %add3A_631 : i32
      %gather3A_633 = arith.constant 2 : i32
      %gather3A_634 = arith.constant 0 : i32
      %gather3A_635 = arith.constant 0 : i32
      %gather3A_636 = tpu.memref_slice %arg9[%gather3A_633, %gather3A_634, %gather3A_635] : memref<16x40x128xf32, #tpu.memory_space<vmem>> -> memref<1x40x128xf32, #tpu.memory_space<vmem>>
      %gather3A_637 = tpu.memref_squeeze %gather3A_636 : memref<1x40x128xf32, #tpu.memory_space<vmem>> -> memref<40x128xf32, #tpu.memory_space<vmem>>
      %gather3A_638 = tpu.vector_load_idx %gather3A_637[%iota3A, %add3A_628] : memref<40x128xf32, #tpu.memory_space<vmem>>[vector<16xi32>, vector<16xi32>], vector<16xf32>,
      %swap3A_639 = arith.index_cast %add3A_632 : i32 to index
      %swap3A_640 = arith.constant 0 : index
      %swap3A_641 = tpu.vector_load %arg10[%swap3A_639, %swap3A_640] {strides = array<i32>} : memref<128x40xf32, #tpu.memory_space<vmem>>, vector<16xf32>,
      tpu.vector_store %arg10[%swap3A_639, %swap3A_640], %gather3A_638 {strides = array<i32>} : memref<128x40xf32, #tpu.memory_space<vmem>>, vector<16xf32>,
      %add3A_642 = arith.constant 16 : i32
      %add3A_643 = vector.broadcast %add3A_642 : i32 to vector<16xi32>
      %add3A_644 = arith.addi %iota3A, %add3A_643 : vector<16xi32>
      %gather3A_645 = arith.constant 2 : i32
      %gather3A_646 = arith.constant 0 : i32
      %gather3A_647 = arith.constant 0 : i32
      %gather3A_648 = tpu.memref_slice %arg9[%gather3A_645, %gather3A_646, %gather3A_647] : memref<16x40x128xf32, #tpu.memory_space<vmem>> -> memref<1x40x128xf32, #tpu.memory_space<vmem>>
      %gather3A_649 = tpu.memref_squeeze %gather3A_648 : memref<1x40x128xf32, #tpu.memory_space<vmem>> -> memref<40x128xf32, #tpu.memory_space<vmem>>
      %gather3A_650 = tpu.vector_load_idx %gather3A_649[%add3A_644, %add3A_628] : memref<40x128xf32, #tpu.memory_space<vmem>>[vector<16xi32>, vector<16xi32>], vector<16xf32>,
      %swap3A_651 = arith.index_cast %add3A_632 : i32 to index
      %swap3A_652 = arith.constant 16 : index
      %swap3A_653 = tpu.vector_load %arg10[%swap3A_651, %swap3A_652] {strides = array<i32>} : memref<128x40xf32, #tpu.memory_space<vmem>>, vector<16xf32>,
      tpu.vector_store %arg10[%swap3A_651, %swap3A_652], %gather3A_650 {strides = array<i32>} : memref<128x40xf32, #tpu.memory_space<vmem>>, vector<16xf32>,
      %add3A_654 = arith.constant 24 : i32
      %add3A_655 = vector.broadcast %add3A_654 : i32 to vector<16xi32>
      %add3A_656 = arith.addi %iota3A, %add3A_655 : vector<16xi32>
      %gather3A_657 = arith.constant 2 : i32
      %gather3A_658 = arith.constant 0 : i32
      %gather3A_659 = arith.constant 0 : i32
      %gather3A_660 = tpu.memref_slice %arg9[%gather3A_657, %gather3A_658, %gather3A_659] : memref<16x40x128xf32, #tpu.memory_space<vmem>> -> memref<1x40x128xf32, #tpu.memory_space<vmem>>
      %gather3A_661 = tpu.memref_squeeze %gather3A_660 : memref<1x40x128xf32, #tpu.memory_space<vmem>> -> memref<40x128xf32, #tpu.memory_space<vmem>>
      %gather3A_662 = tpu.vector_load_idx %gather3A_661[%add3A_656, %add3A_628] : memref<40x128xf32, #tpu.memory_space<vmem>>[vector<16xi32>, vector<16xi32>], vector<16xf32>,
      %swap3A_663 = arith.index_cast %add3A_632 : i32 to index
      %swap3A_664 = arith.constant 24 : index
      %swap3A_665 = tpu.vector_load %arg10[%swap3A_663, %swap3A_664] {strides = array<i32>} : memref<128x40xf32, #tpu.memory_space<vmem>>, vector<16xf32>,
      tpu.vector_store %arg10[%swap3A_663, %swap3A_664], %gather3A_662 {strides = array<i32>} : memref<128x40xf32, #tpu.memory_space<vmem>>, vector<16xf32>,
      %slice3A_666 = vector.extract_strided_slice %get3A_16 {offsets = [3], sizes = [1], strides = [1]} : vector<16xi32> to vector<1xi32>
      %squeeze3A_667 = vector.extract %slice3A_666[0] : i32 from vector<1xi32>
      %and3A_668 = arith.constant 127 : i32
      %and3A_669 = arith.andi %squeeze3A_667, %and3A_668 : i32
      %add3A_670 = vector.broadcast %and3A_669 : i32 to vector<16xi32>
      %add3A_671 = arith.addi %broadcast_in_dim3A_3, %add3A_670 : vector<16xi32>
      %mul3A_672 = arith.constant 16 : i32
      %mul3A_673 = arith.muli %scan3A_13, %mul3A_672 : i32
      %add3A_674 = arith.constant 3 : i32
      %add3A_675 = arith.addi %mul3A_673, %add3A_674 : i32
      %gather3A_676 = arith.constant 3 : i32
      %gather3A_677 = arith.constant 0 : i32
      %gather3A_678 = arith.constant 0 : i32
      %gather3A_679 = tpu.memref_slice %arg9[%gather3A_676, %gather3A_677, %gather3A_678] : memref<16x40x128xf32, #tpu.memory_space<vmem>> -> memref<1x40x128xf32, #tpu.memory_space<vmem>>
      %gather3A_680 = tpu.memref_squeeze %gather3A_679 : memref<1x40x128xf32, #tpu.memory_space<vmem>> -> memref<40x128xf32, #tpu.memory_space<vmem>>
      %gather3A_681 = tpu.vector_load_idx %gather3A_680[%iota3A, %add3A_671] : memref<40x128xf32, #tpu.memory_space<vmem>>[vector<16xi32>, vector<16xi32>], vector<16xf32>,
      %swap3A_682 = arith.index_cast %add3A_675 : i32 to index
      %swap3A_683 = arith.constant 0 : index
      %swap3A_684 = tpu.vector_load %arg10[%swap3A_682, %swap3A_683] {strides = array<i32>} : memref<128x40xf32, #tpu.memory_space<vmem>>, vector<16xf32>,
      tpu.vector_store %arg10[%swap3A_682, %swap3A_683], %gather3A_681 {strides = array<i32>} : memref<128x40xf32, #tpu.memory_space<vmem>>, vector<16xf32>,
      %add3A_685 = arith.constant 16 : i32
      %add3A_686 = vector.broadcast %add3A_685 : i32 to vector<16xi32>
      %add3A_687 = arith.addi %iota3A, %add3A_686 : vector<16xi32>
      %gather3A_688 = arith.constant 3 : i32
      %gather3A_689 = arith.constant 0 : i32
      %gather3A_690 = arith.constant 0 : i32
      %gather3A_691 = tpu.memref_slice %arg9[%gather3A_688, %gather3A_689, %gather3A_690] : memref<16x40x128xf32, #tpu.memory_space<vmem>> -> memref<1x40x128xf32, #tpu.memory_space<vmem>>
      %gather3A_692 = tpu.memref_squeeze %gather3A_691 : memref<1x40x128xf32, #tpu.memory_space<vmem>> -> memref<40x128xf32, #tpu.memory_space<vmem>>
      %gather3A_693 = tpu.vector_load_idx %gather3A_692[%add3A_687, %add3A_671] : memref<40x128xf32, #tpu.memory_space<vmem>>[vector<16xi32>, vector<16xi32>], vector<16xf32>,
      %swap3A_694 = arith.index_cast %add3A_675 : i32 to index
      %swap3A_695 = arith.constant 16 : index
      %swap3A_696 = tpu.vector_load %arg10[%swap3A_694, %swap3A_695] {strides = array<i32>} : memref<128x40xf32, #tpu.memory_space<vmem>>, vector<16xf32>,
      tpu.vector_store %arg10[%swap3A_694, %swap3A_695], %gather3A_693 {strides = array<i32>} : memref<128x40xf32, #tpu.memory_space<vmem>>, vector<16xf32>,
      %add3A_697 = arith.constant 24 : i32
      %add3A_698 = vector.broadcast %add3A_697 : i32 to vector<16xi32>
      %add3A_699 = arith.addi %iota3A, %add3A_698 : vector<16xi32>
      %gather3A_700 = arith.constant 3 : i32
      %gather3A_701 = arith.constant 0 : i32
      %gather3A_702 = arith.constant 0 : i32
      %gather3A_703 = tpu.memref_slice %arg9[%gather3A_700, %gather3A_701, %gather3A_702] : memref<16x40x128xf32, #tpu.memory_space<vmem>> -> memref<1x40x128xf32, #tpu.memory_space<vmem>>
      %gather3A_704 = tpu.memref_squeeze %gather3A_703 : memref<1x40x128xf32, #tpu.memory_space<vmem>> -> memref<40x128xf32, #tpu.memory_space<vmem>>
      %gather3A_705 = tpu.vector_load_idx %gather3A_704[%add3A_699, %add3A_671] : memref<40x128xf32, #tpu.memory_space<vmem>>[vector<16xi32>, vector<16xi32>], vector<16xf32>,
      %swap3A_706 = arith.index_cast %add3A_675 : i32 to index
      %swap3A_707 = arith.constant 24 : index
      %swap3A_708 = tpu.vector_load %arg10[%swap3A_706, %swap3A_707] {strides = array<i32>} : memref<128x40xf32, #tpu.memory_space<vmem>>, vector<16xf32>,
      tpu.vector_store %arg10[%swap3A_706, %swap3A_707], %gather3A_705 {strides = array<i32>} : memref<128x40xf32, #tpu.memory_space<vmem>>, vector<16xf32>,
      %slice3A_709 = vector.extract_strided_slice %get3A_16 {offsets = [4], sizes = [1], strides = [1]} : vector<16xi32> to vector<1xi32>
      %squeeze3A_710 = vector.extract %slice3A_709[0] : i32 from vector<1xi32>
      %and3A_711 = arith.constant 127 : i32
      %and3A_712 = arith.andi %squeeze3A_710, %and3A_711 : i32
      %add3A_713 = vector.broadcast %and3A_712 : i32 to vector<16xi32>
      %add3A_714 = arith.addi %broadcast_in_dim3A_3, %add3A_713 : vector<16xi32>
      %mul3A_715 = arith.constant 16 : i32
      %mul3A_716 = arith.muli %scan3A_13, %mul3A_715 : i32
      %add3A_717 = arith.constant 4 : i32
      %add3A_718 = arith.addi %mul3A_716, %add3A_717 : i32
      %gather3A_719 = arith.constant 4 : i32
      %gather3A_720 = arith.constant 0 : i32
      %gather3A_721 = arith.constant 0 : i32
      %gather3A_722 = tpu.memref_slice %arg9[%gather3A_719, %gather3A_720, %gather3A_721] : memref<16x40x128xf32, #tpu.memory_space<vmem>> -> memref<1x40x128xf32, #tpu.memory_space<vmem>>
      %gather3A_723 = tpu.memref_squeeze %gather3A_722 : memref<1x40x128xf32, #tpu.memory_space<vmem>> -> memref<40x128xf32, #tpu.memory_space<vmem>>
      %gather3A_724 = tpu.vector_load_idx %gather3A_723[%iota3A, %add3A_714] : memref<40x128xf32, #tpu.memory_space<vmem>>[vector<16xi32>, vector<16xi32>], vector<16xf32>,
      %swap3A_725 = arith.index_cast %add3A_718 : i32 to index
      %swap3A_726 = arith.constant 0 : index
      %swap3A_727 = tpu.vector_load %arg10[%swap3A_725, %swap3A_726] {strides = array<i32>} : memref<128x40xf32, #tpu.memory_space<vmem>>, vector<16xf32>,
      tpu.vector_store %arg10[%swap3A_725, %swap3A_726], %gather3A_724 {strides = array<i32>} : memref<128x40xf32, #tpu.memory_space<vmem>>, vector<16xf32>,
      %add3A_728 = arith.constant 16 : i32
      %add3A_729 = vector.broadcast %add3A_728 : i32 to vector<16xi32>
      %add3A_730 = arith.addi %iota3A, %add3A_729 : vector<16xi32>
      %gather3A_731 = arith.constant 4 : i32
      %gather3A_732 = arith.constant 0 : i32
      %gather3A_733 = arith.constant 0 : i32
      %gather3A_734 = tpu.memref_slice %arg9[%gather3A_731, %gather3A_732, %gather3A_733] : memref<16x40x128xf32, #tpu.memory_space<vmem>> -> memref<1x40x128xf32, #tpu.memory_space<vmem>>
      %gather3A_735 = tpu.memref_squeeze %gather3A_734 : memref<1x40x128xf32, #tpu.memory_space<vmem>> -> memref<40x128xf32, #tpu.memory_space<vmem>>
      %gather3A_736 = tpu.vector_load_idx %gather3A_735[%add3A_730, %add3A_714] : memref<40x128xf32, #tpu.memory_space<vmem>>[vector<16xi32>, vector<16xi32>], vector<16xf32>,
      %swap3A_737 = arith.index_cast %add3A_718 : i32 to index
      %swap3A_738 = arith.constant 16 : index
      %swap3A_739 = tpu.vector_load %arg10[%swap3A_737, %swap3A_738] {strides = array<i32>} : memref<128x40xf32, #tpu.memory_space<vmem>>, vector<16xf32>,
      tpu.vector_store %arg10[%swap3A_737, %swap3A_738], %gather3A_736 {strides = array<i32>} : memref<128x40xf32, #tpu.memory_space<vmem>>, vector<16xf32>,
      %add3A_740 = arith.constant 24 : i32
      %add3A_741 = vector.broadcast %add3A_740 : i32 to vector<16xi32>
      %add3A_742 = arith.addi %iota3A, %add3A_741 : vector<16xi32>
      %gather3A_743 = arith.constant 4 : i32
      %gather3A_744 = arith.constant 0 : i32
      %gather3A_745 = arith.constant 0 : i32
      %gather3A_746 = tpu.memref_slice %arg9[%gather3A_743, %gather3A_744, %gather3A_745] : memref<16x40x128xf32, #tpu.memory_space<vmem>> -> memref<1x40x128xf32, #tpu.memory_space<vmem>>
      %gather3A_747 = tpu.memref_squeeze %gather3A_746 : memref<1x40x128xf32, #tpu.memory_space<vmem>> -> memref<40x128xf32, #tpu.memory_space<vmem>>
      %gather3A_748 = tpu.vector_load_idx %gather3A_747[%add3A_742, %add3A_714] : memref<40x128xf32, #tpu.memory_space<vmem>>[vector<16xi32>, vector<16xi32>], vector<16xf32>,
      %swap3A_749 = arith.index_cast %add3A_718 : i32 to index
      %swap3A_750 = arith.constant 24 : index
      %swap3A_751 = tpu.vector_load %arg10[%swap3A_749, %swap3A_750] {strides = array<i32>} : memref<128x40xf32, #tpu.memory_space<vmem>>, vector<16xf32>,
      tpu.vector_store %arg10[%swap3A_749, %swap3A_750], %gather3A_748 {strides = array<i32>} : memref<128x40xf32, #tpu.memory_space<vmem>>, vector<16xf32>,
      %slice3A_752 = vector.extract_strided_slice %get3A_16 {offsets = [5], sizes = [1], strides = [1]} : vector<16xi32> to vector<1xi32>
      %squeeze3A_753 = vector.extract %slice3A_752[0] : i32 from vector<1xi32>
      %and3A_754 = arith.constant 127 : i32
      %and3A_755 = arith.andi %squeeze3A_753, %and3A_754 : i32
      %add3A_756 = vector.broadcast %and3A_755 : i32 to vector<16xi32>
      %add3A_757 = arith.addi %broadcast_in_dim3A_3, %add3A_756 : vector<16xi32>
      %mul3A_758 = arith.constant 16 : i32
      %mul3A_759 = arith.muli %scan3A_13, %mul3A_758 : i32
      %add3A_760 = arith.constant 5 : i32
      %add3A_761 = arith.addi %mul3A_759, %add3A_760 : i32
      %gather3A_762 = arith.constant 5 : i32
      %gather3A_763 = arith.constant 0 : i32
      %gather3A_764 = arith.constant 0 : i32
      %gather3A_765 = tpu.memref_slice %arg9[%gather3A_762, %gather3A_763, %gather3A_764] : memref<16x40x128xf32, #tpu.memory_space<vmem>> -> memref<1x40x128xf32, #tpu.memory_space<vmem>>
      %gather3A_766 = tpu.memref_squeeze %gather3A_765 : memref<1x40x128xf32, #tpu.memory_space<vmem>> -> memref<40x128xf32, #tpu.memory_space<vmem>>
      %gather3A_767 = tpu.vector_load_idx %gather3A_766[%iota3A, %add3A_757] : memref<40x128xf32, #tpu.memory_space<vmem>>[vector<16xi32>, vector<16xi32>], vector<16xf32>,
      %swap3A_768 = arith.index_cast %add3A_761 : i32 to index
      %swap3A_769 = arith.constant 0 : index
      %swap3A_770 = tpu.vector_load %arg10[%swap3A_768, %swap3A_769] {strides = array<i32>} : memref<128x40xf32, #tpu.memory_space<vmem>>, vector<16xf32>,
      tpu.vector_store %arg10[%swap3A_768, %swap3A_769], %gather3A_767 {strides = array<i32>} : memref<128x40xf32, #tpu.memory_space<vmem>>, vector<16xf32>,
      %add3A_771 = arith.constant 16 : i32
      %add3A_772 = vector.broadcast %add3A_771 : i32 to vector<16xi32>
      %add3A_773 = arith.addi %iota3A, %add3A_772 : vector<16xi32>
      %gather3A_774 = arith.constant 5 : i32
      %gather3A_775 = arith.constant 0 : i32
      %gather3A_776 = arith.constant 0 : i32
      %gather3A_777 = tpu.memref_slice %arg9[%gather3A_774, %gather3A_775, %gather3A_776] : memref<16x40x128xf32, #tpu.memory_space<vmem>> -> memref<1x40x128xf32, #tpu.memory_space<vmem>>
      %gather3A_778 = tpu.memref_squeeze %gather3A_777 : memref<1x40x128xf32, #tpu.memory_space<vmem>> -> memref<40x128xf32, #tpu.memory_space<vmem>>
      %gather3A_779 = tpu.vector_load_idx %gather3A_778[%add3A_773, %add3A_757] : memref<40x128xf32, #tpu.memory_space<vmem>>[vector<16xi32>, vector<16xi32>], vector<16xf32>,
      %swap3A_780 = arith.index_cast %add3A_761 : i32 to index
      %swap3A_781 = arith.constant 16 : index
      %swap3A_782 = tpu.vector_load %arg10[%swap3A_780, %swap3A_781] {strides = array<i32>} : memref<128x40xf32, #tpu.memory_space<vmem>>, vector<16xf32>,
      tpu.vector_store %arg10[%swap3A_780, %swap3A_781], %gather3A_779 {strides = array<i32>} : memref<128x40xf32, #tpu.memory_space<vmem>>, vector<16xf32>,
      %add3A_783 = arith.constant 24 : i32
      %add3A_784 = vector.broadcast %add3A_783 : i32 to vector<16xi32>
      %add3A_785 = arith.addi %iota3A, %add3A_784 : vector<16xi32>
      %gather3A_786 = arith.constant 5 : i32
      %gather3A_787 = arith.constant 0 : i32
      %gather3A_788 = arith.constant 0 : i32
      %gather3A_789 = tpu.memref_slice %arg9[%gather3A_786, %gather3A_787, %gather3A_788] : memref<16x40x128xf32, #tpu.memory_space<vmem>> -> memref<1x40x128xf32, #tpu.memory_space<vmem>>
      %gather3A_790 = tpu.memref_squeeze %gather3A_789 : memref<1x40x128xf32, #tpu.memory_space<vmem>> -> memref<40x128xf32, #tpu.memory_space<vmem>>
      %gather3A_791 = tpu.vector_load_idx %gather3A_790[%add3A_785, %add3A_757] : memref<40x128xf32, #tpu.memory_space<vmem>>[vector<16xi32>, vector<16xi32>], vector<16xf32>,
      %swap3A_792 = arith.index_cast %add3A_761 : i32 to index
      %swap3A_793 = arith.constant 24 : index
      %swap3A_794 = tpu.vector_load %arg10[%swap3A_792, %swap3A_793] {strides = array<i32>} : memref<128x40xf32, #tpu.memory_space<vmem>>, vector<16xf32>,
      tpu.vector_store %arg10[%swap3A_792, %swap3A_793], %gather3A_791 {strides = array<i32>} : memref<128x40xf32, #tpu.memory_space<vmem>>, vector<16xf32>,
      %slice3A_795 = vector.extract_strided_slice %get3A_16 {offsets = [6], sizes = [1], strides = [1]} : vector<16xi32> to vector<1xi32>
      %squeeze3A_796 = vector.extract %slice3A_795[0] : i32 from vector<1xi32>
      %and3A_797 = arith.constant 127 : i32
      %and3A_798 = arith.andi %squeeze3A_796, %and3A_797 : i32
      %add3A_799 = vector.broadcast %and3A_798 : i32 to vector<16xi32>
      %add3A_800 = arith.addi %broadcast_in_dim3A_3, %add3A_799 : vector<16xi32>
      %mul3A_801 = arith.constant 16 : i32
      %mul3A_802 = arith.muli %scan3A_13, %mul3A_801 : i32
      %add3A_803 = arith.constant 6 : i32
      %add3A_804 = arith.addi %mul3A_802, %add3A_803 : i32
      %gather3A_805 = arith.constant 6 : i32
      %gather3A_806 = arith.constant 0 : i32
      %gather3A_807 = arith.constant 0 : i32
      %gather3A_808 = tpu.memref_slice %arg9[%gather3A_805, %gather3A_806, %gather3A_807] : memref<16x40x128xf32, #tpu.memory_space<vmem>> -> memref<1x40x128xf32, #tpu.memory_space<vmem>>
      %gather3A_809 = tpu.memref_squeeze %gather3A_808 : memref<1x40x128xf32, #tpu.memory_space<vmem>> -> memref<40x128xf32, #tpu.memory_space<vmem>>
      %gather3A_810 = tpu.vector_load_idx %gather3A_809[%iota3A, %add3A_800] : memref<40x128xf32, #tpu.memory_space<vmem>>[vector<16xi32>, vector<16xi32>], vector<16xf32>,
      %swap3A_811 = arith.index_cast %add3A_804 : i32 to index
      %swap3A_812 = arith.constant 0 : index
      %swap3A_813 = tpu.vector_load %arg10[%swap3A_811, %swap3A_812] {strides = array<i32>} : memref<128x40xf32, #tpu.memory_space<vmem>>, vector<16xf32>,
      tpu.vector_store %arg10[%swap3A_811, %swap3A_812], %gather3A_810 {strides = array<i32>} : memref<128x40xf32, #tpu.memory_space<vmem>>, vector<16xf32>,
      %add3A_814 = arith.constant 16 : i32
      %add3A_815 = vector.broadcast %add3A_814 : i32 to vector<16xi32>
      %add3A_816 = arith.addi %iota3A, %add3A_815 : vector<16xi32>
      %gather3A_817 = arith.constant 6 : i32
      %gather3A_818 = arith.constant 0 : i32
      %gather3A_819 = arith.constant 0 : i32
      %gather3A_820 = tpu.memref_slice %arg9[%gather3A_817, %gather3A_818, %gather3A_819] : memref<16x40x128xf32, #tpu.memory_space<vmem>> -> memref<1x40x128xf32, #tpu.memory_space<vmem>>
      %gather3A_821 = tpu.memref_squeeze %gather3A_820 : memref<1x40x128xf32, #tpu.memory_space<vmem>> -> memref<40x128xf32, #tpu.memory_space<vmem>>
      %gather3A_822 = tpu.vector_load_idx %gather3A_821[%add3A_816, %add3A_800] : memref<40x128xf32, #tpu.memory_space<vmem>>[vector<16xi32>, vector<16xi32>], vector<16xf32>,
      %swap3A_823 = arith.index_cast %add3A_804 : i32 to index
      %swap3A_824 = arith.constant 16 : index
      %swap3A_825 = tpu.vector_load %arg10[%swap3A_823, %swap3A_824] {strides = array<i32>} : memref<128x40xf32, #tpu.memory_space<vmem>>, vector<16xf32>,
      tpu.vector_store %arg10[%swap3A_823, %swap3A_824], %gather3A_822 {strides = array<i32>} : memref<128x40xf32, #tpu.memory_space<vmem>>, vector<16xf32>,
      %add3A_826 = arith.constant 24 : i32
      %add3A_827 = vector.broadcast %add3A_826 : i32 to vector<16xi32>
      %add3A_828 = arith.addi %iota3A, %add3A_827 : vector<16xi32>
      %gather3A_829 = arith.constant 6 : i32
      %gather3A_830 = arith.constant 0 : i32
      %gather3A_831 = arith.constant 0 : i32
      %gather3A_832 = tpu.memref_slice %arg9[%gather3A_829, %gather3A_830, %gather3A_831] : memref<16x40x128xf32, #tpu.memory_space<vmem>> -> memref<1x40x128xf32, #tpu.memory_space<vmem>>
      %gather3A_833 = tpu.memref_squeeze %gather3A_832 : memref<1x40x128xf32, #tpu.memory_space<vmem>> -> memref<40x128xf32, #tpu.memory_space<vmem>>
      %gather3A_834 = tpu.vector_load_idx %gather3A_833[%add3A_828, %add3A_800] : memref<40x128xf32, #tpu.memory_space<vmem>>[vector<16xi32>, vector<16xi32>], vector<16xf32>,
      %swap3A_835 = arith.index_cast %add3A_804 : i32 to index
      %swap3A_836 = arith.constant 24 : index
      %swap3A_837 = tpu.vector_load %arg10[%swap3A_835, %swap3A_836] {strides = array<i32>} : memref<128x40xf32, #tpu.memory_space<vmem>>, vector<16xf32>,
      tpu.vector_store %arg10[%swap3A_835, %swap3A_836], %gather3A_834 {strides = array<i32>} : memref<128x40xf32, #tpu.memory_space<vmem>>, vector<16xf32>,
      %slice3A_838 = vector.extract_strided_slice %get3A_16 {offsets = [7], sizes = [1], strides = [1]} : vector<16xi32> to vector<1xi32>
      %squeeze3A_839 = vector.extract %slice3A_838[0] : i32 from vector<1xi32>
      %and3A_840 = arith.constant 127 : i32
      %and3A_841 = arith.andi %squeeze3A_839, %and3A_840 : i32
      %add3A_842 = vector.broadcast %and3A_841 : i32 to vector<16xi32>
      %add3A_843 = arith.addi %broadcast_in_dim3A_3, %add3A_842 : vector<16xi32>
      %mul3A_844 = arith.constant 16 : i32
      %mul3A_845 = arith.muli %scan3A_13, %mul3A_844 : i32
      %add3A_846 = arith.constant 7 : i32
      %add3A_847 = arith.addi %mul3A_845, %add3A_846 : i32
      %gather3A_848 = arith.constant 7 : i32
      %gather3A_849 = arith.constant 0 : i32
      %gather3A_850 = arith.constant 0 : i32
      %gather3A_851 = tpu.memref_slice %arg9[%gather3A_848, %gather3A_849, %gather3A_850] : memref<16x40x128xf32, #tpu.memory_space<vmem>> -> memref<1x40x128xf32, #tpu.memory_space<vmem>>
      %gather3A_852 = tpu.memref_squeeze %gather3A_851 : memref<1x40x128xf32, #tpu.memory_space<vmem>> -> memref<40x128xf32, #tpu.memory_space<vmem>>
      %gather3A_853 = tpu.vector_load_idx %gather3A_852[%iota3A, %add3A_843] : memref<40x128xf32, #tpu.memory_space<vmem>>[vector<16xi32>, vector<16xi32>], vector<16xf32>,
      %swap3A_854 = arith.index_cast %add3A_847 : i32 to index
      %swap3A_855 = arith.constant 0 : index
      %swap3A_856 = tpu.vector_load %arg10[%swap3A_854, %swap3A_855] {strides = array<i32>} : memref<128x40xf32, #tpu.memory_space<vmem>>, vector<16xf32>,
      tpu.vector_store %arg10[%swap3A_854, %swap3A_855], %gather3A_853 {strides = array<i32>} : memref<128x40xf32, #tpu.memory_space<vmem>>, vector<16xf32>,
      %add3A_857 = arith.constant 16 : i32
      %add3A_858 = vector.broadcast %add3A_857 : i32 to vector<16xi32>
      %add3A_859 = arith.addi %iota3A, %add3A_858 : vector<16xi32>
      %gather3A_860 = arith.constant 7 : i32
      %gather3A_861 = arith.constant 0 : i32
      %gather3A_862 = arith.constant 0 : i32
      %gather3A_863 = tpu.memref_slice %arg9[%gather3A_860, %gather3A_861, %gather3A_862] : memref<16x40x128xf32, #tpu.memory_space<vmem>> -> memref<1x40x128xf32, #tpu.memory_space<vmem>>
      %gather3A_864 = tpu.memref_squeeze %gather3A_863 : memref<1x40x128xf32, #tpu.memory_space<vmem>> -> memref<40x128xf32, #tpu.memory_space<vmem>>
      %gather3A_865 = tpu.vector_load_idx %gather3A_864[%add3A_859, %add3A_843] : memref<40x128xf32, #tpu.memory_space<vmem>>[vector<16xi32>, vector<16xi32>], vector<16xf32>,
      %swap3A_866 = arith.index_cast %add3A_847 : i32 to index
      %swap3A_867 = arith.constant 16 : index
      %swap3A_868 = tpu.vector_load %arg10[%swap3A_866, %swap3A_867] {strides = array<i32>} : memref<128x40xf32, #tpu.memory_space<vmem>>, vector<16xf32>,
      tpu.vector_store %arg10[%swap3A_866, %swap3A_867], %gather3A_865 {strides = array<i32>} : memref<128x40xf32, #tpu.memory_space<vmem>>, vector<16xf32>,
      %add3A_869 = arith.constant 24 : i32
      %add3A_870 = vector.broadcast %add3A_869 : i32 to vector<16xi32>
      %add3A_871 = arith.addi %iota3A, %add3A_870 : vector<16xi32>
      %gather3A_872 = arith.constant 7 : i32
      %gather3A_873 = arith.constant 0 : i32
      %gather3A_874 = arith.constant 0 : i32
      %gather3A_875 = tpu.memref_slice %arg9[%gather3A_872, %gather3A_873, %gather3A_874] : memref<16x40x128xf32, #tpu.memory_space<vmem>> -> memref<1x40x128xf32, #tpu.memory_space<vmem>>
      %gather3A_876 = tpu.memref_squeeze %gather3A_875 : memref<1x40x128xf32, #tpu.memory_space<vmem>> -> memref<40x128xf32, #tpu.memory_space<vmem>>
      %gather3A_877 = tpu.vector_load_idx %gather3A_876[%add3A_871, %add3A_843] : memref<40x128xf32, #tpu.memory_space<vmem>>[vector<16xi32>, vector<16xi32>], vector<16xf32>,
      %swap3A_878 = arith.index_cast %add3A_847 : i32 to index
      %swap3A_879 = arith.constant 24 : index
      %swap3A_880 = tpu.vector_load %arg10[%swap3A_878, %swap3A_879] {strides = array<i32>} : memref<128x40xf32, #tpu.memory_space<vmem>>, vector<16xf32>,
      tpu.vector_store %arg10[%swap3A_878, %swap3A_879], %gather3A_877 {strides = array<i32>} : memref<128x40xf32, #tpu.memory_space<vmem>>, vector<16xf32>,
      %slice3A_881 = vector.extract_strided_slice %get3A_16 {offsets = [8], sizes = [1], strides = [1]} : vector<16xi32> to vector<1xi32>
      %squeeze3A_882 = vector.extract %slice3A_881[0] : i32 from vector<1xi32>
      %and3A_883 = arith.constant 127 : i32
      %and3A_884 = arith.andi %squeeze3A_882, %and3A_883 : i32
      %add3A_885 = vector.broadcast %and3A_884 : i32 to vector<16xi32>
      %add3A_886 = arith.addi %broadcast_in_dim3A_3, %add3A_885 : vector<16xi32>
      %mul3A_887 = arith.constant 16 : i32
      %mul3A_888 = arith.muli %scan3A_13, %mul3A_887 : i32
      %add3A_889 = arith.constant 8 : i32
      %add3A_890 = arith.addi %mul3A_888, %add3A_889 : i32
      %gather3A_891 = arith.constant 8 : i32
      %gather3A_892 = arith.constant 0 : i32
      %gather3A_893 = arith.constant 0 : i32
      %gather3A_894 = tpu.memref_slice %arg9[%gather3A_891, %gather3A_892, %gather3A_893] : memref<16x40x128xf32, #tpu.memory_space<vmem>> -> memref<1x40x128xf32, #tpu.memory_space<vmem>>
      %gather3A_895 = tpu.memref_squeeze %gather3A_894 : memref<1x40x128xf32, #tpu.memory_space<vmem>> -> memref<40x128xf32, #tpu.memory_space<vmem>>
      %gather3A_896 = tpu.vector_load_idx %gather3A_895[%iota3A, %add3A_886] : memref<40x128xf32, #tpu.memory_space<vmem>>[vector<16xi32>, vector<16xi32>], vector<16xf32>,
      %swap3A_897 = arith.index_cast %add3A_890 : i32 to index
      %swap3A_898 = arith.constant 0 : index
      %swap3A_899 = tpu.vector_load %arg10[%swap3A_897, %swap3A_898] {strides = array<i32>} : memref<128x40xf32, #tpu.memory_space<vmem>>, vector<16xf32>,
      tpu.vector_store %arg10[%swap3A_897, %swap3A_898], %gather3A_896 {strides = array<i32>} : memref<128x40xf32, #tpu.memory_space<vmem>>, vector<16xf32>,
      %add3A_900 = arith.constant 16 : i32
      %add3A_901 = vector.broadcast %add3A_900 : i32 to vector<16xi32>
      %add3A_902 = arith.addi %iota3A, %add3A_901 : vector<16xi32>
      %gather3A_903 = arith.constant 8 : i32
      %gather3A_904 = arith.constant 0 : i32
      %gather3A_905 = arith.constant 0 : i32
      %gather3A_906 = tpu.memref_slice %arg9[%gather3A_903, %gather3A_904, %gather3A_905] : memref<16x40x128xf32, #tpu.memory_space<vmem>> -> memref<1x40x128xf32, #tpu.memory_space<vmem>>
      %gather3A_907 = tpu.memref_squeeze %gather3A_906 : memref<1x40x128xf32, #tpu.memory_space<vmem>> -> memref<40x128xf32, #tpu.memory_space<vmem>>
      %gather3A_908 = tpu.vector_load_idx %gather3A_907[%add3A_902, %add3A_886] : memref<40x128xf32, #tpu.memory_space<vmem>>[vector<16xi32>, vector<16xi32>], vector<16xf32>,
      %swap3A_909 = arith.index_cast %add3A_890 : i32 to index
      %swap3A_910 = arith.constant 16 : index
      %swap3A_911 = tpu.vector_load %arg10[%swap3A_909, %swap3A_910] {strides = array<i32>} : memref<128x40xf32, #tpu.memory_space<vmem>>, vector<16xf32>,
      tpu.vector_store %arg10[%swap3A_909, %swap3A_910], %gather3A_908 {strides = array<i32>} : memref<128x40xf32, #tpu.memory_space<vmem>>, vector<16xf32>,
      %add3A_912 = arith.constant 24 : i32
      %add3A_913 = vector.broadcast %add3A_912 : i32 to vector<16xi32>
      %add3A_914 = arith.addi %iota3A, %add3A_913 : vector<16xi32>
      %gather3A_915 = arith.constant 8 : i32
      %gather3A_916 = arith.constant 0 : i32
      %gather3A_917 = arith.constant 0 : i32
      %gather3A_918 = tpu.memref_slice %arg9[%gather3A_915, %gather3A_916, %gather3A_917] : memref<16x40x128xf32, #tpu.memory_space<vmem>> -> memref<1x40x128xf32, #tpu.memory_space<vmem>>
      %gather3A_919 = tpu.memref_squeeze %gather3A_918 : memref<1x40x128xf32, #tpu.memory_space<vmem>> -> memref<40x128xf32, #tpu.memory_space<vmem>>
      %gather3A_920 = tpu.vector_load_idx %gather3A_919[%add3A_914, %add3A_886] : memref<40x128xf32, #tpu.memory_space<vmem>>[vector<16xi32>, vector<16xi32>], vector<16xf32>,
      %swap3A_921 = arith.index_cast %add3A_890 : i32 to index
      %swap3A_922 = arith.constant 24 : index
      %swap3A_923 = tpu.vector_load %arg10[%swap3A_921, %swap3A_922] {strides = array<i32>} : memref<128x40xf32, #tpu.memory_space<vmem>>, vector<16xf32>,
      tpu.vector_store %arg10[%swap3A_921, %swap3A_922], %gather3A_920 {strides = array<i32>} : memref<128x40xf32, #tpu.memory_space<vmem>>, vector<16xf32>,
      %slice3A_924 = vector.extract_strided_slice %get3A_16 {offsets = [9], sizes = [1], strides = [1]} : vector<16xi32> to vector<1xi32>
      %squeeze3A_925 = vector.extract %slice3A_924[0] : i32 from vector<1xi32>
      %and3A_926 = arith.constant 127 : i32
      %and3A_927 = arith.andi %squeeze3A_925, %and3A_926 : i32
      %add3A_928 = vector.broadcast %and3A_927 : i32 to vector<16xi32>
      %add3A_929 = arith.addi %broadcast_in_dim3A_3, %add3A_928 : vector<16xi32>
      %mul3A_930 = arith.constant 16 : i32
      %mul3A_931 = arith.muli %scan3A_13, %mul3A_930 : i32
      %add3A_932 = arith.constant 9 : i32
      %add3A_933 = arith.addi %mul3A_931, %add3A_932 : i32
      %gather3A_934 = arith.constant 9 : i32
      %gather3A_935 = arith.constant 0 : i32
      %gather3A_936 = arith.constant 0 : i32
      %gather3A_937 = tpu.memref_slice %arg9[%gather3A_934, %gather3A_935, %gather3A_936] : memref<16x40x128xf32, #tpu.memory_space<vmem>> -> memref<1x40x128xf32, #tpu.memory_space<vmem>>
      %gather3A_938 = tpu.memref_squeeze %gather3A_937 : memref<1x40x128xf32, #tpu.memory_space<vmem>> -> memref<40x128xf32, #tpu.memory_space<vmem>>
      %gather3A_939 = tpu.vector_load_idx %gather3A_938[%iota3A, %add3A_929] : memref<40x128xf32, #tpu.memory_space<vmem>>[vector<16xi32>, vector<16xi32>], vector<16xf32>,
      %swap3A_940 = arith.index_cast %add3A_933 : i32 to index
      %swap3A_941 = arith.constant 0 : index
      %swap3A_942 = tpu.vector_load %arg10[%swap3A_940, %swap3A_941] {strides = array<i32>} : memref<128x40xf32, #tpu.memory_space<vmem>>, vector<16xf32>,
      tpu.vector_store %arg10[%swap3A_940, %swap3A_941], %gather3A_939 {strides = array<i32>} : memref<128x40xf32, #tpu.memory_space<vmem>>, vector<16xf32>,
      %add3A_943 = arith.constant 16 : i32
      %add3A_944 = vector.broadcast %add3A_943 : i32 to vector<16xi32>
      %add3A_945 = arith.addi %iota3A, %add3A_944 : vector<16xi32>
      %gather3A_946 = arith.constant 9 : i32
      %gather3A_947 = arith.constant 0 : i32
      %gather3A_948 = arith.constant 0 : i32
      %gather3A_949 = tpu.memref_slice %arg9[%gather3A_946, %gather3A_947, %gather3A_948] : memref<16x40x128xf32, #tpu.memory_space<vmem>> -> memref<1x40x128xf32, #tpu.memory_space<vmem>>
      %gather3A_950 = tpu.memref_squeeze %gather3A_949 : memref<1x40x128xf32, #tpu.memory_space<vmem>> -> memref<40x128xf32, #tpu.memory_space<vmem>>
      %gather3A_951 = tpu.vector_load_idx %gather3A_950[%add3A_945, %add3A_929] : memref<40x128xf32, #tpu.memory_space<vmem>>[vector<16xi32>, vector<16xi32>], vector<16xf32>,
      %swap3A_952 = arith.index_cast %add3A_933 : i32 to index
      %swap3A_953 = arith.constant 16 : index
      %swap3A_954 = tpu.vector_load %arg10[%swap3A_952, %swap3A_953] {strides = array<i32>} : memref<128x40xf32, #tpu.memory_space<vmem>>, vector<16xf32>,
      tpu.vector_store %arg10[%swap3A_952, %swap3A_953], %gather3A_951 {strides = array<i32>} : memref<128x40xf32, #tpu.memory_space<vmem>>, vector<16xf32>,
      %add3A_955 = arith.constant 24 : i32
      %add3A_956 = vector.broadcast %add3A_955 : i32 to vector<16xi32>
      %add3A_957 = arith.addi %iota3A, %add3A_956 : vector<16xi32>
      %gather3A_958 = arith.constant 9 : i32
      %gather3A_959 = arith.constant 0 : i32
      %gather3A_960 = arith.constant 0 : i32
      %gather3A_961 = tpu.memref_slice %arg9[%gather3A_958, %gather3A_959, %gather3A_960] : memref<16x40x128xf32, #tpu.memory_space<vmem>> -> memref<1x40x128xf32, #tpu.memory_space<vmem>>
      %gather3A_962 = tpu.memref_squeeze %gather3A_961 : memref<1x40x128xf32, #tpu.memory_space<vmem>> -> memref<40x128xf32, #tpu.memory_space<vmem>>
      %gather3A_963 = tpu.vector_load_idx %gather3A_962[%add3A_957, %add3A_929] : memref<40x128xf32, #tpu.memory_space<vmem>>[vector<16xi32>, vector<16xi32>], vector<16xf32>,
      %swap3A_964 = arith.index_cast %add3A_933 : i32 to index
      %swap3A_965 = arith.constant 24 : index
      %swap3A_966 = tpu.vector_load %arg10[%swap3A_964, %swap3A_965] {strides = array<i32>} : memref<128x40xf32, #tpu.memory_space<vmem>>, vector<16xf32>,
      tpu.vector_store %arg10[%swap3A_964, %swap3A_965], %gather3A_963 {strides = array<i32>} : memref<128x40xf32, #tpu.memory_space<vmem>>, vector<16xf32>,
      %slice3A_967 = vector.extract_strided_slice %get3A_16 {offsets = [10], sizes = [1], strides = [1]} : vector<16xi32> to vector<1xi32>
      %squeeze3A_968 = vector.extract %slice3A_967[0] : i32 from vector<1xi32>
      %and3A_969 = arith.constant 127 : i32
      %and3A_970 = arith.andi %squeeze3A_968, %and3A_969 : i32
      %add3A_971 = vector.broadcast %and3A_970 : i32 to vector<16xi32>
      %add3A_972 = arith.addi %broadcast_in_dim3A_3, %add3A_971 : vector<16xi32>
      %mul3A_973 = arith.constant 16 : i32
      %mul3A_974 = arith.muli %scan3A_13, %mul3A_973 : i32
      %add3A_975 = arith.constant 10 : i32
      %add3A_976 = arith.addi %mul3A_974, %add3A_975 : i32
      %gather3A_977 = arith.constant 10 : i32
      %gather3A_978 = arith.constant 0 : i32
      %gather3A_979 = arith.constant 0 : i32
      %gather3A_980 = tpu.memref_slice %arg9[%gather3A_977, %gather3A_978, %gather3A_979] : memref<16x40x128xf32, #tpu.memory_space<vmem>> -> memref<1x40x128xf32, #tpu.memory_space<vmem>>
      %gather3A_981 = tpu.memref_squeeze %gather3A_980 : memref<1x40x128xf32, #tpu.memory_space<vmem>> -> memref<40x128xf32, #tpu.memory_space<vmem>>
      %gather3A_982 = tpu.vector_load_idx %gather3A_981[%iota3A, %add3A_972] : memref<40x128xf32, #tpu.memory_space<vmem>>[vector<16xi32>, vector<16xi32>], vector<16xf32>,
      %swap3A_983 = arith.index_cast %add3A_976 : i32 to index
      %swap3A_984 = arith.constant 0 : index
      %swap3A_985 = tpu.vector_load %arg10[%swap3A_983, %swap3A_984] {strides = array<i32>} : memref<128x40xf32, #tpu.memory_space<vmem>>, vector<16xf32>,
      tpu.vector_store %arg10[%swap3A_983, %swap3A_984], %gather3A_982 {strides = array<i32>} : memref<128x40xf32, #tpu.memory_space<vmem>>, vector<16xf32>,
      %add3A_986 = arith.constant 16 : i32
      %add3A_987 = vector.broadcast %add3A_986 : i32 to vector<16xi32>
      %add3A_988 = arith.addi %iota3A, %add3A_987 : vector<16xi32>
      %gather3A_989 = arith.constant 10 : i32
      %gather3A_990 = arith.constant 0 : i32
      %gather3A_991 = arith.constant 0 : i32
      %gather3A_992 = tpu.memref_slice %arg9[%gather3A_989, %gather3A_990, %gather3A_991] : memref<16x40x128xf32, #tpu.memory_space<vmem>> -> memref<1x40x128xf32, #tpu.memory_space<vmem>>
      %gather3A_993 = tpu.memref_squeeze %gather3A_992 : memref<1x40x128xf32, #tpu.memory_space<vmem>> -> memref<40x128xf32, #tpu.memory_space<vmem>>
      %gather3A_994 = tpu.vector_load_idx %gather3A_993[%add3A_988, %add3A_972] : memref<40x128xf32, #tpu.memory_space<vmem>>[vector<16xi32>, vector<16xi32>], vector<16xf32>,
      %swap3A_995 = arith.index_cast %add3A_976 : i32 to index
      %swap3A_996 = arith.constant 16 : index
      %swap3A_997 = tpu.vector_load %arg10[%swap3A_995, %swap3A_996] {strides = array<i32>} : memref<128x40xf32, #tpu.memory_space<vmem>>, vector<16xf32>,
      tpu.vector_store %arg10[%swap3A_995, %swap3A_996], %gather3A_994 {strides = array<i32>} : memref<128x40xf32, #tpu.memory_space<vmem>>, vector<16xf32>,
      %add3A_998 = arith.constant 24 : i32
      %add3A_999 = vector.broadcast %add3A_998 : i32 to vector<16xi32>
      %add3A_1000 = arith.addi %iota3A, %add3A_999 : vector<16xi32>
      %gather3A_1001 = arith.constant 10 : i32
      %gather3A_1002 = arith.constant 0 : i32
      %gather3A_1003 = arith.constant 0 : i32
      %gather3A_1004 = tpu.memref_slice %arg9[%gather3A_1001, %gather3A_1002, %gather3A_1003] : memref<16x40x128xf32, #tpu.memory_space<vmem>> -> memref<1x40x128xf32, #tpu.memory_space<vmem>>
      %gather3A_1005 = tpu.memref_squeeze %gather3A_1004 : memref<1x40x128xf32, #tpu.memory_space<vmem>> -> memref<40x128xf32, #tpu.memory_space<vmem>>
      %gather3A_1006 = tpu.vector_load_idx %gather3A_1005[%add3A_1000, %add3A_972] : memref<40x128xf32, #tpu.memory_space<vmem>>[vector<16xi32>, vector<16xi32>], vector<16xf32>,
      %swap3A_1007 = arith.index_cast %add3A_976 : i32 to index
      %swap3A_1008 = arith.constant 24 : index
      %swap3A_1009 = tpu.vector_load %arg10[%swap3A_1007, %swap3A_1008] {strides = array<i32>} : memref<128x40xf32, #tpu.memory_space<vmem>>, vector<16xf32>,
      tpu.vector_store %arg10[%swap3A_1007, %swap3A_1008], %gather3A_1006 {strides = array<i32>} : memref<128x40xf32, #tpu.memory_space<vmem>>, vector<16xf32>,
      %slice3A_1010 = vector.extract_strided_slice %get3A_16 {offsets = [11], sizes = [1], strides = [1]} : vector<16xi32> to vector<1xi32>
      %squeeze3A_1011 = vector.extract %slice3A_1010[0] : i32 from vector<1xi32>
      %and3A_1012 = arith.constant 127 : i32
      %and3A_1013 = arith.andi %squeeze3A_1011, %and3A_1012 : i32
      %add3A_1014 = vector.broadcast %and3A_1013 : i32 to vector<16xi32>
      %add3A_1015 = arith.addi %broadcast_in_dim3A_3, %add3A_1014 : vector<16xi32>
      %mul3A_1016 = arith.constant 16 : i32
      %mul3A_1017 = arith.muli %scan3A_13, %mul3A_1016 : i32
      %add3A_1018 = arith.constant 11 : i32
      %add3A_1019 = arith.addi %mul3A_1017, %add3A_1018 : i32
      %gather3A_1020 = arith.constant 11 : i32
      %gather3A_1021 = arith.constant 0 : i32
      %gather3A_1022 = arith.constant 0 : i32
      %gather3A_1023 = tpu.memref_slice %arg9[%gather3A_1020, %gather3A_1021, %gather3A_1022] : memref<16x40x128xf32, #tpu.memory_space<vmem>> -> memref<1x40x128xf32, #tpu.memory_space<vmem>>
      %gather3A_1024 = tpu.memref_squeeze %gather3A_1023 : memref<1x40x128xf32, #tpu.memory_space<vmem>> -> memref<40x128xf32, #tpu.memory_space<vmem>>
      %gather3A_1025 = tpu.vector_load_idx %gather3A_1024[%iota3A, %add3A_1015] : memref<40x128xf32, #tpu.memory_space<vmem>>[vector<16xi32>, vector<16xi32>], vector<16xf32>,
      %swap3A_1026 = arith.index_cast %add3A_1019 : i32 to index
      %swap3A_1027 = arith.constant 0 : index
      %swap3A_1028 = tpu.vector_load %arg10[%swap3A_1026, %swap3A_1027] {strides = array<i32>} : memref<128x40xf32, #tpu.memory_space<vmem>>, vector<16xf32>,
      tpu.vector_store %arg10[%swap3A_1026, %swap3A_1027], %gather3A_1025 {strides = array<i32>} : memref<128x40xf32, #tpu.memory_space<vmem>>, vector<16xf32>,
      %add3A_1029 = arith.constant 16 : i32
      %add3A_1030 = vector.broadcast %add3A_1029 : i32 to vector<16xi32>
      %add3A_1031 = arith.addi %iota3A, %add3A_1030 : vector<16xi32>
      %gather3A_1032 = arith.constant 11 : i32
      %gather3A_1033 = arith.constant 0 : i32
      %gather3A_1034 = arith.constant 0 : i32
      %gather3A_1035 = tpu.memref_slice %arg9[%gather3A_1032, %gather3A_1033, %gather3A_1034] : memref<16x40x128xf32, #tpu.memory_space<vmem>> -> memref<1x40x128xf32, #tpu.memory_space<vmem>>
      %gather3A_1036 = tpu.memref_squeeze %gather3A_1035 : memref<1x40x128xf32, #tpu.memory_space<vmem>> -> memref<40x128xf32, #tpu.memory_space<vmem>>
      %gather3A_1037 = tpu.vector_load_idx %gather3A_1036[%add3A_1031, %add3A_1015] : memref<40x128xf32, #tpu.memory_space<vmem>>[vector<16xi32>, vector<16xi32>], vector<16xf32>,
      %swap3A_1038 = arith.index_cast %add3A_1019 : i32 to index
      %swap3A_1039 = arith.constant 16 : index
      %swap3A_1040 = tpu.vector_load %arg10[%swap3A_1038, %swap3A_1039] {strides = array<i32>} : memref<128x40xf32, #tpu.memory_space<vmem>>, vector<16xf32>,
      tpu.vector_store %arg10[%swap3A_1038, %swap3A_1039], %gather3A_1037 {strides = array<i32>} : memref<128x40xf32, #tpu.memory_space<vmem>>, vector<16xf32>,
      %add3A_1041 = arith.constant 24 : i32
      %add3A_1042 = vector.broadcast %add3A_1041 : i32 to vector<16xi32>
      %add3A_1043 = arith.addi %iota3A, %add3A_1042 : vector<16xi32>
      %gather3A_1044 = arith.constant 11 : i32
      %gather3A_1045 = arith.constant 0 : i32
      %gather3A_1046 = arith.constant 0 : i32
      %gather3A_1047 = tpu.memref_slice %arg9[%gather3A_1044, %gather3A_1045, %gather3A_1046] : memref<16x40x128xf32, #tpu.memory_space<vmem>> -> memref<1x40x128xf32, #tpu.memory_space<vmem>>
      %gather3A_1048 = tpu.memref_squeeze %gather3A_1047 : memref<1x40x128xf32, #tpu.memory_space<vmem>> -> memref<40x128xf32, #tpu.memory_space<vmem>>
      %gather3A_1049 = tpu.vector_load_idx %gather3A_1048[%add3A_1043, %add3A_1015] : memref<40x128xf32, #tpu.memory_space<vmem>>[vector<16xi32>, vector<16xi32>], vector<16xf32>,
      %swap3A_1050 = arith.index_cast %add3A_1019 : i32 to index
      %swap3A_1051 = arith.constant 24 : index
      %swap3A_1052 = tpu.vector_load %arg10[%swap3A_1050, %swap3A_1051] {strides = array<i32>} : memref<128x40xf32, #tpu.memory_space<vmem>>, vector<16xf32>,
      tpu.vector_store %arg10[%swap3A_1050, %swap3A_1051], %gather3A_1049 {strides = array<i32>} : memref<128x40xf32, #tpu.memory_space<vmem>>, vector<16xf32>,
      %slice3A_1053 = vector.extract_strided_slice %get3A_16 {offsets = [12], sizes = [1], strides = [1]} : vector<16xi32> to vector<1xi32>
      %squeeze3A_1054 = vector.extract %slice3A_1053[0] : i32 from vector<1xi32>
      %and3A_1055 = arith.constant 127 : i32
      %and3A_1056 = arith.andi %squeeze3A_1054, %and3A_1055 : i32
      %add3A_1057 = vector.broadcast %and3A_1056 : i32 to vector<16xi32>
      %add3A_1058 = arith.addi %broadcast_in_dim3A_3, %add3A_1057 : vector<16xi32>
      %mul3A_1059 = arith.constant 16 : i32
      %mul3A_1060 = arith.muli %scan3A_13, %mul3A_1059 : i32
      %add3A_1061 = arith.constant 12 : i32
      %add3A_1062 = arith.addi %mul3A_1060, %add3A_1061 : i32
      %gather3A_1063 = arith.constant 12 : i32
      %gather3A_1064 = arith.constant 0 : i32
      %gather3A_1065 = arith.constant 0 : i32
      %gather3A_1066 = tpu.memref_slice %arg9[%gather3A_1063, %gather3A_1064, %gather3A_1065] : memref<16x40x128xf32, #tpu.memory_space<vmem>> -> memref<1x40x128xf32, #tpu.memory_space<vmem>>
      %gather3A_1067 = tpu.memref_squeeze %gather3A_1066 : memref<1x40x128xf32, #tpu.memory_space<vmem>> -> memref<40x128xf32, #tpu.memory_space<vmem>>
      %gather3A_1068 = tpu.vector_load_idx %gather3A_1067[%iota3A, %add3A_1058] : memref<40x128xf32, #tpu.memory_space<vmem>>[vector<16xi32>, vector<16xi32>], vector<16xf32>,
      %swap3A_1069 = arith.index_cast %add3A_1062 : i32 to index
      %swap3A_1070 = arith.constant 0 : index
      %swap3A_1071 = tpu.vector_load %arg10[%swap3A_1069, %swap3A_1070] {strides = array<i32>} : memref<128x40xf32, #tpu.memory_space<vmem>>, vector<16xf32>,
      tpu.vector_store %arg10[%swap3A_1069, %swap3A_1070], %gather3A_1068 {strides = array<i32>} : memref<128x40xf32, #tpu.memory_space<vmem>>, vector<16xf32>,
      %add3A_1072 = arith.constant 16 : i32
      %add3A_1073 = vector.broadcast %add3A_1072 : i32 to vector<16xi32>
      %add3A_1074 = arith.addi %iota3A, %add3A_1073 : vector<16xi32>
      %gather3A_1075 = arith.constant 12 : i32
      %gather3A_1076 = arith.constant 0 : i32
      %gather3A_1077 = arith.constant 0 : i32
      %gather3A_1078 = tpu.memref_slice %arg9[%gather3A_1075, %gather3A_1076, %gather3A_1077] : memref<16x40x128xf32, #tpu.memory_space<vmem>> -> memref<1x40x128xf32, #tpu.memory_space<vmem>>
      %gather3A_1079 = tpu.memref_squeeze %gather3A_1078 : memref<1x40x128xf32, #tpu.memory_space<vmem>> -> memref<40x128xf32, #tpu.memory_space<vmem>>
      %gather3A_1080 = tpu.vector_load_idx %gather3A_1079[%add3A_1074, %add3A_1058] : memref<40x128xf32, #tpu.memory_space<vmem>>[vector<16xi32>, vector<16xi32>], vector<16xf32>,
      %swap3A_1081 = arith.index_cast %add3A_1062 : i32 to index
      %swap3A_1082 = arith.constant 16 : index
      %swap3A_1083 = tpu.vector_load %arg10[%swap3A_1081, %swap3A_1082] {strides = array<i32>} : memref<128x40xf32, #tpu.memory_space<vmem>>, vector<16xf32>,
      tpu.vector_store %arg10[%swap3A_1081, %swap3A_1082], %gather3A_1080 {strides = array<i32>} : memref<128x40xf32, #tpu.memory_space<vmem>>, vector<16xf32>,
      %add3A_1084 = arith.constant 24 : i32
      %add3A_1085 = vector.broadcast %add3A_1084 : i32 to vector<16xi32>
      %add3A_1086 = arith.addi %iota3A, %add3A_1085 : vector<16xi32>
      %gather3A_1087 = arith.constant 12 : i32
      %gather3A_1088 = arith.constant 0 : i32
      %gather3A_1089 = arith.constant 0 : i32
      %gather3A_1090 = tpu.memref_slice %arg9[%gather3A_1087, %gather3A_1088, %gather3A_1089] : memref<16x40x128xf32, #tpu.memory_space<vmem>> -> memref<1x40x128xf32, #tpu.memory_space<vmem>>
      %gather3A_1091 = tpu.memref_squeeze %gather3A_1090 : memref<1x40x128xf32, #tpu.memory_space<vmem>> -> memref<40x128xf32, #tpu.memory_space<vmem>>
      %gather3A_1092 = tpu.vector_load_idx %gather3A_1091[%add3A_1086, %add3A_1058] : memref<40x128xf32, #tpu.memory_space<vmem>>[vector<16xi32>, vector<16xi32>], vector<16xf32>,
      %swap3A_1093 = arith.index_cast %add3A_1062 : i32 to index
      %swap3A_1094 = arith.constant 24 : index
      %swap3A_1095 = tpu.vector_load %arg10[%swap3A_1093, %swap3A_1094] {strides = array<i32>} : memref<128x40xf32, #tpu.memory_space<vmem>>, vector<16xf32>,
      tpu.vector_store %arg10[%swap3A_1093, %swap3A_1094], %gather3A_1092 {strides = array<i32>} : memref<128x40xf32, #tpu.memory_space<vmem>>, vector<16xf32>,
      %slice3A_1096 = vector.extract_strided_slice %get3A_16 {offsets = [13], sizes = [1], strides = [1]} : vector<16xi32> to vector<1xi32>
      %squeeze3A_1097 = vector.extract %slice3A_1096[0] : i32 from vector<1xi32>
      %and3A_1098 = arith.constant 127 : i32
      %and3A_1099 = arith.andi %squeeze3A_1097, %and3A_1098 : i32
      %add3A_1100 = vector.broadcast %and3A_1099 : i32 to vector<16xi32>
      %add3A_1101 = arith.addi %broadcast_in_dim3A_3, %add3A_1100 : vector<16xi32>
      %mul3A_1102 = arith.constant 16 : i32
      %mul3A_1103 = arith.muli %scan3A_13, %mul3A_1102 : i32
      %add3A_1104 = arith.constant 13 : i32
      %add3A_1105 = arith.addi %mul3A_1103, %add3A_1104 : i32
      %gather3A_1106 = arith.constant 13 : i32
      %gather3A_1107 = arith.constant 0 : i32
      %gather3A_1108 = arith.constant 0 : i32
      %gather3A_1109 = tpu.memref_slice %arg9[%gather3A_1106, %gather3A_1107, %gather3A_1108] : memref<16x40x128xf32, #tpu.memory_space<vmem>> -> memref<1x40x128xf32, #tpu.memory_space<vmem>>
      %gather3A_1110 = tpu.memref_squeeze %gather3A_1109 : memref<1x40x128xf32, #tpu.memory_space<vmem>> -> memref<40x128xf32, #tpu.memory_space<vmem>>
      %gather3A_1111 = tpu.vector_load_idx %gather3A_1110[%iota3A, %add3A_1101] : memref<40x128xf32, #tpu.memory_space<vmem>>[vector<16xi32>, vector<16xi32>], vector<16xf32>,
      %swap3A_1112 = arith.index_cast %add3A_1105 : i32 to index
      %swap3A_1113 = arith.constant 0 : index
      %swap3A_1114 = tpu.vector_load %arg10[%swap3A_1112, %swap3A_1113] {strides = array<i32>} : memref<128x40xf32, #tpu.memory_space<vmem>>, vector<16xf32>,
      tpu.vector_store %arg10[%swap3A_1112, %swap3A_1113], %gather3A_1111 {strides = array<i32>} : memref<128x40xf32, #tpu.memory_space<vmem>>, vector<16xf32>,
      %add3A_1115 = arith.constant 16 : i32
      %add3A_1116 = vector.broadcast %add3A_1115 : i32 to vector<16xi32>
      %add3A_1117 = arith.addi %iota3A, %add3A_1116 : vector<16xi32>
      %gather3A_1118 = arith.constant 13 : i32
      %gather3A_1119 = arith.constant 0 : i32
      %gather3A_1120 = arith.constant 0 : i32
      %gather3A_1121 = tpu.memref_slice %arg9[%gather3A_1118, %gather3A_1119, %gather3A_1120] : memref<16x40x128xf32, #tpu.memory_space<vmem>> -> memref<1x40x128xf32, #tpu.memory_space<vmem>>
      %gather3A_1122 = tpu.memref_squeeze %gather3A_1121 : memref<1x40x128xf32, #tpu.memory_space<vmem>> -> memref<40x128xf32, #tpu.memory_space<vmem>>
      %gather3A_1123 = tpu.vector_load_idx %gather3A_1122[%add3A_1117, %add3A_1101] : memref<40x128xf32, #tpu.memory_space<vmem>>[vector<16xi32>, vector<16xi32>], vector<16xf32>,
      %swap3A_1124 = arith.index_cast %add3A_1105 : i32 to index
      %swap3A_1125 = arith.constant 16 : index
      %swap3A_1126 = tpu.vector_load %arg10[%swap3A_1124, %swap3A_1125] {strides = array<i32>} : memref<128x40xf32, #tpu.memory_space<vmem>>, vector<16xf32>,
      tpu.vector_store %arg10[%swap3A_1124, %swap3A_1125], %gather3A_1123 {strides = array<i32>} : memref<128x40xf32, #tpu.memory_space<vmem>>, vector<16xf32>,
      %add3A_1127 = arith.constant 24 : i32
      %add3A_1128 = vector.broadcast %add3A_1127 : i32 to vector<16xi32>
      %add3A_1129 = arith.addi %iota3A, %add3A_1128 : vector<16xi32>
      %gather3A_1130 = arith.constant 13 : i32
      %gather3A_1131 = arith.constant 0 : i32
      %gather3A_1132 = arith.constant 0 : i32
      %gather3A_1133 = tpu.memref_slice %arg9[%gather3A_1130, %gather3A_1131, %gather3A_1132] : memref<16x40x128xf32, #tpu.memory_space<vmem>> -> memref<1x40x128xf32, #tpu.memory_space<vmem>>
      %gather3A_1134 = tpu.memref_squeeze %gather3A_1133 : memref<1x40x128xf32, #tpu.memory_space<vmem>> -> memref<40x128xf32, #tpu.memory_space<vmem>>
      %gather3A_1135 = tpu.vector_load_idx %gather3A_1134[%add3A_1129, %add3A_1101] : memref<40x128xf32, #tpu.memory_space<vmem>>[vector<16xi32>, vector<16xi32>], vector<16xf32>,
      %swap3A_1136 = arith.index_cast %add3A_1105 : i32 to index
      %swap3A_1137 = arith.constant 24 : index
      %swap3A_1138 = tpu.vector_load %arg10[%swap3A_1136, %swap3A_1137] {strides = array<i32>} : memref<128x40xf32, #tpu.memory_space<vmem>>, vector<16xf32>,
      tpu.vector_store %arg10[%swap3A_1136, %swap3A_1137], %gather3A_1135 {strides = array<i32>} : memref<128x40xf32, #tpu.memory_space<vmem>>, vector<16xf32>,
      %slice3A_1139 = vector.extract_strided_slice %get3A_16 {offsets = [14], sizes = [1], strides = [1]} : vector<16xi32> to vector<1xi32>
      %squeeze3A_1140 = vector.extract %slice3A_1139[0] : i32 from vector<1xi32>
      %and3A_1141 = arith.constant 127 : i32
      %and3A_1142 = arith.andi %squeeze3A_1140, %and3A_1141 : i32
      %add3A_1143 = vector.broadcast %and3A_1142 : i32 to vector<16xi32>
      %add3A_1144 = arith.addi %broadcast_in_dim3A_3, %add3A_1143 : vector<16xi32>
      %mul3A_1145 = arith.constant 16 : i32
      %mul3A_1146 = arith.muli %scan3A_13, %mul3A_1145 : i32
      %add3A_1147 = arith.constant 14 : i32
      %add3A_1148 = arith.addi %mul3A_1146, %add3A_1147 : i32
      %gather3A_1149 = arith.constant 14 : i32
      %gather3A_1150 = arith.constant 0 : i32
      %gather3A_1151 = arith.constant 0 : i32
      %gather3A_1152 = tpu.memref_slice %arg9[%gather3A_1149, %gather3A_1150, %gather3A_1151] : memref<16x40x128xf32, #tpu.memory_space<vmem>> -> memref<1x40x128xf32, #tpu.memory_space<vmem>>
      %gather3A_1153 = tpu.memref_squeeze %gather3A_1152 : memref<1x40x128xf32, #tpu.memory_space<vmem>> -> memref<40x128xf32, #tpu.memory_space<vmem>>
      %gather3A_1154 = tpu.vector_load_idx %gather3A_1153[%iota3A, %add3A_1144] : memref<40x128xf32, #tpu.memory_space<vmem>>[vector<16xi32>, vector<16xi32>], vector<16xf32>,
      %swap3A_1155 = arith.index_cast %add3A_1148 : i32 to index
      %swap3A_1156 = arith.constant 0 : index
      %swap3A_1157 = tpu.vector_load %arg10[%swap3A_1155, %swap3A_1156] {strides = array<i32>} : memref<128x40xf32, #tpu.memory_space<vmem>>, vector<16xf32>,
      tpu.vector_store %arg10[%swap3A_1155, %swap3A_1156], %gather3A_1154 {strides = array<i32>} : memref<128x40xf32, #tpu.memory_space<vmem>>, vector<16xf32>,
      %add3A_1158 = arith.constant 16 : i32
      %add3A_1159 = vector.broadcast %add3A_1158 : i32 to vector<16xi32>
      %add3A_1160 = arith.addi %iota3A, %add3A_1159 : vector<16xi32>
      %gather3A_1161 = arith.constant 14 : i32
      %gather3A_1162 = arith.constant 0 : i32
      %gather3A_1163 = arith.constant 0 : i32
      %gather3A_1164 = tpu.memref_slice %arg9[%gather3A_1161, %gather3A_1162, %gather3A_1163] : memref<16x40x128xf32, #tpu.memory_space<vmem>> -> memref<1x40x128xf32, #tpu.memory_space<vmem>>
      %gather3A_1165 = tpu.memref_squeeze %gather3A_1164 : memref<1x40x128xf32, #tpu.memory_space<vmem>> -> memref<40x128xf32, #tpu.memory_space<vmem>>
      %gather3A_1166 = tpu.vector_load_idx %gather3A_1165[%add3A_1160, %add3A_1144] : memref<40x128xf32, #tpu.memory_space<vmem>>[vector<16xi32>, vector<16xi32>], vector<16xf32>,
      %swap3A_1167 = arith.index_cast %add3A_1148 : i32 to index
      %swap3A_1168 = arith.constant 16 : index
      %swap3A_1169 = tpu.vector_load %arg10[%swap3A_1167, %swap3A_1168] {strides = array<i32>} : memref<128x40xf32, #tpu.memory_space<vmem>>, vector<16xf32>,
      tpu.vector_store %arg10[%swap3A_1167, %swap3A_1168], %gather3A_1166 {strides = array<i32>} : memref<128x40xf32, #tpu.memory_space<vmem>>, vector<16xf32>,
      %add3A_1170 = arith.constant 24 : i32
      %add3A_1171 = vector.broadcast %add3A_1170 : i32 to vector<16xi32>
      %add3A_1172 = arith.addi %iota3A, %add3A_1171 : vector<16xi32>
      %gather3A_1173 = arith.constant 14 : i32
      %gather3A_1174 = arith.constant 0 : i32
      %gather3A_1175 = arith.constant 0 : i32
      %gather3A_1176 = tpu.memref_slice %arg9[%gather3A_1173, %gather3A_1174, %gather3A_1175] : memref<16x40x128xf32, #tpu.memory_space<vmem>> -> memref<1x40x128xf32, #tpu.memory_space<vmem>>
      %gather3A_1177 = tpu.memref_squeeze %gather3A_1176 : memref<1x40x128xf32, #tpu.memory_space<vmem>> -> memref<40x128xf32, #tpu.memory_space<vmem>>
      %gather3A_1178 = tpu.vector_load_idx %gather3A_1177[%add3A_1172, %add3A_1144] : memref<40x128xf32, #tpu.memory_space<vmem>>[vector<16xi32>, vector<16xi32>], vector<16xf32>,
      %swap3A_1179 = arith.index_cast %add3A_1148 : i32 to index
      %swap3A_1180 = arith.constant 24 : index
      %swap3A_1181 = tpu.vector_load %arg10[%swap3A_1179, %swap3A_1180] {strides = array<i32>} : memref<128x40xf32, #tpu.memory_space<vmem>>, vector<16xf32>,
      tpu.vector_store %arg10[%swap3A_1179, %swap3A_1180], %gather3A_1178 {strides = array<i32>} : memref<128x40xf32, #tpu.memory_space<vmem>>, vector<16xf32>,
      %slice3A_1182 = vector.extract_strided_slice %get3A_16 {offsets = [15], sizes = [1], strides = [1]} : vector<16xi32> to vector<1xi32>
      %squeeze3A_1183 = vector.extract %slice3A_1182[0] : i32 from vector<1xi32>
      %and3A_1184 = arith.constant 127 : i32
      %and3A_1185 = arith.andi %squeeze3A_1183, %and3A_1184 : i32
      %add3A_1186 = vector.broadcast %and3A_1185 : i32 to vector<16xi32>
      %add3A_1187 = arith.addi %broadcast_in_dim3A_3, %add3A_1186 : vector<16xi32>
      %mul3A_1188 = arith.constant 16 : i32
      %mul3A_1189 = arith.muli %scan3A_13, %mul3A_1188 : i32
      %add3A_1190 = arith.constant 15 : i32
      %add3A_1191 = arith.addi %mul3A_1189, %add3A_1190 : i32
      %gather3A_1192 = arith.constant 15 : i32
      %gather3A_1193 = arith.constant 0 : i32
      %gather3A_1194 = arith.constant 0 : i32
      %gather3A_1195 = tpu.memref_slice %arg9[%gather3A_1192, %gather3A_1193, %gather3A_1194] : memref<16x40x128xf32, #tpu.memory_space<vmem>> -> memref<1x40x128xf32, #tpu.memory_space<vmem>>
      %gather3A_1196 = tpu.memref_squeeze %gather3A_1195 : memref<1x40x128xf32, #tpu.memory_space<vmem>> -> memref<40x128xf32, #tpu.memory_space<vmem>>
      %gather3A_1197 = tpu.vector_load_idx %gather3A_1196[%iota3A, %add3A_1187] : memref<40x128xf32, #tpu.memory_space<vmem>>[vector<16xi32>, vector<16xi32>], vector<16xf32>,
      %swap3A_1198 = arith.index_cast %add3A_1191 : i32 to index
      %swap3A_1199 = arith.constant 0 : index
      %swap3A_1200 = tpu.vector_load %arg10[%swap3A_1198, %swap3A_1199] {strides = array<i32>} : memref<128x40xf32, #tpu.memory_space<vmem>>, vector<16xf32>,
      tpu.vector_store %arg10[%swap3A_1198, %swap3A_1199], %gather3A_1197 {strides = array<i32>} : memref<128x40xf32, #tpu.memory_space<vmem>>, vector<16xf32>,
      %add3A_1201 = arith.constant 16 : i32
      %add3A_1202 = vector.broadcast %add3A_1201 : i32 to vector<16xi32>
      %add3A_1203 = arith.addi %iota3A, %add3A_1202 : vector<16xi32>
      %gather3A_1204 = arith.constant 15 : i32
      %gather3A_1205 = arith.constant 0 : i32
      %gather3A_1206 = arith.constant 0 : i32
      %gather3A_1207 = tpu.memref_slice %arg9[%gather3A_1204, %gather3A_1205, %gather3A_1206] : memref<16x40x128xf32, #tpu.memory_space<vmem>> -> memref<1x40x128xf32, #tpu.memory_space<vmem>>
      %gather3A_1208 = tpu.memref_squeeze %gather3A_1207 : memref<1x40x128xf32, #tpu.memory_space<vmem>> -> memref<40x128xf32, #tpu.memory_space<vmem>>
      %gather3A_1209 = tpu.vector_load_idx %gather3A_1208[%add3A_1203, %add3A_1187] : memref<40x128xf32, #tpu.memory_space<vmem>>[vector<16xi32>, vector<16xi32>], vector<16xf32>,
      %swap3A_1210 = arith.index_cast %add3A_1191 : i32 to index
      %swap3A_1211 = arith.constant 16 : index
      %swap3A_1212 = tpu.vector_load %arg10[%swap3A_1210, %swap3A_1211] {strides = array<i32>} : memref<128x40xf32, #tpu.memory_space<vmem>>, vector<16xf32>,
      tpu.vector_store %arg10[%swap3A_1210, %swap3A_1211], %gather3A_1209 {strides = array<i32>} : memref<128x40xf32, #tpu.memory_space<vmem>>, vector<16xf32>,
      %add3A_1213 = arith.constant 24 : i32
      %add3A_1214 = vector.broadcast %add3A_1213 : i32 to vector<16xi32>
      %add3A_1215 = arith.addi %iota3A, %add3A_1214 : vector<16xi32>
      %gather3A_1216 = arith.constant 15 : i32
      %gather3A_1217 = arith.constant 0 : i32
      %gather3A_1218 = arith.constant 0 : i32
      %gather3A_1219 = tpu.memref_slice %arg9[%gather3A_1216, %gather3A_1217, %gather3A_1218] : memref<16x40x128xf32, #tpu.memory_space<vmem>> -> memref<1x40x128xf32, #tpu.memory_space<vmem>>
      %gather3A_1220 = tpu.memref_squeeze %gather3A_1219 : memref<1x40x128xf32, #tpu.memory_space<vmem>> -> memref<40x128xf32, #tpu.memory_space<vmem>>
      %gather3A_1221 = tpu.vector_load_idx %gather3A_1220[%add3A_1215, %add3A_1187] : memref<40x128xf32, #tpu.memory_space<vmem>>[vector<16xi32>, vector<16xi32>], vector<16xf32>,
      %swap3A_1222 = arith.index_cast %add3A_1191 : i32 to index
      %swap3A_1223 = arith.constant 24 : index
      %swap3A_1224 = tpu.vector_load %arg10[%swap3A_1222, %swap3A_1223] {strides = array<i32>} : memref<128x40xf32, #tpu.memory_space<vmem>>, vector<16xf32>,
      tpu.vector_store %arg10[%swap3A_1222, %swap3A_1223], %gather3A_1221 {strides = array<i32>} : memref<128x40xf32, #tpu.memory_space<vmem>>, vector<16xf32>,
    }
    %scan3A_12 = arith.constant 8 : i32
    "tpu.region"() ({
      %run_scoped3A = tpu.sem_alloc : memref<!tpu.dma_semaphore, #tpu.memory_space<semaphore_mem>>
      %dma_start3A = arith.constant 0 : i32
      %dma_start3A_13 = tpu.memref_slice %arg7[%mul3A_2, %dma_start3A] : memref<4096x40xf32, #tpu.memory_space<hbm>> -> memref<128x40xf32, #tpu.memory_space<hbm>>
      %dma_start3A_14 = arith.constant 0 : i32
      %dma_start3A_15 = tpu.memref_slice %arg7[%mul3A_2, %dma_start3A_14] : memref<4096x40xf32, #tpu.memory_space<hbm>> -> memref<128x40xf32, #tpu.memory_space<hbm>>
      tpu.enqueue_dma source(%arg10 : memref<128x40xf32, #tpu.memory_space<vmem>>) target(%dma_start3A_15 : memref<128x40xf32, #tpu.memory_space<hbm>>) target_semaphore(%run_scoped3A : memref<!tpu.dma_semaphore, #tpu.memory_space<semaphore_mem>>)
      %dma_wait3A = arith.constant 0 : i32
      %dma_wait3A_16 = tpu.memref_slice %arg7[%mul3A_2, %dma_wait3A] : memref<4096x40xf32, #tpu.memory_space<hbm>> -> memref<128x40xf32, #tpu.memory_space<hbm>>
      %dma_wait3A_17 = arith.constant 0 : i32
      %dma_wait3A_18 = tpu.memref_slice %arg7[%mul3A_2, %dma_wait3A_17] : memref<4096x40xf32, #tpu.memory_space<hbm>> -> memref<128x40xf32, #tpu.memory_space<hbm>>
      tpu.wait_dma2 semaphore(%run_scoped3A : memref<!tpu.dma_semaphore, #tpu.memory_space<semaphore_mem>>) src(%arg10 : memref<128x40xf32, #tpu.memory_space<vmem>>) dst(%dma_wait3A_18 : memref<128x40xf32, #tpu.memory_space<hbm>>)
      tpu.yield
    }) : () -> ()
    return
  }
}

module attributes {stable_mosaic.version = 14 : i64} {
  func.func @_mlp_body(%arg0: i32, %arg1: memref<512x40xf32, #tpu.memory_space<vmem>>, %arg2: memref<512x40xf32, #tpu.memory_space<vmem>>, %arg3: memref<512x1xi32, #tpu.memory_space<vmem>>, %arg4: memref<512x1xi32, #tpu.memory_space<vmem>>, %arg5: memref<512x1xi32, #tpu.memory_space<vmem>>, %arg6: memref<512x1xf32, #tpu.memory_space<vmem>>, %arg7: memref<512x1xf32, #tpu.memory_space<vmem>>, %arg8: memref<512x1xf32, #tpu.memory_space<vmem>>, %arg9: memref<7x40xf32, #tpu.memory_space<vmem>>, %arg10: memref<12x40xf32, #tpu.memory_space<vmem>>, %arg11: memref<24x40xf32, #tpu.memory_space<vmem>>, %arg12: memref<2x1xf32, #tpu.memory_space<vmem>>, %arg13: memref<1x1xf32, #tpu.memory_space<vmem>>, %arg14: memref<201x1024xf32, #tpu.memory_space<vmem>>, %arg15: memref<1x1024xf32, #tpu.memory_space<vmem>>, %arg16: memref<1024x512xf32, #tpu.memory_space<vmem>>, %arg17: memref<1x512xf32, #tpu.memory_space<vmem>>, %arg18: memref<512x256xf32, #tpu.memory_space<vmem>>, %arg19: memref<1x256xf32, #tpu.memory_space<vmem>>, %arg20: memref<512x256xf32, #tpu.memory_space<vmem>>) attributes {dimension_semantics = [#tpu.dimension_semantics<arbitrary>], iteration_bounds = array<i64: 8>, scalar_prefetch = 0 : i64, scratch_operands = 0 : i64, tpu.core_type = #tpu.core_type<tc>, window_params = [{transform_indices = @transform_0, window_bounds = array<i64: 512, 40>}, {transform_indices = @transform_1, window_bounds = array<i64: 512, 40>}, {transform_indices = @transform_2, window_bounds = array<i64: 512, 1>}, {transform_indices = @transform_3, window_bounds = array<i64: 512, 1>}, {transform_indices = @transform_4, window_bounds = array<i64: 512, 1>}, {transform_indices = @transform_5, window_bounds = array<i64: 512, 1>}, {transform_indices = @transform_6, window_bounds = array<i64: 512, 1>}, {transform_indices = @transform_7, window_bounds = array<i64: 512, 1>}, {pipeline_mode = #tpu.pipeline_mode<synchronous>, transform_indices = @transform_8, window_bounds = array<i64: 7, 40>}, {pipeline_mode = #tpu.pipeline_mode<synchronous>, transform_indices = @transform_9, window_bounds = array<i64: 12, 40>}, {pipeline_mode = #tpu.pipeline_mode<synchronous>, transform_indices = @transform_10, window_bounds = array<i64: 24, 40>}, {pipeline_mode = #tpu.pipeline_mode<synchronous>, transform_indices = @transform_11, window_bounds = array<i64: 2, 1>}, {pipeline_mode = #tpu.pipeline_mode<synchronous>, transform_indices = @transform_12, window_bounds = array<i64: 1, 1>}, {pipeline_mode = #tpu.pipeline_mode<synchronous>, transform_indices = @transform_13, window_bounds = array<i64: 201, 1024>}, {pipeline_mode = #tpu.pipeline_mode<synchronous>, transform_indices = @transform_14, window_bounds = array<i64: 1, 1024>}, {pipeline_mode = #tpu.pipeline_mode<synchronous>, transform_indices = @transform_15, window_bounds = array<i64: 1024, 512>}, {pipeline_mode = #tpu.pipeline_mode<synchronous>, transform_indices = @transform_16, window_bounds = array<i64: 1, 512>}, {pipeline_mode = #tpu.pipeline_mode<synchronous>, transform_indices = @transform_17, window_bounds = array<i64: 512, 256>}, {pipeline_mode = #tpu.pipeline_mode<synchronous>, transform_indices = @transform_18, window_bounds = array<i64: 1, 256>}, {transform_indices = @transform_19, window_bounds = array<i64: 512, 256>}]} {
    %get3A = arith.constant 0 : index
    %get3A_0 = arith.constant 0 : index
    %get3A_1 = vector.load %arg3[%get3A, %get3A_0] : memref<512x1xi32, #tpu.memory_space<vmem>>, vector<512x1xi32>
    %iota3A = tpu.iota {dimensions = array<i32: 1>} : vector<512x7xi32>
    %eq3A = vector.broadcast %get3A_1 : vector<512x1xi32> to vector<512x7xi32>
    %eq3A_2 = arith.cmpi eq, %iota3A, %eq3A : vector<512x7xi32>
    %convert_element_type3A = arith.extui %eq3A_2 : vector<512x7xi1> to vector<512x7xi32>
    %convert_element_type3A_3 = arith.sitofp %convert_element_type3A : vector<512x7xi32> to vector<512x7xf32>
    %get3A_4 = arith.constant 0 : index
    %get3A_5 = arith.constant 0 : index
    %get3A_6 = vector.load %arg9[%get3A_4, %get3A_5] : memref<7x40xf32, #tpu.memory_space<vmem>>, vector<7x40xf32>
    %dot_general3A = arith.constant dense<0.000000e+00> : vector<512x40xf32>
    %dot_general3A_7 = tpu.matmul %convert_element_type3A_3, %get3A_6, %dot_general3A {dimension_numbers = #tpu.dot_dimension_numbers<[1], [0], [0], [1], [0, 0, 1, 1], [], []>, precision = #tpu.contract_precision<fp32>, transpose_lhs_hint = false} : vector<512x7xf32>, vector<7x40xf32>, vector<512x40xf32> -> vector<512x40xf32>
    %get3A_8 = arith.constant 0 : index
    %get3A_9 = arith.constant 0 : index
    %get3A_10 = vector.load %arg4[%get3A_8, %get3A_9] : memref<512x1xi32, #tpu.memory_space<vmem>>, vector<512x1xi32>
    %iota3A_11 = tpu.iota {dimensions = array<i32: 1>} : vector<512x12xi32>
    %eq3A_12 = vector.broadcast %get3A_10 : vector<512x1xi32> to vector<512x12xi32>
    %eq3A_13 = arith.cmpi eq, %iota3A_11, %eq3A_12 : vector<512x12xi32>
    %convert_element_type3A_14 = arith.extui %eq3A_13 : vector<512x12xi1> to vector<512x12xi32>
    %convert_element_type3A_15 = arith.sitofp %convert_element_type3A_14 : vector<512x12xi32> to vector<512x12xf32>
    %get3A_16 = arith.constant 0 : index
    %get3A_17 = arith.constant 0 : index
    %get3A_18 = vector.load %arg10[%get3A_16, %get3A_17] : memref<12x40xf32, #tpu.memory_space<vmem>>, vector<12x40xf32>
    %dot_general3A_19 = arith.constant dense<0.000000e+00> : vector<512x40xf32>
    %dot_general3A_20 = tpu.matmul %convert_element_type3A_15, %get3A_18, %dot_general3A_19 {dimension_numbers = #tpu.dot_dimension_numbers<[1], [0], [0], [1], [0, 0, 1, 1], [], []>, precision = #tpu.contract_precision<fp32>, transpose_lhs_hint = false} : vector<512x12xf32>, vector<12x40xf32>, vector<512x40xf32> -> vector<512x40xf32>
    %get3A_21 = arith.constant 0 : index
    %get3A_22 = arith.constant 0 : index
    %get3A_23 = vector.load %arg5[%get3A_21, %get3A_22] : memref<512x1xi32, #tpu.memory_space<vmem>>, vector<512x1xi32>
    %iota3A_24 = tpu.iota {dimensions = array<i32: 1>} : vector<512x24xi32>
    %eq3A_25 = vector.broadcast %get3A_23 : vector<512x1xi32> to vector<512x24xi32>
    %eq3A_26 = arith.cmpi eq, %iota3A_24, %eq3A_25 : vector<512x24xi32>
    %convert_element_type3A_27 = arith.extui %eq3A_26 : vector<512x24xi1> to vector<512x24xi32>
    %convert_element_type3A_28 = arith.sitofp %convert_element_type3A_27 : vector<512x24xi32> to vector<512x24xf32>
    %get3A_29 = arith.constant 0 : index
    %get3A_30 = arith.constant 0 : index
    %get3A_31 = vector.load %arg11[%get3A_29, %get3A_30] : memref<24x40xf32, #tpu.memory_space<vmem>>, vector<24x40xf32>
    %dot_general3A_32 = arith.constant dense<0.000000e+00> : vector<512x40xf32>
    %dot_general3A_33 = tpu.matmul %convert_element_type3A_28, %get3A_31, %dot_general3A_32 {dimension_numbers = #tpu.dot_dimension_numbers<[1], [0], [0], [1], [0, 0, 1, 1], [], []>, precision = #tpu.contract_precision<fp32>, transpose_lhs_hint = false} : vector<512x24xf32>, vector<24x40xf32>, vector<512x40xf32> -> vector<512x40xf32>
    %get3A_34 = arith.constant 0 : index
    %get3A_35 = arith.constant 0 : index
    %get3A_36 = vector.load %arg1[%get3A_34, %get3A_35] : memref<512x40xf32, #tpu.memory_space<vmem>>, vector<512x40xf32>
    %get3A_37 = arith.constant 0 : index
    %get3A_38 = arith.constant 0 : index
    %get3A_39 = vector.load %arg14[%get3A_37, %get3A_38] : memref<201x1024xf32, #tpu.memory_space<vmem>>, vector<40x1024xf32>
    %dot_general3A_40 = arith.constant dense<0.000000e+00> : vector<512x1024xf32>
    %dot_general3A_41 = tpu.matmul %get3A_36, %get3A_39, %dot_general3A_40 {dimension_numbers = #tpu.dot_dimension_numbers<[1], [0], [0], [1], [0, 0, 1, 1], [], []>, transpose_lhs_hint = false} : vector<512x40xf32>, vector<40x1024xf32>, vector<512x1024xf32> -> vector<512x1024xf32>
    %get3A_42 = arith.constant 0 : index
    %get3A_43 = arith.constant 0 : index
    %get3A_44 = vector.load %arg2[%get3A_42, %get3A_43] : memref<512x40xf32, #tpu.memory_space<vmem>>, vector<512x40xf32>
    %get3A_45 = arith.constant 40 : index
    %get3A_46 = arith.constant 0 : index
    %get3A_47 = vector.load %arg14[%get3A_45, %get3A_46] : memref<201x1024xf32, #tpu.memory_space<vmem>>, vector<40x1024xf32>
    %dot_general3A_48 = arith.constant dense<0.000000e+00> : vector<512x1024xf32>
    %dot_general3A_49 = tpu.matmul %get3A_44, %get3A_47, %dot_general3A_48 {dimension_numbers = #tpu.dot_dimension_numbers<[1], [0], [0], [1], [0, 0, 1, 1], [], []>, transpose_lhs_hint = false} : vector<512x40xf32>, vector<40x1024xf32>, vector<512x1024xf32> -> vector<512x1024xf32>
    %add3A = arith.addf %dot_general3A_41, %dot_general3A_49 : vector<512x1024xf32>
    %get3A_50 = arith.constant 80 : index
    %get3A_51 = arith.constant 0 : index
    %get3A_52 = vector.load %arg14[%get3A_50, %get3A_51] : memref<201x1024xf32, #tpu.memory_space<vmem>>, vector<40x1024xf32>
    %dot_general3A_53 = arith.constant dense<0.000000e+00> : vector<512x1024xf32>
    %dot_general3A_54 = tpu.matmul %dot_general3A_7, %get3A_52, %dot_general3A_53 {dimension_numbers = #tpu.dot_dimension_numbers<[1], [0], [0], [1], [0, 0, 1, 1], [], []>, transpose_lhs_hint = false} : vector<512x40xf32>, vector<40x1024xf32>, vector<512x1024xf32> -> vector<512x1024xf32>
    %add3A_55 = arith.addf %add3A, %dot_general3A_54 : vector<512x1024xf32>
    %get3A_56 = arith.constant 120 : index
    %get3A_57 = arith.constant 0 : index
    %get3A_58 = vector.load %arg14[%get3A_56, %get3A_57] : memref<201x1024xf32, #tpu.memory_space<vmem>>, vector<40x1024xf32>
    %dot_general3A_59 = arith.constant dense<0.000000e+00> : vector<512x1024xf32>
    %dot_general3A_60 = tpu.matmul %dot_general3A_20, %get3A_58, %dot_general3A_59 {dimension_numbers = #tpu.dot_dimension_numbers<[1], [0], [0], [1], [0, 0, 1, 1], [], []>, transpose_lhs_hint = false} : vector<512x40xf32>, vector<40x1024xf32>, vector<512x1024xf32> -> vector<512x1024xf32>
    %add3A_61 = arith.addf %add3A_55, %dot_general3A_60 : vector<512x1024xf32>
    %get3A_62 = arith.constant 160 : index
    %get3A_63 = arith.constant 0 : index
    %get3A_64 = vector.load %arg14[%get3A_62, %get3A_63] : memref<201x1024xf32, #tpu.memory_space<vmem>>, vector<40x1024xf32>
    %dot_general3A_65 = arith.constant dense<0.000000e+00> : vector<512x1024xf32>
    %dot_general3A_66 = tpu.matmul %dot_general3A_33, %get3A_64, %dot_general3A_65 {dimension_numbers = #tpu.dot_dimension_numbers<[1], [0], [0], [1], [0, 0, 1, 1], [], []>, transpose_lhs_hint = false} : vector<512x40xf32>, vector<40x1024xf32>, vector<512x1024xf32> -> vector<512x1024xf32>
    %add3A_67 = arith.addf %add3A_61, %dot_general3A_66 : vector<512x1024xf32>
    %get3A_68 = arith.constant 0 : index
    %get3A_69 = arith.constant 0 : index
    %get3A_70 = vector.load %arg6[%get3A_68, %get3A_69] : memref<512x1xf32, #tpu.memory_space<vmem>>, vector<512x1xf32>
    %get3A_71 = arith.constant 200 : index
    %get3A_72 = arith.constant 0 : index
    %get3A_73 = vector.load %arg14[%get3A_71, %get3A_72] : memref<201x1024xf32, #tpu.memory_space<vmem>>, vector<1x1024xf32>
    %mul3A = vector.broadcast %get3A_70 : vector<512x1xf32> to vector<512x1024xf32>
    %mul3A_74 = vector.broadcast %get3A_73 : vector<1x1024xf32> to vector<512x1024xf32>
    %mul3A_75 = arith.mulf %mul3A, %mul3A_74 : vector<512x1024xf32>
    %add3A_76 = arith.addf %add3A_67, %mul3A_75 : vector<512x1024xf32>
    %get3A_77 = arith.constant 0 : index
    %get3A_78 = arith.constant 0 : index
    %get3A_79 = vector.load %arg15[%get3A_77, %get3A_78] : memref<1x1024xf32, #tpu.memory_space<vmem>>, vector<1x1024xf32>
    %add3A_80 = vector.broadcast %get3A_79 : vector<1x1024xf32> to vector<512x1024xf32>
    %add3A_81 = arith.addf %add3A_76, %add3A_80 : vector<512x1024xf32>
    %max3A = arith.constant 0.000000e+00 : f32
    %max3A_82 = vector.broadcast %max3A : f32 to vector<512x1024xf32>
    %max3A_83 = arith.maximumf %add3A_81, %max3A_82 : vector<512x1024xf32>
    %get3A_84 = arith.constant 0 : index
    %get3A_85 = arith.constant 0 : index
    %get3A_86 = vector.load %arg16[%get3A_84, %get3A_85] : memref<1024x512xf32, #tpu.memory_space<vmem>>, vector<1024x512xf32>
    %dot_general3A_87 = arith.constant dense<0.000000e+00> : vector<512x512xf32>
    %dot_general3A_88 = tpu.matmul %max3A_83, %get3A_86, %dot_general3A_87 {dimension_numbers = #tpu.dot_dimension_numbers<[1], [0], [0], [1], [0, 0, 1, 1], [], []>, transpose_lhs_hint = false} : vector<512x1024xf32>, vector<1024x512xf32>, vector<512x512xf32> -> vector<512x512xf32>
    %get3A_89 = arith.constant 0 : index
    %get3A_90 = arith.constant 0 : index
    %get3A_91 = vector.load %arg17[%get3A_89, %get3A_90] : memref<1x512xf32, #tpu.memory_space<vmem>>, vector<1x512xf32>
    %add3A_92 = vector.broadcast %get3A_91 : vector<1x512xf32> to vector<512x512xf32>
    %add3A_93 = arith.addf %dot_general3A_88, %add3A_92 : vector<512x512xf32>
    %max3A_94 = arith.constant 0.000000e+00 : f32
    %max3A_95 = vector.broadcast %max3A_94 : f32 to vector<512x512xf32>
    %max3A_96 = arith.maximumf %add3A_93, %max3A_95 : vector<512x512xf32>
    %get3A_97 = arith.constant 0 : index
    %get3A_98 = arith.constant 0 : index
    %get3A_99 = vector.load %arg18[%get3A_97, %get3A_98] : memref<512x256xf32, #tpu.memory_space<vmem>>, vector<512x256xf32>
    %dot_general3A_100 = arith.constant dense<0.000000e+00> : vector<512x256xf32>
    %dot_general3A_101 = tpu.matmul %max3A_96, %get3A_99, %dot_general3A_100 {dimension_numbers = #tpu.dot_dimension_numbers<[1], [0], [0], [1], [0, 0, 1, 1], [], []>, transpose_lhs_hint = false} : vector<512x512xf32>, vector<512x256xf32>, vector<512x256xf32> -> vector<512x256xf32>
    %get3A_102 = arith.constant 0 : index
    %get3A_103 = arith.constant 0 : index
    %get3A_104 = vector.load %arg19[%get3A_102, %get3A_103] : memref<1x256xf32, #tpu.memory_space<vmem>>, vector<1x256xf32>
    %add3A_105 = vector.broadcast %get3A_104 : vector<1x256xf32> to vector<512x256xf32>
    %add3A_106 = arith.addf %dot_general3A_101, %add3A_105 : vector<512x256xf32>
    %reduce_max3A = arith.constant dense<0xFF800000> : vector<512xf32>
    %reduce_max3A_107 = vector.multi_reduction <maximumf>, %add3A_106, %reduce_max3A [1] : vector<512x256xf32> to vector<512xf32>
    %broadcast_in_dim3A = vector.shape_cast %reduce_max3A_107 : vector<512xf32> to vector<512x1xf32>
    %sub3A = vector.broadcast %broadcast_in_dim3A : vector<512x1xf32> to vector<512x256xf32>
    %sub3A_108 = arith.subf %add3A_106, %sub3A : vector<512x256xf32>
    %exp3A = math.exp %sub3A_108 : vector<512x256xf32>
    %reduce_sum3A = arith.constant dense<0.000000e+00> : vector<512xf32>
    %reduce_sum3A_109 = vector.multi_reduction <add>, %exp3A, %reduce_sum3A [1] : vector<512x256xf32> to vector<512xf32>
    %broadcast_in_dim3A_110 = vector.shape_cast %reduce_sum3A_109 : vector<512xf32> to vector<512x1xf32>
    %div3A = vector.broadcast %broadcast_in_dim3A_110 : vector<512x1xf32> to vector<512x256xf32>
    %div3A_111 = arith.divf %exp3A, %div3A : vector<512x256xf32>
    %get3A_112 = arith.constant 0 : index
    %get3A_113 = arith.constant 0 : index
    %get3A_114 = vector.load %arg7[%get3A_112, %get3A_113] : memref<512x1xf32, #tpu.memory_space<vmem>>, vector<512x1xf32>
    %convert_element_type3A_115 = arith.truncf %get3A_114 : vector<512x1xf32> to vector<512x1xbf16>
    %convert_element_type3A_116 = arith.extf %convert_element_type3A_115 : vector<512x1xbf16> to vector<512x1xf32>
    %get3A_117 = arith.constant 0 : index
    %get3A_118 = arith.constant 0 : index
    %get3A_119 = vector.load %arg12[%get3A_117, %get3A_118] : memref<2x1xf32, #tpu.memory_space<vmem>>, vector<1x1xf32>
    %get3A_120 = vector.extract %get3A_119[0, 0] : f32 from vector<1x1xf32>
    %convert_element_type3A_121 = arith.truncf %get3A_120 : f32 to bf16
    %convert_element_type3A_122 = arith.extf %convert_element_type3A_121 : bf16 to f32
    %mul3A_123 = vector.broadcast %convert_element_type3A_122 : f32 to vector<512x1xf32>
    %mul3A_124 = arith.mulf %convert_element_type3A_116, %mul3A_123 : vector<512x1xf32>
    %get3A_125 = arith.constant 0 : index
    %get3A_126 = arith.constant 0 : index
    %get3A_127 = vector.load %arg8[%get3A_125, %get3A_126] : memref<512x1xf32, #tpu.memory_space<vmem>>, vector<512x1xf32>
    %convert_element_type3A_128 = arith.truncf %get3A_127 : vector<512x1xf32> to vector<512x1xbf16>
    %convert_element_type3A_129 = arith.extf %convert_element_type3A_128 : vector<512x1xbf16> to vector<512x1xf32>
    %get3A_130 = arith.constant 1 : index
    %get3A_131 = arith.constant 0 : index
    %get3A_132 = vector.load %arg12[%get3A_130, %get3A_131] : memref<2x1xf32, #tpu.memory_space<vmem>>, vector<1x1xf32>
    %get3A_133 = vector.extract %get3A_132[0, 0] : f32 from vector<1x1xf32>
    %convert_element_type3A_134 = arith.truncf %get3A_133 : f32 to bf16
    %convert_element_type3A_135 = arith.extf %convert_element_type3A_134 : bf16 to f32
    %mul3A_136 = vector.broadcast %convert_element_type3A_135 : f32 to vector<512x1xf32>
    %mul3A_137 = arith.mulf %convert_element_type3A_129, %mul3A_136 : vector<512x1xf32>
    %add3A_138 = arith.addf %mul3A_124, %mul3A_137 : vector<512x1xf32>
    %get3A_139 = arith.constant 0 : index
    %get3A_140 = arith.constant 0 : index
    %get3A_141 = vector.load %arg13[%get3A_139, %get3A_140] : memref<1x1xf32, #tpu.memory_space<vmem>>, vector<1x1xf32>
    %get3A_142 = vector.extract %get3A_141[0, 0] : f32 from vector<1x1xf32>
    %add3A_143 = vector.broadcast %get3A_142 : f32 to vector<512x1xf32>
    %add3A_144 = arith.addf %add3A_138, %add3A_143 : vector<512x1xf32>
    %add3A_145 = vector.broadcast %add3A_144 : vector<512x1xf32> to vector<512x256xf32>
    %add3A_146 = arith.addf %div3A_111, %add3A_145 : vector<512x256xf32>
    %neg3A = arith.constant 0.000000e+00 : f32
    %neg3A_147 = vector.broadcast %neg3A : f32 to vector<512x256xf32>
    %neg3A_148 = arith.subf %neg3A_147, %add3A_146 : vector<512x256xf32>
    %exp3A_149 = math.exp %neg3A_148 : vector<512x256xf32>
    %add3A_150 = arith.constant 1.000000e+00 : f32
    %add3A_151 = vector.broadcast %add3A_150 : f32 to vector<512x256xf32>
    %add3A_152 = arith.addf %add3A_151, %exp3A_149 : vector<512x256xf32>
    %div3A_153 = arith.constant 1.000000e+00 : f32
    %div3A_154 = vector.broadcast %div3A_153 : f32 to vector<512x256xf32>
    %div3A_155 = arith.divf %div3A_154, %add3A_152 : vector<512x256xf32>
    %swap3A = arith.constant 0 : index
    %swap3A_156 = arith.constant 0 : index
    %swap3A_157 = vector.load %arg20[%swap3A, %swap3A_156] : memref<512x256xf32, #tpu.memory_space<vmem>>, vector<512x256xf32>
    tpu.vector_store %arg20[%swap3A, %swap3A_156], %div3A_155 {strides = array<i32>} : memref<512x256xf32, #tpu.memory_space<vmem>>, vector<512x256xf32>,
    return
  }
  func.func @transform_0(%arg0: i32) -> (i32, i32) {
    %c0_i32 = arith.constant 0 : i32
    %c0_i32_0 = arith.constant 0 : i32
    return %arg0, %c0_i32 : i32, i32
  }
  func.func @transform_1(%arg0: i32) -> (i32, i32) {
    %c0_i32 = arith.constant 0 : i32
    %c0_i32_0 = arith.constant 0 : i32
    return %arg0, %c0_i32 : i32, i32
  }
  func.func @transform_2(%arg0: i32) -> (i32, i32) {
    %c0_i32 = arith.constant 0 : i32
    %c0_i32_0 = arith.constant 0 : i32
    return %arg0, %c0_i32 : i32, i32
  }
  func.func @transform_3(%arg0: i32) -> (i32, i32) {
    %c0_i32 = arith.constant 0 : i32
    %c0_i32_0 = arith.constant 0 : i32
    return %arg0, %c0_i32 : i32, i32
  }
  func.func @transform_4(%arg0: i32) -> (i32, i32) {
    %c0_i32 = arith.constant 0 : i32
    %c0_i32_0 = arith.constant 0 : i32
    return %arg0, %c0_i32 : i32, i32
  }
  func.func @transform_5(%arg0: i32) -> (i32, i32) {
    %c0_i32 = arith.constant 0 : i32
    %c0_i32_0 = arith.constant 0 : i32
    return %arg0, %c0_i32 : i32, i32
  }
  func.func @transform_6(%arg0: i32) -> (i32, i32) {
    %c0_i32 = arith.constant 0 : i32
    %c0_i32_0 = arith.constant 0 : i32
    return %arg0, %c0_i32 : i32, i32
  }
  func.func @transform_7(%arg0: i32) -> (i32, i32) {
    %c0_i32 = arith.constant 0 : i32
    %c0_i32_0 = arith.constant 0 : i32
    return %arg0, %c0_i32 : i32, i32
  }
  func.func @transform_8(%arg0: i32) -> (i32, i32) {
    %c0_i32 = arith.constant 0 : i32
    %c0_i32_0 = arith.constant 0 : i32
    %c0_i32_1 = arith.constant 0 : i32
    return %c0_i32, %c0_i32_0 : i32, i32
  }
  func.func @transform_9(%arg0: i32) -> (i32, i32) {
    %c0_i32 = arith.constant 0 : i32
    %c0_i32_0 = arith.constant 0 : i32
    %c0_i32_1 = arith.constant 0 : i32
    return %c0_i32, %c0_i32_0 : i32, i32
  }
  func.func @transform_10(%arg0: i32) -> (i32, i32) {
    %c0_i32 = arith.constant 0 : i32
    %c0_i32_0 = arith.constant 0 : i32
    %c0_i32_1 = arith.constant 0 : i32
    return %c0_i32, %c0_i32_0 : i32, i32
  }
  func.func @transform_11(%arg0: i32) -> (i32, i32) {
    %c0_i32 = arith.constant 0 : i32
    %c0_i32_0 = arith.constant 0 : i32
    %c0_i32_1 = arith.constant 0 : i32
    return %c0_i32, %c0_i32_0 : i32, i32
  }
  func.func @transform_12(%arg0: i32) -> (i32, i32) {
    %c0_i32 = arith.constant 0 : i32
    %c0_i32_0 = arith.constant 0 : i32
    %c0_i32_1 = arith.constant 0 : i32
    return %c0_i32, %c0_i32_0 : i32, i32
  }
  func.func @transform_13(%arg0: i32) -> (i32, i32) {
    %c0_i32 = arith.constant 0 : i32
    %c0_i32_0 = arith.constant 0 : i32
    %c0_i32_1 = arith.constant 0 : i32
    return %c0_i32, %c0_i32_0 : i32, i32
  }
  func.func @transform_14(%arg0: i32) -> (i32, i32) {
    %c0_i32 = arith.constant 0 : i32
    %c0_i32_0 = arith.constant 0 : i32
    %c0_i32_1 = arith.constant 0 : i32
    return %c0_i32, %c0_i32_0 : i32, i32
  }
  func.func @transform_15(%arg0: i32) -> (i32, i32) {
    %c0_i32 = arith.constant 0 : i32
    %c0_i32_0 = arith.constant 0 : i32
    %c0_i32_1 = arith.constant 0 : i32
    return %c0_i32, %c0_i32_0 : i32, i32
  }
  func.func @transform_16(%arg0: i32) -> (i32, i32) {
    %c0_i32 = arith.constant 0 : i32
    %c0_i32_0 = arith.constant 0 : i32
    %c0_i32_1 = arith.constant 0 : i32
    return %c0_i32, %c0_i32_0 : i32, i32
  }
  func.func @transform_17(%arg0: i32) -> (i32, i32) {
    %c0_i32 = arith.constant 0 : i32
    %c0_i32_0 = arith.constant 0 : i32
    %c0_i32_1 = arith.constant 0 : i32
    return %c0_i32, %c0_i32_0 : i32, i32
  }
  func.func @transform_18(%arg0: i32) -> (i32, i32) {
    %c0_i32 = arith.constant 0 : i32
    %c0_i32_0 = arith.constant 0 : i32
    %c0_i32_1 = arith.constant 0 : i32
    return %c0_i32, %c0_i32_0 : i32, i32
  }
  func.func @transform_19(%arg0: i32) -> (i32, i32) {
    %c0_i32 = arith.constant 0 : i32
    %c0_i32_0 = arith.constant 0 : i32
    return %arg0, %c0_i32 : i32, i32
  }
}

</mosaic_0001>

<sc_bundles>
// kernel: kernel.4.cloned.1.call-start
scs
__scs_entry_jumppad:
0x0: {  	(pc) =	sbr.rel $0x88, $3  }
0x1: {  	(tag) =	ssettag $0x0;
	lr =	simm.s32 $0x1  }
0x2: {  	[smem:$0x3F8E] =	sst lr;
	_ =	strace $0xD0000000  }
0x3: {  	_ = 	snop  }
0x4: {  	_ = 	snop  }
0x5: {  	_ = 	snop  }
0x6: {  	_ = 	snop  }
0x7: {  	_ = 	snop  }
__scs_overlays_trampoline_lowered:
0x8: {  	[smem:$0x3F9D] =	sst s0  }
0x9: {  	[smem:$0x3F9E] =	sst s1  }
0xa: {  	[smem:$0x3F9F] =	sst s2  }
0xb: {  	[smem:$0x3FA0] =	sst s3  }
0xc: {  	[smem:$0x3FA1] =	sst s4  }
0xd: {  	[smem:$0x3FA2] =	sst s5  }
0xe: {  	[smem:$0x3FA3] =	sst s6  }
0xf: {  	[smem:$0x3FA4] =	sst s7  }
0x10: {  	[smem:$0x3FA5] =	sst s8  }
0x11: {  	[smem:$0x3FA6] =	sst s9;
	s0 =	simm.s32 @!p0 $0x0  }
0x12: {  	s1 =	sld [smem:$0x3F8C];
	s0 =	simm.s32 @p0 $0x1  }
0x13: {  	[smem:$0x3FA7] =	sst s0;
	s0 =	simm.s32 @!p1 $0x0  }
0x14: {  	s2 =	sld [smem:$0x3F8B];
	s0 =	simm.s32 @p1 $0x1  }
0x15: {  	[smem:$0x3FA8] =	sst s0;
	s0 =	simm.s32 @!p2 $0x0  }
0x16: {  	s3 =	sld [smem:$0x3FDB];
	s0 =	simm.s32 @p2 $0x1  }
0x17: {  	s4 =	simm.s32 $0x1BF5;
	[smem:$0x3FAA] =	sst s0  }
0x18: {  	s0 =	sld [smem:$0x3F8D];
	_ =	swait.ge [sflag:s4], $0x0  }
0x19: {  	s7 =	sld [smem:$0x3F8E]  }
0x1a: {  	s8 =	sadd.s32 $0xFFFFE003, lr  }
0x1b: {  	s9 =	sadd.s32 $0xFFFFFEF7, lr;
	s5 =	simm.s32 $0xFFFFFFFF;
	p2 =	slt.u32 s8, $0xFFFFF086  }
0x1c: {  	p1 =	slt.u32 s9, $0xF7A;
	s5 =	simm.s32 @!p2 $0x0  }
0x1d: {  	s5 =	simm.s32 @p1 $0x1;
	p0 =	seq.s32 s7, s2  }
0x1e: {  	s7 =	smul.u32 @!p0 $0xF7A, s2;
	p2 =	seq.s32 @!p0 s5, $0x0  }
0x1f: {  	s9 =	smul.u32 $0xF7A, s1;
	s8 =	simm.s32 @!p0 $0x1BF5;
	p2 =	por !p2, p0  }
0x20: {  	[sflag:s8] =	ssyncset.s32 @!p0 $0xFFFFF086;
	s6 =	sadd.s32 @!p0 s3, s7;
	s7 =	simm.s32 @!p0 $0x108  }
0x21: {  	s3 =	sadd.s32 s3, s9;
	s6 =	sadd.s32 @!p0 $0x88, s6;
	s7 =	simm.s32 @p2 $0x1082  }
0x22: {  	[simem:s7], [sflag:s8] =	dma.local @!p0 [hbm:s6], $0xF7A  }
0x23: {  	s9 =	sor.u32 $0xD0000000, s2;
	s6 =	simm.s32 $0x108;
	_ =	swait.ge @!p0 [sflag:s8], $0x0  }
0x24: {  	s3 =	sadd.s32 $0x88, s3;
	s6 =	simm.s32 @!p1 $0x1082;
	[sflag:s4] =	ssyncset.s32 $0xFFFFF086  }
0x25: {  	[simem:s6], [sflag:s4] =	dma.local [hbm:s3], $0xF7A  }
0x26: {  	[smem:$0x3F8E] =	sst s1;
	(tag) =	ssettag s2;
	_ =	strace s9  }
0x27: {  	s1 =	sld [smem:$0x3F9E]  }
0x28: {  	s2 =	sld [smem:$0x3F9F]  }
0x29: {  	s4 =	sld [smem:$0x3FA1]  }
0x2a: {  	p0 =	seq.s32 s5, $0x0;
	s5 =	sld [smem:$0x3FA2]  }
0x2b: {  	s6 =	sld [smem:$0x3FA3]  }
0x2c: {  	s7 =	sld [smem:$0x3FA4]  }
0x2d: {  	s3 =	simm.s32 $0x108;
	s8 =	sld [smem:$0x3FA5]  }
0x2e: {  	s3 =	simm.s32 @!p0 $0x1082;
	s9 =	sld [smem:$0x3FA6]  }
0x2f: {  	lr =	sadd.s32 s0, s3;
	s0 =	sld [smem:$0x3F9D]  }
0x30: {  	s3 =	sld [smem:$0x3FA0]  }
0x31: {  	[smem:$0x3FA9] =	sst s10  }
0x32: {  	s10 =	sld [smem:$0x3FA7];
	_ =	sdelay $0x3  }
0x33: {  	p0 =	seq.s32 s10, $0x1;
	s10 =	sld [smem:$0x3FA9];
	_ =	sdelay $0x3  }
0x34: {  	[smem:$0x3FA9] =	sst s10  }
0x35: {  	s10 =	sld [smem:$0x3FA8];
	_ =	sdelay $0x3  }
0x36: {  	p1 =	seq.s32 s10, $0x1;
	s10 =	sld [smem:$0x3FA9];
	_ =	sdelay $0x3  }
0x37: {  	[smem:$0x3FA9] =	sst s10  }
0x38: {  	s10 =	sld [smem:$0x3FAA]  }
0x39: {  	_ = 	snop;
	(pc) =	sbr.ind lr, $3  }
0x3a: {  	_ = 	snop  }
0x3b: {  	_ = 	snop  }
0x3c: {  	p2 =	seq.s32 s10, $0x1;
	s10 =	sld [smem:$0x3FA9]  }
0x3d: {  	_ =	shalt  }
0x3e: {  	_ =	shalt  }
0x3f: {  	_ =	shalt  }
0x40: {  	_ =	shalt  }
0x41: {  	_ =	shalt  }
0x42: {  	_ =	shalt  }
0x43: {  	_ =	shalt  }
0x44: {  	_ =	shalt  }
0x45: {  	_ =	shalt  }
0x46: {  	_ =	shalt  }
0x47: {  	_ =	shalt  }
0x48: {  	_ =	shalt  }
0x49: {  	_ =	shalt  }
0x4a: {  	_ =	shalt  }
0x4b: {  	_ =	shalt  }
0x4c: {  	_ =	shalt  }
0x4d: {  	_ =	shalt  }
0x4e: {  	_ =	shalt  }
0x4f: {  	_ =	shalt  }
0x50: {  	_ =	shalt  }
0x51: {  	_ =	shalt  }
0x52: {  	_ =	shalt  }
0x53: {  	_ =	shalt  }
0x54: {  	_ =	shalt  }
0x55: {  	_ =	shalt  }
0x56: {  	_ =	shalt  }
0x57: {  	_ =	shalt  }
0x58: {  	_ =	shalt  }
0x59: {  	_ =	shalt  }
0x5a: {  	_ =	shalt  }
0x5b: {  	_ =	shalt  }
0x5c: {  	_ =	shalt  }
0x5d: {  	_ =	shalt  }
0x5e: {  	_ =	shalt  }
0x5f: {  	_ =	shalt  }
0x60: {  	_ =	shalt  }
0x61: {  	_ =	shalt  }
0x62: {  	_ =	shalt  }
0x63: {  	_ =	shalt  }
0x64: {  	_ =	shalt  }
0x65: {  	_ =	shalt  }
0x66: {  	_ =	shalt  }
0x67: {  	_ =	shalt  }
0x68: {  	_ =	shalt  }
0x69: {  	_ =	shalt  }
0x6a: {  	_ =	shalt  }
0x6b: {  	_ =	shalt  }
0x6c: {  	_ =	shalt  }
0x6d: {  	_ =	shalt  }
0x6e: {  	_ =	shalt  }
0x6f: {  	_ =	shalt  }
0x70: {  	_ =	shalt  }
0x71: {  	_ =	shalt  }
0x72: {  	_ =	shalt  }
0x73: {  	_ =	shalt  }
0x74: {  	_ =	shalt  }
0x75: {  	_ =	shalt  }
0x76: {  	_ =	shalt  }
0x77: {  	_ =	shalt  }
0x78: {  	_ =	shalt  }
0x79: {  	_ =	shalt  }
0x7a: {  	_ =	shalt  }
0x7b: {  	_ =	shalt  }
0x7c: {  	_ =	shalt  }
0x7d: {  	_ =	shalt  }
0x7e: {  	_ =	shalt  }
0x7f: {  	_ =	shalt  }
0x80: {  	_ =	shalt  }
0x81: {  	_ =	shalt  }
0x82: {  	_ =	shalt  }
0x83: {  	_ =	shalt  }
0x84: {  	_ =	shalt  }
0x85: {  	_ =	shalt  }
0x86: {  	_ =	shalt  }
0x87: {  	_ =	shalt  }
.Lfunc_end0:
.L_simem_size_0:
called_computation_lowered:
.L_overlay_start_0:
0x88: {  	s2 =	sld [smem:$0x3FD9]  }
0x89: {  	s3 =	sld [smem:$0x3FFE];
	_ =	sdelay $0x1  }
0x8a: {  	s1 =	srdreg.scid  }
0x8b: {  	s0 =	sand.u32 $0x1, s1  }
0x8c: {  	s17 =	sshll.u32 s0, $0xA;
	s2 =	sadd.s32 s3, s2  }
0x8d: {  	s2 =	sadd.s32 s2, s17  }
0x8e: {  	[smem:$0x3FB5] =	sst s2  }
0x8f: {  	_ = 	snop  }
0x90: {  	s2 =	sld [smem:$0x3FC9]  }
0x91: {  	s18 =	sld [smem:$0x3FC8]  }
0x92: {  	s4 =	sld [smem:$0x3FC3]  }
0x93: {  	s5 =	sld [smem:$0x3FC2]  }
0x94: {  	s6 =	sld [smem:$0x3FD0];
	(tm) =	ssettm $0x1  }
0x95: {  	s7 =	sld [smem:$0x3FFB];
	_ =	sdelay $0x3  }
0x96: {  	_ =	strace s7  }
0x97: {  	s7 =	sld [smem:$0x3FFC];
	_ =	sdelay $0x3  }
0x98: {  	_ =	strace s7  }
0x99: {  	s7 =	sld [smem:$0x3FFD];
	_ =	sdelay $0x3  }
0x9a: {  	_ =	strace s7  }
0x9b: {  	_ =	strace $0x8FFFFFFF  }
0x9c: {  	s19 =	sld [smem:$0x3FDB];
	_ =	sdelay $0x1  }
0x9d: {  	s8 =	simm.s32 $_scs_section_size  }
0x9e: {  	s9 =	simm.s32 $_size__tile_overlayer_lowered;
	s10 =	simm.s32 $_tile_overlayer_lowered  }
0x9f: {  	s22 =	simm.s32 $0x1BFF;
	s21 =	sshll.u32 s10, $0x1;
	s7 =	sadd.s32 s8, s19  }
0xa0: {  	s11 =	simm.s32 $0x0;
	s20 =	sshll.u32 s9, $0x1;
	s9 =	sadd.s32 s21, s7  }
0xa1: {  	[timem:s11], [sflag:s22] =	dma.local [hbm:s9], s20  }
0xa2: {  	_ =	swait.ge [sflag:s22], s20  }
0xa3: {  	s8 =	ssub.s32 $0x0, s20;
	[sflag:s22] =	ssyncset.done $0x0  }
0xa4: {  	[sflag:s22] =	ssyncadd.s32 s8;
	_ =	sdelay $0x1  }
0xa5: {  	s23 =	simm.s32 $0x1B8B  }
0xa6: {  	_ =	swait.ge [sflag:s23], $0x1  }
0xa7: {  	[sflag:s23] =	ssyncset.done $0x0  }
0xa8: {  	s25 =	simm.s32 $0x1B8E;
	s24 =	sld [smem:$0x3FFE];
	[sflag:s23] =	ssyncadd.s32 $0xFFFFFFFF  }
0xa9: {  	s26 =	simm.s32 $execute0_lowered;
	[smem:$0x3FD2] =	sst s25  }
0xaa: {  	s9 =	sshll.u32 s26, $0x1;
	_ =	strace $0x80000046;
	[dreg:$0x1] =	wrdreg $0xFFFFFFFF  }
0xab: {  	s28 =	simm.s32 $_size_execute0_lowered;
	s7 =	sadd.s32 s7, s9;
	[dreg:$0x0] =	wrdreg $0x0  }
0xac: {  	s9 =	sshll.u32 s28, $0x1;
	[dreg:$0x2] =	wrdreg s7  }
0xad: {  	[dreg:$0x3] =	wrdreg s9  }
0xae: {  	[dreg:$0x4] =	wrdreg $0xC0  }
0xaf: {  	_ =	task [dreg:s11], $0x5FFFF  }
0xb0: {  	[dreg:$0x1] =	wrdreg $0xFFFFFFFF  }
0xb1: {  	[dreg:$0x0] =	wrdreg $0x60  }
0xb2: {  	[dreg:$0x2] =	wrdreg s2  }
0xb3: {  	[dreg:$0x3] =	wrdreg s18  }
0xb4: {  	[dreg:$0x4] =	wrdreg s4  }
0xb5: {  	[dreg:$0x5] =	wrdreg s5  }
0xb6: {  	[dreg:$0x6] =	wrdreg s6  }
0xb7: {  	[dreg:$0x7] =	wrdreg s24  }
0xb8: {  	[dreg:$0x8] =	wrdreg $0x9  }
0xb9: {  	_ =	task.clear_ibuf [dreg:s11], $0x9FFFF;
	_ =	strace $0x90000046  }
0xba: {  	s29 =	simm.s32 $0x9;
	_ =	strace $0x80000048  }
0xbb: {  	_ =	swait.ge [sflag:s29], $0x1  }
0xbc: {  	[sflag:s29] =	ssyncadd.s32 $0xFFFFFFFF  }
0xbd: {  	_ =	strace $0x90000048  }
0xbe: {  	_ =	sfence  }
0xbf: {  	s30 =	sld [smem:$0x0];
	_ =	sdelay $0x2  }
0xc0: {  	s31 =	sshll.u32 s1, $0xD;
	s1 =	sshrl.u32 s1, $0x2  }
0xc1: {  	s3 =	sand.u32 $0x4000, s31;
	s1 =	sadd.s32 s1, s30  }
0xc2: {  	s0 =	sor.u32 s3, s0;
	s1 =	sshll.u32 s1, $0x11  }
0xc3: {  	s0 =	sor.u32 s1, s0  }
0xc4: {  	s0 =	sadd.s32 $0x8F2B, s0  }
0xc5: {  	[sflag:s0] =	ssyncadd.remote.s32 $0x1  }
0xc6: {  	_ =	sfence.sel $0xFFFF  }
0xc7: {  	[dreg:$0x0] =	wrdreg $0xFFFFFFFF;
	(pc) =	sbr.abs _section_cstart, $3  }
0xc8: {  	[dreg:$0x1] =	wrdreg $0xFFFFFFFF  }
0xc9: {  	_ =	task.clear_ibuf [dreg:s11], $0x2FFFF;
	_ =	strace $0x9FFFFFFF  }
0xca: {  	(tm) =	ssettm $0x7FFFFFFF  }
0xcb: {  	_ =	shalt  }
tec
execute0_lowered:
.L_overlay_start_1:
0x0: {  	(tag) =	ssettag $0x1  }
0x1: {  	s0 =	rddreg [dreg:$0x0]  }
0x2: {  	s3 =	rddreg [dreg:$0x1]  }
0x3: {  	s1 =	rddreg [dreg:$0x2]  }
0x4: {  	s2 =	rddreg [dreg:$0x3]  }
0x5: {  	s4 =	rddreg [dreg:$0x4]  }
0x6: {  	s5 =	rddreg [dreg:$0x5]  }
0x7: {  	s6 =	srdreg.scid;
	s7 =	stileid.u32  }
0x8: {  	s10 =	simm.s32 $0x0;
	s11 =	simm.s32 $0x400;
	s12 =	simm.s32 $0x7A1400  }
0x9: {  	s21 =	simm.s32 $0x80;
	s22 =	simm.s32 $0x2880;
	s23 =	simm.s32 $0x5080  }
0xa: {  	s24 =	simm.s32 $0x7880;
	s29 =	simm.s32 $0x12C80;
	s6 =	sand.u32 $0x1, s6  }
0xb: {  	s30 =	simm.s32 $0x1;
	s7 =	sshll.u32 s7, $0x8;
	s8 =	sshll.u32 s6, $0x7  }
0xc: {  	[smem:$0x7FF] =	sst s10;
	s6 =	ssub.s32 $0x2, s6;
	s7 =	sor.u32 s8, s7  }
0xd: {  	_ =	strace $0x80000047;
	s9 =	sshrl.u32 s6, $0x1;
	s8 =	sshll.u32 s7, $0x4  }
0xe: {  	s6 =	ssub.s32 s6, s9;
	s7 =	sshrl.u32 s7, $0x3;
	s9 =	simm.s32 $0xB480  }
0xf: {  	s5 =	sadd.s32 s8, s5;
	s0 =	sadd.s32 s0, s7;
	s25 =	sadd.s32 s4, s8  }
0x10: {  	s26 =	sadd.s32 s3, s7;
	s31 =	smax.u32 s6, $0x1;
	[dreg:$0x7] =	wrdreg s0  }
0x11: {  	v0 =	vlaneseq.u32;
	s3 =	simm.s32 $0x2;
	s6 =	simm.s32 $0x3C80;
	[dreg:$0x8] =	wrdreg s25  }
0x12: {  	v0 =	vmul.u32 $0x80, v0;
	s7 =	simm.s32 $0x6480;
	s8 =	simm.s32 $0x8C80;
	[dreg:$0x9] =	wrdreg s26  }
0x13: {  	s4 =	simm.s32 $0x0;
	s28 =	sadd.s32 $0x2C00, s5;
	[dreg:$0xb] =	wrdreg s31  }
0x14: {  	v1 =	vor.u32 $0x800, v0;
	v2 =	vadd.s32 $0xC00, v0;
	s5 =	simm.s32 $0x1480;
	s25 =	simm.s32 $0xA080;
	[dreg:$0xa] =	wrdreg s28  }
.LBB2_1:
0x15: {  	[dreg:$0xc] =	wrdreg s4  }
0x16: {  	s0 =	rddreg [dreg:$0x7]  }
0x17: {  	[tilespmem:s10], [sflag:$0x2] =	stream.linear.gather [hbm4b:s0+s10], $0x80, $0x38;
	[tilespmem:$0x18080] =	vst v63  }
0x18: {  	_ =	swait.ge [sflag:s3], $0x80  }
0x19: {  	[sflag:s3] =	ssyncset.done $0x0  }
0x1a: {  	s4 =	simm.s32 $0x0;
	[sflag:s3] =	ssyncadd.s32 $0xFFFFFF80;
	s3 =	simm.s32 $0x14480  }
.LBB2_2:
0x1b: {  	s0 =	sshra.s32 s4, $0x2  }
0x1c: {  	v3 =	vld [tilespmem:s0+$0x0];
	_ =	sdelay $0x4  }
0x1d: {  	(v2sf) =	vpush v3, $0x0  }
0x1e: {  	(v2sf) =	vpush v3, $0x1;
	_ =	sdelay $0x6  }
0x1f: {  	(v2sf) =	vpush v3, $0x2  }
0x20: {  	(v2sf) =	vpush v3, $0x3;
	_ =	sdelay $0x5  }
0x21: {  	s20 =	spop (v2sf);
	(v2sf) =	vpush v3, $0x4  }
0x22: {  	s19 =	spop (v2sf);
	(v2sf) =	vpush v3, $0x5;
	_ =	sdelay $0x5  }
0x23: {  	(v2sf) =	vpush v3, $0x6  }
0x24: {  	s13 =	sand.u32 $0xFFFFF80, s20;
	s18 =	spop (v2sf)  }
0x25: {  	s0 =	sadd.s32 s1, s13;
	s14 =	sand.u32 $0xFFFFF80, s19;
	s17 =	spop (v2sf);
	(v2sf) =	vpush v3, $0x7  }
0x26: {  	[tilespmem:s21], [sflag:$0x1] =	stream.strided.gather [hbm4b:s0+s11], $0x1400, s12, s11, $0x38;
	[tilespmem:$0x18080] =	vst v63  }
0x27: {  	s0 =	sadd.s32 s1, s14;
	s15 =	sand.u32 $0xFFFFF80, s18  }
0x28: {  	[tilespmem:s5], [sflag:$0x1] =	stream.strided.gather [hbm4b:s0+s11], $0x1400, s12, s11, $0x38;
	[tilespmem:$0x18080] =	vst v63  }
0x29: {  	s16 =	sand.u32 $0xFFFFF80, s17;
	s0 =	sadd.s32 s1, s15  }
0x2a: {  	[tilespmem:s22], [sflag:$0x1] =	stream.strided.gather [hbm4b:s0+s11], $0x1400, s12, s11, $0x38;
	[tilespmem:$0x18080] =	vst v63  }
0x2b: {  	s0 =	sadd.s32 s1, s16;
	s16 =	spop (v2sf);
	(v2sf) =	vpush v3, $0x8  }
0x2c: {  	s15 =	spop (v2sf);
	(v2sf) =	vpush v3, $0x9;
	_ =	sdelay $0x2  }
0x2d: {  	(v2sf) =	vpush v3, $0xA  }
0x2e: {  	[tilespmem:s6], [sflag:$0x1] =	stream.strided.gather [hbm4b:s0+s11], $0x1400, s12, s11, $0x38;
	[tilespmem:$0x18080] =	vst v63  }
0x2f: {  	s21 =	sand.u32 $0xFFFFF80, s16  }
0x30: {  	s0 =	sadd.s32 s1, s21;
	s22 =	sand.u32 $0xFFFFF80, s15;
	s14 =	spop (v2sf)  }
0x31: {  	[tilespmem:s23], [sflag:$0x1] =	stream.strided.gather [hbm4b:s0+s11], $0x1400, s12, s11, $0x38;
	(v2sf) =	vpush v3, $0xB;
	[tilespmem:$0x18080] =	vst v63  }
0x32: {  	s0 =	sadd.s32 s1, s22;
	s23 =	sand.u32 $0xFFFFF80, s14;
	s13 =	spop (v2sf)  }
0x33: {  	(v2sf) =	vpush v3, $0xC;
	[tilespmem:s7], [sflag:$0x1] =	stream.strided.gather [hbm4b:s0+s11], $0x1400, s12, s11, $0x38;
	[tilespmem:$0x18080] =	vst v63  }
0x34: {  	s26 =	sand.u32 $0xFFFFF80, s13;
	s0 =	sadd.s32 s1, s23  }
0x35: {  	[tilespmem:s24], [sflag:$0x1] =	stream.strided.gather [hbm4b:s0+s11], $0x1400, s12, s11, $0x38;
	[tilespmem:$0x18080] =	vst v63  }
0x36: {  	s0 =	sadd.s32 s1, s26  }
0x37: {  	[tilespmem:s8], [sflag:$0x1] =	stream.strided.gather [hbm4b:s0+s11], $0x1400, s12, s11, $0x38;
	[tilespmem:$0x18080] =	vst v63  }
0x38: {  	s0 =	spop (v2sf);
	(v2sf) =	vpush v3, $0xD  }
0x39: {  	s10 =	spop (v2sf);
	(v2sf) =	vpush v3, $0xE;
	_ =	sdelay $0x1  }
0x3a: {  	s31 =	sand.u32 $0xFFFFF80, s0  }
0x3b: {  	s5 =	sadd.s32 s1, s31;
	s8 =	sand.u32 $0xFFFFF80, s10;
	s31 =	spop (v2sf)  }
0x3c: {  	[tilespmem:s25], [sflag:$0x1] =	stream.strided.gather [hbm4b:s5+s11], $0x1400, s12, s11, $0x38;
	[tilespmem:$0x18080] =	vst v63  }
0x3d: {  	(v2sf) =	vpush v3, $0xF;
	s5 =	sadd.s32 s1, s8;
	s23 =	sand.u32 $0xFFFFF80, s31  }
0x3e: {  	[tilespmem:s9], [sflag:$0x1] =	stream.strided.gather [hbm4b:s5+s11], $0x1400, s12, s11, $0x38;
	[tilespmem:$0x18080] =	vst v63  }
0x3f: {  	s24 =	simm.s32 $0xC880;
	s9 =	spop (v2sf);
	s5 =	sadd.s32 s1, s23  }
0x40: {  	[tilespmem:s24], [sflag:$0x1] =	stream.strided.gather [hbm4b:s5+s11], $0x1400, s12, s11, $0x38;
	[tilespmem:$0x18080] =	vst v63  }
0x41: {  	s8 =	spop (v2sf);
	s24 =	sand.u32 $0xFFFFF80, s9  }
0x42: {  	s7 =	simm.s32 $0xDC80;
	s6 =	sand.u32 $0xFFFFF80, s8;
	s5 =	sadd.s32 s1, s24  }
0x43: {  	[tilespmem:s7], [sflag:$0x1] =	stream.strided.gather [hbm4b:s5+s11], $0x1400, s12, s11, $0x38;
	[tilespmem:$0x18080] =	vst v63  }
0x44: {  	s21 =	simm.s32 $0xF080;
	s5 =	sadd.s32 s1, s6  }
0x45: {  	[tilespmem:s21], [sflag:$0x1] =	stream.strided.gather [hbm4b:s5+s11], $0x1400, s12, s11, $0x38;
	[tilespmem:$0x18080] =	vst v63  }
0x46: {  	s7 =	spop (v2sf)  }
0x47: {  	s21 =	sand.u32 $0xFFFFF80, s7;
	s6 =	spop (v2sf)  }
0x48: {  	s28 =	simm.s32 $0x10480;
	s5 =	sadd.s32 s1, s21;
	s21 =	sand.u32 $0xFFFFF80, s6  }
0x49: {  	[tilespmem:s28], [sflag:$0x1] =	stream.strided.gather [hbm4b:s5+s11], $0x1400, s12, s11, $0x38;
	[tilespmem:$0x18080] =	vst v63  }
0x4a: {  	s28 =	simm.s32 $0x11880;
	s5 =	sadd.s32 s1, s21  }
0x4b: {  	[tilespmem:s28], [sflag:$0x1] =	stream.strided.gather [hbm4b:s5+s11], $0x1400, s12, s11, $0x38;
	[tilespmem:$0x18080] =	vst v63  }
0x4c: {  	s5 =	spop (v2sf)  }
0x4d: {  	s21 =	sand.u32 $0xFFFFF80, s5  }
0x4e: {  	s21 =	sadd.s32 s1, s21  }
0x4f: {  	[tilespmem:s29], [sflag:$0x1] =	stream.strided.gather [hbm4b:s21+s11], $0x1400, s12, s11, $0x38;
	[tilespmem:$0x18080] =	vst v63  }
0x50: {  	_ =	swait.ge [sflag:s30], $0x1400  }
0x51: {  	[sflag:s30] =	ssyncset.done $0x0  }
0x52: {  	[sflag:s30] =	ssyncadd.s32 $0xFFFFEC00  }
0x53: {  	_ =	swait.ge [sflag:s30], $0x1400  }
0x54: {  	[sflag:s30] =	ssyncset.done $0x0  }
0x55: {  	[sflag:s30] =	ssyncadd.s32 $0xFFFFEC00  }
0x56: {  	_ =	swait.ge [sflag:s30], $0x1400  }
0x57: {  	[sflag:s30] =	ssyncset.done $0x0  }
0x58: {  	[sflag:s30] =	ssyncadd.s32 $0xFFFFEC00  }
0x59: {  	_ =	swait.ge [sflag:s30], $0x1400  }
0x5a: {  	[sflag:s30] =	ssyncset.done $0x0  }
0x5b: {  	[sflag:s30] =	ssyncadd.s32 $0xFFFFEC00  }
0x5c: {  	_ =	swait.ge [sflag:s30], $0x1400  }
0x5d: {  	[sflag:s30] =	ssyncset.done $0x0  }
0x5e: {  	[sflag:s30] =	ssyncadd.s32 $0xFFFFEC00  }
0x5f: {  	_ =	swait.ge [sflag:s30], $0x1400  }
0x60: {  	[sflag:s30] =	ssyncset.done $0x0  }
0x61: {  	[sflag:s30] =	ssyncadd.s32 $0xFFFFEC00  }
0x62: {  	_ =	swait.ge [sflag:s30], $0x1400  }
0x63: {  	[sflag:s30] =	ssyncset.done $0x0  }
0x64: {  	[sflag:s30] =	ssyncadd.s32 $0xFFFFEC00  }
0x65: {  	_ =	swait.ge [sflag:s30], $0x1400  }
0x66: {  	[sflag:s30] =	ssyncset.done $0x0  }
0x67: {  	[sflag:s30] =	ssyncadd.s32 $0xFFFFEC00  }
0x68: {  	_ =	swait.ge [sflag:s30], $0x1400  }
0x69: {  	[sflag:s30] =	ssyncset.done $0x0  }
0x6a: {  	[sflag:s30] =	ssyncadd.s32 $0xFFFFEC00  }
0x6b: {  	_ =	swait.ge [sflag:s30], $0x1400  }
0x6c: {  	[sflag:s30] =	ssyncset.done $0x0  }
0x6d: {  	[sflag:s30] =	ssyncadd.s32 $0xFFFFEC00  }
0x6e: {  	_ =	swait.ge [sflag:s30], $0x1400  }
0x6f: {  	[sflag:s30] =	ssyncset.done $0x0  }
0x70: {  	[sflag:s30] =	ssyncadd.s32 $0xFFFFEC00  }
0x71: {  	_ =	swait.ge [sflag:s30], $0x1400  }
0x72: {  	[sflag:s30] =	ssyncset.done $0x0  }
0x73: {  	[sflag:s30] =	ssyncadd.s32 $0xFFFFEC00  }
0x74: {  	_ =	swait.ge [sflag:s30], $0x1400  }
0x75: {  	[sflag:s30] =	ssyncset.done $0x0  }
0x76: {  	[sflag:s30] =	ssyncadd.s32 $0xFFFFEC00  }
0x77: {  	_ =	swait.ge [sflag:s30], $0x1400  }
0x78: {  	[sflag:s30] =	ssyncset.done $0x0  }
0x79: {  	[sflag:s30] =	ssyncadd.s32 $0xFFFFEC00  }
0x7a: {  	s20 =	sand.u32 $0x7F, s20;
	_ =	swait.ge [sflag:s30], $0x1400  }
0x7b: {  	v3 =	vor.u32 s20, v0;
	[sflag:s30] =	ssyncset.done $0x0  }
0x7c: {  	[sflag:s30] =	ssyncadd.s32 $0xFFFFEC00  }
0x7d: {  	_ =	swait.ge [sflag:s30], $0x1400  }
0x7e: {  	[sflag:s30] =	ssyncset.done $0x0  }
0x7f: {  	s21 =	simm.s32 $0x80;
	[sflag:s30] =	ssyncadd.s32 $0xFFFFEC00  }
0x80: {  	v3 =	vld.idx.msk [tilespmem:v3+s21+$0x0], $0xffff  }
0x81: {  	v4 =	vor.u32 s20, v1;
	_ =	sdelay $0x3  }
0x82: {  	[tilespmem:s3+$0xFFFFFC00] =	vst v3  }
0x83: {  	v3 =	vld.idx.msk [tilespmem:v4+s21+$0x0], $0xffff  }
0x84: {  	v18 =	vor.u32 s20, v2;
	_ =	sdelay $0x3  }
0x85: {  	[tilespmem:s3+$0xFFFFFC10] =	vst v3  }
0x86: {  	s19 =	sand.u32 $0x7F, s19;
	v3 =	vld.idx.msk [tilespmem:v18+s21+$0x0], $0xffff  }
0x87: {  	v19 =	vor.u32 s19, v0;
	_ =	sdelay $0x3  }
0x88: {  	s22 =	simm.s32 $0x1480;
	[tilespmem:s3+$0xFFFFFC18] =	vst v3  }
0x89: {  	v3 =	vld.idx.msk [tilespmem:v19+s22+$0x0], $0xffff  }
0x8a: {  	v20 =	vor.u32 s19, v1;
	_ =	sdelay $0x3  }
0x8b: {  	[tilespmem:s3+$0xFFFFFC80] =	vst v3  }
0x8c: {  	v3 =	vld.idx.msk [tilespmem:v20+s22+$0x0], $0xffff  }
0x8d: {  	v21 =	vor.u32 s19, v2;
	_ =	sdelay $0x3  }
0x8e: {  	[tilespmem:s3+$0xFFFFFC90] =	vst v3  }
0x8f: {  	s18 =	sand.u32 $0x7F, s18;
	v3 =	vld.idx.msk [tilespmem:v21+s22+$0x0], $0xffff  }
0x90: {  	v22 =	vor.u32 s18, v0;
	_ =	sdelay $0x3  }
0x91: {  	s22 =	simm.s32 $0x2880;
	[tilespmem:s3+$0xFFFFFC98] =	vst v3  }
0x92: {  	v3 =	vld.idx.msk [tilespmem:v22+s22+$0x0], $0xffff  }
0x93: {  	v23 =	vor.u32 s18, v1;
	_ =	sdelay $0x3  }
0x94: {  	[tilespmem:s3+$0xFFFFFD00] =	vst v3  }
0x95: {  	v3 =	vld.idx.msk [tilespmem:v23+s22+$0x0], $0xffff  }
0x96: {  	v24 =	vor.u32 s18, v2;
	_ =	sdelay $0x3  }
0x97: {  	[tilespmem:s3+$0xFFFFFD10] =	vst v3  }
0x98: {  	s17 =	sand.u32 $0x7F, s17;
	v3 =	vld.idx.msk [tilespmem:v24+s22+$0x0], $0xffff  }
0x99: {  	v25 =	vor.u32 s17, v0;
	_ =	sdelay $0x3  }
0x9a: {  	s23 =	simm.s32 $0x3C80;
	[tilespmem:s3+$0xFFFFFD18] =	vst v3  }
0x9b: {  	v3 =	vld.idx.msk [tilespmem:v25+s23+$0x0], $0xffff  }
0x9c: {  	v26 =	vor.u32 s17, v1;
	_ =	sdelay $0x3  }
0x9d: {  	[tilespmem:s3+$0xFFFFFD80] =	vst v3  }
0x9e: {  	v3 =	vld.idx.msk [tilespmem:v26+s23+$0x0], $0xffff  }
0x9f: {  	v27 =	vor.u32 s17, v2;
	_ =	sdelay $0x3  }
0xa0: {  	[tilespmem:s3+$0xFFFFFD90] =	vst v3  }
0xa1: {  	s16 =	sand.u32 $0x7F, s16;
	v3 =	vld.idx.msk [tilespmem:v27+s23+$0x0], $0xffff  }
0xa2: {  	v28 =	vor.u32 s16, v0;
	_ =	sdelay $0x3  }
0xa3: {  	s23 =	simm.s32 $0x5080;
	[tilespmem:s3+$0xFFFFFD98] =	vst v3  }
0xa4: {  	v3 =	vld.idx.msk [tilespmem:v28+s23+$0x0], $0xffff  }
0xa5: {  	v29 =	vor.u32 s16, v1;
	_ =	sdelay $0x3  }
0xa6: {  	[tilespmem:s3+$0xFFFFFE00] =	vst v3  }
0xa7: {  	v3 =	vld.idx.msk [tilespmem:v29+s23+$0x0], $0xffff  }
0xa8: {  	v30 =	vor.u32 s16, v2;
	_ =	sdelay $0x3  }
0xa9: {  	[tilespmem:s3+$0xFFFFFE10] =	vst v3  }
0xaa: {  	s15 =	sand.u32 $0x7F, s15;
	v3 =	vld.idx.msk [tilespmem:v30+s23+$0x0], $0xffff  }
0xab: {  	v31 =	vor.u32 s15, v0;
	_ =	sdelay $0x3  }
0xac: {  	s24 =	simm.s32 $0x6480;
	[tilespmem:s3+$0xFFFFFE18] =	vst v3  }
0xad: {  	v3 =	vld.idx.msk [tilespmem:v31+s24+$0x0], $0xffff  }
0xae: {  	v32 =	vor.u32 s15, v1;
	_ =	sdelay $0x3  }
0xaf: {  	[tilespmem:s3+$0xFFFFFE80] =	vst v3  }
0xb0: {  	v3 =	vld.idx.msk [tilespmem:v32+s24+$0x0], $0xffff  }
0xb1: {  	v33 =	vor.u32 s15, v2;
	_ =	sdelay $0x3  }
0xb2: {  	[tilespmem:s3+$0xFFFFFE90] =	vst v3  }
0xb3: {  	s14 =	sand.u32 $0x7F, s14;
	v3 =	vld.idx.msk [tilespmem:v33+s24+$0x0], $0xffff  }
0xb4: {  	v34 =	vor.u32 s14, v0;
	_ =	sdelay $0x3  }
0xb5: {  	s24 =	simm.s32 $0x7880;
	[tilespmem:s3+$0xFFFFFE98] =	vst v3  }
0xb6: {  	v3 =	vld.idx.msk [tilespmem:v34+s24+$0x0], $0xffff  }
0xb7: {  	v35 =	vor.u32 s14, v1;
	_ =	sdelay $0x3  }
0xb8: {  	[tilespmem:s3+$0xFFFFFF00] =	vst v3  }
0xb9: {  	v3 =	vld.idx.msk [tilespmem:v35+s24+$0x0], $0xffff  }
0xba: {  	v36 =	vor.u32 s14, v2;
	_ =	sdelay $0x3  }
0xbb: {  	[tilespmem:s3+$0xFFFFFF10] =	vst v3  }
0xbc: {  	s13 =	sand.u32 $0x7F, s13;
	v3 =	vld.idx.msk [tilespmem:v36+s24+$0x0], $0xffff  }
0xbd: {  	v37 =	vor.u32 s13, v0;
	_ =	sdelay $0x3  }
0xbe: {  	s25 =	simm.s32 $0x8C80;
	[tilespmem:s3+$0xFFFFFF18] =	vst v3  }
0xbf: {  	v3 =	vld.idx.msk [tilespmem:v37+s25+$0x0], $0xffff  }
0xc0: {  	v38 =	vor.u32 s13, v1;
	_ =	sdelay $0x3  }
0xc1: {  	[tilespmem:s3+$0xFFFFFF80] =	vst v3  }
0xc2: {  	v3 =	vld.idx.msk [tilespmem:v38+s25+$0x0], $0xffff  }
0xc3: {  	v39 =	vor.u32 s13, v2;
	_ =	sdelay $0x3  }
0xc4: {  	[tilespmem:s3+$0xFFFFFF90] =	vst v3  }
0xc5: {  	s0 =	sand.u32 $0x7F, s0;
	v3 =	vld.idx.msk [tilespmem:v39+s25+$0x0], $0xffff  }
0xc6: {  	v40 =	vor.u32 s0, v0;
	_ =	sdelay $0x3  }
0xc7: {  	s25 =	simm.s32 $0xA080;
	[tilespmem:s3+$0xFFFFFF98] =	vst v3  }
0xc8: {  	v3 =	vld.idx.msk [tilespmem:v40+s25+$0x0], $0xffff  }
0xc9: {  	v41 =	vor.u32 s0, v1;
	_ =	sdelay $0x3  }
0xca: {  	[tilespmem:s3+$0x0] =	vst v3  }
0xcb: {  	v3 =	vld.idx.msk [tilespmem:v41+s25+$0x0], $0xffff  }
0xcc: {  	v42 =	vor.u32 s0, v2;
	_ =	sdelay $0x3  }
0xcd: {  	[tilespmem:s3+$0x10] =	vst v3  }
0xce: {  	s10 =	sand.u32 $0x7F, s10;
	v3 =	vld.idx.msk [tilespmem:v42+s25+$0x0], $0xffff  }
0xcf: {  	v43 =	vor.u32 s10, v0;
	_ =	sdelay $0x3  }
0xd0: {  	s26 =	simm.s32 $0xB480;
	[tilespmem:s3+$0x18] =	vst v3  }
0xd1: {  	v3 =	vld.idx.msk [tilespmem:v43+s26+$0x0], $0xffff  }
0xd2: {  	v44 =	vor.u32 s10, v1;
	_ =	sdelay $0x3  }
0xd3: {  	[tilespmem:s3+$0x80] =	vst v3  }
0xd4: {  	v3 =	vld.idx.msk [tilespmem:v44+s26+$0x0], $0xffff  }
0xd5: {  	v45 =	vor.u32 s10, v2;
	_ =	sdelay $0x3  }
0xd6: {  	[tilespmem:s3+$0x90] =	vst v3  }
0xd7: {  	s14 =	sand.u32 $0x7F, s31;
	v3 =	vld.idx.msk [tilespmem:v45+s26+$0x0], $0xffff  }
0xd8: {  	v46 =	vor.u32 s14, v0;
	_ =	sdelay $0x3  }
0xd9: {  	s20 =	simm.s32 $0xC880;
	[tilespmem:s3+$0x98] =	vst v3  }
0xda: {  	v3 =	vld.idx.msk [tilespmem:v46+s20+$0x0], $0xffff  }
0xdb: {  	v47 =	vor.u32 s14, v1;
	_ =	sdelay $0x3  }
0xdc: {  	[tilespmem:s3+$0x100] =	vst v3  }
0xdd: {  	v3 =	vld.idx.msk [tilespmem:v47+s20+$0x0], $0xffff  }
0xde: {  	v48 =	vor.u32 s14, v2;
	_ =	sdelay $0x3  }
0xdf: {  	[tilespmem:s3+$0x110] =	vst v3  }
0xe0: {  	s17 =	sand.u32 $0x7F, s9;
	v3 =	vld.idx.msk [tilespmem:v48+s20+$0x0], $0xffff  }
0xe1: {  	v49 =	vor.u32 s17, v0;
	_ =	sdelay $0x3  }
0xe2: {  	s16 =	simm.s32 $0xDC80;
	[tilespmem:s3+$0x118] =	vst v3  }
0xe3: {  	v3 =	vld.idx.msk [tilespmem:v49+s16+$0x0], $0xffff  }
0xe4: {  	v50 =	vor.u32 s17, v1;
	_ =	sdelay $0x3  }
0xe5: {  	[tilespmem:s3+$0x180] =	vst v3  }
0xe6: {  	v3 =	vld.idx.msk [tilespmem:v50+s16+$0x0], $0xffff  }
0xe7: {  	v51 =	vor.u32 s17, v2;
	_ =	sdelay $0x3  }
0xe8: {  	[tilespmem:s3+$0x190] =	vst v3  }
0xe9: {  	s18 =	sand.u32 $0x7F, s8;
	v3 =	vld.idx.msk [tilespmem:v51+s16+$0x0], $0xffff  }
0xea: {  	v52 =	vor.u32 s18, v0;
	_ =	sdelay $0x3  }
0xeb: {  	s15 =	simm.s32 $0xF080;
	[tilespmem:s3+$0x198] =	vst v3  }
0xec: {  	v3 =	vld.idx.msk [tilespmem:v52+s15+$0x0], $0xffff  }
0xed: {  	v53 =	vor.u32 s18, v1;
	_ =	sdelay $0x3  }
0xee: {  	[tilespmem:s3+$0x200] =	vst v3  }
0xef: {  	v3 =	vld.idx.msk [tilespmem:v53+s15+$0x0], $0xffff  }
0xf0: {  	v54 =	vor.u32 s18, v2;
	_ =	sdelay $0x3  }
0xf1: {  	[tilespmem:s3+$0x210] =	vst v3  }
0xf2: {  	s20 =	sand.u32 $0x7F, s7;
	v3 =	vld.idx.msk [tilespmem:v54+s15+$0x0], $0xffff  }
0xf3: {  	v55 =	vor.u32 s20, v0;
	_ =	sdelay $0x3  }
0xf4: {  	s19 =	simm.s32 $0x10480;
	[tilespmem:s3+$0x218] =	vst v3  }
0xf5: {  	v3 =	vld.idx.msk [tilespmem:v55+s19+$0x0], $0xffff  }
0xf6: {  	v56 =	vor.u32 s20, v1;
	_ =	sdelay $0x3  }
0xf7: {  	[tilespmem:s3+$0x280] =	vst v3  }
0xf8: {  	v3 =	vld.idx.msk [tilespmem:v56+s19+$0x0], $0xffff  }
0xf9: {  	v57 =	vor.u32 s20, v2;
	_ =	sdelay $0x3  }
0xfa: {  	[tilespmem:s3+$0x290] =	vst v3  }
0xfb: {  	s26 =	sand.u32 $0x7F, s6;
	v3 =	vld.idx.msk [tilespmem:v57+s19+$0x0], $0xffff  }
0xfc: {  	v58 =	vor.u32 s26, v0;
	_ =	sdelay $0x3  }
0xfd: {  	[tilespmem:s3+$0x298] =	vst v3  }
0xfe: {  	v3 =	vld.idx.msk [tilespmem:v58+s28+$0x0], $0xffff  }
0xff: {  	v59 =	vor.u32 s26, v1;
	_ =	sdelay $0x3  }
0x100: {  	[tilespmem:s3+$0x300] =	vst v3  }
0x101: {  	v3 =	vld.idx.msk [tilespmem:v59+s28+$0x0], $0xffff  }
0x102: {  	v60 =	vor.u32 s26, v2;
	_ =	sdelay $0x3  }
0x103: {  	[tilespmem:s3+$0x310] =	vst v3  }
0x104: {  	s31 =	sand.u32 $0x7F, s5;
	v3 =	vld.idx.msk [tilespmem:v60+s28+$0x0], $0xffff  }
0x105: {  	v61 =	vor.u32 s31, v0;
	_ =	sdelay $0x3  }
0x106: {  	[tilespmem:s3+$0x318] =	vst v3  }
0x107: {  	v3 =	vld.idx.msk [tilespmem:v61+s29+$0x0], $0xffff  }
0x108: {  	v62 =	vor.u32 s31, v1;
	_ =	sdelay $0x3  }
0x109: {  	[tilespmem:s3+$0x380] =	vst v3  }
0x10a: {  	v3 =	vld.idx.msk [tilespmem:v62+s29+$0x0], $0xffff  }
0x10b: {  	v63 =	vor.u32 s31, v2;
	_ =	sdelay $0x3  }
0x10c: {  	[tilespmem:s3+$0x390] =	vst v3  }
0x10d: {  	p0 =	sne.s32 s4, $0x1C0;
	v3 =	vld.idx.msk [tilespmem:v63+s29+$0x0], $0xffff  }
.Ltmp0:
0x10e: {  	_ = 	snop;
	(pc) =	sbr.rel @p0 .LBB2_2-.Ltmp0, $4  }
0x10f: {  	_ = 	snop  }
0x110: {  	s4 =	sadd.s32 $0x40, s4  }
0x111: {  	s9 =	simm.s32 $0xB480;
	s8 =	simm.s32 $0x8C80;
	s5 =	simm.s32 $0x1480  }
0x112: {  	s6 =	simm.s32 $0x3C80;
	s7 =	simm.s32 $0x6480;
	[tilespmem:s3+$0x398] =	vst v3;
	s3 =	sadd.s32 $0x800, s3  }
0x113: {  	s3 =	simm.s32 $0x0  }
0x114: {  	s0 =	rddreg [dreg:$0x8];
	s4 =	simm.s32 $0x14080;
	s28 =	simm.s32 $0x2  }
0x115: {  	[hbm4b:s0+s3] =	stream.linear.scatter [tilespmem:s4], [sflag:$0x2], $0x4000, $0x38;
	[tilespmem:$0x18080] =	vst v63  }
0x116: {  	_ =	swait.ge [sflag:s28], $0x4000  }
0x117: {  	[sflag:s28] =	ssyncset.done $0x0  }
0x118: {  	s31 =	rddreg [dreg:$0x9];
	[sflag:s28] =	ssyncadd.s32 $0xFFFFC000  }
0x119: {  	[tilespmem:s3], [sflag:$0x2] =	stream.linear.gather [hbm4b:s31+s3], $0x80, $0x38;
	[tilespmem:$0x18080] =	vst v63  }
0x11a: {  	_ =	swait.ge [sflag:s28], $0x80  }
0x11b: {  	[sflag:s28] =	ssyncset.done $0x0  }
0x11c: {  	s4 =	simm.s32 $0x14480;
	[sflag:s28] =	ssyncadd.s32 $0xFFFFFF80  }
.LBB2_4:
0x11d: {  	s0 =	sshra.s32 s3, $0x2  }
0x11e: {  	v3 =	vld [tilespmem:s0+$0x0];
	_ =	sdelay $0x4  }
0x11f: {  	(v2sf) =	vpush v3, $0x0  }
0x120: {  	(v2sf) =	vpush v3, $0x1;
	_ =	sdelay $0x6  }
0x121: {  	(v2sf) =	vpush v3, $0x2  }
0x122: {  	(v2sf) =	vpush v3, $0x3;
	_ =	sdelay $0x5  }
0x123: {  	s20 =	spop (v2sf);
	(v2sf) =	vpush v3, $0x4  }
0x124: {  	s19 =	spop (v2sf);
	(v2sf) =	vpush v3, $0x5;
	_ =	sdelay $0x5  }
0x125: {  	(v2sf) =	vpush v3, $0x6  }
0x126: {  	s13 =	sand.u32 $0xFFFFF80, s20;
	s18 =	spop (v2sf)  }
0x127: {  	s0 =	sadd.s32 s2, s13;
	s14 =	sand.u32 $0xFFFFF80, s19;
	s17 =	spop (v2sf);
	(v2sf) =	vpush v3, $0x7  }
0x128: {  	[tilespmem:s21], [sflag:$0x1] =	stream.strided.gather [hbm4b:s0+s11], $0x1400, s12, s11, $0x38;
	[tilespmem:$0x18080] =	vst v63  }
0x129: {  	s0 =	sadd.s32 s2, s14;
	s15 =	sand.u32 $0xFFFFF80, s18  }
0x12a: {  	[tilespmem:s5], [sflag:$0x1] =	stream.strided.gather [hbm4b:s0+s11], $0x1400, s12, s11, $0x38;
	[tilespmem:$0x18080] =	vst v63  }
0x12b: {  	s16 =	sand.u32 $0xFFFFF80, s17;
	s0 =	sadd.s32 s2, s15  }
0x12c: {  	[tilespmem:s22], [sflag:$0x1] =	stream.strided.gather [hbm4b:s0+s11], $0x1400, s12, s11, $0x38;
	[tilespmem:$0x18080] =	vst v63  }
0x12d: {  	s0 =	sadd.s32 s2, s16;
	s16 =	spop (v2sf);
	(v2sf) =	vpush v3, $0x8  }
0x12e: {  	s15 =	spop (v2sf);
	(v2sf) =	vpush v3, $0x9;
	_ =	sdelay $0x2  }
0x12f: {  	(v2sf) =	vpush v3, $0xA  }
0x130: {  	[tilespmem:s6], [sflag:$0x1] =	stream.strided.gather [hbm4b:s0+s11], $0x1400, s12, s11, $0x38;
	[tilespmem:$0x18080] =	vst v63  }
0x131: {  	s21 =	sand.u32 $0xFFFFF80, s16  }
0x132: {  	s0 =	sadd.s32 s2, s21;
	s22 =	sand.u32 $0xFFFFF80, s15;
	s14 =	spop (v2sf)  }
0x133: {  	[tilespmem:s23], [sflag:$0x1] =	stream.strided.gather [hbm4b:s0+s11], $0x1400, s12, s11, $0x38;
	(v2sf) =	vpush v3, $0xB;
	[tilespmem:$0x18080] =	vst v63  }
0x134: {  	s0 =	sadd.s32 s2, s22;
	s23 =	sand.u32 $0xFFFFF80, s14;
	s13 =	spop (v2sf)  }
0x135: {  	(v2sf) =	vpush v3, $0xC;
	[tilespmem:s7], [sflag:$0x1] =	stream.strided.gather [hbm4b:s0+s11], $0x1400, s12, s11, $0x38;
	[tilespmem:$0x18080] =	vst v63  }
0x136: {  	s26 =	sand.u32 $0xFFFFF80, s13;
	s0 =	sadd.s32 s2, s23  }
0x137: {  	[tilespmem:s24], [sflag:$0x1] =	stream.strided.gather [hbm4b:s0+s11], $0x1400, s12, s11, $0x38;
	[tilespmem:$0x18080] =	vst v63  }
0x138: {  	s0 =	sadd.s32 s2, s26  }
0x139: {  	[tilespmem:s8], [sflag:$0x1] =	stream.strided.gather [hbm4b:s0+s11], $0x1400, s12, s11, $0x38;
	[tilespmem:$0x18080] =	vst v63  }
0x13a: {  	s0 =	spop (v2sf);
	(v2sf) =	vpush v3, $0xD  }
0x13b: {  	s10 =	spop (v2sf);
	(v2sf) =	vpush v3, $0xE;
	_ =	sdelay $0x1  }
0x13c: {  	s31 =	sand.u32 $0xFFFFF80, s0  }
0x13d: {  	s5 =	sadd.s32 s2, s31;
	s8 =	sand.u32 $0xFFFFF80, s10;
	s31 =	spop (v2sf)  }
0x13e: {  	[tilespmem:s25], [sflag:$0x1] =	stream.strided.gather [hbm4b:s5+s11], $0x1400, s12, s11, $0x38;
	[tilespmem:$0x18080] =	vst v63  }
0x13f: {  	(v2sf) =	vpush v3, $0xF;
	s5 =	sadd.s32 s2, s8;
	s23 =	sand.u32 $0xFFFFF80, s31  }
0x140: {  	[tilespmem:s9], [sflag:$0x1] =	stream.strided.gather [hbm4b:s5+s11], $0x1400, s12, s11, $0x38;
	[tilespmem:$0x18080] =	vst v63  }
0x141: {  	s24 =	simm.s32 $0xC880;
	s9 =	spop (v2sf);
	s5 =	sadd.s32 s2, s23  }
0x142: {  	[tilespmem:s24], [sflag:$0x1] =	stream.strided.gather [hbm4b:s5+s11], $0x1400, s12, s11, $0x38;
	[tilespmem:$0x18080] =	vst v63  }
0x143: {  	s8 =	spop (v2sf);
	s24 =	sand.u32 $0xFFFFF80, s9  }
0x144: {  	s7 =	simm.s32 $0xDC80;
	s6 =	sand.u32 $0xFFFFF80, s8;
	s5 =	sadd.s32 s2, s24  }
0x145: {  	[tilespmem:s7], [sflag:$0x1] =	stream.strided.gather [hbm4b:s5+s11], $0x1400, s12, s11, $0x38;
	[tilespmem:$0x18080] =	vst v63  }
0x146: {  	s21 =	simm.s32 $0xF080;
	s5 =	sadd.s32 s2, s6  }
0x147: {  	[tilespmem:s21], [sflag:$0x1] =	stream.strided.gather [hbm4b:s5+s11], $0x1400, s12, s11, $0x38;
	[tilespmem:$0x18080] =	vst v63  }
0x148: {  	s7 =	spop (v2sf)  }
0x149: {  	s21 =	sand.u32 $0xFFFFF80, s7;
	s6 =	spop (v2sf)  }
0x14a: {  	s28 =	simm.s32 $0x10480;
	s5 =	sadd.s32 s2, s21;
	s21 =	sand.u32 $0xFFFFF80, s6  }
0x14b: {  	[tilespmem:s28], [sflag:$0x1] =	stream.strided.gather [hbm4b:s5+s11], $0x1400, s12, s11, $0x38;
	[tilespmem:$0x18080] =	vst v63  }
0x14c: {  	s28 =	simm.s32 $0x11880;
	s5 =	sadd.s32 s2, s21  }
0x14d: {  	[tilespmem:s28], [sflag:$0x1] =	stream.strided.gather [hbm4b:s5+s11], $0x1400, s12, s11, $0x38;
	[tilespmem:$0x18080] =	vst v63  }
0x14e: {  	s5 =	spop (v2sf)  }
0x14f: {  	s21 =	sand.u32 $0xFFFFF80, s5  }
0x150: {  	s21 =	sadd.s32 s2, s21  }
0x151: {  	[tilespmem:s29], [sflag:$0x1] =	stream.strided.gather [hbm4b:s21+s11], $0x1400, s12, s11, $0x38;
	[tilespmem:$0x18080] =	vst v63  }
0x152: {  	_ =	swait.ge [sflag:s30], $0x1400  }
0x153: {  	[sflag:s30] =	ssyncset.done $0x0  }
0x154: {  	[sflag:s30] =	ssyncadd.s32 $0xFFFFEC00  }
0x155: {  	_ =	swait.ge [sflag:s30], $0x1400  }
0x156: {  	[sflag:s30] =	ssyncset.done $0x0  }
0x157: {  	[sflag:s30] =	ssyncadd.s32 $0xFFFFEC00  }
0x158: {  	_ =	swait.ge [sflag:s30], $0x1400  }
0x159: {  	[sflag:s30] =	ssyncset.done $0x0  }
0x15a: {  	[sflag:s30] =	ssyncadd.s32 $0xFFFFEC00  }
0x15b: {  	_ =	swait.ge [sflag:s30], $0x1400  }
0x15c: {  	[sflag:s30] =	ssyncset.done $0x0  }
0x15d: {  	[sflag:s30] =	ssyncadd.s32 $0xFFFFEC00  }
0x15e: {  	_ =	swait.ge [sflag:s30], $0x1400  }
0x15f: {  	[sflag:s30] =	ssyncset.done $0x0  }
0x160: {  	[sflag:s30] =	ssyncadd.s32 $0xFFFFEC00  }
0x161: {  	_ =	swait.ge [sflag:s30], $0x1400  }
0x162: {  	[sflag:s30] =	ssyncset.done $0x0  }
0x163: {  	[sflag:s30] =	ssyncadd.s32 $0xFFFFEC00  }
0x164: {  	_ =	swait.ge [sflag:s30], $0x1400  }
0x165: {  	[sflag:s30] =	ssyncset.done $0x0  }
0x166: {  	[sflag:s30] =	ssyncadd.s32 $0xFFFFEC00  }
0x167: {  	_ =	swait.ge [sflag:s30], $0x1400  }
0x168: {  	[sflag:s30] =	ssyncset.done $0x0  }
0x169: {  	[sflag:s30] =	ssyncadd.s32 $0xFFFFEC00  }
0x16a: {  	_ =	swait.ge [sflag:s30], $0x1400  }
0x16b: {  	[sflag:s30] =	ssyncset.done $0x0  }
0x16c: {  	[sflag:s30] =	ssyncadd.s32 $0xFFFFEC00  }
0x16d: {  	_ =	swait.ge [sflag:s30], $0x1400  }
0x16e: {  	[sflag:s30] =	ssyncset.done $0x0  }
0x16f: {  	[sflag:s30] =	ssyncadd.s32 $0xFFFFEC00  }
0x170: {  	_ =	swait.ge [sflag:s30], $0x1400  }
0x171: {  	[sflag:s30] =	ssyncset.done $0x0  }
0x172: {  	[sflag:s30] =	ssyncadd.s32 $0xFFFFEC00  }
0x173: {  	_ =	swait.ge [sflag:s30], $0x1400  }
0x174: {  	[sflag:s30] =	ssyncset.done $0x0  }
0x175: {  	[sflag:s30] =	ssyncadd.s32 $0xFFFFEC00  }
0x176: {  	_ =	swait.ge [sflag:s30], $0x1400  }
0x177: {  	[sflag:s30] =	ssyncset.done $0x0  }
0x178: {  	[sflag:s30] =	ssyncadd.s32 $0xFFFFEC00  }
0x179: {  	_ =	swait.ge [sflag:s30], $0x1400  }
0x17a: {  	[sflag:s30] =	ssyncset.done $0x0  }
0x17b: {  	[sflag:s30] =	ssyncadd.s32 $0xFFFFEC00  }
0x17c: {  	s20 =	sand.u32 $0x7F, s20;
	_ =	swait.ge [sflag:s30], $0x1400  }
0x17d: {  	v3 =	vor.u32 s20, v0;
	[sflag:s30] =	ssyncset.done $0x0  }
0x17e: {  	[sflag:s30] =	ssyncadd.s32 $0xFFFFEC00  }
0x17f: {  	_ =	swait.ge [sflag:s30], $0x1400  }
0x180: {  	[sflag:s30] =	ssyncset.done $0x0  }
0x181: {  	s21 =	simm.s32 $0x80;
	[sflag:s30] =	ssyncadd.s32 $0xFFFFEC00  }
0x182: {  	v3 =	vld.idx.msk [tilespmem:v3+s21+$0x0], $0xffff  }
0x183: {  	v4 =	vor.u32 s20, v1;
	_ =	sdelay $0x3  }
0x184: {  	[tilespmem:s4+$0xFFFFFC00] =	vst v3  }
0x185: {  	v3 =	vld.idx.msk [tilespmem:v4+s21+$0x0], $0xffff  }
0x186: {  	v18 =	vor.u32 s20, v2;
	_ =	sdelay $0x3  }
0x187: {  	[tilespmem:s4+$0xFFFFFC10] =	vst v3  }
0x188: {  	s19 =	sand.u32 $0x7F, s19;
	v3 =	vld.idx.msk [tilespmem:v18+s21+$0x0], $0xffff  }
0x189: {  	v19 =	vor.u32 s19, v0;
	_ =	sdelay $0x3  }
0x18a: {  	s22 =	simm.s32 $0x1480;
	[tilespmem:s4+$0xFFFFFC18] =	vst v3  }
0x18b: {  	v3 =	vld.idx.msk [tilespmem:v19+s22+$0x0], $0xffff  }
0x18c: {  	v20 =	vor.u32 s19, v1;
	_ =	sdelay $0x3  }
0x18d: {  	[tilespmem:s4+$0xFFFFFC80] =	vst v3  }
0x18e: {  	v3 =	vld.idx.msk [tilespmem:v20+s22+$0x0], $0xffff  }
0x18f: {  	v21 =	vor.u32 s19, v2;
	_ =	sdelay $0x3  }
0x190: {  	[tilespmem:s4+$0xFFFFFC90] =	vst v3  }
0x191: {  	s18 =	sand.u32 $0x7F, s18;
	v3 =	vld.idx.msk [tilespmem:v21+s22+$0x0], $0xffff  }
0x192: {  	v22 =	vor.u32 s18, v0;
	_ =	sdelay $0x3  }
0x193: {  	s22 =	simm.s32 $0x2880;
	[tilespmem:s4+$0xFFFFFC98] =	vst v3  }
0x194: {  	v3 =	vld.idx.msk [tilespmem:v22+s22+$0x0], $0xffff  }
0x195: {  	v23 =	vor.u32 s18, v1;
	_ =	sdelay $0x3  }
0x196: {  	[tilespmem:s4+$0xFFFFFD00] =	vst v3  }
0x197: {  	v3 =	vld.idx.msk [tilespmem:v23+s22+$0x0], $0xffff  }
0x198: {  	v24 =	vor.u32 s18, v2;
	_ =	sdelay $0x3  }
0x199: {  	[tilespmem:s4+$0xFFFFFD10] =	vst v3  }
0x19a: {  	s17 =	sand.u32 $0x7F, s17;
	v3 =	vld.idx.msk [tilespmem:v24+s22+$0x0], $0xffff  }
0x19b: {  	v25 =	vor.u32 s17, v0;
	_ =	sdelay $0x3  }
0x19c: {  	s23 =	simm.s32 $0x3C80;
	[tilespmem:s4+$0xFFFFFD18] =	vst v3  }
0x19d: {  	v3 =	vld.idx.msk [tilespmem:v25+s23+$0x0], $0xffff  }
0x19e: {  	v26 =	vor.u32 s17, v1;
	_ =	sdelay $0x3  }
0x19f: {  	[tilespmem:s4+$0xFFFFFD80] =	vst v3  }
0x1a0: {  	v3 =	vld.idx.msk [tilespmem:v26+s23+$0x0], $0xffff  }
0x1a1: {  	v27 =	vor.u32 s17, v2;
	_ =	sdelay $0x3  }
0x1a2: {  	[tilespmem:s4+$0xFFFFFD90] =	vst v3  }
0x1a3: {  	s16 =	sand.u32 $0x7F, s16;
	v3 =	vld.idx.msk [tilespmem:v27+s23+$0x0], $0xffff  }
0x1a4: {  	v28 =	vor.u32 s16, v0;
	_ =	sdelay $0x3  }
0x1a5: {  	s23 =	simm.s32 $0x5080;
	[tilespmem:s4+$0xFFFFFD98] =	vst v3  }
0x1a6: {  	v3 =	vld.idx.msk [tilespmem:v28+s23+$0x0], $0xffff  }
0x1a7: {  	v29 =	vor.u32 s16, v1;
	_ =	sdelay $0x3  }
0x1a8: {  	[tilespmem:s4+$0xFFFFFE00] =	vst v3  }
0x1a9: {  	v3 =	vld.idx.msk [tilespmem:v29+s23+$0x0], $0xffff  }
0x1aa: {  	v30 =	vor.u32 s16, v2;
	_ =	sdelay $0x3  }
0x1ab: {  	[tilespmem:s4+$0xFFFFFE10] =	vst v3  }
0x1ac: {  	s15 =	sand.u32 $0x7F, s15;
	v3 =	vld.idx.msk [tilespmem:v30+s23+$0x0], $0xffff  }
0x1ad: {  	v31 =	vor.u32 s15, v0;
	_ =	sdelay $0x3  }
0x1ae: {  	s24 =	simm.s32 $0x6480;
	[tilespmem:s4+$0xFFFFFE18] =	vst v3  }
0x1af: {  	v3 =	vld.idx.msk [tilespmem:v31+s24+$0x0], $0xffff  }
0x1b0: {  	v32 =	vor.u32 s15, v1;
	_ =	sdelay $0x3  }
0x1b1: {  	[tilespmem:s4+$0xFFFFFE80] =	vst v3  }
0x1b2: {  	v3 =	vld.idx.msk [tilespmem:v32+s24+$0x0], $0xffff  }
0x1b3: {  	v33 =	vor.u32 s15, v2;
	_ =	sdelay $0x3  }
0x1b4: {  	[tilespmem:s4+$0xFFFFFE90] =	vst v3  }
0x1b5: {  	s14 =	sand.u32 $0x7F, s14;
	v3 =	vld.idx.msk [tilespmem:v33+s24+$0x0], $0xffff  }
0x1b6: {  	v34 =	vor.u32 s14, v0;
	_ =	sdelay $0x3  }
0x1b7: {  	s24 =	simm.s32 $0x7880;
	[tilespmem:s4+$0xFFFFFE98] =	vst v3  }
0x1b8: {  	v3 =	vld.idx.msk [tilespmem:v34+s24+$0x0], $0xffff  }
0x1b9: {  	v35 =	vor.u32 s14, v1;
	_ =	sdelay $0x3  }
0x1ba: {  	[tilespmem:s4+$0xFFFFFF00] =	vst v3  }
0x1bb: {  	v3 =	vld.idx.msk [tilespmem:v35+s24+$0x0], $0xffff  }
0x1bc: {  	v36 =	vor.u32 s14, v2;
	_ =	sdelay $0x3  }
0x1bd: {  	[tilespmem:s4+$0xFFFFFF10] =	vst v3  }
0x1be: {  	s13 =	sand.u32 $0x7F, s13;
	v3 =	vld.idx.msk [tilespmem:v36+s24+$0x0], $0xffff  }
0x1bf: {  	v37 =	vor.u32 s13, v0;
	_ =	sdelay $0x3  }
0x1c0: {  	s25 =	simm.s32 $0x8C80;
	[tilespmem:s4+$0xFFFFFF18] =	vst v3  }
0x1c1: {  	v3 =	vld.idx.msk [tilespmem:v37+s25+$0x0], $0xffff  }
0x1c2: {  	v38 =	vor.u32 s13, v1;
	_ =	sdelay $0x3  }
0x1c3: {  	[tilespmem:s4+$0xFFFFFF80] =	vst v3  }
0x1c4: {  	v3 =	vld.idx.msk [tilespmem:v38+s25+$0x0], $0xffff  }
0x1c5: {  	v39 =	vor.u32 s13, v2;
	_ =	sdelay $0x3  }
0x1c6: {  	[tilespmem:s4+$0xFFFFFF90] =	vst v3  }
0x1c7: {  	s0 =	sand.u32 $0x7F, s0;
	v3 =	vld.idx.msk [tilespmem:v39+s25+$0x0], $0xffff  }
0x1c8: {  	v40 =	vor.u32 s0, v0;
	_ =	sdelay $0x3  }
0x1c9: {  	s25 =	simm.s32 $0xA080;
	[tilespmem:s4+$0xFFFFFF98] =	vst v3  }
0x1ca: {  	v3 =	vld.idx.msk [tilespmem:v40+s25+$0x0], $0xffff  }
0x1cb: {  	v41 =	vor.u32 s0, v1;
	_ =	sdelay $0x3  }
0x1cc: {  	[tilespmem:s4+$0x0] =	vst v3  }
0x1cd: {  	v3 =	vld.idx.msk [tilespmem:v41+s25+$0x0], $0xffff  }
0x1ce: {  	v42 =	vor.u32 s0, v2;
	_ =	sdelay $0x3  }
0x1cf: {  	[tilespmem:s4+$0x10] =	vst v3  }
0x1d0: {  	s10 =	sand.u32 $0x7F, s10;
	v3 =	vld.idx.msk [tilespmem:v42+s25+$0x0], $0xffff  }
0x1d1: {  	v43 =	vor.u32 s10, v0;
	_ =	sdelay $0x3  }
0x1d2: {  	s26 =	simm.s32 $0xB480;
	[tilespmem:s4+$0x18] =	vst v3  }
0x1d3: {  	v3 =	vld.idx.msk [tilespmem:v43+s26+$0x0], $0xffff  }
0x1d4: {  	v44 =	vor.u32 s10, v1;
	_ =	sdelay $0x3  }
0x1d5: {  	[tilespmem:s4+$0x80] =	vst v3  }
0x1d6: {  	v3 =	vld.idx.msk [tilespmem:v44+s26+$0x0], $0xffff  }
0x1d7: {  	v45 =	vor.u32 s10, v2;
	_ =	sdelay $0x3  }
0x1d8: {  	[tilespmem:s4+$0x90] =	vst v3  }
0x1d9: {  	s14 =	sand.u32 $0x7F, s31;
	v3 =	vld.idx.msk [tilespmem:v45+s26+$0x0], $0xffff  }
0x1da: {  	v46 =	vor.u32 s14, v0;
	_ =	sdelay $0x3  }
0x1db: {  	s20 =	simm.s32 $0xC880;
	[tilespmem:s4+$0x98] =	vst v3  }
0x1dc: {  	v3 =	vld.idx.msk [tilespmem:v46+s20+$0x0], $0xffff  }
0x1dd: {  	v47 =	vor.u32 s14, v1;
	_ =	sdelay $0x3  }
0x1de: {  	[tilespmem:s4+$0x100] =	vst v3  }
0x1df: {  	v3 =	vld.idx.msk [tilespmem:v47+s20+$0x0], $0xffff  }
0x1e0: {  	v48 =	vor.u32 s14, v2;
	_ =	sdelay $0x3  }
0x1e1: {  	[tilespmem:s4+$0x110] =	vst v3  }
0x1e2: {  	s17 =	sand.u32 $0x7F, s9;
	v3 =	vld.idx.msk [tilespmem:v48+s20+$0x0], $0xffff  }
0x1e3: {  	v49 =	vor.u32 s17, v0;
	_ =	sdelay $0x3  }
0x1e4: {  	s16 =	simm.s32 $0xDC80;
	[tilespmem:s4+$0x118] =	vst v3  }
0x1e5: {  	v3 =	vld.idx.msk [tilespmem:v49+s16+$0x0], $0xffff  }
0x1e6: {  	v50 =	vor.u32 s17, v1;
	_ =	sdelay $0x3  }
0x1e7: {  	[tilespmem:s4+$0x180] =	vst v3  }
0x1e8: {  	v3 =	vld.idx.msk [tilespmem:v50+s16+$0x0], $0xffff  }
0x1e9: {  	v51 =	vor.u32 s17, v2;
	_ =	sdelay $0x3  }
0x1ea: {  	[tilespmem:s4+$0x190] =	vst v3  }
0x1eb: {  	s18 =	sand.u32 $0x7F, s8;
	v3 =	vld.idx.msk [tilespmem:v51+s16+$0x0], $0xffff  }
0x1ec: {  	v52 =	vor.u32 s18, v0;
	_ =	sdelay $0x3  }
0x1ed: {  	s15 =	simm.s32 $0xF080;
	[tilespmem:s4+$0x198] =	vst v3  }
0x1ee: {  	v3 =	vld.idx.msk [tilespmem:v52+s15+$0x0], $0xffff  }
0x1ef: {  	v53 =	vor.u32 s18, v1;
	_ =	sdelay $0x3  }
0x1f0: {  	[tilespmem:s4+$0x200] =	vst v3  }
0x1f1: {  	v3 =	vld.idx.msk [tilespmem:v53+s15+$0x0], $0xffff  }
0x1f2: {  	v54 =	vor.u32 s18, v2;
	_ =	sdelay $0x3  }
0x1f3: {  	[tilespmem:s4+$0x210] =	vst v3  }
0x1f4: {  	s20 =	sand.u32 $0x7F, s7;
	v3 =	vld.idx.msk [tilespmem:v54+s15+$0x0], $0xffff  }
0x1f5: {  	v55 =	vor.u32 s20, v0;
	_ =	sdelay $0x3  }
0x1f6: {  	s19 =	simm.s32 $0x10480;
	[tilespmem:s4+$0x218] =	vst v3  }
0x1f7: {  	v3 =	vld.idx.msk [tilespmem:v55+s19+$0x0], $0xffff  }
0x1f8: {  	v56 =	vor.u32 s20, v1;
	_ =	sdelay $0x3  }
0x1f9: {  	[tilespmem:s4+$0x280] =	vst v3  }
0x1fa: {  	v3 =	vld.idx.msk [tilespmem:v56+s19+$0x0], $0xffff  }
0x1fb: {  	v57 =	vor.u32 s20, v2;
	_ =	sdelay $0x3  }
0x1fc: {  	[tilespmem:s4+$0x290] =	vst v3  }
0x1fd: {  	s26 =	sand.u32 $0x7F, s6;
	v3 =	vld.idx.msk [tilespmem:v57+s19+$0x0], $0xffff  }
0x1fe: {  	v58 =	vor.u32 s26, v0;
	_ =	sdelay $0x3  }
0x1ff: {  	[tilespmem:s4+$0x298] =	vst v3  }
0x200: {  	v3 =	vld.idx.msk [tilespmem:v58+s28+$0x0], $0xffff  }
0x201: {  	v59 =	vor.u32 s26, v1;
	_ =	sdelay $0x3  }
0x202: {  	[tilespmem:s4+$0x300] =	vst v3  }
0x203: {  	v3 =	vld.idx.msk [tilespmem:v59+s28+$0x0], $0xffff  }
0x204: {  	v60 =	vor.u32 s26, v2;
	_ =	sdelay $0x3  }
0x205: {  	[tilespmem:s4+$0x310] =	vst v3  }
0x206: {  	s31 =	sand.u32 $0x7F, s5;
	v3 =	vld.idx.msk [tilespmem:v60+s28+$0x0], $0xffff  }
0x207: {  	v61 =	vor.u32 s31, v0;
	_ =	sdelay $0x3  }
0x208: {  	[tilespmem:s4+$0x318] =	vst v3  }
0x209: {  	v3 =	vld.idx.msk [tilespmem:v61+s29+$0x0], $0xffff  }
0x20a: {  	v62 =	vor.u32 s31, v1;
	_ =	sdelay $0x3  }
0x20b: {  	[tilespmem:s4+$0x380] =	vst v3  }
0x20c: {  	v3 =	vld.idx.msk [tilespmem:v62+s29+$0x0], $0xffff  }
0x20d: {  	v63 =	vor.u32 s31, v2;
	_ =	sdelay $0x3  }
0x20e: {  	[tilespmem:s4+$0x390] =	vst v3  }
0x20f: {  	p0 =	sne.s32 s3, $0x1C0;
	v3 =	vld.idx.msk [tilespmem:v63+s29+$0x0], $0xffff  }
.Ltmp1:
0x210: {  	_ = 	snop;
	(pc) =	sbr.rel @p0 .LBB2_4-.Ltmp1, $4  }
0x211: {  	_ = 	snop  }
0x212: {  	s3 =	sadd.s32 $0x40, s3  }
0x213: {  	s9 =	simm.s32 $0xB480;
	s8 =	simm.s32 $0x8C80;
	s5 =	simm.s32 $0x1480  }
0x214: {  	s6 =	simm.s32 $0x3C80;
	s7 =	simm.s32 $0x6480;
	[tilespmem:s4+$0x398] =	vst v3;
	s4 =	sadd.s32 $0x800, s4  }
0x215: {  	s10 =	simm.s32 $0x0;
	s0 =	rddreg [dreg:$0xa];
	s3 =	simm.s32 $0x14080  }
0x216: {  	[hbm4b:s0+s10] =	stream.linear.scatter [tilespmem:s3], [sflag:$0x2], $0x4000, $0x38;
	[tilespmem:$0x18080] =	vst v63  }
0x217: {  	s3 =	simm.s32 $0x2  }
0x218: {  	_ =	swait.ge [sflag:s3], $0x4000  }
0x219: {  	s4 =	rddreg [dreg:$0xc]  }
0x21a: {  	s31 =	rddreg [dreg:$0xb];
	s4 =	sadd.s32 $0x1, s4  }
0x21b: {  	p0 =	sne.s32 s4, s31  }
.Ltmp2:
0x21c: {  	_ = 	snop;
	(pc) =	sbr.rel @p0 .LBB2_1-.Ltmp2, $3  }
0x21d: {  	_ =	sdelay $0x1  }
0x21e: {  	[sflag:s3] =	ssyncset.done $0x0  }
0x21f: {  	[sflag:s3] =	ssyncadd.s32 $0xFFFFC000  }
0x220: {  	_ =	sfence.sel $0x180000  }
0x221: {  	[bflag:$0x0] =	sbarrier.arrive $0xFFFF  }
0x222: {  	_ =	strace $0x90000047  }
0x223: {  	s0 =	stileid.u32;
	[bflag:$0x2] =	sbarrier.arrive $0xFFFF  }
0x224: {  	p0 =	sne.s32 s0, $0x0;
	s0 =	rddreg [dreg:$0x6]  }
0x225: {  	s0 =	sadd.s32 @!p0 $0x100000, s0  }
0x226: {  	[sflag:s0] =	ssyncadd.tile.s32 @!p0 $0x1;
	_ =	shalt  }
.Lfunc_end2:
_tile_overlayer_lowered:
.L_overlay_start_2:
0x227: {  	(tag) =	ssettag $0x2  }
0x228: {  	s0 =	rddreg [dreg:$0x0];
	s2 =	stileid.u32  }
0x229: {  	s1 =	rddreg [dreg:$0x1];
	p0 =	sne.s32 s2, $0x0  }
0x22a: {  	s3 =	rddreg [dreg:$0x2];
	[bflag:$0x3] =	sbarrier.arrive $0xFFFF;
	s2 =	simm.s32 @!p0 $0x1C02  }
0x22b: {  	[timem:s3], [sflag:s2] =	dma.local @!p0 [hbm:s0], s1  }
0x22c: {  	s0 =	simm.s32 @!p0 $0x2  }
0x22d: {  	_ =	swait.ge @!p0 [sflag:s0], s1  }
0x22e: {  	s1 =	ssub.s32 @!p0 $0x0, s1;
	[sflag:s0] =	ssyncset.done @!p0 $0x0  }
0x22f: {  	[sflag:s0] =	ssyncadd.s32 @!p0 s1  }
0x230: {  	[bflag:$0x3] =	sbarrier.arrive $0xFFFF  }
0x231: {  	_ =	shalt  }

</sc_bundles>
